<compile_context>
chip_gen: v7x
topology: tpu7x:2x2x1
jax: 0.10.2.dev20260603
libtpu: 0.0.44.dev20260713+nightly
codegen_flags: <defaults>
</compile_context>

<pallas_src>
import functools

import jax
import jax.numpy as jnp
from jax import lax
from jax.experimental import pallas as pl
from jax.experimental.pallas import tpu as pltpu
from jax.experimental.pallas import tpu_sc as plsc


def kernel(data, offsets, weight):
    NNZ = data.shape[0]
    B = offsets.shape[0] - 1
    NE, D = weight.shape
    NC, NS = 2, 16
    NW = NC * NS
    BPW = B // NW
    C = 512
    NQ = C // 128
    SLAB = BPW + 1
    L = 16

    mesh = plsc.VectorSubcoreMesh(core_axis_name="c", subcore_axis_name="s")

    @functools.partial(
        pl.kernel,
        out_type=jax.ShapeDtypeStruct((B, D), jnp.float32),
        mesh=mesh,
        scratch_types=[
            pltpu.VMEM((BPW + 16,), jnp.int32),
            pltpu.VMEM((C,), jnp.int32),
            pltpu.VMEM((NQ, 128), jnp.int32),
            pltpu.VMEM((C,), jnp.int32),
            pltpu.VMEM((C, D), jnp.float32),
            pltpu.VMEM_SHARED((NS * SLAB, D), jnp.float32),
            pltpu.SemaphoreType.DMA,
        ],
        compiler_params=pltpu.CompilerParams(
            needs_layout_passes=False, use_tc_tiling_on_sc=False),
    )
    def emb_bag(data_h, offs_h, weight_h, out_h,
                off_v, idx_v, seg_v, hist_v, rows_v, acc_sh, sem):
        cid = lax.axis_index("c")
        sid = lax.axis_index("s")
        w = cid * NS + sid
        b0 = w * BPW
        slab0 = sid * SLAB
        dummy = slab0 + BPW

        pltpu.sync_copy(offs_h.at[pl.ds(b0, BPW + 1)],
                        off_v.at[pl.ds(0, BPW + 1)])
        e0 = off_v[pl.ds(0, L)][0]
        e1 = jnp.where(w == NW - 1, NNZ, off_v[pl.ds(BPW, L)][0])
        base_a = (e0 // 8) * 8

        zf = jnp.zeros((L,), jnp.float32)
        zi = jnp.zeros((L,), jnp.int32)
        ones = jnp.ones((L,), jnp.int32)
        iota = lax.iota(jnp.int32, L)

        def zrow(r, carry):
            for d in range(D // L):
                rows_v[r, pl.ds(d * L, L)] = zf
            return carry
        lax.fori_loop(0, C, zrow, 0)
        pltpu.sync_copy(rows_v, acc_sh.at[pl.ds(slab0, C)])
        pltpu.sync_copy(rows_v.at[pl.ds(0, 1)],
                        acc_sh.at[pl.ds(slab0 + BPW, 1)])

        nchunks = (e1 - base_a + C - 1) // C

        def chunk(kk, run):
            s_k = base_a + kk * C
            base_k = jnp.minimum(s_k, NNZ - C)
            pltpu.sync_copy(data_h.at[pl.ds(base_k, C)], idx_v)
            cps = [
                pltpu.async_copy(
                    weight_h.at[idx_v.at[pl.ds(q * 128, 128)]],
                    rows_v.at[pl.ds(q * 128, 128)], sem)
                for q in range(NQ)
            ]
            for j in range(C // L):
                hist_v[pl.ds(j * L, L)] = zi
            for j in range(BPW // L):
                ov = off_v[pl.ds(j * L, L)]
                m = (ov >= s_k) & (ov - base_k < C)
                plsc.addupdate_scatter(hist_v, [ov - base_k], ones, mask=m)
            lo = jnp.maximum(s_k, e0)
            r = run
            for j in range(C // L):
                h = hist_v[pl.ds(j * L, L)]
                cs = plsc.cumsum(h)
                p = base_k + j * L + iota
                valid = (p >= lo) & (p < e1)
                seg = jnp.where(valid, slab0 + r + cs - 1, dummy)
                seg_v[j // 8, pl.ds((j % 8) * L, L)] = seg
                r = r + jnp.sum(h)
            for cp in cps:
                cp.wait()
            for q in range(NQ):
                pltpu.sync_copy(rows_v.at[pl.ds(q * 128, 128)],
                                acc_sh.at[seg_v.at[q]], add=True)
            return r

        lax.fori_loop(0, nchunks, chunk, jnp.int32(0))

        pltpu.sync_copy(acc_sh.at[pl.ds(slab0, BPW)], rows_v)

        def fin(g, carry):
            b = g * L
            o0v = off_v[pl.ds(b, L)]
            o1v = off_v[pl.ds(b + 1, L)]
            o1v = jnp.where(b + iota == BPW - 1, e1, o1v)
            cntv = (o1v - o0v).astype(jnp.float32)
            scv = jnp.where(cntv > 0.0, 1.0 / cntv, 0.0)
            for i in range(L):
                sv = jnp.full((L,), scv[i], jnp.float32)
                for d in range(D // L):
                    rows_v[b + i, pl.ds(d * L, L)] = (
                        rows_v[b + i, pl.ds(d * L, L)] * sv)
            return carry
        lax.fori_loop(0, BPW // L, fin, 0)

        pltpu.sync_copy(rows_v, out_h.at[pl.ds(b0, BPW)])

    return emb_bag(data, offsets, weight)

# --- scband reference (transcript-rebuilt; emitter-appended) ---
"""Pipeline reference for scband-featurized-embedding-5549097747206 (READ-ONLY COPY).

The authoritative reference and input builder live on the scoring server;
editing this copy changes nothing except your own understanding.
"""

import jax, jax.numpy as jnp
import numpy as np

NUM_EMB = 1000000
DIM = 64
BATCH = 16384
NNZ = 163840

def setup_inputs(seed: int = 0) -> dict:
    key = jax.random.key(seed)
    k1, k2, k3 = jax.random.split(key, 3)
    data = jax.random.randint(k1, (NNZ,), 0, NUM_EMB, dtype=jnp.int64 if jax.config.read('jax_enable_x64') else jnp.int32).astype(jnp.int32)
    offs = jnp.sort(jax.random.randint(k2, (BATCH + 1,), 0, NNZ, dtype=jnp.int32))
    # emulate torch embedding_bag semantics: first offset must be 0, last entries handled
    offsets = offs.at[0].set(0)
    weight = jax.random.normal(k3, (NUM_EMB, DIM), dtype=jnp.float32) * 0.02
    return {"data": data, "offsets": offsets, "weight": weight}

def reference(data, offsets, weight):
    # F.embedding_bag(data, weight, offsets[:-1], mode='mean' default)
    bag_starts = offsets[:-1]  # [B]
    B = bag_starts.shape[0]
    nnz = data.shape[0]
    # segment id for each element of data: number of bag starts <= position
    positions = jnp.arange(nnz)
    # segment_ids[i] = searchsorted(bag_starts, i, side='right') - 1
    segment_ids = jnp.searchsorted(bag_starts, positions, side='right') - 1
    segment_ids = jnp.clip(segment_ids, 0, B - 1)
    gathered = jnp.take(weight, data, axis=0)  # [nnz, D]
    sums = jax.ops.segment_sum(gathered, segment_ids, num_segments=B)  # [B, D]
    counts = jax.ops.segment_sum(jnp.ones((nnz,), dtype=jnp.float32), segment_ids, num_segments=B)
    # embedding_bag mean: empty bags produce zeros
    denom = jnp.where(counts > 0, counts, 1.0)
    out = sums / denom[:, None]
    return out

if __name__ == "__main__":
    import jax
    _d = setup_inputs()
    print(jax.jit(kernel)(*tuple(_d.values())))

</pallas_src>

<mosaic_0001>
#map = affine_map<(d0, d1) -> (0)>
#map1 = affine_map<(d0, d1) -> (0, 0)>
module attributes {stable_mosaic.version = 14 : i64} {
  func.func @emb_bag(%arg0: i32, %arg1: i32, %arg2: memref<163840xi32, #tpu.memory_space<hbm>>, %arg3: memref<16385xi32, #tpu.memory_space<hbm>>, %arg4: memref<1000000x64xf32, #tpu.memory_space<hbm>>, %arg5: memref<16384x64xf32, #tpu.memory_space<hbm>>, %arg6: memref<528xi32, #tpu.memory_space<vmem>>, %arg7: memref<512xi32, #tpu.memory_space<vmem>>, %arg8: memref<4x128xi32, #tpu.memory_space<vmem>>, %arg9: memref<512xi32, #tpu.memory_space<vmem>>, %arg10: memref<512x64xf32, #tpu.memory_space<vmem>>, %arg11: memref<8208x64xf32, #tpu.memory_space<vmem_shared>>, %arg12: memref<!tpu.dma_semaphore, #tpu.memory_space<semaphore_mem>>) attributes {dimension_semantics = [#tpu.dimension_semantics<core_parallel>, #tpu.dimension_semantics<subcore_parallel>], iteration_bounds = array<i64: 2, 16>, scalar_prefetch = 0 : i64, scratch_operands = 7 : i64, tpu.core_type = #tpu.core_type<sc_vector_subcore>, window_params = [{transform_indices = #map}, {transform_indices = #map}, {transform_indices = #map1}, {transform_indices = #map1}]} {
    %mul3A = arith.constant 16 : i32
    %mul3A_0 = arith.muli %arg0, %mul3A : i32
    %add3A = arith.addi %mul3A_0, %arg1 : i32
    %mul3A_1 = arith.constant 512 : i32
    %mul3A_2 = arith.muli %add3A, %mul3A_1 : i32
    %mul3A_3 = arith.constant 513 : i32
    %mul3A_4 = arith.muli %arg1, %mul3A_3 : i32
    %add3A_5 = arith.constant 512 : i32
    %add3A_6 = arith.addi %mul3A_4, %add3A_5 : i32
    "tpu.region"() ({
      %run_scoped3A = tpu.sem_alloc : memref<!tpu.dma_semaphore, #tpu.memory_space<semaphore_mem>>
      %dma_start3A = arith.constant 0 : i32
      %dma_start3A_91 = tpu.memref_slice %arg6[%dma_start3A] : memref<528xi32, #tpu.memory_space<vmem>> -> memref<513xi32, #tpu.memory_space<vmem>>
      %dma_start3A_92 = tpu.memref_slice %arg3[%mul3A_2] : memref<16385xi32, #tpu.memory_space<hbm>> -> memref<513xi32, #tpu.memory_space<hbm>>
      %dma_start3A_93 = arith.constant 0 : i32
      %dma_start3A_94 = tpu.memref_slice %arg6[%dma_start3A_93] : memref<528xi32, #tpu.memory_space<vmem>> -> memref<513xi32, #tpu.memory_space<vmem>>
      %dma_start3A_95 = tpu.memref_slice %arg3[%mul3A_2] : memref<16385xi32, #tpu.memory_space<hbm>> -> memref<513xi32, #tpu.memory_space<hbm>>
      tpu.enqueue_dma source(%dma_start3A_95 : memref<513xi32, #tpu.memory_space<hbm>>) target(%dma_start3A_94 : memref<513xi32, #tpu.memory_space<vmem>>) target_semaphore(%run_scoped3A : memref<!tpu.dma_semaphore, #tpu.memory_space<semaphore_mem>>)
      %dma_wait3A = arith.constant 0 : i32
      %dma_wait3A_96 = tpu.memref_slice %arg6[%dma_wait3A] : memref<528xi32, #tpu.memory_space<vmem>> -> memref<513xi32, #tpu.memory_space<vmem>>
      %dma_wait3A_97 = tpu.memref_slice %arg3[%mul3A_2] : memref<16385xi32, #tpu.memory_space<hbm>> -> memref<513xi32, #tpu.memory_space<hbm>>
      %dma_wait3A_98 = arith.constant 0 : i32
      %dma_wait3A_99 = tpu.memref_slice %arg6[%dma_wait3A_98] : memref<528xi32, #tpu.memory_space<vmem>> -> memref<513xi32, #tpu.memory_space<vmem>>
      %dma_wait3A_100 = tpu.memref_slice %arg3[%mul3A_2] : memref<16385xi32, #tpu.memory_space<hbm>> -> memref<513xi32, #tpu.memory_space<hbm>>
      tpu.wait_dma2 semaphore(%run_scoped3A : memref<!tpu.dma_semaphore, #tpu.memory_space<semaphore_mem>>) src(%dma_wait3A_100 : memref<513xi32, #tpu.memory_space<hbm>>) dst(%dma_wait3A_99 : memref<513xi32, #tpu.memory_space<vmem>>)
      tpu.yield
    }) : () -> ()
    %get3A = arith.constant 0 : index
    %get3A_7 = tpu.vector_load %arg6[%get3A] {strides = array<i32>} : memref<528xi32, #tpu.memory_space<vmem>>, vector<16xi32>,
    %slice3A = vector.extract_strided_slice %get3A_7 {offsets = [0], sizes = [1], strides = [1]} : vector<16xi32> to vector<1xi32>
    %squeeze3A = vector.extract %slice3A[0] : i32 from vector<1xi32>
    %eq3A = arith.constant 31 : i32
    %eq3A_8 = arith.cmpi eq, %add3A, %eq3A : i32
    %get3A_9 = arith.constant 512 : index
    %get3A_10 = tpu.vector_load %arg6[%get3A_9] {strides = array<i32>} : memref<528xi32, #tpu.memory_space<vmem>>, vector<16xi32>,
    %slice3A_11 = vector.extract_strided_slice %get3A_10 {offsets = [0], sizes = [1], strides = [1]} : vector<16xi32> to vector<1xi32>
    %squeeze3A_12 = vector.extract %slice3A_11[0] : i32 from vector<1xi32>
    %jit3A = arith.constant 163840 : i32
    %select_n3A = arith.select %eq3A_8, %jit3A, %squeeze3A_12 : i32
    %jit3A_13 = arith.constant 8 : i32
    %div3A = arith.divsi %squeeze3A, %jit3A_13 : i32
    %sign3A = arith.constant 0 : i32
    %sign3A_14 = arith.cmpi sgt, %squeeze3A, %sign3A : i32
    %sign3A_15 = arith.extui %sign3A_14 : i1 to i32
    %sign3A_16 = arith.constant 0 : i32
    %sign3A_17 = arith.cmpi slt, %squeeze3A, %sign3A_16 : i32
    %sign3A_18 = arith.extui %sign3A_17 : i1 to i32
    %sign3A_19 = arith.subi %sign3A_15, %sign3A_18 : i32
    %sign3A_20 = arith.constant 0 : i32
    %sign3A_21 = arith.cmpi sgt, %jit3A_13, %sign3A_20 : i32
    %sign3A_22 = arith.extui %sign3A_21 : i1 to i32
    %sign3A_23 = arith.constant 0 : i32
    %sign3A_24 = arith.cmpi slt, %jit3A_13, %sign3A_23 : i32
    %sign3A_25 = arith.extui %sign3A_24 : i1 to i32
    %sign3A_26 = arith.subi %sign3A_22, %sign3A_25 : i32
    %ne3A = arith.cmpi ne, %sign3A_19, %sign3A_26 : i32
    %rem3A = arith.remsi %squeeze3A, %jit3A_13 : i32
    %ne3A_27 = arith.constant 0 : i32
    %ne3A_28 = arith.cmpi ne, %rem3A, %ne3A_27 : i32
    %and3A = arith.andi %ne3A, %ne3A_28 : i1
    %sub3A = arith.constant 1 : i32
    %sub3A_29 = arith.subi %div3A, %sub3A : i32
    %select_n3A_30 = arith.select %and3A, %sub3A_29, %div3A : i32
    %mul3A_31 = arith.constant 8 : i32
    %mul3A_32 = arith.muli %select_n3A_30, %mul3A_31 : i32
    %broadcast_in_dim3A = arith.constant 0.000000e+00 : f32
    %broadcast_in_dim3A_33 = vector.broadcast %broadcast_in_dim3A : f32 to vector<16xf32>
    %broadcast_in_dim3A_34 = arith.constant 0 : i32
    %broadcast_in_dim3A_35 = vector.broadcast %broadcast_in_dim3A_34 : i32 to vector<16xi32>
    %broadcast_in_dim3A_36 = arith.constant 1 : i32
    %broadcast_in_dim3A_37 = vector.broadcast %broadcast_in_dim3A_36 : i32 to vector<16xi32>
    %iota3A = tpu.iota {dimensions = array<i32: 0>} : vector<16xi32>
    %scan3A = arith.constant 0 : i32
    %scan3A_38 = arith.constant 0 : i32
    %scan3A_39 = arith.constant 512 : i32
    %scan3A_40 = arith.addi %scan3A_38, %scan3A_39 : i32
    %scan3A_41 = arith.constant 1 : i32
    scf.for %scan3A_91 = %scan3A_38 to %scan3A_40 step %scan3A_41  : i32 {
      %swap3A = arith.index_cast %scan3A_91 : i32 to index
      %swap3A_92 = arith.constant 0 : index
      %swap3A_93 = tpu.vector_load %arg10[%swap3A, %swap3A_92] {strides = array<i32>} : memref<512x64xf32, #tpu.memory_space<vmem>>, vector<16xf32>,
      tpu.vector_store %arg10[%swap3A, %swap3A_92], %broadcast_in_dim3A_33 {strides = array<i32>} : memref<512x64xf32, #tpu.memory_space<vmem>>, vector<16xf32>,
      %swap3A_94 = arith.index_cast %scan3A_91 : i32 to index
      %swap3A_95 = arith.constant 16 : index
      %swap3A_96 = tpu.vector_load %arg10[%swap3A_94, %swap3A_95] {strides = array<i32>} : memref<512x64xf32, #tpu.memory_space<vmem>>, vector<16xf32>,
      tpu.vector_store %arg10[%swap3A_94, %swap3A_95], %broadcast_in_dim3A_33 {strides = array<i32>} : memref<512x64xf32, #tpu.memory_space<vmem>>, vector<16xf32>,
      %swap3A_97 = arith.index_cast %scan3A_91 : i32 to index
      %swap3A_98 = arith.constant 32 : index
      %swap3A_99 = tpu.vector_load %arg10[%swap3A_97, %swap3A_98] {strides = array<i32>} : memref<512x64xf32, #tpu.memory_space<vmem>>, vector<16xf32>,
      tpu.vector_store %arg10[%swap3A_97, %swap3A_98], %broadcast_in_dim3A_33 {strides = array<i32>} : memref<512x64xf32, #tpu.memory_space<vmem>>, vector<16xf32>,
      %swap3A_100 = arith.index_cast %scan3A_91 : i32 to index
      %swap3A_101 = arith.constant 48 : index
      %swap3A_102 = tpu.vector_load %arg10[%swap3A_100, %swap3A_101] {strides = array<i32>} : memref<512x64xf32, #tpu.memory_space<vmem>>, vector<16xf32>,
      tpu.vector_store %arg10[%swap3A_100, %swap3A_101], %broadcast_in_dim3A_33 {strides = array<i32>} : memref<512x64xf32, #tpu.memory_space<vmem>>, vector<16xf32>,
    }
    %scan3A_42 = arith.constant 512 : i32
    "tpu.region"() ({
      %run_scoped3A = tpu.sem_alloc : memref<!tpu.dma_semaphore, #tpu.memory_space<semaphore_mem>>
      %dma_start3A = arith.constant 0 : i32
      %dma_start3A_91 = tpu.memref_slice %arg11[%mul3A_4, %dma_start3A] : memref<8208x64xf32, #tpu.memory_space<vmem_shared>> -> memref<512x64xf32, #tpu.memory_space<vmem_shared>>
      %dma_start3A_92 = arith.constant 0 : i32
      %dma_start3A_93 = tpu.memref_slice %arg11[%mul3A_4, %dma_start3A_92] : memref<8208x64xf32, #tpu.memory_space<vmem_shared>> -> memref<512x64xf32, #tpu.memory_space<vmem_shared>>
      tpu.enqueue_dma source(%arg10 : memref<512x64xf32, #tpu.memory_space<vmem>>) target(%dma_start3A_93 : memref<512x64xf32, #tpu.memory_space<vmem_shared>>) target_semaphore(%run_scoped3A : memref<!tpu.dma_semaphore, #tpu.memory_space<semaphore_mem>>)
      %dma_wait3A = arith.constant 0 : i32
      %dma_wait3A_94 = tpu.memref_slice %arg11[%mul3A_4, %dma_wait3A] : memref<8208x64xf32, #tpu.memory_space<vmem_shared>> -> memref<512x64xf32, #tpu.memory_space<vmem_shared>>
      %dma_wait3A_95 = arith.constant 0 : i32
      %dma_wait3A_96 = tpu.memref_slice %arg11[%mul3A_4, %dma_wait3A_95] : memref<8208x64xf32, #tpu.memory_space<vmem_shared>> -> memref<512x64xf32, #tpu.memory_space<vmem_shared>>
      tpu.wait_dma2 semaphore(%run_scoped3A : memref<!tpu.dma_semaphore, #tpu.memory_space<semaphore_mem>>) src(%arg10 : memref<512x64xf32, #tpu.memory_space<vmem>>) dst(%dma_wait3A_96 : memref<512x64xf32, #tpu.memory_space<vmem_shared>>)
      tpu.yield
    }) : () -> ()
    %add3A_43 = arith.constant 512 : i32
    %add3A_44 = arith.addi %mul3A_4, %add3A_43 : i32
    "tpu.region"() ({
      %run_scoped3A = tpu.sem_alloc : memref<!tpu.dma_semaphore, #tpu.memory_space<semaphore_mem>>
      %dma_start3A = arith.constant 0 : i32
      %dma_start3A_91 = arith.constant 0 : i32
      %dma_start3A_92 = tpu.memref_slice %arg10[%dma_start3A, %dma_start3A_91] : memref<512x64xf32, #tpu.memory_space<vmem>> -> memref<1x64xf32, #tpu.memory_space<vmem>>
      %dma_start3A_93 = arith.constant 0 : i32
      %dma_start3A_94 = tpu.memref_slice %arg11[%add3A_44, %dma_start3A_93] : memref<8208x64xf32, #tpu.memory_space<vmem_shared>> -> memref<1x64xf32, #tpu.memory_space<vmem_shared>>
      %dma_start3A_95 = arith.constant 0 : i32
      %dma_start3A_96 = tpu.memref_slice %arg11[%add3A_44, %dma_start3A_95] : memref<8208x64xf32, #tpu.memory_space<vmem_shared>> -> memref<1x64xf32, #tpu.memory_space<vmem_shared>>
      %dma_start3A_97 = arith.constant 0 : i32
      %dma_start3A_98 = arith.constant 0 : i32
      %dma_start3A_99 = tpu.memref_slice %arg10[%dma_start3A_97, %dma_start3A_98] : memref<512x64xf32, #tpu.memory_space<vmem>> -> memref<1x64xf32, #tpu.memory_space<vmem>>
      tpu.enqueue_dma source(%dma_start3A_99 : memref<1x64xf32, #tpu.memory_space<vmem>>) target(%dma_start3A_96 : memref<1x64xf32, #tpu.memory_space<vmem_shared>>) target_semaphore(%run_scoped3A : memref<!tpu.dma_semaphore, #tpu.memory_space<semaphore_mem>>)
      %dma_wait3A = arith.constant 0 : i32
      %dma_wait3A_100 = arith.constant 0 : i32
      %dma_wait3A_101 = tpu.memref_slice %arg10[%dma_wait3A, %dma_wait3A_100] : memref<512x64xf32, #tpu.memory_space<vmem>> -> memref<1x64xf32, #tpu.memory_space<vmem>>
      %dma_wait3A_102 = arith.constant 0 : i32
      %dma_wait3A_103 = tpu.memref_slice %arg11[%add3A_44, %dma_wait3A_102] : memref<8208x64xf32, #tpu.memory_space<vmem_shared>> -> memref<1x64xf32, #tpu.memory_space<vmem_shared>>
      %dma_wait3A_104 = arith.constant 0 : i32
      %dma_wait3A_105 = tpu.memref_slice %arg11[%add3A_44, %dma_wait3A_104] : memref<8208x64xf32, #tpu.memory_space<vmem_shared>> -> memref<1x64xf32, #tpu.memory_space<vmem_shared>>
      %dma_wait3A_106 = arith.constant 0 : i32
      %dma_wait3A_107 = arith.constant 0 : i32
      %dma_wait3A_108 = tpu.memref_slice %arg10[%dma_wait3A_106, %dma_wait3A_107] : memref<512x64xf32, #tpu.memory_space<vmem>> -> memref<1x64xf32, #tpu.memory_space<vmem>>
      tpu.wait_dma2 semaphore(%run_scoped3A : memref<!tpu.dma_semaphore, #tpu.memory_space<semaphore_mem>>) src(%dma_wait3A_108 : memref<1x64xf32, #tpu.memory_space<vmem>>) dst(%dma_wait3A_105 : memref<1x64xf32, #tpu.memory_space<vmem_shared>>)
      tpu.yield
    }) : () -> ()
    %sub3A_45 = arith.subi %select_n3A, %mul3A_32 : i32
    %add3A_46 = arith.constant 512 : i32
    %add3A_47 = arith.addi %sub3A_45, %add3A_46 : i32
    %sub3A_48 = arith.constant 1 : i32
    %sub3A_49 = arith.subi %add3A_47, %sub3A_48 : i32
    %jit3A_50 = arith.constant 512 : i32
    %div3A_51 = arith.divsi %sub3A_49, %jit3A_50 : i32
    %sign3A_52 = arith.constant 0 : i32
    %sign3A_53 = arith.cmpi sgt, %sub3A_49, %sign3A_52 : i32
    %sign3A_54 = arith.extui %sign3A_53 : i1 to i32
    %sign3A_55 = arith.constant 0 : i32
    %sign3A_56 = arith.cmpi slt, %sub3A_49, %sign3A_55 : i32
    %sign3A_57 = arith.extui %sign3A_56 : i1 to i32
    %sign3A_58 = arith.subi %sign3A_54, %sign3A_57 : i32
    %sign3A_59 = arith.constant 0 : i32
    %sign3A_60 = arith.cmpi sgt, %jit3A_50, %sign3A_59 : i32
    %sign3A_61 = arith.extui %sign3A_60 : i1 to i32
    %sign3A_62 = arith.constant 0 : i32
    %sign3A_63 = arith.cmpi slt, %jit3A_50, %sign3A_62 : i32
    %sign3A_64 = arith.extui %sign3A_63 : i1 to i32
    %sign3A_65 = arith.subi %sign3A_61, %sign3A_64 : i32
    %ne3A_66 = arith.cmpi ne, %sign3A_58, %sign3A_65 : i32
    %rem3A_67 = arith.remsi %sub3A_49, %jit3A_50 : i32
    %ne3A_68 = arith.constant 0 : i32
    %ne3A_69 = arith.cmpi ne, %rem3A_67, %ne3A_68 : i32
    %and3A_70 = arith.andi %ne3A_66, %ne3A_69 : i1
    %sub3A_71 = arith.constant 1 : i32
    %sub3A_72 = arith.subi %div3A_51, %sub3A_71 : i32
    %select_n3A_73 = arith.select %and3A_70, %sub3A_72, %div3A_51 : i32
    %while3A = arith.constant 0 : i32
    %while3A_74 = arith.constant 0 : i32
    %while3A_75 = arith.subi %select_n3A_73, %while3A : i32
    %while3A_76 = arith.addi %while3A, %while3A_75 : i32
    %while3A_77 = arith.constant 1 : i32
    %while3A_78 = arith.divsi %while3A_75, %while3A_77 : i32
    %while3A_79 = arith.muli %while3A_78, %while3A_77 : i32
    %while3A_80 = arith.addi %while3A, %while3A_79 : i32
    %while3A_81 = arith.constant 1 : i32
    %while3A_82 = scf.for %while3A_91 = %while3A to %while3A_80 step %while3A_81 iter_args(%while3A_92 = %while3A_74) -> (i32)  : i32 {
      %mul3A_93 = arith.constant 512 : i32
      %mul3A_94 = arith.muli %while3A_91, %mul3A_93 : i32
      %add3A_95 = arith.addi %mul3A_32, %mul3A_94 : i32
      %min3A = arith.constant 163328 : i32
      %min3A_96 = arith.minsi %add3A_95, %min3A : i32
      "tpu.region"() ({
        %run_scoped3A_1597 = tpu.sem_alloc : memref<!tpu.dma_semaphore, #tpu.memory_space<semaphore_mem>>
        %dma_start3A_1598 = tpu.memref_slice %arg2[%min3A_96] : memref<163840xi32, #tpu.memory_space<hbm>> -> memref<512xi32, #tpu.memory_space<hbm>>
        %dma_start3A_1599 = tpu.memref_slice %arg2[%min3A_96] : memref<163840xi32, #tpu.memory_space<hbm>> -> memref<512xi32, #tpu.memory_space<hbm>>
        tpu.enqueue_dma source(%dma_start3A_1599 : memref<512xi32, #tpu.memory_space<hbm>>) target(%arg7 : memref<512xi32, #tpu.memory_space<vmem>>) target_semaphore(%run_scoped3A_1597 : memref<!tpu.dma_semaphore, #tpu.memory_space<semaphore_mem>>)
        %dma_wait3A_1600 = tpu.memref_slice %arg2[%min3A_96] : memref<163840xi32, #tpu.memory_space<hbm>> -> memref<512xi32, #tpu.memory_space<hbm>>
        %dma_wait3A_1601 = tpu.memref_slice %arg2[%min3A_96] : memref<163840xi32, #tpu.memory_space<hbm>> -> memref<512xi32, #tpu.memory_space<hbm>>
        tpu.wait_dma2 semaphore(%run_scoped3A_1597 : memref<!tpu.dma_semaphore, #tpu.memory_space<semaphore_mem>>) src(%dma_wait3A_1601 : memref<512xi32, #tpu.memory_space<hbm>>) dst(%arg7 : memref<512xi32, #tpu.memory_space<vmem>>)
        tpu.yield
      }) : () -> ()
      %dma_start3A = arith.constant 0 : i32
      %dma_start3A_97 = arith.constant 0 : i32
      %dma_start3A_98 = tpu.memref_slice %arg10[%dma_start3A, %dma_start3A_97] : memref<512x64xf32, #tpu.memory_space<vmem>> -> memref<128x64xf32, #tpu.memory_space<vmem>>
      %dma_start3A_99 = arith.constant 0 : i32
      %dma_start3A_100 = tpu.memref_slice %arg7[%dma_start3A_99] : memref<512xi32, #tpu.memory_space<vmem>> -> memref<128xi32, #tpu.memory_space<vmem>>
      %dma_start3A_101 = arith.constant 0 : i32
      %dma_start3A_102 = arith.constant 0 : i32
      %dma_start3A_103 = tpu.memref_slice %arg4[%dma_start3A_101, %dma_start3A_102] : memref<1000000x64xf32, #tpu.memory_space<hbm>> -> memref<1000000x64xf32, #tpu.memory_space<hbm>>
      tpu.enqueue_indirect_dma source(%dma_start3A_103 : memref<1000000x64xf32, #tpu.memory_space<hbm>>) target(%dma_start3A_98 : memref<128x64xf32, #tpu.memory_space<vmem>>) offsets(%dma_start3A_100 : memref<128xi32, #tpu.memory_space<vmem>>) semaphore(%arg12 : memref<!tpu.dma_semaphore, #tpu.memory_space<semaphore_mem>>)
      %dma_start3A_104 = arith.constant 128 : i32
      %dma_start3A_105 = arith.constant 0 : i32
      %dma_start3A_106 = tpu.memref_slice %arg10[%dma_start3A_104, %dma_start3A_105] : memref<512x64xf32, #tpu.memory_space<vmem>> -> memref<128x64xf32, #tpu.memory_space<vmem>>
      %dma_start3A_107 = arith.constant 128 : i32
      %dma_start3A_108 = tpu.memref_slice %arg7[%dma_start3A_107] : memref<512xi32, #tpu.memory_space<vmem>> -> memref<128xi32, #tpu.memory_space<vmem>>
      %dma_start3A_109 = arith.constant 0 : i32
      %dma_start3A_110 = arith.constant 0 : i32
      %dma_start3A_111 = tpu.memref_slice %arg4[%dma_start3A_109, %dma_start3A_110] : memref<1000000x64xf32, #tpu.memory_space<hbm>> -> memref<1000000x64xf32, #tpu.memory_space<hbm>>
      tpu.enqueue_indirect_dma source(%dma_start3A_111 : memref<1000000x64xf32, #tpu.memory_space<hbm>>) target(%dma_start3A_106 : memref<128x64xf32, #tpu.memory_space<vmem>>) offsets(%dma_start3A_108 : memref<128xi32, #tpu.memory_space<vmem>>) semaphore(%arg12 : memref<!tpu.dma_semaphore, #tpu.memory_space<semaphore_mem>>)
      %dma_start3A_112 = arith.constant 256 : i32
      %dma_start3A_113 = arith.constant 0 : i32
      %dma_start3A_114 = tpu.memref_slice %arg10[%dma_start3A_112, %dma_start3A_113] : memref<512x64xf32, #tpu.memory_space<vmem>> -> memref<128x64xf32, #tpu.memory_space<vmem>>
      %dma_start3A_115 = arith.constant 256 : i32
      %dma_start3A_116 = tpu.memref_slice %arg7[%dma_start3A_115] : memref<512xi32, #tpu.memory_space<vmem>> -> memref<128xi32, #tpu.memory_space<vmem>>
      %dma_start3A_117 = arith.constant 0 : i32
      %dma_start3A_118 = arith.constant 0 : i32
      %dma_start3A_119 = tpu.memref_slice %arg4[%dma_start3A_117, %dma_start3A_118] : memref<1000000x64xf32, #tpu.memory_space<hbm>> -> memref<1000000x64xf32, #tpu.memory_space<hbm>>
      tpu.enqueue_indirect_dma source(%dma_start3A_119 : memref<1000000x64xf32, #tpu.memory_space<hbm>>) target(%dma_start3A_114 : memref<128x64xf32, #tpu.memory_space<vmem>>) offsets(%dma_start3A_116 : memref<128xi32, #tpu.memory_space<vmem>>) semaphore(%arg12 : memref<!tpu.dma_semaphore, #tpu.memory_space<semaphore_mem>>)
      %dma_start3A_120 = arith.constant 384 : i32
      %dma_start3A_121 = arith.constant 0 : i32
      %dma_start3A_122 = tpu.memref_slice %arg10[%dma_start3A_120, %dma_start3A_121] : memref<512x64xf32, #tpu.memory_space<vmem>> -> memref<128x64xf32, #tpu.memory_space<vmem>>
      %dma_start3A_123 = arith.constant 384 : i32
      %dma_start3A_124 = tpu.memref_slice %arg7[%dma_start3A_123] : memref<512xi32, #tpu.memory_space<vmem>> -> memref<128xi32, #tpu.memory_space<vmem>>
      %dma_start3A_125 = arith.constant 0 : i32
      %dma_start3A_126 = arith.constant 0 : i32
      %dma_start3A_127 = tpu.memref_slice %arg4[%dma_start3A_125, %dma_start3A_126] : memref<1000000x64xf32, #tpu.memory_space<hbm>> -> memref<1000000x64xf32, #tpu.memory_space<hbm>>
      tpu.enqueue_indirect_dma source(%dma_start3A_127 : memref<1000000x64xf32, #tpu.memory_space<hbm>>) target(%dma_start3A_122 : memref<128x64xf32, #tpu.memory_space<vmem>>) offsets(%dma_start3A_124 : memref<128xi32, #tpu.memory_space<vmem>>) semaphore(%arg12 : memref<!tpu.dma_semaphore, #tpu.memory_space<semaphore_mem>>)
      %swap3A = arith.constant 0 : index
      %swap3A_128 = tpu.vector_load %arg9[%swap3A] {strides = array<i32>} : memref<512xi32, #tpu.memory_space<vmem>>, vector<16xi32>,
      tpu.vector_store %arg9[%swap3A], %broadcast_in_dim3A_35 {strides = array<i32>} : memref<512xi32, #tpu.memory_space<vmem>>, vector<16xi32>,
      %swap3A_129 = arith.constant 16 : index
      %swap3A_130 = tpu.vector_load %arg9[%swap3A_129] {strides = array<i32>} : memref<512xi32, #tpu.memory_space<vmem>>, vector<16xi32>,
      tpu.vector_store %arg9[%swap3A_129], %broadcast_in_dim3A_35 {strides = array<i32>} : memref<512xi32, #tpu.memory_space<vmem>>, vector<16xi32>,
      %swap3A_131 = arith.constant 32 : index
      %swap3A_132 = tpu.vector_load %arg9[%swap3A_131] {strides = array<i32>} : memref<512xi32, #tpu.memory_space<vmem>>, vector<16xi32>,
      tpu.vector_store %arg9[%swap3A_131], %broadcast_in_dim3A_35 {strides = array<i32>} : memref<512xi32, #tpu.memory_space<vmem>>, vector<16xi32>,
      %swap3A_133 = arith.constant 48 : index
      %swap3A_134 = tpu.vector_load %arg9[%swap3A_133] {strides = array<i32>} : memref<512xi32, #tpu.memory_space<vmem>>, vector<16xi32>,
      tpu.vector_store %arg9[%swap3A_133], %broadcast_in_dim3A_35 {strides = array<i32>} : memref<512xi32, #tpu.memory_space<vmem>>, vector<16xi32>,
      %swap3A_135 = arith.constant 64 : index
      %swap3A_136 = tpu.vector_load %arg9[%swap3A_135] {strides = array<i32>} : memref<512xi32, #tpu.memory_space<vmem>>, vector<16xi32>,
      tpu.vector_store %arg9[%swap3A_135], %broadcast_in_dim3A_35 {strides = array<i32>} : memref<512xi32, #tpu.memory_space<vmem>>, vector<16xi32>,
      %swap3A_137 = arith.constant 80 : index
      %swap3A_138 = tpu.vector_load %arg9[%swap3A_137] {strides = array<i32>} : memref<512xi32, #tpu.memory_space<vmem>>, vector<16xi32>,
      tpu.vector_store %arg9[%swap3A_137], %broadcast_in_dim3A_35 {strides = array<i32>} : memref<512xi32, #tpu.memory_space<vmem>>, vector<16xi32>,
      %swap3A_139 = arith.constant 96 : index
      %swap3A_140 = tpu.vector_load %arg9[%swap3A_139] {strides = array<i32>} : memref<512xi32, #tpu.memory_space<vmem>>, vector<16xi32>,
      tpu.vector_store %arg9[%swap3A_139], %broadcast_in_dim3A_35 {strides = array<i32>} : memref<512xi32, #tpu.memory_space<vmem>>, vector<16xi32>,
      %swap3A_141 = arith.constant 112 : index
      %swap3A_142 = tpu.vector_load %arg9[%swap3A_141] {strides = array<i32>} : memref<512xi32, #tpu.memory_space<vmem>>, vector<16xi32>,
      tpu.vector_store %arg9[%swap3A_141], %broadcast_in_dim3A_35 {strides = array<i32>} : memref<512xi32, #tpu.memory_space<vmem>>, vector<16xi32>,
      %swap3A_143 = arith.constant 128 : index
      %swap3A_144 = tpu.vector_load %arg9[%swap3A_143] {strides = array<i32>} : memref<512xi32, #tpu.memory_space<vmem>>, vector<16xi32>,
      tpu.vector_store %arg9[%swap3A_143], %broadcast_in_dim3A_35 {strides = array<i32>} : memref<512xi32, #tpu.memory_space<vmem>>, vector<16xi32>,
      %swap3A_145 = arith.constant 144 : index
      %swap3A_146 = tpu.vector_load %arg9[%swap3A_145] {strides = array<i32>} : memref<512xi32, #tpu.memory_space<vmem>>, vector<16xi32>,
      tpu.vector_store %arg9[%swap3A_145], %broadcast_in_dim3A_35 {strides = array<i32>} : memref<512xi32, #tpu.memory_space<vmem>>, vector<16xi32>,
      %swap3A_147 = arith.constant 160 : index
      %swap3A_148 = tpu.vector_load %arg9[%swap3A_147] {strides = array<i32>} : memref<512xi32, #tpu.memory_space<vmem>>, vector<16xi32>,
      tpu.vector_store %arg9[%swap3A_147], %broadcast_in_dim3A_35 {strides = array<i32>} : memref<512xi32, #tpu.memory_space<vmem>>, vector<16xi32>,
      %swap3A_149 = arith.constant 176 : index
      %swap3A_150 = tpu.vector_load %arg9[%swap3A_149] {strides = array<i32>} : memref<512xi32, #tpu.memory_space<vmem>>, vector<16xi32>,
      tpu.vector_store %arg9[%swap3A_149], %broadcast_in_dim3A_35 {strides = array<i32>} : memref<512xi32, #tpu.memory_space<vmem>>, vector<16xi32>,
      %swap3A_151 = arith.constant 192 : index
      %swap3A_152 = tpu.vector_load %arg9[%swap3A_151] {strides = array<i32>} : memref<512xi32, #tpu.memory_space<vmem>>, vector<16xi32>,
      tpu.vector_store %arg9[%swap3A_151], %broadcast_in_dim3A_35 {strides = array<i32>} : memref<512xi32, #tpu.memory_space<vmem>>, vector<16xi32>,
      %swap3A_153 = arith.constant 208 : index
      %swap3A_154 = tpu.vector_load %arg9[%swap3A_153] {strides = array<i32>} : memref<512xi32, #tpu.memory_space<vmem>>, vector<16xi32>,
      tpu.vector_store %arg9[%swap3A_153], %broadcast_in_dim3A_35 {strides = array<i32>} : memref<512xi32, #tpu.memory_space<vmem>>, vector<16xi32>,
      %swap3A_155 = arith.constant 224 : index
      %swap3A_156 = tpu.vector_load %arg9[%swap3A_155] {strides = array<i32>} : memref<512xi32, #tpu.memory_space<vmem>>, vector<16xi32>,
      tpu.vector_store %arg9[%swap3A_155], %broadcast_in_dim3A_35 {strides = array<i32>} : memref<512xi32, #tpu.memory_space<vmem>>, vector<16xi32>,
      %swap3A_157 = arith.constant 240 : index
      %swap3A_158 = tpu.vector_load %arg9[%swap3A_157] {strides = array<i32>} : memref<512xi32, #tpu.memory_space<vmem>>, vector<16xi32>,
      tpu.vector_store %arg9[%swap3A_157], %broadcast_in_dim3A_35 {strides = array<i32>} : memref<512xi32, #tpu.memory_space<vmem>>, vector<16xi32>,
      %swap3A_159 = arith.constant 256 : index
      %swap3A_160 = tpu.vector_load %arg9[%swap3A_159] {strides = array<i32>} : memref<512xi32, #tpu.memory_space<vmem>>, vector<16xi32>,
      tpu.vector_store %arg9[%swap3A_159], %broadcast_in_dim3A_35 {strides = array<i32>} : memref<512xi32, #tpu.memory_space<vmem>>, vector<16xi32>,
      %swap3A_161 = arith.constant 272 : index
      %swap3A_162 = tpu.vector_load %arg9[%swap3A_161] {strides = array<i32>} : memref<512xi32, #tpu.memory_space<vmem>>, vector<16xi32>,
      tpu.vector_store %arg9[%swap3A_161], %broadcast_in_dim3A_35 {strides = array<i32>} : memref<512xi32, #tpu.memory_space<vmem>>, vector<16xi32>,
      %swap3A_163 = arith.constant 288 : index
      %swap3A_164 = tpu.vector_load %arg9[%swap3A_163] {strides = array<i32>} : memref<512xi32, #tpu.memory_space<vmem>>, vector<16xi32>,
      tpu.vector_store %arg9[%swap3A_163], %broadcast_in_dim3A_35 {strides = array<i32>} : memref<512xi32, #tpu.memory_space<vmem>>, vector<16xi32>,
      %swap3A_165 = arith.constant 304 : index
      %swap3A_166 = tpu.vector_load %arg9[%swap3A_165] {strides = array<i32>} : memref<512xi32, #tpu.memory_space<vmem>>, vector<16xi32>,
      tpu.vector_store %arg9[%swap3A_165], %broadcast_in_dim3A_35 {strides = array<i32>} : memref<512xi32, #tpu.memory_space<vmem>>, vector<16xi32>,
      %swap3A_167 = arith.constant 320 : index
      %swap3A_168 = tpu.vector_load %arg9[%swap3A_167] {strides = array<i32>} : memref<512xi32, #tpu.memory_space<vmem>>, vector<16xi32>,
      tpu.vector_store %arg9[%swap3A_167], %broadcast_in_dim3A_35 {strides = array<i32>} : memref<512xi32, #tpu.memory_space<vmem>>, vector<16xi32>,
      %swap3A_169 = arith.constant 336 : index
      %swap3A_170 = tpu.vector_load %arg9[%swap3A_169] {strides = array<i32>} : memref<512xi32, #tpu.memory_space<vmem>>, vector<16xi32>,
      tpu.vector_store %arg9[%swap3A_169], %broadcast_in_dim3A_35 {strides = array<i32>} : memref<512xi32, #tpu.memory_space<vmem>>, vector<16xi32>,
      %swap3A_171 = arith.constant 352 : index
      %swap3A_172 = tpu.vector_load %arg9[%swap3A_171] {strides = array<i32>} : memref<512xi32, #tpu.memory_space<vmem>>, vector<16xi32>,
      tpu.vector_store %arg9[%swap3A_171], %broadcast_in_dim3A_35 {strides = array<i32>} : memref<512xi32, #tpu.memory_space<vmem>>, vector<16xi32>,
      %swap3A_173 = arith.constant 368 : index
      %swap3A_174 = tpu.vector_load %arg9[%swap3A_173] {strides = array<i32>} : memref<512xi32, #tpu.memory_space<vmem>>, vector<16xi32>,
      tpu.vector_store %arg9[%swap3A_173], %broadcast_in_dim3A_35 {strides = array<i32>} : memref<512xi32, #tpu.memory_space<vmem>>, vector<16xi32>,
      %swap3A_175 = arith.constant 384 : index
      %swap3A_176 = tpu.vector_load %arg9[%swap3A_175] {strides = array<i32>} : memref<512xi32, #tpu.memory_space<vmem>>, vector<16xi32>,
      tpu.vector_store %arg9[%swap3A_175], %broadcast_in_dim3A_35 {strides = array<i32>} : memref<512xi32, #tpu.memory_space<vmem>>, vector<16xi32>,
      %swap3A_177 = arith.constant 400 : index
      %swap3A_178 = tpu.vector_load %arg9[%swap3A_177] {strides = array<i32>} : memref<512xi32, #tpu.memory_space<vmem>>, vector<16xi32>,
      tpu.vector_store %arg9[%swap3A_177], %broadcast_in_dim3A_35 {strides = array<i32>} : memref<512xi32, #tpu.memory_space<vmem>>, vector<16xi32>,
      %swap3A_179 = arith.constant 416 : index
      %swap3A_180 = tpu.vector_load %arg9[%swap3A_179] {strides = array<i32>} : memref<512xi32, #tpu.memory_space<vmem>>, vector<16xi32>,
      tpu.vector_store %arg9[%swap3A_179], %broadcast_in_dim3A_35 {strides = array<i32>} : memref<512xi32, #tpu.memory_space<vmem>>, vector<16xi32>,
      %swap3A_181 = arith.constant 432 : index
      %swap3A_182 = tpu.vector_load %arg9[%swap3A_181] {strides = array<i32>} : memref<512xi32, #tpu.memory_space<vmem>>, vector<16xi32>,
      tpu.vector_store %arg9[%swap3A_181], %broadcast_in_dim3A_35 {strides = array<i32>} : memref<512xi32, #tpu.memory_space<vmem>>, vector<16xi32>,
      %swap3A_183 = arith.constant 448 : index
      %swap3A_184 = tpu.vector_load %arg9[%swap3A_183] {strides = array<i32>} : memref<512xi32, #tpu.memory_space<vmem>>, vector<16xi32>,
      tpu.vector_store %arg9[%swap3A_183], %broadcast_in_dim3A_35 {strides = array<i32>} : memref<512xi32, #tpu.memory_space<vmem>>, vector<16xi32>,
      %swap3A_185 = arith.constant 464 : index
      %swap3A_186 = tpu.vector_load %arg9[%swap3A_185] {strides = array<i32>} : memref<512xi32, #tpu.memory_space<vmem>>, vector<16xi32>,
      tpu.vector_store %arg9[%swap3A_185], %broadcast_in_dim3A_35 {strides = array<i32>} : memref<512xi32, #tpu.memory_space<vmem>>, vector<16xi32>,
      %swap3A_187 = arith.constant 480 : index
      %swap3A_188 = tpu.vector_load %arg9[%swap3A_187] {strides = array<i32>} : memref<512xi32, #tpu.memory_space<vmem>>, vector<16xi32>,
      tpu.vector_store %arg9[%swap3A_187], %broadcast_in_dim3A_35 {strides = array<i32>} : memref<512xi32, #tpu.memory_space<vmem>>, vector<16xi32>,
      %swap3A_189 = arith.constant 496 : index
      %swap3A_190 = tpu.vector_load %arg9[%swap3A_189] {strides = array<i32>} : memref<512xi32, #tpu.memory_space<vmem>>, vector<16xi32>,
      tpu.vector_store %arg9[%swap3A_189], %broadcast_in_dim3A_35 {strides = array<i32>} : memref<512xi32, #tpu.memory_space<vmem>>, vector<16xi32>,
      %get3A_191 = arith.constant 0 : index
      %get3A_192 = tpu.vector_load %arg6[%get3A_191] {strides = array<i32>} : memref<528xi32, #tpu.memory_space<vmem>>, vector<16xi32>,
      %ge3A = vector.broadcast %add3A_95 : i32 to vector<16xi32>
      %ge3A_193 = arith.cmpi sge, %get3A_192, %ge3A : vector<16xi32>
      %sub3A_194 = vector.broadcast %min3A_96 : i32 to vector<16xi32>
      %sub3A_195 = arith.subi %get3A_192, %sub3A_194 : vector<16xi32>
      %lt3A = arith.constant 512 : i32
      %lt3A_196 = vector.broadcast %lt3A : i32 to vector<16xi32>
      %lt3A_197 = arith.cmpi slt, %sub3A_195, %lt3A_196 : vector<16xi32>
      %and3A_198 = arith.andi %ge3A_193, %lt3A_197 : vector<16xi1>
      %sub3A_199 = vector.broadcast %min3A_96 : i32 to vector<16xi32>
      %sub3A_200 = arith.subi %get3A_192, %sub3A_199 : vector<16xi32>
      tpu.vector_store_idx %arg9[%sub3A_200], %broadcast_in_dim3A_37 masked %and3A_198 {add = true} : memref<512xi32, #tpu.memory_space<vmem>>[vector<16xi32>], vector<16xi32>, vector<16xi1>
      %get3A_201 = arith.constant 16 : index
      %get3A_202 = tpu.vector_load %arg6[%get3A_201] {strides = array<i32>} : memref<528xi32, #tpu.memory_space<vmem>>, vector<16xi32>,
      %ge3A_203 = vector.broadcast %add3A_95 : i32 to vector<16xi32>
      %ge3A_204 = arith.cmpi sge, %get3A_202, %ge3A_203 : vector<16xi32>
      %sub3A_205 = vector.broadcast %min3A_96 : i32 to vector<16xi32>
      %sub3A_206 = arith.subi %get3A_202, %sub3A_205 : vector<16xi32>
      %lt3A_207 = arith.constant 512 : i32
      %lt3A_208 = vector.broadcast %lt3A_207 : i32 to vector<16xi32>
      %lt3A_209 = arith.cmpi slt, %sub3A_206, %lt3A_208 : vector<16xi32>
      %and3A_210 = arith.andi %ge3A_204, %lt3A_209 : vector<16xi1>
      %sub3A_211 = vector.broadcast %min3A_96 : i32 to vector<16xi32>
      %sub3A_212 = arith.subi %get3A_202, %sub3A_211 : vector<16xi32>
      tpu.vector_store_idx %arg9[%sub3A_212], %broadcast_in_dim3A_37 masked %and3A_210 {add = true} : memref<512xi32, #tpu.memory_space<vmem>>[vector<16xi32>], vector<16xi32>, vector<16xi1>
      %get3A_213 = arith.constant 32 : index
      %get3A_214 = tpu.vector_load %arg6[%get3A_213] {strides = array<i32>} : memref<528xi32, #tpu.memory_space<vmem>>, vector<16xi32>,
      %ge3A_215 = vector.broadcast %add3A_95 : i32 to vector<16xi32>
      %ge3A_216 = arith.cmpi sge, %get3A_214, %ge3A_215 : vector<16xi32>
      %sub3A_217 = vector.broadcast %min3A_96 : i32 to vector<16xi32>
      %sub3A_218 = arith.subi %get3A_214, %sub3A_217 : vector<16xi32>
      %lt3A_219 = arith.constant 512 : i32
      %lt3A_220 = vector.broadcast %lt3A_219 : i32 to vector<16xi32>
      %lt3A_221 = arith.cmpi slt, %sub3A_218, %lt3A_220 : vector<16xi32>
      %and3A_222 = arith.andi %ge3A_216, %lt3A_221 : vector<16xi1>
      %sub3A_223 = vector.broadcast %min3A_96 : i32 to vector<16xi32>
      %sub3A_224 = arith.subi %get3A_214, %sub3A_223 : vector<16xi32>
      tpu.vector_store_idx %arg9[%sub3A_224], %broadcast_in_dim3A_37 masked %and3A_222 {add = true} : memref<512xi32, #tpu.memory_space<vmem>>[vector<16xi32>], vector<16xi32>, vector<16xi1>
      %get3A_225 = arith.constant 48 : index
      %get3A_226 = tpu.vector_load %arg6[%get3A_225] {strides = array<i32>} : memref<528xi32, #tpu.memory_space<vmem>>, vector<16xi32>,
      %ge3A_227 = vector.broadcast %add3A_95 : i32 to vector<16xi32>
      %ge3A_228 = arith.cmpi sge, %get3A_226, %ge3A_227 : vector<16xi32>
      %sub3A_229 = vector.broadcast %min3A_96 : i32 to vector<16xi32>
      %sub3A_230 = arith.subi %get3A_226, %sub3A_229 : vector<16xi32>
      %lt3A_231 = arith.constant 512 : i32
      %lt3A_232 = vector.broadcast %lt3A_231 : i32 to vector<16xi32>
      %lt3A_233 = arith.cmpi slt, %sub3A_230, %lt3A_232 : vector<16xi32>
      %and3A_234 = arith.andi %ge3A_228, %lt3A_233 : vector<16xi1>
      %sub3A_235 = vector.broadcast %min3A_96 : i32 to vector<16xi32>
      %sub3A_236 = arith.subi %get3A_226, %sub3A_235 : vector<16xi32>
      tpu.vector_store_idx %arg9[%sub3A_236], %broadcast_in_dim3A_37 masked %and3A_234 {add = true} : memref<512xi32, #tpu.memory_space<vmem>>[vector<16xi32>], vector<16xi32>, vector<16xi1>
      %get3A_237 = arith.constant 64 : index
      %get3A_238 = tpu.vector_load %arg6[%get3A_237] {strides = array<i32>} : memref<528xi32, #tpu.memory_space<vmem>>, vector<16xi32>,
      %ge3A_239 = vector.broadcast %add3A_95 : i32 to vector<16xi32>
      %ge3A_240 = arith.cmpi sge, %get3A_238, %ge3A_239 : vector<16xi32>
      %sub3A_241 = vector.broadcast %min3A_96 : i32 to vector<16xi32>
      %sub3A_242 = arith.subi %get3A_238, %sub3A_241 : vector<16xi32>
      %lt3A_243 = arith.constant 512 : i32
      %lt3A_244 = vector.broadcast %lt3A_243 : i32 to vector<16xi32>
      %lt3A_245 = arith.cmpi slt, %sub3A_242, %lt3A_244 : vector<16xi32>
      %and3A_246 = arith.andi %ge3A_240, %lt3A_245 : vector<16xi1>
      %sub3A_247 = vector.broadcast %min3A_96 : i32 to vector<16xi32>
      %sub3A_248 = arith.subi %get3A_238, %sub3A_247 : vector<16xi32>
      tpu.vector_store_idx %arg9[%sub3A_248], %broadcast_in_dim3A_37 masked %and3A_246 {add = true} : memref<512xi32, #tpu.memory_space<vmem>>[vector<16xi32>], vector<16xi32>, vector<16xi1>
      %get3A_249 = arith.constant 80 : index
      %get3A_250 = tpu.vector_load %arg6[%get3A_249] {strides = array<i32>} : memref<528xi32, #tpu.memory_space<vmem>>, vector<16xi32>,
      %ge3A_251 = vector.broadcast %add3A_95 : i32 to vector<16xi32>
      %ge3A_252 = arith.cmpi sge, %get3A_250, %ge3A_251 : vector<16xi32>
      %sub3A_253 = vector.broadcast %min3A_96 : i32 to vector<16xi32>
      %sub3A_254 = arith.subi %get3A_250, %sub3A_253 : vector<16xi32>
      %lt3A_255 = arith.constant 512 : i32
      %lt3A_256 = vector.broadcast %lt3A_255 : i32 to vector<16xi32>
      %lt3A_257 = arith.cmpi slt, %sub3A_254, %lt3A_256 : vector<16xi32>
      %and3A_258 = arith.andi %ge3A_252, %lt3A_257 : vector<16xi1>
      %sub3A_259 = vector.broadcast %min3A_96 : i32 to vector<16xi32>
      %sub3A_260 = arith.subi %get3A_250, %sub3A_259 : vector<16xi32>
      tpu.vector_store_idx %arg9[%sub3A_260], %broadcast_in_dim3A_37 masked %and3A_258 {add = true} : memref<512xi32, #tpu.memory_space<vmem>>[vector<16xi32>], vector<16xi32>, vector<16xi1>
      %get3A_261 = arith.constant 96 : index
      %get3A_262 = tpu.vector_load %arg6[%get3A_261] {strides = array<i32>} : memref<528xi32, #tpu.memory_space<vmem>>, vector<16xi32>,
      %ge3A_263 = vector.broadcast %add3A_95 : i32 to vector<16xi32>
      %ge3A_264 = arith.cmpi sge, %get3A_262, %ge3A_263 : vector<16xi32>
      %sub3A_265 = vector.broadcast %min3A_96 : i32 to vector<16xi32>
      %sub3A_266 = arith.subi %get3A_262, %sub3A_265 : vector<16xi32>
      %lt3A_267 = arith.constant 512 : i32
      %lt3A_268 = vector.broadcast %lt3A_267 : i32 to vector<16xi32>
      %lt3A_269 = arith.cmpi slt, %sub3A_266, %lt3A_268 : vector<16xi32>
      %and3A_270 = arith.andi %ge3A_264, %lt3A_269 : vector<16xi1>
      %sub3A_271 = vector.broadcast %min3A_96 : i32 to vector<16xi32>
      %sub3A_272 = arith.subi %get3A_262, %sub3A_271 : vector<16xi32>
      tpu.vector_store_idx %arg9[%sub3A_272], %broadcast_in_dim3A_37 masked %and3A_270 {add = true} : memref<512xi32, #tpu.memory_space<vmem>>[vector<16xi32>], vector<16xi32>, vector<16xi1>
      %get3A_273 = arith.constant 112 : index
      %get3A_274 = tpu.vector_load %arg6[%get3A_273] {strides = array<i32>} : memref<528xi32, #tpu.memory_space<vmem>>, vector<16xi32>,
      %ge3A_275 = vector.broadcast %add3A_95 : i32 to vector<16xi32>
      %ge3A_276 = arith.cmpi sge, %get3A_274, %ge3A_275 : vector<16xi32>
      %sub3A_277 = vector.broadcast %min3A_96 : i32 to vector<16xi32>
      %sub3A_278 = arith.subi %get3A_274, %sub3A_277 : vector<16xi32>
      %lt3A_279 = arith.constant 512 : i32
      %lt3A_280 = vector.broadcast %lt3A_279 : i32 to vector<16xi32>
      %lt3A_281 = arith.cmpi slt, %sub3A_278, %lt3A_280 : vector<16xi32>
      %and3A_282 = arith.andi %ge3A_276, %lt3A_281 : vector<16xi1>
      %sub3A_283 = vector.broadcast %min3A_96 : i32 to vector<16xi32>
      %sub3A_284 = arith.subi %get3A_274, %sub3A_283 : vector<16xi32>
      tpu.vector_store_idx %arg9[%sub3A_284], %broadcast_in_dim3A_37 masked %and3A_282 {add = true} : memref<512xi32, #tpu.memory_space<vmem>>[vector<16xi32>], vector<16xi32>, vector<16xi1>
      %get3A_285 = arith.constant 128 : index
      %get3A_286 = tpu.vector_load %arg6[%get3A_285] {strides = array<i32>} : memref<528xi32, #tpu.memory_space<vmem>>, vector<16xi32>,
      %ge3A_287 = vector.broadcast %add3A_95 : i32 to vector<16xi32>
      %ge3A_288 = arith.cmpi sge, %get3A_286, %ge3A_287 : vector<16xi32>
      %sub3A_289 = vector.broadcast %min3A_96 : i32 to vector<16xi32>
      %sub3A_290 = arith.subi %get3A_286, %sub3A_289 : vector<16xi32>
      %lt3A_291 = arith.constant 512 : i32
      %lt3A_292 = vector.broadcast %lt3A_291 : i32 to vector<16xi32>
      %lt3A_293 = arith.cmpi slt, %sub3A_290, %lt3A_292 : vector<16xi32>
      %and3A_294 = arith.andi %ge3A_288, %lt3A_293 : vector<16xi1>
      %sub3A_295 = vector.broadcast %min3A_96 : i32 to vector<16xi32>
      %sub3A_296 = arith.subi %get3A_286, %sub3A_295 : vector<16xi32>
      tpu.vector_store_idx %arg9[%sub3A_296], %broadcast_in_dim3A_37 masked %and3A_294 {add = true} : memref<512xi32, #tpu.memory_space<vmem>>[vector<16xi32>], vector<16xi32>, vector<16xi1>
      %get3A_297 = arith.constant 144 : index
      %get3A_298 = tpu.vector_load %arg6[%get3A_297] {strides = array<i32>} : memref<528xi32, #tpu.memory_space<vmem>>, vector<16xi32>,
      %ge3A_299 = vector.broadcast %add3A_95 : i32 to vector<16xi32>
      %ge3A_300 = arith.cmpi sge, %get3A_298, %ge3A_299 : vector<16xi32>
      %sub3A_301 = vector.broadcast %min3A_96 : i32 to vector<16xi32>
      %sub3A_302 = arith.subi %get3A_298, %sub3A_301 : vector<16xi32>
      %lt3A_303 = arith.constant 512 : i32
      %lt3A_304 = vector.broadcast %lt3A_303 : i32 to vector<16xi32>
      %lt3A_305 = arith.cmpi slt, %sub3A_302, %lt3A_304 : vector<16xi32>
      %and3A_306 = arith.andi %ge3A_300, %lt3A_305 : vector<16xi1>
      %sub3A_307 = vector.broadcast %min3A_96 : i32 to vector<16xi32>
      %sub3A_308 = arith.subi %get3A_298, %sub3A_307 : vector<16xi32>
      tpu.vector_store_idx %arg9[%sub3A_308], %broadcast_in_dim3A_37 masked %and3A_306 {add = true} : memref<512xi32, #tpu.memory_space<vmem>>[vector<16xi32>], vector<16xi32>, vector<16xi1>
      %get3A_309 = arith.constant 160 : index
      %get3A_310 = tpu.vector_load %arg6[%get3A_309] {strides = array<i32>} : memref<528xi32, #tpu.memory_space<vmem>>, vector<16xi32>,
      %ge3A_311 = vector.broadcast %add3A_95 : i32 to vector<16xi32>
      %ge3A_312 = arith.cmpi sge, %get3A_310, %ge3A_311 : vector<16xi32>
      %sub3A_313 = vector.broadcast %min3A_96 : i32 to vector<16xi32>
      %sub3A_314 = arith.subi %get3A_310, %sub3A_313 : vector<16xi32>
      %lt3A_315 = arith.constant 512 : i32
      %lt3A_316 = vector.broadcast %lt3A_315 : i32 to vector<16xi32>
      %lt3A_317 = arith.cmpi slt, %sub3A_314, %lt3A_316 : vector<16xi32>
      %and3A_318 = arith.andi %ge3A_312, %lt3A_317 : vector<16xi1>
      %sub3A_319 = vector.broadcast %min3A_96 : i32 to vector<16xi32>
      %sub3A_320 = arith.subi %get3A_310, %sub3A_319 : vector<16xi32>
      tpu.vector_store_idx %arg9[%sub3A_320], %broadcast_in_dim3A_37 masked %and3A_318 {add = true} : memref<512xi32, #tpu.memory_space<vmem>>[vector<16xi32>], vector<16xi32>, vector<16xi1>
      %get3A_321 = arith.constant 176 : index
      %get3A_322 = tpu.vector_load %arg6[%get3A_321] {strides = array<i32>} : memref<528xi32, #tpu.memory_space<vmem>>, vector<16xi32>,
      %ge3A_323 = vector.broadcast %add3A_95 : i32 to vector<16xi32>
      %ge3A_324 = arith.cmpi sge, %get3A_322, %ge3A_323 : vector<16xi32>
      %sub3A_325 = vector.broadcast %min3A_96 : i32 to vector<16xi32>
      %sub3A_326 = arith.subi %get3A_322, %sub3A_325 : vector<16xi32>
      %lt3A_327 = arith.constant 512 : i32
      %lt3A_328 = vector.broadcast %lt3A_327 : i32 to vector<16xi32>
      %lt3A_329 = arith.cmpi slt, %sub3A_326, %lt3A_328 : vector<16xi32>
      %and3A_330 = arith.andi %ge3A_324, %lt3A_329 : vector<16xi1>
      %sub3A_331 = vector.broadcast %min3A_96 : i32 to vector<16xi32>
      %sub3A_332 = arith.subi %get3A_322, %sub3A_331 : vector<16xi32>
      tpu.vector_store_idx %arg9[%sub3A_332], %broadcast_in_dim3A_37 masked %and3A_330 {add = true} : memref<512xi32, #tpu.memory_space<vmem>>[vector<16xi32>], vector<16xi32>, vector<16xi1>
      %get3A_333 = arith.constant 192 : index
      %get3A_334 = tpu.vector_load %arg6[%get3A_333] {strides = array<i32>} : memref<528xi32, #tpu.memory_space<vmem>>, vector<16xi32>,
      %ge3A_335 = vector.broadcast %add3A_95 : i32 to vector<16xi32>
      %ge3A_336 = arith.cmpi sge, %get3A_334, %ge3A_335 : vector<16xi32>
      %sub3A_337 = vector.broadcast %min3A_96 : i32 to vector<16xi32>
      %sub3A_338 = arith.subi %get3A_334, %sub3A_337 : vector<16xi32>
      %lt3A_339 = arith.constant 512 : i32
      %lt3A_340 = vector.broadcast %lt3A_339 : i32 to vector<16xi32>
      %lt3A_341 = arith.cmpi slt, %sub3A_338, %lt3A_340 : vector<16xi32>
      %and3A_342 = arith.andi %ge3A_336, %lt3A_341 : vector<16xi1>
      %sub3A_343 = vector.broadcast %min3A_96 : i32 to vector<16xi32>
      %sub3A_344 = arith.subi %get3A_334, %sub3A_343 : vector<16xi32>
      tpu.vector_store_idx %arg9[%sub3A_344], %broadcast_in_dim3A_37 masked %and3A_342 {add = true} : memref<512xi32, #tpu.memory_space<vmem>>[vector<16xi32>], vector<16xi32>, vector<16xi1>
      %get3A_345 = arith.constant 208 : index
      %get3A_346 = tpu.vector_load %arg6[%get3A_345] {strides = array<i32>} : memref<528xi32, #tpu.memory_space<vmem>>, vector<16xi32>,
      %ge3A_347 = vector.broadcast %add3A_95 : i32 to vector<16xi32>
      %ge3A_348 = arith.cmpi sge, %get3A_346, %ge3A_347 : vector<16xi32>
      %sub3A_349 = vector.broadcast %min3A_96 : i32 to vector<16xi32>
      %sub3A_350 = arith.subi %get3A_346, %sub3A_349 : vector<16xi32>
      %lt3A_351 = arith.constant 512 : i32
      %lt3A_352 = vector.broadcast %lt3A_351 : i32 to vector<16xi32>
      %lt3A_353 = arith.cmpi slt, %sub3A_350, %lt3A_352 : vector<16xi32>
      %and3A_354 = arith.andi %ge3A_348, %lt3A_353 : vector<16xi1>
      %sub3A_355 = vector.broadcast %min3A_96 : i32 to vector<16xi32>
      %sub3A_356 = arith.subi %get3A_346, %sub3A_355 : vector<16xi32>
      tpu.vector_store_idx %arg9[%sub3A_356], %broadcast_in_dim3A_37 masked %and3A_354 {add = true} : memref<512xi32, #tpu.memory_space<vmem>>[vector<16xi32>], vector<16xi32>, vector<16xi1>
      %get3A_357 = arith.constant 224 : index
      %get3A_358 = tpu.vector_load %arg6[%get3A_357] {strides = array<i32>} : memref<528xi32, #tpu.memory_space<vmem>>, vector<16xi32>,
      %ge3A_359 = vector.broadcast %add3A_95 : i32 to vector<16xi32>
      %ge3A_360 = arith.cmpi sge, %get3A_358, %ge3A_359 : vector<16xi32>
      %sub3A_361 = vector.broadcast %min3A_96 : i32 to vector<16xi32>
      %sub3A_362 = arith.subi %get3A_358, %sub3A_361 : vector<16xi32>
      %lt3A_363 = arith.constant 512 : i32
      %lt3A_364 = vector.broadcast %lt3A_363 : i32 to vector<16xi32>
      %lt3A_365 = arith.cmpi slt, %sub3A_362, %lt3A_364 : vector<16xi32>
      %and3A_366 = arith.andi %ge3A_360, %lt3A_365 : vector<16xi1>
      %sub3A_367 = vector.broadcast %min3A_96 : i32 to vector<16xi32>
      %sub3A_368 = arith.subi %get3A_358, %sub3A_367 : vector<16xi32>
      tpu.vector_store_idx %arg9[%sub3A_368], %broadcast_in_dim3A_37 masked %and3A_366 {add = true} : memref<512xi32, #tpu.memory_space<vmem>>[vector<16xi32>], vector<16xi32>, vector<16xi1>
      %get3A_369 = arith.constant 240 : index
      %get3A_370 = tpu.vector_load %arg6[%get3A_369] {strides = array<i32>} : memref<528xi32, #tpu.memory_space<vmem>>, vector<16xi32>,
      %ge3A_371 = vector.broadcast %add3A_95 : i32 to vector<16xi32>
      %ge3A_372 = arith.cmpi sge, %get3A_370, %ge3A_371 : vector<16xi32>
      %sub3A_373 = vector.broadcast %min3A_96 : i32 to vector<16xi32>
      %sub3A_374 = arith.subi %get3A_370, %sub3A_373 : vector<16xi32>
      %lt3A_375 = arith.constant 512 : i32
      %lt3A_376 = vector.broadcast %lt3A_375 : i32 to vector<16xi32>
      %lt3A_377 = arith.cmpi slt, %sub3A_374, %lt3A_376 : vector<16xi32>
      %and3A_378 = arith.andi %ge3A_372, %lt3A_377 : vector<16xi1>
      %sub3A_379 = vector.broadcast %min3A_96 : i32 to vector<16xi32>
      %sub3A_380 = arith.subi %get3A_370, %sub3A_379 : vector<16xi32>
      tpu.vector_store_idx %arg9[%sub3A_380], %broadcast_in_dim3A_37 masked %and3A_378 {add = true} : memref<512xi32, #tpu.memory_space<vmem>>[vector<16xi32>], vector<16xi32>, vector<16xi1>
      %get3A_381 = arith.constant 256 : index
      %get3A_382 = tpu.vector_load %arg6[%get3A_381] {strides = array<i32>} : memref<528xi32, #tpu.memory_space<vmem>>, vector<16xi32>,
      %ge3A_383 = vector.broadcast %add3A_95 : i32 to vector<16xi32>
      %ge3A_384 = arith.cmpi sge, %get3A_382, %ge3A_383 : vector<16xi32>
      %sub3A_385 = vector.broadcast %min3A_96 : i32 to vector<16xi32>
      %sub3A_386 = arith.subi %get3A_382, %sub3A_385 : vector<16xi32>
      %lt3A_387 = arith.constant 512 : i32
      %lt3A_388 = vector.broadcast %lt3A_387 : i32 to vector<16xi32>
      %lt3A_389 = arith.cmpi slt, %sub3A_386, %lt3A_388 : vector<16xi32>
      %and3A_390 = arith.andi %ge3A_384, %lt3A_389 : vector<16xi1>
      %sub3A_391 = vector.broadcast %min3A_96 : i32 to vector<16xi32>
      %sub3A_392 = arith.subi %get3A_382, %sub3A_391 : vector<16xi32>
      tpu.vector_store_idx %arg9[%sub3A_392], %broadcast_in_dim3A_37 masked %and3A_390 {add = true} : memref<512xi32, #tpu.memory_space<vmem>>[vector<16xi32>], vector<16xi32>, vector<16xi1>
      %get3A_393 = arith.constant 272 : index
      %get3A_394 = tpu.vector_load %arg6[%get3A_393] {strides = array<i32>} : memref<528xi32, #tpu.memory_space<vmem>>, vector<16xi32>,
      %ge3A_395 = vector.broadcast %add3A_95 : i32 to vector<16xi32>
      %ge3A_396 = arith.cmpi sge, %get3A_394, %ge3A_395 : vector<16xi32>
      %sub3A_397 = vector.broadcast %min3A_96 : i32 to vector<16xi32>
      %sub3A_398 = arith.subi %get3A_394, %sub3A_397 : vector<16xi32>
      %lt3A_399 = arith.constant 512 : i32
      %lt3A_400 = vector.broadcast %lt3A_399 : i32 to vector<16xi32>
      %lt3A_401 = arith.cmpi slt, %sub3A_398, %lt3A_400 : vector<16xi32>
      %and3A_402 = arith.andi %ge3A_396, %lt3A_401 : vector<16xi1>
      %sub3A_403 = vector.broadcast %min3A_96 : i32 to vector<16xi32>
      %sub3A_404 = arith.subi %get3A_394, %sub3A_403 : vector<16xi32>
      tpu.vector_store_idx %arg9[%sub3A_404], %broadcast_in_dim3A_37 masked %and3A_402 {add = true} : memref<512xi32, #tpu.memory_space<vmem>>[vector<16xi32>], vector<16xi32>, vector<16xi1>
      %get3A_405 = arith.constant 288 : index
      %get3A_406 = tpu.vector_load %arg6[%get3A_405] {strides = array<i32>} : memref<528xi32, #tpu.memory_space<vmem>>, vector<16xi32>,
      %ge3A_407 = vector.broadcast %add3A_95 : i32 to vector<16xi32>
      %ge3A_408 = arith.cmpi sge, %get3A_406, %ge3A_407 : vector<16xi32>
      %sub3A_409 = vector.broadcast %min3A_96 : i32 to vector<16xi32>
      %sub3A_410 = arith.subi %get3A_406, %sub3A_409 : vector<16xi32>
      %lt3A_411 = arith.constant 512 : i32
      %lt3A_412 = vector.broadcast %lt3A_411 : i32 to vector<16xi32>
      %lt3A_413 = arith.cmpi slt, %sub3A_410, %lt3A_412 : vector<16xi32>
      %and3A_414 = arith.andi %ge3A_408, %lt3A_413 : vector<16xi1>
      %sub3A_415 = vector.broadcast %min3A_96 : i32 to vector<16xi32>
      %sub3A_416 = arith.subi %get3A_406, %sub3A_415 : vector<16xi32>
      tpu.vector_store_idx %arg9[%sub3A_416], %broadcast_in_dim3A_37 masked %and3A_414 {add = true} : memref<512xi32, #tpu.memory_space<vmem>>[vector<16xi32>], vector<16xi32>, vector<16xi1>
      %get3A_417 = arith.constant 304 : index
      %get3A_418 = tpu.vector_load %arg6[%get3A_417] {strides = array<i32>} : memref<528xi32, #tpu.memory_space<vmem>>, vector<16xi32>,
      %ge3A_419 = vector.broadcast %add3A_95 : i32 to vector<16xi32>
      %ge3A_420 = arith.cmpi sge, %get3A_418, %ge3A_419 : vector<16xi32>
      %sub3A_421 = vector.broadcast %min3A_96 : i32 to vector<16xi32>
      %sub3A_422 = arith.subi %get3A_418, %sub3A_421 : vector<16xi32>
      %lt3A_423 = arith.constant 512 : i32
      %lt3A_424 = vector.broadcast %lt3A_423 : i32 to vector<16xi32>
      %lt3A_425 = arith.cmpi slt, %sub3A_422, %lt3A_424 : vector<16xi32>
      %and3A_426 = arith.andi %ge3A_420, %lt3A_425 : vector<16xi1>
      %sub3A_427 = vector.broadcast %min3A_96 : i32 to vector<16xi32>
      %sub3A_428 = arith.subi %get3A_418, %sub3A_427 : vector<16xi32>
      tpu.vector_store_idx %arg9[%sub3A_428], %broadcast_in_dim3A_37 masked %and3A_426 {add = true} : memref<512xi32, #tpu.memory_space<vmem>>[vector<16xi32>], vector<16xi32>, vector<16xi1>
      %get3A_429 = arith.constant 320 : index
      %get3A_430 = tpu.vector_load %arg6[%get3A_429] {strides = array<i32>} : memref<528xi32, #tpu.memory_space<vmem>>, vector<16xi32>,
      %ge3A_431 = vector.broadcast %add3A_95 : i32 to vector<16xi32>
      %ge3A_432 = arith.cmpi sge, %get3A_430, %ge3A_431 : vector<16xi32>
      %sub3A_433 = vector.broadcast %min3A_96 : i32 to vector<16xi32>
      %sub3A_434 = arith.subi %get3A_430, %sub3A_433 : vector<16xi32>
      %lt3A_435 = arith.constant 512 : i32
      %lt3A_436 = vector.broadcast %lt3A_435 : i32 to vector<16xi32>
      %lt3A_437 = arith.cmpi slt, %sub3A_434, %lt3A_436 : vector<16xi32>
      %and3A_438 = arith.andi %ge3A_432, %lt3A_437 : vector<16xi1>
      %sub3A_439 = vector.broadcast %min3A_96 : i32 to vector<16xi32>
      %sub3A_440 = arith.subi %get3A_430, %sub3A_439 : vector<16xi32>
      tpu.vector_store_idx %arg9[%sub3A_440], %broadcast_in_dim3A_37 masked %and3A_438 {add = true} : memref<512xi32, #tpu.memory_space<vmem>>[vector<16xi32>], vector<16xi32>, vector<16xi1>
      %get3A_441 = arith.constant 336 : index
      %get3A_442 = tpu.vector_load %arg6[%get3A_441] {strides = array<i32>} : memref<528xi32, #tpu.memory_space<vmem>>, vector<16xi32>,
      %ge3A_443 = vector.broadcast %add3A_95 : i32 to vector<16xi32>
      %ge3A_444 = arith.cmpi sge, %get3A_442, %ge3A_443 : vector<16xi32>
      %sub3A_445 = vector.broadcast %min3A_96 : i32 to vector<16xi32>
      %sub3A_446 = arith.subi %get3A_442, %sub3A_445 : vector<16xi32>
      %lt3A_447 = arith.constant 512 : i32
      %lt3A_448 = vector.broadcast %lt3A_447 : i32 to vector<16xi32>
      %lt3A_449 = arith.cmpi slt, %sub3A_446, %lt3A_448 : vector<16xi32>
      %and3A_450 = arith.andi %ge3A_444, %lt3A_449 : vector<16xi1>
      %sub3A_451 = vector.broadcast %min3A_96 : i32 to vector<16xi32>
      %sub3A_452 = arith.subi %get3A_442, %sub3A_451 : vector<16xi32>
      tpu.vector_store_idx %arg9[%sub3A_452], %broadcast_in_dim3A_37 masked %and3A_450 {add = true} : memref<512xi32, #tpu.memory_space<vmem>>[vector<16xi32>], vector<16xi32>, vector<16xi1>
      %get3A_453 = arith.constant 352 : index
      %get3A_454 = tpu.vector_load %arg6[%get3A_453] {strides = array<i32>} : memref<528xi32, #tpu.memory_space<vmem>>, vector<16xi32>,
      %ge3A_455 = vector.broadcast %add3A_95 : i32 to vector<16xi32>
      %ge3A_456 = arith.cmpi sge, %get3A_454, %ge3A_455 : vector<16xi32>
      %sub3A_457 = vector.broadcast %min3A_96 : i32 to vector<16xi32>
      %sub3A_458 = arith.subi %get3A_454, %sub3A_457 : vector<16xi32>
      %lt3A_459 = arith.constant 512 : i32
      %lt3A_460 = vector.broadcast %lt3A_459 : i32 to vector<16xi32>
      %lt3A_461 = arith.cmpi slt, %sub3A_458, %lt3A_460 : vector<16xi32>
      %and3A_462 = arith.andi %ge3A_456, %lt3A_461 : vector<16xi1>
      %sub3A_463 = vector.broadcast %min3A_96 : i32 to vector<16xi32>
      %sub3A_464 = arith.subi %get3A_454, %sub3A_463 : vector<16xi32>
      tpu.vector_store_idx %arg9[%sub3A_464], %broadcast_in_dim3A_37 masked %and3A_462 {add = true} : memref<512xi32, #tpu.memory_space<vmem>>[vector<16xi32>], vector<16xi32>, vector<16xi1>
      %get3A_465 = arith.constant 368 : index
      %get3A_466 = tpu.vector_load %arg6[%get3A_465] {strides = array<i32>} : memref<528xi32, #tpu.memory_space<vmem>>, vector<16xi32>,
      %ge3A_467 = vector.broadcast %add3A_95 : i32 to vector<16xi32>
      %ge3A_468 = arith.cmpi sge, %get3A_466, %ge3A_467 : vector<16xi32>
      %sub3A_469 = vector.broadcast %min3A_96 : i32 to vector<16xi32>
      %sub3A_470 = arith.subi %get3A_466, %sub3A_469 : vector<16xi32>
      %lt3A_471 = arith.constant 512 : i32
      %lt3A_472 = vector.broadcast %lt3A_471 : i32 to vector<16xi32>
      %lt3A_473 = arith.cmpi slt, %sub3A_470, %lt3A_472 : vector<16xi32>
      %and3A_474 = arith.andi %ge3A_468, %lt3A_473 : vector<16xi1>
      %sub3A_475 = vector.broadcast %min3A_96 : i32 to vector<16xi32>
      %sub3A_476 = arith.subi %get3A_466, %sub3A_475 : vector<16xi32>
      tpu.vector_store_idx %arg9[%sub3A_476], %broadcast_in_dim3A_37 masked %and3A_474 {add = true} : memref<512xi32, #tpu.memory_space<vmem>>[vector<16xi32>], vector<16xi32>, vector<16xi1>
      %get3A_477 = arith.constant 384 : index
      %get3A_478 = tpu.vector_load %arg6[%get3A_477] {strides = array<i32>} : memref<528xi32, #tpu.memory_space<vmem>>, vector<16xi32>,
      %ge3A_479 = vector.broadcast %add3A_95 : i32 to vector<16xi32>
      %ge3A_480 = arith.cmpi sge, %get3A_478, %ge3A_479 : vector<16xi32>
      %sub3A_481 = vector.broadcast %min3A_96 : i32 to vector<16xi32>
      %sub3A_482 = arith.subi %get3A_478, %sub3A_481 : vector<16xi32>
      %lt3A_483 = arith.constant 512 : i32
      %lt3A_484 = vector.broadcast %lt3A_483 : i32 to vector<16xi32>
      %lt3A_485 = arith.cmpi slt, %sub3A_482, %lt3A_484 : vector<16xi32>
      %and3A_486 = arith.andi %ge3A_480, %lt3A_485 : vector<16xi1>
      %sub3A_487 = vector.broadcast %min3A_96 : i32 to vector<16xi32>
      %sub3A_488 = arith.subi %get3A_478, %sub3A_487 : vector<16xi32>
      tpu.vector_store_idx %arg9[%sub3A_488], %broadcast_in_dim3A_37 masked %and3A_486 {add = true} : memref<512xi32, #tpu.memory_space<vmem>>[vector<16xi32>], vector<16xi32>, vector<16xi1>
      %get3A_489 = arith.constant 400 : index
      %get3A_490 = tpu.vector_load %arg6[%get3A_489] {strides = array<i32>} : memref<528xi32, #tpu.memory_space<vmem>>, vector<16xi32>,
      %ge3A_491 = vector.broadcast %add3A_95 : i32 to vector<16xi32>
      %ge3A_492 = arith.cmpi sge, %get3A_490, %ge3A_491 : vector<16xi32>
      %sub3A_493 = vector.broadcast %min3A_96 : i32 to vector<16xi32>
      %sub3A_494 = arith.subi %get3A_490, %sub3A_493 : vector<16xi32>
      %lt3A_495 = arith.constant 512 : i32
      %lt3A_496 = vector.broadcast %lt3A_495 : i32 to vector<16xi32>
      %lt3A_497 = arith.cmpi slt, %sub3A_494, %lt3A_496 : vector<16xi32>
      %and3A_498 = arith.andi %ge3A_492, %lt3A_497 : vector<16xi1>
      %sub3A_499 = vector.broadcast %min3A_96 : i32 to vector<16xi32>
      %sub3A_500 = arith.subi %get3A_490, %sub3A_499 : vector<16xi32>
      tpu.vector_store_idx %arg9[%sub3A_500], %broadcast_in_dim3A_37 masked %and3A_498 {add = true} : memref<512xi32, #tpu.memory_space<vmem>>[vector<16xi32>], vector<16xi32>, vector<16xi1>
      %get3A_501 = arith.constant 416 : index
      %get3A_502 = tpu.vector_load %arg6[%get3A_501] {strides = array<i32>} : memref<528xi32, #tpu.memory_space<vmem>>, vector<16xi32>,
      %ge3A_503 = vector.broadcast %add3A_95 : i32 to vector<16xi32>
      %ge3A_504 = arith.cmpi sge, %get3A_502, %ge3A_503 : vector<16xi32>
      %sub3A_505 = vector.broadcast %min3A_96 : i32 to vector<16xi32>
      %sub3A_506 = arith.subi %get3A_502, %sub3A_505 : vector<16xi32>
      %lt3A_507 = arith.constant 512 : i32
      %lt3A_508 = vector.broadcast %lt3A_507 : i32 to vector<16xi32>
      %lt3A_509 = arith.cmpi slt, %sub3A_506, %lt3A_508 : vector<16xi32>
      %and3A_510 = arith.andi %ge3A_504, %lt3A_509 : vector<16xi1>
      %sub3A_511 = vector.broadcast %min3A_96 : i32 to vector<16xi32>
      %sub3A_512 = arith.subi %get3A_502, %sub3A_511 : vector<16xi32>
      tpu.vector_store_idx %arg9[%sub3A_512], %broadcast_in_dim3A_37 masked %and3A_510 {add = true} : memref<512xi32, #tpu.memory_space<vmem>>[vector<16xi32>], vector<16xi32>, vector<16xi1>
      %get3A_513 = arith.constant 432 : index
      %get3A_514 = tpu.vector_load %arg6[%get3A_513] {strides = array<i32>} : memref<528xi32, #tpu.memory_space<vmem>>, vector<16xi32>,
      %ge3A_515 = vector.broadcast %add3A_95 : i32 to vector<16xi32>
      %ge3A_516 = arith.cmpi sge, %get3A_514, %ge3A_515 : vector<16xi32>
      %sub3A_517 = vector.broadcast %min3A_96 : i32 to vector<16xi32>
      %sub3A_518 = arith.subi %get3A_514, %sub3A_517 : vector<16xi32>
      %lt3A_519 = arith.constant 512 : i32
      %lt3A_520 = vector.broadcast %lt3A_519 : i32 to vector<16xi32>
      %lt3A_521 = arith.cmpi slt, %sub3A_518, %lt3A_520 : vector<16xi32>
      %and3A_522 = arith.andi %ge3A_516, %lt3A_521 : vector<16xi1>
      %sub3A_523 = vector.broadcast %min3A_96 : i32 to vector<16xi32>
      %sub3A_524 = arith.subi %get3A_514, %sub3A_523 : vector<16xi32>
      tpu.vector_store_idx %arg9[%sub3A_524], %broadcast_in_dim3A_37 masked %and3A_522 {add = true} : memref<512xi32, #tpu.memory_space<vmem>>[vector<16xi32>], vector<16xi32>, vector<16xi1>
      %get3A_525 = arith.constant 448 : index
      %get3A_526 = tpu.vector_load %arg6[%get3A_525] {strides = array<i32>} : memref<528xi32, #tpu.memory_space<vmem>>, vector<16xi32>,
      %ge3A_527 = vector.broadcast %add3A_95 : i32 to vector<16xi32>
      %ge3A_528 = arith.cmpi sge, %get3A_526, %ge3A_527 : vector<16xi32>
      %sub3A_529 = vector.broadcast %min3A_96 : i32 to vector<16xi32>
      %sub3A_530 = arith.subi %get3A_526, %sub3A_529 : vector<16xi32>
      %lt3A_531 = arith.constant 512 : i32
      %lt3A_532 = vector.broadcast %lt3A_531 : i32 to vector<16xi32>
      %lt3A_533 = arith.cmpi slt, %sub3A_530, %lt3A_532 : vector<16xi32>
      %and3A_534 = arith.andi %ge3A_528, %lt3A_533 : vector<16xi1>
      %sub3A_535 = vector.broadcast %min3A_96 : i32 to vector<16xi32>
      %sub3A_536 = arith.subi %get3A_526, %sub3A_535 : vector<16xi32>
      tpu.vector_store_idx %arg9[%sub3A_536], %broadcast_in_dim3A_37 masked %and3A_534 {add = true} : memref<512xi32, #tpu.memory_space<vmem>>[vector<16xi32>], vector<16xi32>, vector<16xi1>
      %get3A_537 = arith.constant 464 : index
      %get3A_538 = tpu.vector_load %arg6[%get3A_537] {strides = array<i32>} : memref<528xi32, #tpu.memory_space<vmem>>, vector<16xi32>,
      %ge3A_539 = vector.broadcast %add3A_95 : i32 to vector<16xi32>
      %ge3A_540 = arith.cmpi sge, %get3A_538, %ge3A_539 : vector<16xi32>
      %sub3A_541 = vector.broadcast %min3A_96 : i32 to vector<16xi32>
      %sub3A_542 = arith.subi %get3A_538, %sub3A_541 : vector<16xi32>
      %lt3A_543 = arith.constant 512 : i32
      %lt3A_544 = vector.broadcast %lt3A_543 : i32 to vector<16xi32>
      %lt3A_545 = arith.cmpi slt, %sub3A_542, %lt3A_544 : vector<16xi32>
      %and3A_546 = arith.andi %ge3A_540, %lt3A_545 : vector<16xi1>
      %sub3A_547 = vector.broadcast %min3A_96 : i32 to vector<16xi32>
      %sub3A_548 = arith.subi %get3A_538, %sub3A_547 : vector<16xi32>
      tpu.vector_store_idx %arg9[%sub3A_548], %broadcast_in_dim3A_37 masked %and3A_546 {add = true} : memref<512xi32, #tpu.memory_space<vmem>>[vector<16xi32>], vector<16xi32>, vector<16xi1>
      %get3A_549 = arith.constant 480 : index
      %get3A_550 = tpu.vector_load %arg6[%get3A_549] {strides = array<i32>} : memref<528xi32, #tpu.memory_space<vmem>>, vector<16xi32>,
      %ge3A_551 = vector.broadcast %add3A_95 : i32 to vector<16xi32>
      %ge3A_552 = arith.cmpi sge, %get3A_550, %ge3A_551 : vector<16xi32>
      %sub3A_553 = vector.broadcast %min3A_96 : i32 to vector<16xi32>
      %sub3A_554 = arith.subi %get3A_550, %sub3A_553 : vector<16xi32>
      %lt3A_555 = arith.constant 512 : i32
      %lt3A_556 = vector.broadcast %lt3A_555 : i32 to vector<16xi32>
      %lt3A_557 = arith.cmpi slt, %sub3A_554, %lt3A_556 : vector<16xi32>
      %and3A_558 = arith.andi %ge3A_552, %lt3A_557 : vector<16xi1>
      %sub3A_559 = vector.broadcast %min3A_96 : i32 to vector<16xi32>
      %sub3A_560 = arith.subi %get3A_550, %sub3A_559 : vector<16xi32>
      tpu.vector_store_idx %arg9[%sub3A_560], %broadcast_in_dim3A_37 masked %and3A_558 {add = true} : memref<512xi32, #tpu.memory_space<vmem>>[vector<16xi32>], vector<16xi32>, vector<16xi1>
      %get3A_561 = arith.constant 496 : index
      %get3A_562 = tpu.vector_load %arg6[%get3A_561] {strides = array<i32>} : memref<528xi32, #tpu.memory_space<vmem>>, vector<16xi32>,
      %ge3A_563 = vector.broadcast %add3A_95 : i32 to vector<16xi32>
      %ge3A_564 = arith.cmpi sge, %get3A_562, %ge3A_563 : vector<16xi32>
      %sub3A_565 = vector.broadcast %min3A_96 : i32 to vector<16xi32>
      %sub3A_566 = arith.subi %get3A_562, %sub3A_565 : vector<16xi32>
      %lt3A_567 = arith.constant 512 : i32
      %lt3A_568 = vector.broadcast %lt3A_567 : i32 to vector<16xi32>
      %lt3A_569 = arith.cmpi slt, %sub3A_566, %lt3A_568 : vector<16xi32>
      %and3A_570 = arith.andi %ge3A_564, %lt3A_569 : vector<16xi1>
      %sub3A_571 = vector.broadcast %min3A_96 : i32 to vector<16xi32>
      %sub3A_572 = arith.subi %get3A_562, %sub3A_571 : vector<16xi32>
      tpu.vector_store_idx %arg9[%sub3A_572], %broadcast_in_dim3A_37 masked %and3A_570 {add = true} : memref<512xi32, #tpu.memory_space<vmem>>[vector<16xi32>], vector<16xi32>, vector<16xi1>
      %max3A = arith.maxsi %add3A_95, %squeeze3A : i32
      %get3A_573 = arith.constant 0 : index
      %get3A_574 = tpu.vector_load %arg9[%get3A_573] {strides = array<i32>} : memref<512xi32, #tpu.memory_space<vmem>>, vector<16xi32>,
      %broadcast_in_dim3A_575 = arith.constant true
      %broadcast_in_dim3A_576 = vector.broadcast %broadcast_in_dim3A_575 : i1 to vector<16xi1>
      %masked_cumsum3A = tpu.scan <sum>, %get3A_574 masked %broadcast_in_dim3A_576 : vector<16xi32>, vector<16xi1> -> vector<16xi32>
      %add3A_577 = arith.constant 0 : i32
      %add3A_578 = arith.addi %min3A_96, %add3A_577 : i32
      %add3A_579 = vector.broadcast %add3A_578 : i32 to vector<16xi32>
      %add3A_580 = arith.addi %add3A_579, %iota3A : vector<16xi32>
      %ge3A_581 = vector.broadcast %max3A : i32 to vector<16xi32>
      %ge3A_582 = arith.cmpi sge, %add3A_580, %ge3A_581 : vector<16xi32>
      %lt3A_583 = vector.broadcast %select_n3A : i32 to vector<16xi32>
      %lt3A_584 = arith.cmpi slt, %add3A_580, %lt3A_583 : vector<16xi32>
      %and3A_585 = arith.andi %ge3A_582, %lt3A_584 : vector<16xi1>
      %add3A_586 = arith.addi %mul3A_4, %while3A_92 : i32
      %add3A_587 = vector.broadcast %add3A_586 : i32 to vector<16xi32>
      %add3A_588 = arith.addi %add3A_587, %masked_cumsum3A : vector<16xi32>
      %sub3A_589 = arith.constant 1 : i32
      %sub3A_590 = vector.broadcast %sub3A_589 : i32 to vector<16xi32>
      %sub3A_591 = arith.subi %add3A_588, %sub3A_590 : vector<16xi32>
      %broadcast_in_dim3A_592 = vector.broadcast %add3A_6 : i32 to vector<16xi32>
      %select_n3A_593 = arith.select %and3A_585, %sub3A_591, %broadcast_in_dim3A_592 : vector<16xi1>, vector<16xi32>
      %swap3A_594 = arith.constant 0 : i32
      %swap3A_595 = arith.index_cast %swap3A_594 : i32 to index
      %swap3A_596 = arith.constant 0 : index
      %swap3A_597 = tpu.vector_load %arg8[%swap3A_595, %swap3A_596] {strides = array<i32>} : memref<4x128xi32, #tpu.memory_space<vmem>>, vector<16xi32>,
      tpu.vector_store %arg8[%swap3A_595, %swap3A_596], %select_n3A_593 {strides = array<i32>} : memref<4x128xi32, #tpu.memory_space<vmem>>, vector<16xi32>,
      %reduce_sum3A = arith.constant true
      %reduce_sum3A_598 = vector.broadcast %reduce_sum3A : i1 to vector<16xi1>
      %reduce_sum3A_599 = tpu.scan <sum>, %get3A_574 masked %reduce_sum3A_598 : vector<16xi32>, vector<16xi1> -> vector<16xi32>
      %reduce_sum3A_600 = vector.extract %reduce_sum3A_599[15] : i32 from vector<16xi32>
      %add3A_601 = arith.addi %while3A_92, %reduce_sum3A_600 : i32
      %get3A_602 = arith.constant 16 : index
      %get3A_603 = tpu.vector_load %arg9[%get3A_602] {strides = array<i32>} : memref<512xi32, #tpu.memory_space<vmem>>, vector<16xi32>,
      %broadcast_in_dim3A_604 = arith.constant true
      %broadcast_in_dim3A_605 = vector.broadcast %broadcast_in_dim3A_604 : i1 to vector<16xi1>
      %masked_cumsum3A_606 = tpu.scan <sum>, %get3A_603 masked %broadcast_in_dim3A_605 : vector<16xi32>, vector<16xi1> -> vector<16xi32>
      %add3A_607 = arith.constant 16 : i32
      %add3A_608 = arith.addi %min3A_96, %add3A_607 : i32
      %add3A_609 = vector.broadcast %add3A_608 : i32 to vector<16xi32>
      %add3A_610 = arith.addi %add3A_609, %iota3A : vector<16xi32>
      %ge3A_611 = vector.broadcast %max3A : i32 to vector<16xi32>
      %ge3A_612 = arith.cmpi sge, %add3A_610, %ge3A_611 : vector<16xi32>
      %lt3A_613 = vector.broadcast %select_n3A : i32 to vector<16xi32>
      %lt3A_614 = arith.cmpi slt, %add3A_610, %lt3A_613 : vector<16xi32>
      %and3A_615 = arith.andi %ge3A_612, %lt3A_614 : vector<16xi1>
      %add3A_616 = arith.addi %mul3A_4, %add3A_601 : i32
      %add3A_617 = vector.broadcast %add3A_616 : i32 to vector<16xi32>
      %add3A_618 = arith.addi %add3A_617, %masked_cumsum3A_606 : vector<16xi32>
      %sub3A_619 = arith.constant 1 : i32
      %sub3A_620 = vector.broadcast %sub3A_619 : i32 to vector<16xi32>
      %sub3A_621 = arith.subi %add3A_618, %sub3A_620 : vector<16xi32>
      %broadcast_in_dim3A_622 = vector.broadcast %add3A_6 : i32 to vector<16xi32>
      %select_n3A_623 = arith.select %and3A_615, %sub3A_621, %broadcast_in_dim3A_622 : vector<16xi1>, vector<16xi32>
      %swap3A_624 = arith.constant 0 : i32
      %swap3A_625 = arith.index_cast %swap3A_624 : i32 to index
      %swap3A_626 = arith.constant 16 : index
      %swap3A_627 = tpu.vector_load %arg8[%swap3A_625, %swap3A_626] {strides = array<i32>} : memref<4x128xi32, #tpu.memory_space<vmem>>, vector<16xi32>,
      tpu.vector_store %arg8[%swap3A_625, %swap3A_626], %select_n3A_623 {strides = array<i32>} : memref<4x128xi32, #tpu.memory_space<vmem>>, vector<16xi32>,
      %reduce_sum3A_628 = arith.constant true
      %reduce_sum3A_629 = vector.broadcast %reduce_sum3A_628 : i1 to vector<16xi1>
      %reduce_sum3A_630 = tpu.scan <sum>, %get3A_603 masked %reduce_sum3A_629 : vector<16xi32>, vector<16xi1> -> vector<16xi32>
      %reduce_sum3A_631 = vector.extract %reduce_sum3A_630[15] : i32 from vector<16xi32>
      %add3A_632 = arith.addi %add3A_601, %reduce_sum3A_631 : i32
      %get3A_633 = arith.constant 32 : index
      %get3A_634 = tpu.vector_load %arg9[%get3A_633] {strides = array<i32>} : memref<512xi32, #tpu.memory_space<vmem>>, vector<16xi32>,
      %broadcast_in_dim3A_635 = arith.constant true
      %broadcast_in_dim3A_636 = vector.broadcast %broadcast_in_dim3A_635 : i1 to vector<16xi1>
      %masked_cumsum3A_637 = tpu.scan <sum>, %get3A_634 masked %broadcast_in_dim3A_636 : vector<16xi32>, vector<16xi1> -> vector<16xi32>
      %add3A_638 = arith.constant 32 : i32
      %add3A_639 = arith.addi %min3A_96, %add3A_638 : i32
      %add3A_640 = vector.broadcast %add3A_639 : i32 to vector<16xi32>
      %add3A_641 = arith.addi %add3A_640, %iota3A : vector<16xi32>
      %ge3A_642 = vector.broadcast %max3A : i32 to vector<16xi32>
      %ge3A_643 = arith.cmpi sge, %add3A_641, %ge3A_642 : vector<16xi32>
      %lt3A_644 = vector.broadcast %select_n3A : i32 to vector<16xi32>
      %lt3A_645 = arith.cmpi slt, %add3A_641, %lt3A_644 : vector<16xi32>
      %and3A_646 = arith.andi %ge3A_643, %lt3A_645 : vector<16xi1>
      %add3A_647 = arith.addi %mul3A_4, %add3A_632 : i32
      %add3A_648 = vector.broadcast %add3A_647 : i32 to vector<16xi32>
      %add3A_649 = arith.addi %add3A_648, %masked_cumsum3A_637 : vector<16xi32>
      %sub3A_650 = arith.constant 1 : i32
      %sub3A_651 = vector.broadcast %sub3A_650 : i32 to vector<16xi32>
      %sub3A_652 = arith.subi %add3A_649, %sub3A_651 : vector<16xi32>
      %broadcast_in_dim3A_653 = vector.broadcast %add3A_6 : i32 to vector<16xi32>
      %select_n3A_654 = arith.select %and3A_646, %sub3A_652, %broadcast_in_dim3A_653 : vector<16xi1>, vector<16xi32>
      %swap3A_655 = arith.constant 0 : i32
      %swap3A_656 = arith.index_cast %swap3A_655 : i32 to index
      %swap3A_657 = arith.constant 32 : index
      %swap3A_658 = tpu.vector_load %arg8[%swap3A_656, %swap3A_657] {strides = array<i32>} : memref<4x128xi32, #tpu.memory_space<vmem>>, vector<16xi32>,
      tpu.vector_store %arg8[%swap3A_656, %swap3A_657], %select_n3A_654 {strides = array<i32>} : memref<4x128xi32, #tpu.memory_space<vmem>>, vector<16xi32>,
      %reduce_sum3A_659 = arith.constant true
      %reduce_sum3A_660 = vector.broadcast %reduce_sum3A_659 : i1 to vector<16xi1>
      %reduce_sum3A_661 = tpu.scan <sum>, %get3A_634 masked %reduce_sum3A_660 : vector<16xi32>, vector<16xi1> -> vector<16xi32>
      %reduce_sum3A_662 = vector.extract %reduce_sum3A_661[15] : i32 from vector<16xi32>
      %add3A_663 = arith.addi %add3A_632, %reduce_sum3A_662 : i32
      %get3A_664 = arith.constant 48 : index
      %get3A_665 = tpu.vector_load %arg9[%get3A_664] {strides = array<i32>} : memref<512xi32, #tpu.memory_space<vmem>>, vector<16xi32>,
      %broadcast_in_dim3A_666 = arith.constant true
      %broadcast_in_dim3A_667 = vector.broadcast %broadcast_in_dim3A_666 : i1 to vector<16xi1>
      %masked_cumsum3A_668 = tpu.scan <sum>, %get3A_665 masked %broadcast_in_dim3A_667 : vector<16xi32>, vector<16xi1> -> vector<16xi32>
      %add3A_669 = arith.constant 48 : i32
      %add3A_670 = arith.addi %min3A_96, %add3A_669 : i32
      %add3A_671 = vector.broadcast %add3A_670 : i32 to vector<16xi32>
      %add3A_672 = arith.addi %add3A_671, %iota3A : vector<16xi32>
      %ge3A_673 = vector.broadcast %max3A : i32 to vector<16xi32>
      %ge3A_674 = arith.cmpi sge, %add3A_672, %ge3A_673 : vector<16xi32>
      %lt3A_675 = vector.broadcast %select_n3A : i32 to vector<16xi32>
      %lt3A_676 = arith.cmpi slt, %add3A_672, %lt3A_675 : vector<16xi32>
      %and3A_677 = arith.andi %ge3A_674, %lt3A_676 : vector<16xi1>
      %add3A_678 = arith.addi %mul3A_4, %add3A_663 : i32
      %add3A_679 = vector.broadcast %add3A_678 : i32 to vector<16xi32>
      %add3A_680 = arith.addi %add3A_679, %masked_cumsum3A_668 : vector<16xi32>
      %sub3A_681 = arith.constant 1 : i32
      %sub3A_682 = vector.broadcast %sub3A_681 : i32 to vector<16xi32>
      %sub3A_683 = arith.subi %add3A_680, %sub3A_682 : vector<16xi32>
      %broadcast_in_dim3A_684 = vector.broadcast %add3A_6 : i32 to vector<16xi32>
      %select_n3A_685 = arith.select %and3A_677, %sub3A_683, %broadcast_in_dim3A_684 : vector<16xi1>, vector<16xi32>
      %swap3A_686 = arith.constant 0 : i32
      %swap3A_687 = arith.index_cast %swap3A_686 : i32 to index
      %swap3A_688 = arith.constant 48 : index
      %swap3A_689 = tpu.vector_load %arg8[%swap3A_687, %swap3A_688] {strides = array<i32>} : memref<4x128xi32, #tpu.memory_space<vmem>>, vector<16xi32>,
      tpu.vector_store %arg8[%swap3A_687, %swap3A_688], %select_n3A_685 {strides = array<i32>} : memref<4x128xi32, #tpu.memory_space<vmem>>, vector<16xi32>,
      %reduce_sum3A_690 = arith.constant true
      %reduce_sum3A_691 = vector.broadcast %reduce_sum3A_690 : i1 to vector<16xi1>
      %reduce_sum3A_692 = tpu.scan <sum>, %get3A_665 masked %reduce_sum3A_691 : vector<16xi32>, vector<16xi1> -> vector<16xi32>
      %reduce_sum3A_693 = vector.extract %reduce_sum3A_692[15] : i32 from vector<16xi32>
      %add3A_694 = arith.addi %add3A_663, %reduce_sum3A_693 : i32
      %get3A_695 = arith.constant 64 : index
      %get3A_696 = tpu.vector_load %arg9[%get3A_695] {strides = array<i32>} : memref<512xi32, #tpu.memory_space<vmem>>, vector<16xi32>,
      %broadcast_in_dim3A_697 = arith.constant true
      %broadcast_in_dim3A_698 = vector.broadcast %broadcast_in_dim3A_697 : i1 to vector<16xi1>
      %masked_cumsum3A_699 = tpu.scan <sum>, %get3A_696 masked %broadcast_in_dim3A_698 : vector<16xi32>, vector<16xi1> -> vector<16xi32>
      %add3A_700 = arith.constant 64 : i32
      %add3A_701 = arith.addi %min3A_96, %add3A_700 : i32
      %add3A_702 = vector.broadcast %add3A_701 : i32 to vector<16xi32>
      %add3A_703 = arith.addi %add3A_702, %iota3A : vector<16xi32>
      %ge3A_704 = vector.broadcast %max3A : i32 to vector<16xi32>
      %ge3A_705 = arith.cmpi sge, %add3A_703, %ge3A_704 : vector<16xi32>
      %lt3A_706 = vector.broadcast %select_n3A : i32 to vector<16xi32>
      %lt3A_707 = arith.cmpi slt, %add3A_703, %lt3A_706 : vector<16xi32>
      %and3A_708 = arith.andi %ge3A_705, %lt3A_707 : vector<16xi1>
      %add3A_709 = arith.addi %mul3A_4, %add3A_694 : i32
      %add3A_710 = vector.broadcast %add3A_709 : i32 to vector<16xi32>
      %add3A_711 = arith.addi %add3A_710, %masked_cumsum3A_699 : vector<16xi32>
      %sub3A_712 = arith.constant 1 : i32
      %sub3A_713 = vector.broadcast %sub3A_712 : i32 to vector<16xi32>
      %sub3A_714 = arith.subi %add3A_711, %sub3A_713 : vector<16xi32>
      %broadcast_in_dim3A_715 = vector.broadcast %add3A_6 : i32 to vector<16xi32>
      %select_n3A_716 = arith.select %and3A_708, %sub3A_714, %broadcast_in_dim3A_715 : vector<16xi1>, vector<16xi32>
      %swap3A_717 = arith.constant 0 : i32
      %swap3A_718 = arith.index_cast %swap3A_717 : i32 to index
      %swap3A_719 = arith.constant 64 : index
      %swap3A_720 = tpu.vector_load %arg8[%swap3A_718, %swap3A_719] {strides = array<i32>} : memref<4x128xi32, #tpu.memory_space<vmem>>, vector<16xi32>,
      tpu.vector_store %arg8[%swap3A_718, %swap3A_719], %select_n3A_716 {strides = array<i32>} : memref<4x128xi32, #tpu.memory_space<vmem>>, vector<16xi32>,
      %reduce_sum3A_721 = arith.constant true
      %reduce_sum3A_722 = vector.broadcast %reduce_sum3A_721 : i1 to vector<16xi1>
      %reduce_sum3A_723 = tpu.scan <sum>, %get3A_696 masked %reduce_sum3A_722 : vector<16xi32>, vector<16xi1> -> vector<16xi32>
      %reduce_sum3A_724 = vector.extract %reduce_sum3A_723[15] : i32 from vector<16xi32>
      %add3A_725 = arith.addi %add3A_694, %reduce_sum3A_724 : i32
      %get3A_726 = arith.constant 80 : index
      %get3A_727 = tpu.vector_load %arg9[%get3A_726] {strides = array<i32>} : memref<512xi32, #tpu.memory_space<vmem>>, vector<16xi32>,
      %broadcast_in_dim3A_728 = arith.constant true
      %broadcast_in_dim3A_729 = vector.broadcast %broadcast_in_dim3A_728 : i1 to vector<16xi1>
      %masked_cumsum3A_730 = tpu.scan <sum>, %get3A_727 masked %broadcast_in_dim3A_729 : vector<16xi32>, vector<16xi1> -> vector<16xi32>
      %add3A_731 = arith.constant 80 : i32
      %add3A_732 = arith.addi %min3A_96, %add3A_731 : i32
      %add3A_733 = vector.broadcast %add3A_732 : i32 to vector<16xi32>
      %add3A_734 = arith.addi %add3A_733, %iota3A : vector<16xi32>
      %ge3A_735 = vector.broadcast %max3A : i32 to vector<16xi32>
      %ge3A_736 = arith.cmpi sge, %add3A_734, %ge3A_735 : vector<16xi32>
      %lt3A_737 = vector.broadcast %select_n3A : i32 to vector<16xi32>
      %lt3A_738 = arith.cmpi slt, %add3A_734, %lt3A_737 : vector<16xi32>
      %and3A_739 = arith.andi %ge3A_736, %lt3A_738 : vector<16xi1>
      %add3A_740 = arith.addi %mul3A_4, %add3A_725 : i32
      %add3A_741 = vector.broadcast %add3A_740 : i32 to vector<16xi32>
      %add3A_742 = arith.addi %add3A_741, %masked_cumsum3A_730 : vector<16xi32>
      %sub3A_743 = arith.constant 1 : i32
      %sub3A_744 = vector.broadcast %sub3A_743 : i32 to vector<16xi32>
      %sub3A_745 = arith.subi %add3A_742, %sub3A_744 : vector<16xi32>
      %broadcast_in_dim3A_746 = vector.broadcast %add3A_6 : i32 to vector<16xi32>
      %select_n3A_747 = arith.select %and3A_739, %sub3A_745, %broadcast_in_dim3A_746 : vector<16xi1>, vector<16xi32>
      %swap3A_748 = arith.constant 0 : i32
      %swap3A_749 = arith.index_cast %swap3A_748 : i32 to index
      %swap3A_750 = arith.constant 80 : index
      %swap3A_751 = tpu.vector_load %arg8[%swap3A_749, %swap3A_750] {strides = array<i32>} : memref<4x128xi32, #tpu.memory_space<vmem>>, vector<16xi32>,
      tpu.vector_store %arg8[%swap3A_749, %swap3A_750], %select_n3A_747 {strides = array<i32>} : memref<4x128xi32, #tpu.memory_space<vmem>>, vector<16xi32>,
      %reduce_sum3A_752 = arith.constant true
      %reduce_sum3A_753 = vector.broadcast %reduce_sum3A_752 : i1 to vector<16xi1>
      %reduce_sum3A_754 = tpu.scan <sum>, %get3A_727 masked %reduce_sum3A_753 : vector<16xi32>, vector<16xi1> -> vector<16xi32>
      %reduce_sum3A_755 = vector.extract %reduce_sum3A_754[15] : i32 from vector<16xi32>
      %add3A_756 = arith.addi %add3A_725, %reduce_sum3A_755 : i32
      %get3A_757 = arith.constant 96 : index
      %get3A_758 = tpu.vector_load %arg9[%get3A_757] {strides = array<i32>} : memref<512xi32, #tpu.memory_space<vmem>>, vector<16xi32>,
      %broadcast_in_dim3A_759 = arith.constant true
      %broadcast_in_dim3A_760 = vector.broadcast %broadcast_in_dim3A_759 : i1 to vector<16xi1>
      %masked_cumsum3A_761 = tpu.scan <sum>, %get3A_758 masked %broadcast_in_dim3A_760 : vector<16xi32>, vector<16xi1> -> vector<16xi32>
      %add3A_762 = arith.constant 96 : i32
      %add3A_763 = arith.addi %min3A_96, %add3A_762 : i32
      %add3A_764 = vector.broadcast %add3A_763 : i32 to vector<16xi32>
      %add3A_765 = arith.addi %add3A_764, %iota3A : vector<16xi32>
      %ge3A_766 = vector.broadcast %max3A : i32 to vector<16xi32>
      %ge3A_767 = arith.cmpi sge, %add3A_765, %ge3A_766 : vector<16xi32>
      %lt3A_768 = vector.broadcast %select_n3A : i32 to vector<16xi32>
      %lt3A_769 = arith.cmpi slt, %add3A_765, %lt3A_768 : vector<16xi32>
      %and3A_770 = arith.andi %ge3A_767, %lt3A_769 : vector<16xi1>
      %add3A_771 = arith.addi %mul3A_4, %add3A_756 : i32
      %add3A_772 = vector.broadcast %add3A_771 : i32 to vector<16xi32>
      %add3A_773 = arith.addi %add3A_772, %masked_cumsum3A_761 : vector<16xi32>
      %sub3A_774 = arith.constant 1 : i32
      %sub3A_775 = vector.broadcast %sub3A_774 : i32 to vector<16xi32>
      %sub3A_776 = arith.subi %add3A_773, %sub3A_775 : vector<16xi32>
      %broadcast_in_dim3A_777 = vector.broadcast %add3A_6 : i32 to vector<16xi32>
      %select_n3A_778 = arith.select %and3A_770, %sub3A_776, %broadcast_in_dim3A_777 : vector<16xi1>, vector<16xi32>
      %swap3A_779 = arith.constant 0 : i32
      %swap3A_780 = arith.index_cast %swap3A_779 : i32 to index
      %swap3A_781 = arith.constant 96 : index
      %swap3A_782 = tpu.vector_load %arg8[%swap3A_780, %swap3A_781] {strides = array<i32>} : memref<4x128xi32, #tpu.memory_space<vmem>>, vector<16xi32>,
      tpu.vector_store %arg8[%swap3A_780, %swap3A_781], %select_n3A_778 {strides = array<i32>} : memref<4x128xi32, #tpu.memory_space<vmem>>, vector<16xi32>,
      %reduce_sum3A_783 = arith.constant true
      %reduce_sum3A_784 = vector.broadcast %reduce_sum3A_783 : i1 to vector<16xi1>
      %reduce_sum3A_785 = tpu.scan <sum>, %get3A_758 masked %reduce_sum3A_784 : vector<16xi32>, vector<16xi1> -> vector<16xi32>
      %reduce_sum3A_786 = vector.extract %reduce_sum3A_785[15] : i32 from vector<16xi32>
      %add3A_787 = arith.addi %add3A_756, %reduce_sum3A_786 : i32
      %get3A_788 = arith.constant 112 : index
      %get3A_789 = tpu.vector_load %arg9[%get3A_788] {strides = array<i32>} : memref<512xi32, #tpu.memory_space<vmem>>, vector<16xi32>,
      %broadcast_in_dim3A_790 = arith.constant true
      %broadcast_in_dim3A_791 = vector.broadcast %broadcast_in_dim3A_790 : i1 to vector<16xi1>
      %masked_cumsum3A_792 = tpu.scan <sum>, %get3A_789 masked %broadcast_in_dim3A_791 : vector<16xi32>, vector<16xi1> -> vector<16xi32>
      %add3A_793 = arith.constant 112 : i32
      %add3A_794 = arith.addi %min3A_96, %add3A_793 : i32
      %add3A_795 = vector.broadcast %add3A_794 : i32 to vector<16xi32>
      %add3A_796 = arith.addi %add3A_795, %iota3A : vector<16xi32>
      %ge3A_797 = vector.broadcast %max3A : i32 to vector<16xi32>
      %ge3A_798 = arith.cmpi sge, %add3A_796, %ge3A_797 : vector<16xi32>
      %lt3A_799 = vector.broadcast %select_n3A : i32 to vector<16xi32>
      %lt3A_800 = arith.cmpi slt, %add3A_796, %lt3A_799 : vector<16xi32>
      %and3A_801 = arith.andi %ge3A_798, %lt3A_800 : vector<16xi1>
      %add3A_802 = arith.addi %mul3A_4, %add3A_787 : i32
      %add3A_803 = vector.broadcast %add3A_802 : i32 to vector<16xi32>
      %add3A_804 = arith.addi %add3A_803, %masked_cumsum3A_792 : vector<16xi32>
      %sub3A_805 = arith.constant 1 : i32
      %sub3A_806 = vector.broadcast %sub3A_805 : i32 to vector<16xi32>
      %sub3A_807 = arith.subi %add3A_804, %sub3A_806 : vector<16xi32>
      %broadcast_in_dim3A_808 = vector.broadcast %add3A_6 : i32 to vector<16xi32>
      %select_n3A_809 = arith.select %and3A_801, %sub3A_807, %broadcast_in_dim3A_808 : vector<16xi1>, vector<16xi32>
      %swap3A_810 = arith.constant 0 : i32
      %swap3A_811 = arith.index_cast %swap3A_810 : i32 to index
      %swap3A_812 = arith.constant 112 : index
      %swap3A_813 = tpu.vector_load %arg8[%swap3A_811, %swap3A_812] {strides = array<i32>} : memref<4x128xi32, #tpu.memory_space<vmem>>, vector<16xi32>,
      tpu.vector_store %arg8[%swap3A_811, %swap3A_812], %select_n3A_809 {strides = array<i32>} : memref<4x128xi32, #tpu.memory_space<vmem>>, vector<16xi32>,
      %reduce_sum3A_814 = arith.constant true
      %reduce_sum3A_815 = vector.broadcast %reduce_sum3A_814 : i1 to vector<16xi1>
      %reduce_sum3A_816 = tpu.scan <sum>, %get3A_789 masked %reduce_sum3A_815 : vector<16xi32>, vector<16xi1> -> vector<16xi32>
      %reduce_sum3A_817 = vector.extract %reduce_sum3A_816[15] : i32 from vector<16xi32>
      %add3A_818 = arith.addi %add3A_787, %reduce_sum3A_817 : i32
      %get3A_819 = arith.constant 128 : index
      %get3A_820 = tpu.vector_load %arg9[%get3A_819] {strides = array<i32>} : memref<512xi32, #tpu.memory_space<vmem>>, vector<16xi32>,
      %broadcast_in_dim3A_821 = arith.constant true
      %broadcast_in_dim3A_822 = vector.broadcast %broadcast_in_dim3A_821 : i1 to vector<16xi1>
      %masked_cumsum3A_823 = tpu.scan <sum>, %get3A_820 masked %broadcast_in_dim3A_822 : vector<16xi32>, vector<16xi1> -> vector<16xi32>
      %add3A_824 = arith.constant 128 : i32
      %add3A_825 = arith.addi %min3A_96, %add3A_824 : i32
      %add3A_826 = vector.broadcast %add3A_825 : i32 to vector<16xi32>
      %add3A_827 = arith.addi %add3A_826, %iota3A : vector<16xi32>
      %ge3A_828 = vector.broadcast %max3A : i32 to vector<16xi32>
      %ge3A_829 = arith.cmpi sge, %add3A_827, %ge3A_828 : vector<16xi32>
      %lt3A_830 = vector.broadcast %select_n3A : i32 to vector<16xi32>
      %lt3A_831 = arith.cmpi slt, %add3A_827, %lt3A_830 : vector<16xi32>
      %and3A_832 = arith.andi %ge3A_829, %lt3A_831 : vector<16xi1>
      %add3A_833 = arith.addi %mul3A_4, %add3A_818 : i32
      %add3A_834 = vector.broadcast %add3A_833 : i32 to vector<16xi32>
      %add3A_835 = arith.addi %add3A_834, %masked_cumsum3A_823 : vector<16xi32>
      %sub3A_836 = arith.constant 1 : i32
      %sub3A_837 = vector.broadcast %sub3A_836 : i32 to vector<16xi32>
      %sub3A_838 = arith.subi %add3A_835, %sub3A_837 : vector<16xi32>
      %broadcast_in_dim3A_839 = vector.broadcast %add3A_6 : i32 to vector<16xi32>
      %select_n3A_840 = arith.select %and3A_832, %sub3A_838, %broadcast_in_dim3A_839 : vector<16xi1>, vector<16xi32>
      %swap3A_841 = arith.constant 1 : i32
      %swap3A_842 = arith.index_cast %swap3A_841 : i32 to index
      %swap3A_843 = arith.constant 0 : index
      %swap3A_844 = tpu.vector_load %arg8[%swap3A_842, %swap3A_843] {strides = array<i32>} : memref<4x128xi32, #tpu.memory_space<vmem>>, vector<16xi32>,
      tpu.vector_store %arg8[%swap3A_842, %swap3A_843], %select_n3A_840 {strides = array<i32>} : memref<4x128xi32, #tpu.memory_space<vmem>>, vector<16xi32>,
      %reduce_sum3A_845 = arith.constant true
      %reduce_sum3A_846 = vector.broadcast %reduce_sum3A_845 : i1 to vector<16xi1>
      %reduce_sum3A_847 = tpu.scan <sum>, %get3A_820 masked %reduce_sum3A_846 : vector<16xi32>, vector<16xi1> -> vector<16xi32>
      %reduce_sum3A_848 = vector.extract %reduce_sum3A_847[15] : i32 from vector<16xi32>
      %add3A_849 = arith.addi %add3A_818, %reduce_sum3A_848 : i32
      %get3A_850 = arith.constant 144 : index
      %get3A_851 = tpu.vector_load %arg9[%get3A_850] {strides = array<i32>} : memref<512xi32, #tpu.memory_space<vmem>>, vector<16xi32>,
      %broadcast_in_dim3A_852 = arith.constant true
      %broadcast_in_dim3A_853 = vector.broadcast %broadcast_in_dim3A_852 : i1 to vector<16xi1>
      %masked_cumsum3A_854 = tpu.scan <sum>, %get3A_851 masked %broadcast_in_dim3A_853 : vector<16xi32>, vector<16xi1> -> vector<16xi32>
      %add3A_855 = arith.constant 144 : i32
      %add3A_856 = arith.addi %min3A_96, %add3A_855 : i32
      %add3A_857 = vector.broadcast %add3A_856 : i32 to vector<16xi32>
      %add3A_858 = arith.addi %add3A_857, %iota3A : vector<16xi32>
      %ge3A_859 = vector.broadcast %max3A : i32 to vector<16xi32>
      %ge3A_860 = arith.cmpi sge, %add3A_858, %ge3A_859 : vector<16xi32>
      %lt3A_861 = vector.broadcast %select_n3A : i32 to vector<16xi32>
      %lt3A_862 = arith.cmpi slt, %add3A_858, %lt3A_861 : vector<16xi32>
      %and3A_863 = arith.andi %ge3A_860, %lt3A_862 : vector<16xi1>
      %add3A_864 = arith.addi %mul3A_4, %add3A_849 : i32
      %add3A_865 = vector.broadcast %add3A_864 : i32 to vector<16xi32>
      %add3A_866 = arith.addi %add3A_865, %masked_cumsum3A_854 : vector<16xi32>
      %sub3A_867 = arith.constant 1 : i32
      %sub3A_868 = vector.broadcast %sub3A_867 : i32 to vector<16xi32>
      %sub3A_869 = arith.subi %add3A_866, %sub3A_868 : vector<16xi32>
      %broadcast_in_dim3A_870 = vector.broadcast %add3A_6 : i32 to vector<16xi32>
      %select_n3A_871 = arith.select %and3A_863, %sub3A_869, %broadcast_in_dim3A_870 : vector<16xi1>, vector<16xi32>
      %swap3A_872 = arith.constant 1 : i32
      %swap3A_873 = arith.index_cast %swap3A_872 : i32 to index
      %swap3A_874 = arith.constant 16 : index
      %swap3A_875 = tpu.vector_load %arg8[%swap3A_873, %swap3A_874] {strides = array<i32>} : memref<4x128xi32, #tpu.memory_space<vmem>>, vector<16xi32>,
      tpu.vector_store %arg8[%swap3A_873, %swap3A_874], %select_n3A_871 {strides = array<i32>} : memref<4x128xi32, #tpu.memory_space<vmem>>, vector<16xi32>,
      %reduce_sum3A_876 = arith.constant true
      %reduce_sum3A_877 = vector.broadcast %reduce_sum3A_876 : i1 to vector<16xi1>
      %reduce_sum3A_878 = tpu.scan <sum>, %get3A_851 masked %reduce_sum3A_877 : vector<16xi32>, vector<16xi1> -> vector<16xi32>
      %reduce_sum3A_879 = vector.extract %reduce_sum3A_878[15] : i32 from vector<16xi32>
      %add3A_880 = arith.addi %add3A_849, %reduce_sum3A_879 : i32
      %get3A_881 = arith.constant 160 : index
      %get3A_882 = tpu.vector_load %arg9[%get3A_881] {strides = array<i32>} : memref<512xi32, #tpu.memory_space<vmem>>, vector<16xi32>,
      %broadcast_in_dim3A_883 = arith.constant true
      %broadcast_in_dim3A_884 = vector.broadcast %broadcast_in_dim3A_883 : i1 to vector<16xi1>
      %masked_cumsum3A_885 = tpu.scan <sum>, %get3A_882 masked %broadcast_in_dim3A_884 : vector<16xi32>, vector<16xi1> -> vector<16xi32>
      %add3A_886 = arith.constant 160 : i32
      %add3A_887 = arith.addi %min3A_96, %add3A_886 : i32
      %add3A_888 = vector.broadcast %add3A_887 : i32 to vector<16xi32>
      %add3A_889 = arith.addi %add3A_888, %iota3A : vector<16xi32>
      %ge3A_890 = vector.broadcast %max3A : i32 to vector<16xi32>
      %ge3A_891 = arith.cmpi sge, %add3A_889, %ge3A_890 : vector<16xi32>
      %lt3A_892 = vector.broadcast %select_n3A : i32 to vector<16xi32>
      %lt3A_893 = arith.cmpi slt, %add3A_889, %lt3A_892 : vector<16xi32>
      %and3A_894 = arith.andi %ge3A_891, %lt3A_893 : vector<16xi1>
      %add3A_895 = arith.addi %mul3A_4, %add3A_880 : i32
      %add3A_896 = vector.broadcast %add3A_895 : i32 to vector<16xi32>
      %add3A_897 = arith.addi %add3A_896, %masked_cumsum3A_885 : vector<16xi32>
      %sub3A_898 = arith.constant 1 : i32
      %sub3A_899 = vector.broadcast %sub3A_898 : i32 to vector<16xi32>
      %sub3A_900 = arith.subi %add3A_897, %sub3A_899 : vector<16xi32>
      %broadcast_in_dim3A_901 = vector.broadcast %add3A_6 : i32 to vector<16xi32>
      %select_n3A_902 = arith.select %and3A_894, %sub3A_900, %broadcast_in_dim3A_901 : vector<16xi1>, vector<16xi32>
      %swap3A_903 = arith.constant 1 : i32
      %swap3A_904 = arith.index_cast %swap3A_903 : i32 to index
      %swap3A_905 = arith.constant 32 : index
      %swap3A_906 = tpu.vector_load %arg8[%swap3A_904, %swap3A_905] {strides = array<i32>} : memref<4x128xi32, #tpu.memory_space<vmem>>, vector<16xi32>,
      tpu.vector_store %arg8[%swap3A_904, %swap3A_905], %select_n3A_902 {strides = array<i32>} : memref<4x128xi32, #tpu.memory_space<vmem>>, vector<16xi32>,
      %reduce_sum3A_907 = arith.constant true
      %reduce_sum3A_908 = vector.broadcast %reduce_sum3A_907 : i1 to vector<16xi1>
      %reduce_sum3A_909 = tpu.scan <sum>, %get3A_882 masked %reduce_sum3A_908 : vector<16xi32>, vector<16xi1> -> vector<16xi32>
      %reduce_sum3A_910 = vector.extract %reduce_sum3A_909[15] : i32 from vector<16xi32>
      %add3A_911 = arith.addi %add3A_880, %reduce_sum3A_910 : i32
      %get3A_912 = arith.constant 176 : index
      %get3A_913 = tpu.vector_load %arg9[%get3A_912] {strides = array<i32>} : memref<512xi32, #tpu.memory_space<vmem>>, vector<16xi32>,
      %broadcast_in_dim3A_914 = arith.constant true
      %broadcast_in_dim3A_915 = vector.broadcast %broadcast_in_dim3A_914 : i1 to vector<16xi1>
      %masked_cumsum3A_916 = tpu.scan <sum>, %get3A_913 masked %broadcast_in_dim3A_915 : vector<16xi32>, vector<16xi1> -> vector<16xi32>
      %add3A_917 = arith.constant 176 : i32
      %add3A_918 = arith.addi %min3A_96, %add3A_917 : i32
      %add3A_919 = vector.broadcast %add3A_918 : i32 to vector<16xi32>
      %add3A_920 = arith.addi %add3A_919, %iota3A : vector<16xi32>
      %ge3A_921 = vector.broadcast %max3A : i32 to vector<16xi32>
      %ge3A_922 = arith.cmpi sge, %add3A_920, %ge3A_921 : vector<16xi32>
      %lt3A_923 = vector.broadcast %select_n3A : i32 to vector<16xi32>
      %lt3A_924 = arith.cmpi slt, %add3A_920, %lt3A_923 : vector<16xi32>
      %and3A_925 = arith.andi %ge3A_922, %lt3A_924 : vector<16xi1>
      %add3A_926 = arith.addi %mul3A_4, %add3A_911 : i32
      %add3A_927 = vector.broadcast %add3A_926 : i32 to vector<16xi32>
      %add3A_928 = arith.addi %add3A_927, %masked_cumsum3A_916 : vector<16xi32>
      %sub3A_929 = arith.constant 1 : i32
      %sub3A_930 = vector.broadcast %sub3A_929 : i32 to vector<16xi32>
      %sub3A_931 = arith.subi %add3A_928, %sub3A_930 : vector<16xi32>
      %broadcast_in_dim3A_932 = vector.broadcast %add3A_6 : i32 to vector<16xi32>
      %select_n3A_933 = arith.select %and3A_925, %sub3A_931, %broadcast_in_dim3A_932 : vector<16xi1>, vector<16xi32>
      %swap3A_934 = arith.constant 1 : i32
      %swap3A_935 = arith.index_cast %swap3A_934 : i32 to index
      %swap3A_936 = arith.constant 48 : index
      %swap3A_937 = tpu.vector_load %arg8[%swap3A_935, %swap3A_936] {strides = array<i32>} : memref<4x128xi32, #tpu.memory_space<vmem>>, vector<16xi32>,
      tpu.vector_store %arg8[%swap3A_935, %swap3A_936], %select_n3A_933 {strides = array<i32>} : memref<4x128xi32, #tpu.memory_space<vmem>>, vector<16xi32>,
      %reduce_sum3A_938 = arith.constant true
      %reduce_sum3A_939 = vector.broadcast %reduce_sum3A_938 : i1 to vector<16xi1>
      %reduce_sum3A_940 = tpu.scan <sum>, %get3A_913 masked %reduce_sum3A_939 : vector<16xi32>, vector<16xi1> -> vector<16xi32>
      %reduce_sum3A_941 = vector.extract %reduce_sum3A_940[15] : i32 from vector<16xi32>
      %add3A_942 = arith.addi %add3A_911, %reduce_sum3A_941 : i32
      %get3A_943 = arith.constant 192 : index
      %get3A_944 = tpu.vector_load %arg9[%get3A_943] {strides = array<i32>} : memref<512xi32, #tpu.memory_space<vmem>>, vector<16xi32>,
      %broadcast_in_dim3A_945 = arith.constant true
      %broadcast_in_dim3A_946 = vector.broadcast %broadcast_in_dim3A_945 : i1 to vector<16xi1>
      %masked_cumsum3A_947 = tpu.scan <sum>, %get3A_944 masked %broadcast_in_dim3A_946 : vector<16xi32>, vector<16xi1> -> vector<16xi32>
      %add3A_948 = arith.constant 192 : i32
      %add3A_949 = arith.addi %min3A_96, %add3A_948 : i32
      %add3A_950 = vector.broadcast %add3A_949 : i32 to vector<16xi32>
      %add3A_951 = arith.addi %add3A_950, %iota3A : vector<16xi32>
      %ge3A_952 = vector.broadcast %max3A : i32 to vector<16xi32>
      %ge3A_953 = arith.cmpi sge, %add3A_951, %ge3A_952 : vector<16xi32>
      %lt3A_954 = vector.broadcast %select_n3A : i32 to vector<16xi32>
      %lt3A_955 = arith.cmpi slt, %add3A_951, %lt3A_954 : vector<16xi32>
      %and3A_956 = arith.andi %ge3A_953, %lt3A_955 : vector<16xi1>
      %add3A_957 = arith.addi %mul3A_4, %add3A_942 : i32
      %add3A_958 = vector.broadcast %add3A_957 : i32 to vector<16xi32>
      %add3A_959 = arith.addi %add3A_958, %masked_cumsum3A_947 : vector<16xi32>
      %sub3A_960 = arith.constant 1 : i32
      %sub3A_961 = vector.broadcast %sub3A_960 : i32 to vector<16xi32>
      %sub3A_962 = arith.subi %add3A_959, %sub3A_961 : vector<16xi32>
      %broadcast_in_dim3A_963 = vector.broadcast %add3A_6 : i32 to vector<16xi32>
      %select_n3A_964 = arith.select %and3A_956, %sub3A_962, %broadcast_in_dim3A_963 : vector<16xi1>, vector<16xi32>
      %swap3A_965 = arith.constant 1 : i32
      %swap3A_966 = arith.index_cast %swap3A_965 : i32 to index
      %swap3A_967 = arith.constant 64 : index
      %swap3A_968 = tpu.vector_load %arg8[%swap3A_966, %swap3A_967] {strides = array<i32>} : memref<4x128xi32, #tpu.memory_space<vmem>>, vector<16xi32>,
      tpu.vector_store %arg8[%swap3A_966, %swap3A_967], %select_n3A_964 {strides = array<i32>} : memref<4x128xi32, #tpu.memory_space<vmem>>, vector<16xi32>,
      %reduce_sum3A_969 = arith.constant true
      %reduce_sum3A_970 = vector.broadcast %reduce_sum3A_969 : i1 to vector<16xi1>
      %reduce_sum3A_971 = tpu.scan <sum>, %get3A_944 masked %reduce_sum3A_970 : vector<16xi32>, vector<16xi1> -> vector<16xi32>
      %reduce_sum3A_972 = vector.extract %reduce_sum3A_971[15] : i32 from vector<16xi32>
      %add3A_973 = arith.addi %add3A_942, %reduce_sum3A_972 : i32
      %get3A_974 = arith.constant 208 : index
      %get3A_975 = tpu.vector_load %arg9[%get3A_974] {strides = array<i32>} : memref<512xi32, #tpu.memory_space<vmem>>, vector<16xi32>,
      %broadcast_in_dim3A_976 = arith.constant true
      %broadcast_in_dim3A_977 = vector.broadcast %broadcast_in_dim3A_976 : i1 to vector<16xi1>
      %masked_cumsum3A_978 = tpu.scan <sum>, %get3A_975 masked %broadcast_in_dim3A_977 : vector<16xi32>, vector<16xi1> -> vector<16xi32>
      %add3A_979 = arith.constant 208 : i32
      %add3A_980 = arith.addi %min3A_96, %add3A_979 : i32
      %add3A_981 = vector.broadcast %add3A_980 : i32 to vector<16xi32>
      %add3A_982 = arith.addi %add3A_981, %iota3A : vector<16xi32>
      %ge3A_983 = vector.broadcast %max3A : i32 to vector<16xi32>
      %ge3A_984 = arith.cmpi sge, %add3A_982, %ge3A_983 : vector<16xi32>
      %lt3A_985 = vector.broadcast %select_n3A : i32 to vector<16xi32>
      %lt3A_986 = arith.cmpi slt, %add3A_982, %lt3A_985 : vector<16xi32>
      %and3A_987 = arith.andi %ge3A_984, %lt3A_986 : vector<16xi1>
      %add3A_988 = arith.addi %mul3A_4, %add3A_973 : i32
      %add3A_989 = vector.broadcast %add3A_988 : i32 to vector<16xi32>
      %add3A_990 = arith.addi %add3A_989, %masked_cumsum3A_978 : vector<16xi32>
      %sub3A_991 = arith.constant 1 : i32
      %sub3A_992 = vector.broadcast %sub3A_991 : i32 to vector<16xi32>
      %sub3A_993 = arith.subi %add3A_990, %sub3A_992 : vector<16xi32>
      %broadcast_in_dim3A_994 = vector.broadcast %add3A_6 : i32 to vector<16xi32>
      %select_n3A_995 = arith.select %and3A_987, %sub3A_993, %broadcast_in_dim3A_994 : vector<16xi1>, vector<16xi32>
      %swap3A_996 = arith.constant 1 : i32
      %swap3A_997 = arith.index_cast %swap3A_996 : i32 to index
      %swap3A_998 = arith.constant 80 : index
      %swap3A_999 = tpu.vector_load %arg8[%swap3A_997, %swap3A_998] {strides = array<i32>} : memref<4x128xi32, #tpu.memory_space<vmem>>, vector<16xi32>,
      tpu.vector_store %arg8[%swap3A_997, %swap3A_998], %select_n3A_995 {strides = array<i32>} : memref<4x128xi32, #tpu.memory_space<vmem>>, vector<16xi32>,
      %reduce_sum3A_1000 = arith.constant true
      %reduce_sum3A_1001 = vector.broadcast %reduce_sum3A_1000 : i1 to vector<16xi1>
      %reduce_sum3A_1002 = tpu.scan <sum>, %get3A_975 masked %reduce_sum3A_1001 : vector<16xi32>, vector<16xi1> -> vector<16xi32>
      %reduce_sum3A_1003 = vector.extract %reduce_sum3A_1002[15] : i32 from vector<16xi32>
      %add3A_1004 = arith.addi %add3A_973, %reduce_sum3A_1003 : i32
      %get3A_1005 = arith.constant 224 : index
      %get3A_1006 = tpu.vector_load %arg9[%get3A_1005] {strides = array<i32>} : memref<512xi32, #tpu.memory_space<vmem>>, vector<16xi32>,
      %broadcast_in_dim3A_1007 = arith.constant true
      %broadcast_in_dim3A_1008 = vector.broadcast %broadcast_in_dim3A_1007 : i1 to vector<16xi1>
      %masked_cumsum3A_1009 = tpu.scan <sum>, %get3A_1006 masked %broadcast_in_dim3A_1008 : vector<16xi32>, vector<16xi1> -> vector<16xi32>
      %add3A_1010 = arith.constant 224 : i32
      %add3A_1011 = arith.addi %min3A_96, %add3A_1010 : i32
      %add3A_1012 = vector.broadcast %add3A_1011 : i32 to vector<16xi32>
      %add3A_1013 = arith.addi %add3A_1012, %iota3A : vector<16xi32>
      %ge3A_1014 = vector.broadcast %max3A : i32 to vector<16xi32>
      %ge3A_1015 = arith.cmpi sge, %add3A_1013, %ge3A_1014 : vector<16xi32>
      %lt3A_1016 = vector.broadcast %select_n3A : i32 to vector<16xi32>
      %lt3A_1017 = arith.cmpi slt, %add3A_1013, %lt3A_1016 : vector<16xi32>
      %and3A_1018 = arith.andi %ge3A_1015, %lt3A_1017 : vector<16xi1>
      %add3A_1019 = arith.addi %mul3A_4, %add3A_1004 : i32
      %add3A_1020 = vector.broadcast %add3A_1019 : i32 to vector<16xi32>
      %add3A_1021 = arith.addi %add3A_1020, %masked_cumsum3A_1009 : vector<16xi32>
      %sub3A_1022 = arith.constant 1 : i32
      %sub3A_1023 = vector.broadcast %sub3A_1022 : i32 to vector<16xi32>
      %sub3A_1024 = arith.subi %add3A_1021, %sub3A_1023 : vector<16xi32>
      %broadcast_in_dim3A_1025 = vector.broadcast %add3A_6 : i32 to vector<16xi32>
      %select_n3A_1026 = arith.select %and3A_1018, %sub3A_1024, %broadcast_in_dim3A_1025 : vector<16xi1>, vector<16xi32>
      %swap3A_1027 = arith.constant 1 : i32
      %swap3A_1028 = arith.index_cast %swap3A_1027 : i32 to index
      %swap3A_1029 = arith.constant 96 : index
      %swap3A_1030 = tpu.vector_load %arg8[%swap3A_1028, %swap3A_1029] {strides = array<i32>} : memref<4x128xi32, #tpu.memory_space<vmem>>, vector<16xi32>,
      tpu.vector_store %arg8[%swap3A_1028, %swap3A_1029], %select_n3A_1026 {strides = array<i32>} : memref<4x128xi32, #tpu.memory_space<vmem>>, vector<16xi32>,
      %reduce_sum3A_1031 = arith.constant true
      %reduce_sum3A_1032 = vector.broadcast %reduce_sum3A_1031 : i1 to vector<16xi1>
      %reduce_sum3A_1033 = tpu.scan <sum>, %get3A_1006 masked %reduce_sum3A_1032 : vector<16xi32>, vector<16xi1> -> vector<16xi32>
      %reduce_sum3A_1034 = vector.extract %reduce_sum3A_1033[15] : i32 from vector<16xi32>
      %add3A_1035 = arith.addi %add3A_1004, %reduce_sum3A_1034 : i32
      %get3A_1036 = arith.constant 240 : index
      %get3A_1037 = tpu.vector_load %arg9[%get3A_1036] {strides = array<i32>} : memref<512xi32, #tpu.memory_space<vmem>>, vector<16xi32>,
      %broadcast_in_dim3A_1038 = arith.constant true
      %broadcast_in_dim3A_1039 = vector.broadcast %broadcast_in_dim3A_1038 : i1 to vector<16xi1>
      %masked_cumsum3A_1040 = tpu.scan <sum>, %get3A_1037 masked %broadcast_in_dim3A_1039 : vector<16xi32>, vector<16xi1> -> vector<16xi32>
      %add3A_1041 = arith.constant 240 : i32
      %add3A_1042 = arith.addi %min3A_96, %add3A_1041 : i32
      %add3A_1043 = vector.broadcast %add3A_1042 : i32 to vector<16xi32>
      %add3A_1044 = arith.addi %add3A_1043, %iota3A : vector<16xi32>
      %ge3A_1045 = vector.broadcast %max3A : i32 to vector<16xi32>
      %ge3A_1046 = arith.cmpi sge, %add3A_1044, %ge3A_1045 : vector<16xi32>
      %lt3A_1047 = vector.broadcast %select_n3A : i32 to vector<16xi32>
      %lt3A_1048 = arith.cmpi slt, %add3A_1044, %lt3A_1047 : vector<16xi32>
      %and3A_1049 = arith.andi %ge3A_1046, %lt3A_1048 : vector<16xi1>
      %add3A_1050 = arith.addi %mul3A_4, %add3A_1035 : i32
      %add3A_1051 = vector.broadcast %add3A_1050 : i32 to vector<16xi32>
      %add3A_1052 = arith.addi %add3A_1051, %masked_cumsum3A_1040 : vector<16xi32>
      %sub3A_1053 = arith.constant 1 : i32
      %sub3A_1054 = vector.broadcast %sub3A_1053 : i32 to vector<16xi32>
      %sub3A_1055 = arith.subi %add3A_1052, %sub3A_1054 : vector<16xi32>
      %broadcast_in_dim3A_1056 = vector.broadcast %add3A_6 : i32 to vector<16xi32>
      %select_n3A_1057 = arith.select %and3A_1049, %sub3A_1055, %broadcast_in_dim3A_1056 : vector<16xi1>, vector<16xi32>
      %swap3A_1058 = arith.constant 1 : i32
      %swap3A_1059 = arith.index_cast %swap3A_1058 : i32 to index
      %swap3A_1060 = arith.constant 112 : index
      %swap3A_1061 = tpu.vector_load %arg8[%swap3A_1059, %swap3A_1060] {strides = array<i32>} : memref<4x128xi32, #tpu.memory_space<vmem>>, vector<16xi32>,
      tpu.vector_store %arg8[%swap3A_1059, %swap3A_1060], %select_n3A_1057 {strides = array<i32>} : memref<4x128xi32, #tpu.memory_space<vmem>>, vector<16xi32>,
      %reduce_sum3A_1062 = arith.constant true
      %reduce_sum3A_1063 = vector.broadcast %reduce_sum3A_1062 : i1 to vector<16xi1>
      %reduce_sum3A_1064 = tpu.scan <sum>, %get3A_1037 masked %reduce_sum3A_1063 : vector<16xi32>, vector<16xi1> -> vector<16xi32>
      %reduce_sum3A_1065 = vector.extract %reduce_sum3A_1064[15] : i32 from vector<16xi32>
      %add3A_1066 = arith.addi %add3A_1035, %reduce_sum3A_1065 : i32
      %get3A_1067 = arith.constant 256 : index
      %get3A_1068 = tpu.vector_load %arg9[%get3A_1067] {strides = array<i32>} : memref<512xi32, #tpu.memory_space<vmem>>, vector<16xi32>,
      %broadcast_in_dim3A_1069 = arith.constant true
      %broadcast_in_dim3A_1070 = vector.broadcast %broadcast_in_dim3A_1069 : i1 to vector<16xi1>
      %masked_cumsum3A_1071 = tpu.scan <sum>, %get3A_1068 masked %broadcast_in_dim3A_1070 : vector<16xi32>, vector<16xi1> -> vector<16xi32>
      %add3A_1072 = arith.constant 256 : i32
      %add3A_1073 = arith.addi %min3A_96, %add3A_1072 : i32
      %add3A_1074 = vector.broadcast %add3A_1073 : i32 to vector<16xi32>
      %add3A_1075 = arith.addi %add3A_1074, %iota3A : vector<16xi32>
      %ge3A_1076 = vector.broadcast %max3A : i32 to vector<16xi32>
      %ge3A_1077 = arith.cmpi sge, %add3A_1075, %ge3A_1076 : vector<16xi32>
      %lt3A_1078 = vector.broadcast %select_n3A : i32 to vector<16xi32>
      %lt3A_1079 = arith.cmpi slt, %add3A_1075, %lt3A_1078 : vector<16xi32>
      %and3A_1080 = arith.andi %ge3A_1077, %lt3A_1079 : vector<16xi1>
      %add3A_1081 = arith.addi %mul3A_4, %add3A_1066 : i32
      %add3A_1082 = vector.broadcast %add3A_1081 : i32 to vector<16xi32>
      %add3A_1083 = arith.addi %add3A_1082, %masked_cumsum3A_1071 : vector<16xi32>
      %sub3A_1084 = arith.constant 1 : i32
      %sub3A_1085 = vector.broadcast %sub3A_1084 : i32 to vector<16xi32>
      %sub3A_1086 = arith.subi %add3A_1083, %sub3A_1085 : vector<16xi32>
      %broadcast_in_dim3A_1087 = vector.broadcast %add3A_6 : i32 to vector<16xi32>
      %select_n3A_1088 = arith.select %and3A_1080, %sub3A_1086, %broadcast_in_dim3A_1087 : vector<16xi1>, vector<16xi32>
      %swap3A_1089 = arith.constant 2 : i32
      %swap3A_1090 = arith.index_cast %swap3A_1089 : i32 to index
      %swap3A_1091 = arith.constant 0 : index
      %swap3A_1092 = tpu.vector_load %arg8[%swap3A_1090, %swap3A_1091] {strides = array<i32>} : memref<4x128xi32, #tpu.memory_space<vmem>>, vector<16xi32>,
      tpu.vector_store %arg8[%swap3A_1090, %swap3A_1091], %select_n3A_1088 {strides = array<i32>} : memref<4x128xi32, #tpu.memory_space<vmem>>, vector<16xi32>,
      %reduce_sum3A_1093 = arith.constant true
      %reduce_sum3A_1094 = vector.broadcast %reduce_sum3A_1093 : i1 to vector<16xi1>
      %reduce_sum3A_1095 = tpu.scan <sum>, %get3A_1068 masked %reduce_sum3A_1094 : vector<16xi32>, vector<16xi1> -> vector<16xi32>
      %reduce_sum3A_1096 = vector.extract %reduce_sum3A_1095[15] : i32 from vector<16xi32>
      %add3A_1097 = arith.addi %add3A_1066, %reduce_sum3A_1096 : i32
      %get3A_1098 = arith.constant 272 : index
      %get3A_1099 = tpu.vector_load %arg9[%get3A_1098] {strides = array<i32>} : memref<512xi32, #tpu.memory_space<vmem>>, vector<16xi32>,
      %broadcast_in_dim3A_1100 = arith.constant true
      %broadcast_in_dim3A_1101 = vector.broadcast %broadcast_in_dim3A_1100 : i1 to vector<16xi1>
      %masked_cumsum3A_1102 = tpu.scan <sum>, %get3A_1099 masked %broadcast_in_dim3A_1101 : vector<16xi32>, vector<16xi1> -> vector<16xi32>
      %add3A_1103 = arith.constant 272 : i32
      %add3A_1104 = arith.addi %min3A_96, %add3A_1103 : i32
      %add3A_1105 = vector.broadcast %add3A_1104 : i32 to vector<16xi32>
      %add3A_1106 = arith.addi %add3A_1105, %iota3A : vector<16xi32>
      %ge3A_1107 = vector.broadcast %max3A : i32 to vector<16xi32>
      %ge3A_1108 = arith.cmpi sge, %add3A_1106, %ge3A_1107 : vector<16xi32>
      %lt3A_1109 = vector.broadcast %select_n3A : i32 to vector<16xi32>
      %lt3A_1110 = arith.cmpi slt, %add3A_1106, %lt3A_1109 : vector<16xi32>
      %and3A_1111 = arith.andi %ge3A_1108, %lt3A_1110 : vector<16xi1>
      %add3A_1112 = arith.addi %mul3A_4, %add3A_1097 : i32
      %add3A_1113 = vector.broadcast %add3A_1112 : i32 to vector<16xi32>
      %add3A_1114 = arith.addi %add3A_1113, %masked_cumsum3A_1102 : vector<16xi32>
      %sub3A_1115 = arith.constant 1 : i32
      %sub3A_1116 = vector.broadcast %sub3A_1115 : i32 to vector<16xi32>
      %sub3A_1117 = arith.subi %add3A_1114, %sub3A_1116 : vector<16xi32>
      %broadcast_in_dim3A_1118 = vector.broadcast %add3A_6 : i32 to vector<16xi32>
      %select_n3A_1119 = arith.select %and3A_1111, %sub3A_1117, %broadcast_in_dim3A_1118 : vector<16xi1>, vector<16xi32>
      %swap3A_1120 = arith.constant 2 : i32
      %swap3A_1121 = arith.index_cast %swap3A_1120 : i32 to index
      %swap3A_1122 = arith.constant 16 : index
      %swap3A_1123 = tpu.vector_load %arg8[%swap3A_1121, %swap3A_1122] {strides = array<i32>} : memref<4x128xi32, #tpu.memory_space<vmem>>, vector<16xi32>,
      tpu.vector_store %arg8[%swap3A_1121, %swap3A_1122], %select_n3A_1119 {strides = array<i32>} : memref<4x128xi32, #tpu.memory_space<vmem>>, vector<16xi32>,
      %reduce_sum3A_1124 = arith.constant true
      %reduce_sum3A_1125 = vector.broadcast %reduce_sum3A_1124 : i1 to vector<16xi1>
      %reduce_sum3A_1126 = tpu.scan <sum>, %get3A_1099 masked %reduce_sum3A_1125 : vector<16xi32>, vector<16xi1> -> vector<16xi32>
      %reduce_sum3A_1127 = vector.extract %reduce_sum3A_1126[15] : i32 from vector<16xi32>
      %add3A_1128 = arith.addi %add3A_1097, %reduce_sum3A_1127 : i32
      %get3A_1129 = arith.constant 288 : index
      %get3A_1130 = tpu.vector_load %arg9[%get3A_1129] {strides = array<i32>} : memref<512xi32, #tpu.memory_space<vmem>>, vector<16xi32>,
      %broadcast_in_dim3A_1131 = arith.constant true
      %broadcast_in_dim3A_1132 = vector.broadcast %broadcast_in_dim3A_1131 : i1 to vector<16xi1>
      %masked_cumsum3A_1133 = tpu.scan <sum>, %get3A_1130 masked %broadcast_in_dim3A_1132 : vector<16xi32>, vector<16xi1> -> vector<16xi32>
      %add3A_1134 = arith.constant 288 : i32
      %add3A_1135 = arith.addi %min3A_96, %add3A_1134 : i32
      %add3A_1136 = vector.broadcast %add3A_1135 : i32 to vector<16xi32>
      %add3A_1137 = arith.addi %add3A_1136, %iota3A : vector<16xi32>
      %ge3A_1138 = vector.broadcast %max3A : i32 to vector<16xi32>
      %ge3A_1139 = arith.cmpi sge, %add3A_1137, %ge3A_1138 : vector<16xi32>
      %lt3A_1140 = vector.broadcast %select_n3A : i32 to vector<16xi32>
      %lt3A_1141 = arith.cmpi slt, %add3A_1137, %lt3A_1140 : vector<16xi32>
      %and3A_1142 = arith.andi %ge3A_1139, %lt3A_1141 : vector<16xi1>
      %add3A_1143 = arith.addi %mul3A_4, %add3A_1128 : i32
      %add3A_1144 = vector.broadcast %add3A_1143 : i32 to vector<16xi32>
      %add3A_1145 = arith.addi %add3A_1144, %masked_cumsum3A_1133 : vector<16xi32>
      %sub3A_1146 = arith.constant 1 : i32
      %sub3A_1147 = vector.broadcast %sub3A_1146 : i32 to vector<16xi32>
      %sub3A_1148 = arith.subi %add3A_1145, %sub3A_1147 : vector<16xi32>
      %broadcast_in_dim3A_1149 = vector.broadcast %add3A_6 : i32 to vector<16xi32>
      %select_n3A_1150 = arith.select %and3A_1142, %sub3A_1148, %broadcast_in_dim3A_1149 : vector<16xi1>, vector<16xi32>
      %swap3A_1151 = arith.constant 2 : i32
      %swap3A_1152 = arith.index_cast %swap3A_1151 : i32 to index
      %swap3A_1153 = arith.constant 32 : index
      %swap3A_1154 = tpu.vector_load %arg8[%swap3A_1152, %swap3A_1153] {strides = array<i32>} : memref<4x128xi32, #tpu.memory_space<vmem>>, vector<16xi32>,
      tpu.vector_store %arg8[%swap3A_1152, %swap3A_1153], %select_n3A_1150 {strides = array<i32>} : memref<4x128xi32, #tpu.memory_space<vmem>>, vector<16xi32>,
      %reduce_sum3A_1155 = arith.constant true
      %reduce_sum3A_1156 = vector.broadcast %reduce_sum3A_1155 : i1 to vector<16xi1>
      %reduce_sum3A_1157 = tpu.scan <sum>, %get3A_1130 masked %reduce_sum3A_1156 : vector<16xi32>, vector<16xi1> -> vector<16xi32>
      %reduce_sum3A_1158 = vector.extract %reduce_sum3A_1157[15] : i32 from vector<16xi32>
      %add3A_1159 = arith.addi %add3A_1128, %reduce_sum3A_1158 : i32
      %get3A_1160 = arith.constant 304 : index
      %get3A_1161 = tpu.vector_load %arg9[%get3A_1160] {strides = array<i32>} : memref<512xi32, #tpu.memory_space<vmem>>, vector<16xi32>,
      %broadcast_in_dim3A_1162 = arith.constant true
      %broadcast_in_dim3A_1163 = vector.broadcast %broadcast_in_dim3A_1162 : i1 to vector<16xi1>
      %masked_cumsum3A_1164 = tpu.scan <sum>, %get3A_1161 masked %broadcast_in_dim3A_1163 : vector<16xi32>, vector<16xi1> -> vector<16xi32>
      %add3A_1165 = arith.constant 304 : i32
      %add3A_1166 = arith.addi %min3A_96, %add3A_1165 : i32
      %add3A_1167 = vector.broadcast %add3A_1166 : i32 to vector<16xi32>
      %add3A_1168 = arith.addi %add3A_1167, %iota3A : vector<16xi32>
      %ge3A_1169 = vector.broadcast %max3A : i32 to vector<16xi32>
      %ge3A_1170 = arith.cmpi sge, %add3A_1168, %ge3A_1169 : vector<16xi32>
      %lt3A_1171 = vector.broadcast %select_n3A : i32 to vector<16xi32>
      %lt3A_1172 = arith.cmpi slt, %add3A_1168, %lt3A_1171 : vector<16xi32>
      %and3A_1173 = arith.andi %ge3A_1170, %lt3A_1172 : vector<16xi1>
      %add3A_1174 = arith.addi %mul3A_4, %add3A_1159 : i32
      %add3A_1175 = vector.broadcast %add3A_1174 : i32 to vector<16xi32>
      %add3A_1176 = arith.addi %add3A_1175, %masked_cumsum3A_1164 : vector<16xi32>
      %sub3A_1177 = arith.constant 1 : i32
      %sub3A_1178 = vector.broadcast %sub3A_1177 : i32 to vector<16xi32>
      %sub3A_1179 = arith.subi %add3A_1176, %sub3A_1178 : vector<16xi32>
      %broadcast_in_dim3A_1180 = vector.broadcast %add3A_6 : i32 to vector<16xi32>
      %select_n3A_1181 = arith.select %and3A_1173, %sub3A_1179, %broadcast_in_dim3A_1180 : vector<16xi1>, vector<16xi32>
      %swap3A_1182 = arith.constant 2 : i32
      %swap3A_1183 = arith.index_cast %swap3A_1182 : i32 to index
      %swap3A_1184 = arith.constant 48 : index
      %swap3A_1185 = tpu.vector_load %arg8[%swap3A_1183, %swap3A_1184] {strides = array<i32>} : memref<4x128xi32, #tpu.memory_space<vmem>>, vector<16xi32>,
      tpu.vector_store %arg8[%swap3A_1183, %swap3A_1184], %select_n3A_1181 {strides = array<i32>} : memref<4x128xi32, #tpu.memory_space<vmem>>, vector<16xi32>,
      %reduce_sum3A_1186 = arith.constant true
      %reduce_sum3A_1187 = vector.broadcast %reduce_sum3A_1186 : i1 to vector<16xi1>
      %reduce_sum3A_1188 = tpu.scan <sum>, %get3A_1161 masked %reduce_sum3A_1187 : vector<16xi32>, vector<16xi1> -> vector<16xi32>
      %reduce_sum3A_1189 = vector.extract %reduce_sum3A_1188[15] : i32 from vector<16xi32>
      %add3A_1190 = arith.addi %add3A_1159, %reduce_sum3A_1189 : i32
      %get3A_1191 = arith.constant 320 : index
      %get3A_1192 = tpu.vector_load %arg9[%get3A_1191] {strides = array<i32>} : memref<512xi32, #tpu.memory_space<vmem>>, vector<16xi32>,
      %broadcast_in_dim3A_1193 = arith.constant true
      %broadcast_in_dim3A_1194 = vector.broadcast %broadcast_in_dim3A_1193 : i1 to vector<16xi1>
      %masked_cumsum3A_1195 = tpu.scan <sum>, %get3A_1192 masked %broadcast_in_dim3A_1194 : vector<16xi32>, vector<16xi1> -> vector<16xi32>
      %add3A_1196 = arith.constant 320 : i32
      %add3A_1197 = arith.addi %min3A_96, %add3A_1196 : i32
      %add3A_1198 = vector.broadcast %add3A_1197 : i32 to vector<16xi32>
      %add3A_1199 = arith.addi %add3A_1198, %iota3A : vector<16xi32>
      %ge3A_1200 = vector.broadcast %max3A : i32 to vector<16xi32>
      %ge3A_1201 = arith.cmpi sge, %add3A_1199, %ge3A_1200 : vector<16xi32>
      %lt3A_1202 = vector.broadcast %select_n3A : i32 to vector<16xi32>
      %lt3A_1203 = arith.cmpi slt, %add3A_1199, %lt3A_1202 : vector<16xi32>
      %and3A_1204 = arith.andi %ge3A_1201, %lt3A_1203 : vector<16xi1>
      %add3A_1205 = arith.addi %mul3A_4, %add3A_1190 : i32
      %add3A_1206 = vector.broadcast %add3A_1205 : i32 to vector<16xi32>
      %add3A_1207 = arith.addi %add3A_1206, %masked_cumsum3A_1195 : vector<16xi32>
      %sub3A_1208 = arith.constant 1 : i32
      %sub3A_1209 = vector.broadcast %sub3A_1208 : i32 to vector<16xi32>
      %sub3A_1210 = arith.subi %add3A_1207, %sub3A_1209 : vector<16xi32>
      %broadcast_in_dim3A_1211 = vector.broadcast %add3A_6 : i32 to vector<16xi32>
      %select_n3A_1212 = arith.select %and3A_1204, %sub3A_1210, %broadcast_in_dim3A_1211 : vector<16xi1>, vector<16xi32>
      %swap3A_1213 = arith.constant 2 : i32
      %swap3A_1214 = arith.index_cast %swap3A_1213 : i32 to index
      %swap3A_1215 = arith.constant 64 : index
      %swap3A_1216 = tpu.vector_load %arg8[%swap3A_1214, %swap3A_1215] {strides = array<i32>} : memref<4x128xi32, #tpu.memory_space<vmem>>, vector<16xi32>,
      tpu.vector_store %arg8[%swap3A_1214, %swap3A_1215], %select_n3A_1212 {strides = array<i32>} : memref<4x128xi32, #tpu.memory_space<vmem>>, vector<16xi32>,
      %reduce_sum3A_1217 = arith.constant true
      %reduce_sum3A_1218 = vector.broadcast %reduce_sum3A_1217 : i1 to vector<16xi1>
      %reduce_sum3A_1219 = tpu.scan <sum>, %get3A_1192 masked %reduce_sum3A_1218 : vector<16xi32>, vector<16xi1> -> vector<16xi32>
      %reduce_sum3A_1220 = vector.extract %reduce_sum3A_1219[15] : i32 from vector<16xi32>
      %add3A_1221 = arith.addi %add3A_1190, %reduce_sum3A_1220 : i32
      %get3A_1222 = arith.constant 336 : index
      %get3A_1223 = tpu.vector_load %arg9[%get3A_1222] {strides = array<i32>} : memref<512xi32, #tpu.memory_space<vmem>>, vector<16xi32>,
      %broadcast_in_dim3A_1224 = arith.constant true
      %broadcast_in_dim3A_1225 = vector.broadcast %broadcast_in_dim3A_1224 : i1 to vector<16xi1>
      %masked_cumsum3A_1226 = tpu.scan <sum>, %get3A_1223 masked %broadcast_in_dim3A_1225 : vector<16xi32>, vector<16xi1> -> vector<16xi32>
      %add3A_1227 = arith.constant 336 : i32
      %add3A_1228 = arith.addi %min3A_96, %add3A_1227 : i32
      %add3A_1229 = vector.broadcast %add3A_1228 : i32 to vector<16xi32>
      %add3A_1230 = arith.addi %add3A_1229, %iota3A : vector<16xi32>
      %ge3A_1231 = vector.broadcast %max3A : i32 to vector<16xi32>
      %ge3A_1232 = arith.cmpi sge, %add3A_1230, %ge3A_1231 : vector<16xi32>
      %lt3A_1233 = vector.broadcast %select_n3A : i32 to vector<16xi32>
      %lt3A_1234 = arith.cmpi slt, %add3A_1230, %lt3A_1233 : vector<16xi32>
      %and3A_1235 = arith.andi %ge3A_1232, %lt3A_1234 : vector<16xi1>
      %add3A_1236 = arith.addi %mul3A_4, %add3A_1221 : i32
      %add3A_1237 = vector.broadcast %add3A_1236 : i32 to vector<16xi32>
      %add3A_1238 = arith.addi %add3A_1237, %masked_cumsum3A_1226 : vector<16xi32>
      %sub3A_1239 = arith.constant 1 : i32
      %sub3A_1240 = vector.broadcast %sub3A_1239 : i32 to vector<16xi32>
      %sub3A_1241 = arith.subi %add3A_1238, %sub3A_1240 : vector<16xi32>
      %broadcast_in_dim3A_1242 = vector.broadcast %add3A_6 : i32 to vector<16xi32>
      %select_n3A_1243 = arith.select %and3A_1235, %sub3A_1241, %broadcast_in_dim3A_1242 : vector<16xi1>, vector<16xi32>
      %swap3A_1244 = arith.constant 2 : i32
      %swap3A_1245 = arith.index_cast %swap3A_1244 : i32 to index
      %swap3A_1246 = arith.constant 80 : index
      %swap3A_1247 = tpu.vector_load %arg8[%swap3A_1245, %swap3A_1246] {strides = array<i32>} : memref<4x128xi32, #tpu.memory_space<vmem>>, vector<16xi32>,
      tpu.vector_store %arg8[%swap3A_1245, %swap3A_1246], %select_n3A_1243 {strides = array<i32>} : memref<4x128xi32, #tpu.memory_space<vmem>>, vector<16xi32>,
      %reduce_sum3A_1248 = arith.constant true
      %reduce_sum3A_1249 = vector.broadcast %reduce_sum3A_1248 : i1 to vector<16xi1>
      %reduce_sum3A_1250 = tpu.scan <sum>, %get3A_1223 masked %reduce_sum3A_1249 : vector<16xi32>, vector<16xi1> -> vector<16xi32>
      %reduce_sum3A_1251 = vector.extract %reduce_sum3A_1250[15] : i32 from vector<16xi32>
      %add3A_1252 = arith.addi %add3A_1221, %reduce_sum3A_1251 : i32
      %get3A_1253 = arith.constant 352 : index
      %get3A_1254 = tpu.vector_load %arg9[%get3A_1253] {strides = array<i32>} : memref<512xi32, #tpu.memory_space<vmem>>, vector<16xi32>,
      %broadcast_in_dim3A_1255 = arith.constant true
      %broadcast_in_dim3A_1256 = vector.broadcast %broadcast_in_dim3A_1255 : i1 to vector<16xi1>
      %masked_cumsum3A_1257 = tpu.scan <sum>, %get3A_1254 masked %broadcast_in_dim3A_1256 : vector<16xi32>, vector<16xi1> -> vector<16xi32>
      %add3A_1258 = arith.constant 352 : i32
      %add3A_1259 = arith.addi %min3A_96, %add3A_1258 : i32
      %add3A_1260 = vector.broadcast %add3A_1259 : i32 to vector<16xi32>
      %add3A_1261 = arith.addi %add3A_1260, %iota3A : vector<16xi32>
      %ge3A_1262 = vector.broadcast %max3A : i32 to vector<16xi32>
      %ge3A_1263 = arith.cmpi sge, %add3A_1261, %ge3A_1262 : vector<16xi32>
      %lt3A_1264 = vector.broadcast %select_n3A : i32 to vector<16xi32>
      %lt3A_1265 = arith.cmpi slt, %add3A_1261, %lt3A_1264 : vector<16xi32>
      %and3A_1266 = arith.andi %ge3A_1263, %lt3A_1265 : vector<16xi1>
      %add3A_1267 = arith.addi %mul3A_4, %add3A_1252 : i32
      %add3A_1268 = vector.broadcast %add3A_1267 : i32 to vector<16xi32>
      %add3A_1269 = arith.addi %add3A_1268, %masked_cumsum3A_1257 : vector<16xi32>
      %sub3A_1270 = arith.constant 1 : i32
      %sub3A_1271 = vector.broadcast %sub3A_1270 : i32 to vector<16xi32>
      %sub3A_1272 = arith.subi %add3A_1269, %sub3A_1271 : vector<16xi32>
      %broadcast_in_dim3A_1273 = vector.broadcast %add3A_6 : i32 to vector<16xi32>
      %select_n3A_1274 = arith.select %and3A_1266, %sub3A_1272, %broadcast_in_dim3A_1273 : vector<16xi1>, vector<16xi32>
      %swap3A_1275 = arith.constant 2 : i32
      %swap3A_1276 = arith.index_cast %swap3A_1275 : i32 to index
      %swap3A_1277 = arith.constant 96 : index
      %swap3A_1278 = tpu.vector_load %arg8[%swap3A_1276, %swap3A_1277] {strides = array<i32>} : memref<4x128xi32, #tpu.memory_space<vmem>>, vector<16xi32>,
      tpu.vector_store %arg8[%swap3A_1276, %swap3A_1277], %select_n3A_1274 {strides = array<i32>} : memref<4x128xi32, #tpu.memory_space<vmem>>, vector<16xi32>,
      %reduce_sum3A_1279 = arith.constant true
      %reduce_sum3A_1280 = vector.broadcast %reduce_sum3A_1279 : i1 to vector<16xi1>
      %reduce_sum3A_1281 = tpu.scan <sum>, %get3A_1254 masked %reduce_sum3A_1280 : vector<16xi32>, vector<16xi1> -> vector<16xi32>
      %reduce_sum3A_1282 = vector.extract %reduce_sum3A_1281[15] : i32 from vector<16xi32>
      %add3A_1283 = arith.addi %add3A_1252, %reduce_sum3A_1282 : i32
      %get3A_1284 = arith.constant 368 : index
      %get3A_1285 = tpu.vector_load %arg9[%get3A_1284] {strides = array<i32>} : memref<512xi32, #tpu.memory_space<vmem>>, vector<16xi32>,
      %broadcast_in_dim3A_1286 = arith.constant true
      %broadcast_in_dim3A_1287 = vector.broadcast %broadcast_in_dim3A_1286 : i1 to vector<16xi1>
      %masked_cumsum3A_1288 = tpu.scan <sum>, %get3A_1285 masked %broadcast_in_dim3A_1287 : vector<16xi32>, vector<16xi1> -> vector<16xi32>
      %add3A_1289 = arith.constant 368 : i32
      %add3A_1290 = arith.addi %min3A_96, %add3A_1289 : i32
      %add3A_1291 = vector.broadcast %add3A_1290 : i32 to vector<16xi32>
      %add3A_1292 = arith.addi %add3A_1291, %iota3A : vector<16xi32>
      %ge3A_1293 = vector.broadcast %max3A : i32 to vector<16xi32>
      %ge3A_1294 = arith.cmpi sge, %add3A_1292, %ge3A_1293 : vector<16xi32>
      %lt3A_1295 = vector.broadcast %select_n3A : i32 to vector<16xi32>
      %lt3A_1296 = arith.cmpi slt, %add3A_1292, %lt3A_1295 : vector<16xi32>
      %and3A_1297 = arith.andi %ge3A_1294, %lt3A_1296 : vector<16xi1>
      %add3A_1298 = arith.addi %mul3A_4, %add3A_1283 : i32
      %add3A_1299 = vector.broadcast %add3A_1298 : i32 to vector<16xi32>
      %add3A_1300 = arith.addi %add3A_1299, %masked_cumsum3A_1288 : vector<16xi32>
      %sub3A_1301 = arith.constant 1 : i32
      %sub3A_1302 = vector.broadcast %sub3A_1301 : i32 to vector<16xi32>
      %sub3A_1303 = arith.subi %add3A_1300, %sub3A_1302 : vector<16xi32>
      %broadcast_in_dim3A_1304 = vector.broadcast %add3A_6 : i32 to vector<16xi32>
      %select_n3A_1305 = arith.select %and3A_1297, %sub3A_1303, %broadcast_in_dim3A_1304 : vector<16xi1>, vector<16xi32>
      %swap3A_1306 = arith.constant 2 : i32
      %swap3A_1307 = arith.index_cast %swap3A_1306 : i32 to index
      %swap3A_1308 = arith.constant 112 : index
      %swap3A_1309 = tpu.vector_load %arg8[%swap3A_1307, %swap3A_1308] {strides = array<i32>} : memref<4x128xi32, #tpu.memory_space<vmem>>, vector<16xi32>,
      tpu.vector_store %arg8[%swap3A_1307, %swap3A_1308], %select_n3A_1305 {strides = array<i32>} : memref<4x128xi32, #tpu.memory_space<vmem>>, vector<16xi32>,
      %reduce_sum3A_1310 = arith.constant true
      %reduce_sum3A_1311 = vector.broadcast %reduce_sum3A_1310 : i1 to vector<16xi1>
      %reduce_sum3A_1312 = tpu.scan <sum>, %get3A_1285 masked %reduce_sum3A_1311 : vector<16xi32>, vector<16xi1> -> vector<16xi32>
      %reduce_sum3A_1313 = vector.extract %reduce_sum3A_1312[15] : i32 from vector<16xi32>
      %add3A_1314 = arith.addi %add3A_1283, %reduce_sum3A_1313 : i32
      %get3A_1315 = arith.constant 384 : index
      %get3A_1316 = tpu.vector_load %arg9[%get3A_1315] {strides = array<i32>} : memref<512xi32, #tpu.memory_space<vmem>>, vector<16xi32>,
      %broadcast_in_dim3A_1317 = arith.constant true
      %broadcast_in_dim3A_1318 = vector.broadcast %broadcast_in_dim3A_1317 : i1 to vector<16xi1>
      %masked_cumsum3A_1319 = tpu.scan <sum>, %get3A_1316 masked %broadcast_in_dim3A_1318 : vector<16xi32>, vector<16xi1> -> vector<16xi32>
      %add3A_1320 = arith.constant 384 : i32
      %add3A_1321 = arith.addi %min3A_96, %add3A_1320 : i32
      %add3A_1322 = vector.broadcast %add3A_1321 : i32 to vector<16xi32>
      %add3A_1323 = arith.addi %add3A_1322, %iota3A : vector<16xi32>
      %ge3A_1324 = vector.broadcast %max3A : i32 to vector<16xi32>
      %ge3A_1325 = arith.cmpi sge, %add3A_1323, %ge3A_1324 : vector<16xi32>
      %lt3A_1326 = vector.broadcast %select_n3A : i32 to vector<16xi32>
      %lt3A_1327 = arith.cmpi slt, %add3A_1323, %lt3A_1326 : vector<16xi32>
      %and3A_1328 = arith.andi %ge3A_1325, %lt3A_1327 : vector<16xi1>
      %add3A_1329 = arith.addi %mul3A_4, %add3A_1314 : i32
      %add3A_1330 = vector.broadcast %add3A_1329 : i32 to vector<16xi32>
      %add3A_1331 = arith.addi %add3A_1330, %masked_cumsum3A_1319 : vector<16xi32>
      %sub3A_1332 = arith.constant 1 : i32
      %sub3A_1333 = vector.broadcast %sub3A_1332 : i32 to vector<16xi32>
      %sub3A_1334 = arith.subi %add3A_1331, %sub3A_1333 : vector<16xi32>
      %broadcast_in_dim3A_1335 = vector.broadcast %add3A_6 : i32 to vector<16xi32>
      %select_n3A_1336 = arith.select %and3A_1328, %sub3A_1334, %broadcast_in_dim3A_1335 : vector<16xi1>, vector<16xi32>
      %swap3A_1337 = arith.constant 3 : i32
      %swap3A_1338 = arith.index_cast %swap3A_1337 : i32 to index
      %swap3A_1339 = arith.constant 0 : index
      %swap3A_1340 = tpu.vector_load %arg8[%swap3A_1338, %swap3A_1339] {strides = array<i32>} : memref<4x128xi32, #tpu.memory_space<vmem>>, vector<16xi32>,
      tpu.vector_store %arg8[%swap3A_1338, %swap3A_1339], %select_n3A_1336 {strides = array<i32>} : memref<4x128xi32, #tpu.memory_space<vmem>>, vector<16xi32>,
      %reduce_sum3A_1341 = arith.constant true
      %reduce_sum3A_1342 = vector.broadcast %reduce_sum3A_1341 : i1 to vector<16xi1>
      %reduce_sum3A_1343 = tpu.scan <sum>, %get3A_1316 masked %reduce_sum3A_1342 : vector<16xi32>, vector<16xi1> -> vector<16xi32>
      %reduce_sum3A_1344 = vector.extract %reduce_sum3A_1343[15] : i32 from vector<16xi32>
      %add3A_1345 = arith.addi %add3A_1314, %reduce_sum3A_1344 : i32
      %get3A_1346 = arith.constant 400 : index
      %get3A_1347 = tpu.vector_load %arg9[%get3A_1346] {strides = array<i32>} : memref<512xi32, #tpu.memory_space<vmem>>, vector<16xi32>,
      %broadcast_in_dim3A_1348 = arith.constant true
      %broadcast_in_dim3A_1349 = vector.broadcast %broadcast_in_dim3A_1348 : i1 to vector<16xi1>
      %masked_cumsum3A_1350 = tpu.scan <sum>, %get3A_1347 masked %broadcast_in_dim3A_1349 : vector<16xi32>, vector<16xi1> -> vector<16xi32>
      %add3A_1351 = arith.constant 400 : i32
      %add3A_1352 = arith.addi %min3A_96, %add3A_1351 : i32
      %add3A_1353 = vector.broadcast %add3A_1352 : i32 to vector<16xi32>
      %add3A_1354 = arith.addi %add3A_1353, %iota3A : vector<16xi32>
      %ge3A_1355 = vector.broadcast %max3A : i32 to vector<16xi32>
      %ge3A_1356 = arith.cmpi sge, %add3A_1354, %ge3A_1355 : vector<16xi32>
      %lt3A_1357 = vector.broadcast %select_n3A : i32 to vector<16xi32>
      %lt3A_1358 = arith.cmpi slt, %add3A_1354, %lt3A_1357 : vector<16xi32>
      %and3A_1359 = arith.andi %ge3A_1356, %lt3A_1358 : vector<16xi1>
      %add3A_1360 = arith.addi %mul3A_4, %add3A_1345 : i32
      %add3A_1361 = vector.broadcast %add3A_1360 : i32 to vector<16xi32>
      %add3A_1362 = arith.addi %add3A_1361, %masked_cumsum3A_1350 : vector<16xi32>
      %sub3A_1363 = arith.constant 1 : i32
      %sub3A_1364 = vector.broadcast %sub3A_1363 : i32 to vector<16xi32>
      %sub3A_1365 = arith.subi %add3A_1362, %sub3A_1364 : vector<16xi32>
      %broadcast_in_dim3A_1366 = vector.broadcast %add3A_6 : i32 to vector<16xi32>
      %select_n3A_1367 = arith.select %and3A_1359, %sub3A_1365, %broadcast_in_dim3A_1366 : vector<16xi1>, vector<16xi32>
      %swap3A_1368 = arith.constant 3 : i32
      %swap3A_1369 = arith.index_cast %swap3A_1368 : i32 to index
      %swap3A_1370 = arith.constant 16 : index
      %swap3A_1371 = tpu.vector_load %arg8[%swap3A_1369, %swap3A_1370] {strides = array<i32>} : memref<4x128xi32, #tpu.memory_space<vmem>>, vector<16xi32>,
      tpu.vector_store %arg8[%swap3A_1369, %swap3A_1370], %select_n3A_1367 {strides = array<i32>} : memref<4x128xi32, #tpu.memory_space<vmem>>, vector<16xi32>,
      %reduce_sum3A_1372 = arith.constant true
      %reduce_sum3A_1373 = vector.broadcast %reduce_sum3A_1372 : i1 to vector<16xi1>
      %reduce_sum3A_1374 = tpu.scan <sum>, %get3A_1347 masked %reduce_sum3A_1373 : vector<16xi32>, vector<16xi1> -> vector<16xi32>
      %reduce_sum3A_1375 = vector.extract %reduce_sum3A_1374[15] : i32 from vector<16xi32>
      %add3A_1376 = arith.addi %add3A_1345, %reduce_sum3A_1375 : i32
      %get3A_1377 = arith.constant 416 : index
      %get3A_1378 = tpu.vector_load %arg9[%get3A_1377] {strides = array<i32>} : memref<512xi32, #tpu.memory_space<vmem>>, vector<16xi32>,
      %broadcast_in_dim3A_1379 = arith.constant true
      %broadcast_in_dim3A_1380 = vector.broadcast %broadcast_in_dim3A_1379 : i1 to vector<16xi1>
      %masked_cumsum3A_1381 = tpu.scan <sum>, %get3A_1378 masked %broadcast_in_dim3A_1380 : vector<16xi32>, vector<16xi1> -> vector<16xi32>
      %add3A_1382 = arith.constant 416 : i32
      %add3A_1383 = arith.addi %min3A_96, %add3A_1382 : i32
      %add3A_1384 = vector.broadcast %add3A_1383 : i32 to vector<16xi32>
      %add3A_1385 = arith.addi %add3A_1384, %iota3A : vector<16xi32>
      %ge3A_1386 = vector.broadcast %max3A : i32 to vector<16xi32>
      %ge3A_1387 = arith.cmpi sge, %add3A_1385, %ge3A_1386 : vector<16xi32>
      %lt3A_1388 = vector.broadcast %select_n3A : i32 to vector<16xi32>
      %lt3A_1389 = arith.cmpi slt, %add3A_1385, %lt3A_1388 : vector<16xi32>
      %and3A_1390 = arith.andi %ge3A_1387, %lt3A_1389 : vector<16xi1>
      %add3A_1391 = arith.addi %mul3A_4, %add3A_1376 : i32
      %add3A_1392 = vector.broadcast %add3A_1391 : i32 to vector<16xi32>
      %add3A_1393 = arith.addi %add3A_1392, %masked_cumsum3A_1381 : vector<16xi32>
      %sub3A_1394 = arith.constant 1 : i32
      %sub3A_1395 = vector.broadcast %sub3A_1394 : i32 to vector<16xi32>
      %sub3A_1396 = arith.subi %add3A_1393, %sub3A_1395 : vector<16xi32>
      %broadcast_in_dim3A_1397 = vector.broadcast %add3A_6 : i32 to vector<16xi32>
      %select_n3A_1398 = arith.select %and3A_1390, %sub3A_1396, %broadcast_in_dim3A_1397 : vector<16xi1>, vector<16xi32>
      %swap3A_1399 = arith.constant 3 : i32
      %swap3A_1400 = arith.index_cast %swap3A_1399 : i32 to index
      %swap3A_1401 = arith.constant 32 : index
      %swap3A_1402 = tpu.vector_load %arg8[%swap3A_1400, %swap3A_1401] {strides = array<i32>} : memref<4x128xi32, #tpu.memory_space<vmem>>, vector<16xi32>,
      tpu.vector_store %arg8[%swap3A_1400, %swap3A_1401], %select_n3A_1398 {strides = array<i32>} : memref<4x128xi32, #tpu.memory_space<vmem>>, vector<16xi32>,
      %reduce_sum3A_1403 = arith.constant true
      %reduce_sum3A_1404 = vector.broadcast %reduce_sum3A_1403 : i1 to vector<16xi1>
      %reduce_sum3A_1405 = tpu.scan <sum>, %get3A_1378 masked %reduce_sum3A_1404 : vector<16xi32>, vector<16xi1> -> vector<16xi32>
      %reduce_sum3A_1406 = vector.extract %reduce_sum3A_1405[15] : i32 from vector<16xi32>
      %add3A_1407 = arith.addi %add3A_1376, %reduce_sum3A_1406 : i32
      %get3A_1408 = arith.constant 432 : index
      %get3A_1409 = tpu.vector_load %arg9[%get3A_1408] {strides = array<i32>} : memref<512xi32, #tpu.memory_space<vmem>>, vector<16xi32>,
      %broadcast_in_dim3A_1410 = arith.constant true
      %broadcast_in_dim3A_1411 = vector.broadcast %broadcast_in_dim3A_1410 : i1 to vector<16xi1>
      %masked_cumsum3A_1412 = tpu.scan <sum>, %get3A_1409 masked %broadcast_in_dim3A_1411 : vector<16xi32>, vector<16xi1> -> vector<16xi32>
      %add3A_1413 = arith.constant 432 : i32
      %add3A_1414 = arith.addi %min3A_96, %add3A_1413 : i32
      %add3A_1415 = vector.broadcast %add3A_1414 : i32 to vector<16xi32>
      %add3A_1416 = arith.addi %add3A_1415, %iota3A : vector<16xi32>
      %ge3A_1417 = vector.broadcast %max3A : i32 to vector<16xi32>
      %ge3A_1418 = arith.cmpi sge, %add3A_1416, %ge3A_1417 : vector<16xi32>
      %lt3A_1419 = vector.broadcast %select_n3A : i32 to vector<16xi32>
      %lt3A_1420 = arith.cmpi slt, %add3A_1416, %lt3A_1419 : vector<16xi32>
      %and3A_1421 = arith.andi %ge3A_1418, %lt3A_1420 : vector<16xi1>
      %add3A_1422 = arith.addi %mul3A_4, %add3A_1407 : i32
      %add3A_1423 = vector.broadcast %add3A_1422 : i32 to vector<16xi32>
      %add3A_1424 = arith.addi %add3A_1423, %masked_cumsum3A_1412 : vector<16xi32>
      %sub3A_1425 = arith.constant 1 : i32
      %sub3A_1426 = vector.broadcast %sub3A_1425 : i32 to vector<16xi32>
      %sub3A_1427 = arith.subi %add3A_1424, %sub3A_1426 : vector<16xi32>
      %broadcast_in_dim3A_1428 = vector.broadcast %add3A_6 : i32 to vector<16xi32>
      %select_n3A_1429 = arith.select %and3A_1421, %sub3A_1427, %broadcast_in_dim3A_1428 : vector<16xi1>, vector<16xi32>
      %swap3A_1430 = arith.constant 3 : i32
      %swap3A_1431 = arith.index_cast %swap3A_1430 : i32 to index
      %swap3A_1432 = arith.constant 48 : index
      %swap3A_1433 = tpu.vector_load %arg8[%swap3A_1431, %swap3A_1432] {strides = array<i32>} : memref<4x128xi32, #tpu.memory_space<vmem>>, vector<16xi32>,
      tpu.vector_store %arg8[%swap3A_1431, %swap3A_1432], %select_n3A_1429 {strides = array<i32>} : memref<4x128xi32, #tpu.memory_space<vmem>>, vector<16xi32>,
      %reduce_sum3A_1434 = arith.constant true
      %reduce_sum3A_1435 = vector.broadcast %reduce_sum3A_1434 : i1 to vector<16xi1>
      %reduce_sum3A_1436 = tpu.scan <sum>, %get3A_1409 masked %reduce_sum3A_1435 : vector<16xi32>, vector<16xi1> -> vector<16xi32>
      %reduce_sum3A_1437 = vector.extract %reduce_sum3A_1436[15] : i32 from vector<16xi32>
      %add3A_1438 = arith.addi %add3A_1407, %reduce_sum3A_1437 : i32
      %get3A_1439 = arith.constant 448 : index
      %get3A_1440 = tpu.vector_load %arg9[%get3A_1439] {strides = array<i32>} : memref<512xi32, #tpu.memory_space<vmem>>, vector<16xi32>,
      %broadcast_in_dim3A_1441 = arith.constant true
      %broadcast_in_dim3A_1442 = vector.broadcast %broadcast_in_dim3A_1441 : i1 to vector<16xi1>
      %masked_cumsum3A_1443 = tpu.scan <sum>, %get3A_1440 masked %broadcast_in_dim3A_1442 : vector<16xi32>, vector<16xi1> -> vector<16xi32>
      %add3A_1444 = arith.constant 448 : i32
      %add3A_1445 = arith.addi %min3A_96, %add3A_1444 : i32
      %add3A_1446 = vector.broadcast %add3A_1445 : i32 to vector<16xi32>
      %add3A_1447 = arith.addi %add3A_1446, %iota3A : vector<16xi32>
      %ge3A_1448 = vector.broadcast %max3A : i32 to vector<16xi32>
      %ge3A_1449 = arith.cmpi sge, %add3A_1447, %ge3A_1448 : vector<16xi32>
      %lt3A_1450 = vector.broadcast %select_n3A : i32 to vector<16xi32>
      %lt3A_1451 = arith.cmpi slt, %add3A_1447, %lt3A_1450 : vector<16xi32>
      %and3A_1452 = arith.andi %ge3A_1449, %lt3A_1451 : vector<16xi1>
      %add3A_1453 = arith.addi %mul3A_4, %add3A_1438 : i32
      %add3A_1454 = vector.broadcast %add3A_1453 : i32 to vector<16xi32>
      %add3A_1455 = arith.addi %add3A_1454, %masked_cumsum3A_1443 : vector<16xi32>
      %sub3A_1456 = arith.constant 1 : i32
      %sub3A_1457 = vector.broadcast %sub3A_1456 : i32 to vector<16xi32>
      %sub3A_1458 = arith.subi %add3A_1455, %sub3A_1457 : vector<16xi32>
      %broadcast_in_dim3A_1459 = vector.broadcast %add3A_6 : i32 to vector<16xi32>
      %select_n3A_1460 = arith.select %and3A_1452, %sub3A_1458, %broadcast_in_dim3A_1459 : vector<16xi1>, vector<16xi32>
      %swap3A_1461 = arith.constant 3 : i32
      %swap3A_1462 = arith.index_cast %swap3A_1461 : i32 to index
      %swap3A_1463 = arith.constant 64 : index
      %swap3A_1464 = tpu.vector_load %arg8[%swap3A_1462, %swap3A_1463] {strides = array<i32>} : memref<4x128xi32, #tpu.memory_space<vmem>>, vector<16xi32>,
      tpu.vector_store %arg8[%swap3A_1462, %swap3A_1463], %select_n3A_1460 {strides = array<i32>} : memref<4x128xi32, #tpu.memory_space<vmem>>, vector<16xi32>,
      %reduce_sum3A_1465 = arith.constant true
      %reduce_sum3A_1466 = vector.broadcast %reduce_sum3A_1465 : i1 to vector<16xi1>
      %reduce_sum3A_1467 = tpu.scan <sum>, %get3A_1440 masked %reduce_sum3A_1466 : vector<16xi32>, vector<16xi1> -> vector<16xi32>
      %reduce_sum3A_1468 = vector.extract %reduce_sum3A_1467[15] : i32 from vector<16xi32>
      %add3A_1469 = arith.addi %add3A_1438, %reduce_sum3A_1468 : i32
      %get3A_1470 = arith.constant 464 : index
      %get3A_1471 = tpu.vector_load %arg9[%get3A_1470] {strides = array<i32>} : memref<512xi32, #tpu.memory_space<vmem>>, vector<16xi32>,
      %broadcast_in_dim3A_1472 = arith.constant true
      %broadcast_in_dim3A_1473 = vector.broadcast %broadcast_in_dim3A_1472 : i1 to vector<16xi1>
      %masked_cumsum3A_1474 = tpu.scan <sum>, %get3A_1471 masked %broadcast_in_dim3A_1473 : vector<16xi32>, vector<16xi1> -> vector<16xi32>
      %add3A_1475 = arith.constant 464 : i32
      %add3A_1476 = arith.addi %min3A_96, %add3A_1475 : i32
      %add3A_1477 = vector.broadcast %add3A_1476 : i32 to vector<16xi32>
      %add3A_1478 = arith.addi %add3A_1477, %iota3A : vector<16xi32>
      %ge3A_1479 = vector.broadcast %max3A : i32 to vector<16xi32>
      %ge3A_1480 = arith.cmpi sge, %add3A_1478, %ge3A_1479 : vector<16xi32>
      %lt3A_1481 = vector.broadcast %select_n3A : i32 to vector<16xi32>
      %lt3A_1482 = arith.cmpi slt, %add3A_1478, %lt3A_1481 : vector<16xi32>
      %and3A_1483 = arith.andi %ge3A_1480, %lt3A_1482 : vector<16xi1>
      %add3A_1484 = arith.addi %mul3A_4, %add3A_1469 : i32
      %add3A_1485 = vector.broadcast %add3A_1484 : i32 to vector<16xi32>
      %add3A_1486 = arith.addi %add3A_1485, %masked_cumsum3A_1474 : vector<16xi32>
      %sub3A_1487 = arith.constant 1 : i32
      %sub3A_1488 = vector.broadcast %sub3A_1487 : i32 to vector<16xi32>
      %sub3A_1489 = arith.subi %add3A_1486, %sub3A_1488 : vector<16xi32>
      %broadcast_in_dim3A_1490 = vector.broadcast %add3A_6 : i32 to vector<16xi32>
      %select_n3A_1491 = arith.select %and3A_1483, %sub3A_1489, %broadcast_in_dim3A_1490 : vector<16xi1>, vector<16xi32>
      %swap3A_1492 = arith.constant 3 : i32
      %swap3A_1493 = arith.index_cast %swap3A_1492 : i32 to index
      %swap3A_1494 = arith.constant 80 : index
      %swap3A_1495 = tpu.vector_load %arg8[%swap3A_1493, %swap3A_1494] {strides = array<i32>} : memref<4x128xi32, #tpu.memory_space<vmem>>, vector<16xi32>,
      tpu.vector_store %arg8[%swap3A_1493, %swap3A_1494], %select_n3A_1491 {strides = array<i32>} : memref<4x128xi32, #tpu.memory_space<vmem>>, vector<16xi32>,
      %reduce_sum3A_1496 = arith.constant true
      %reduce_sum3A_1497 = vector.broadcast %reduce_sum3A_1496 : i1 to vector<16xi1>
      %reduce_sum3A_1498 = tpu.scan <sum>, %get3A_1471 masked %reduce_sum3A_1497 : vector<16xi32>, vector<16xi1> -> vector<16xi32>
      %reduce_sum3A_1499 = vector.extract %reduce_sum3A_1498[15] : i32 from vector<16xi32>
      %add3A_1500 = arith.addi %add3A_1469, %reduce_sum3A_1499 : i32
      %get3A_1501 = arith.constant 480 : index
      %get3A_1502 = tpu.vector_load %arg9[%get3A_1501] {strides = array<i32>} : memref<512xi32, #tpu.memory_space<vmem>>, vector<16xi32>,
      %broadcast_in_dim3A_1503 = arith.constant true
      %broadcast_in_dim3A_1504 = vector.broadcast %broadcast_in_dim3A_1503 : i1 to vector<16xi1>
      %masked_cumsum3A_1505 = tpu.scan <sum>, %get3A_1502 masked %broadcast_in_dim3A_1504 : vector<16xi32>, vector<16xi1> -> vector<16xi32>
      %add3A_1506 = arith.constant 480 : i32
      %add3A_1507 = arith.addi %min3A_96, %add3A_1506 : i32
      %add3A_1508 = vector.broadcast %add3A_1507 : i32 to vector<16xi32>
      %add3A_1509 = arith.addi %add3A_1508, %iota3A : vector<16xi32>
      %ge3A_1510 = vector.broadcast %max3A : i32 to vector<16xi32>
      %ge3A_1511 = arith.cmpi sge, %add3A_1509, %ge3A_1510 : vector<16xi32>
      %lt3A_1512 = vector.broadcast %select_n3A : i32 to vector<16xi32>
      %lt3A_1513 = arith.cmpi slt, %add3A_1509, %lt3A_1512 : vector<16xi32>
      %and3A_1514 = arith.andi %ge3A_1511, %lt3A_1513 : vector<16xi1>
      %add3A_1515 = arith.addi %mul3A_4, %add3A_1500 : i32
      %add3A_1516 = vector.broadcast %add3A_1515 : i32 to vector<16xi32>
      %add3A_1517 = arith.addi %add3A_1516, %masked_cumsum3A_1505 : vector<16xi32>
      %sub3A_1518 = arith.constant 1 : i32
      %sub3A_1519 = vector.broadcast %sub3A_1518 : i32 to vector<16xi32>
      %sub3A_1520 = arith.subi %add3A_1517, %sub3A_1519 : vector<16xi32>
      %broadcast_in_dim3A_1521 = vector.broadcast %add3A_6 : i32 to vector<16xi32>
      %select_n3A_1522 = arith.select %and3A_1514, %sub3A_1520, %broadcast_in_dim3A_1521 : vector<16xi1>, vector<16xi32>
      %swap3A_1523 = arith.constant 3 : i32
      %swap3A_1524 = arith.index_cast %swap3A_1523 : i32 to index
      %swap3A_1525 = arith.constant 96 : index
      %swap3A_1526 = tpu.vector_load %arg8[%swap3A_1524, %swap3A_1525] {strides = array<i32>} : memref<4x128xi32, #tpu.memory_space<vmem>>, vector<16xi32>,
      tpu.vector_store %arg8[%swap3A_1524, %swap3A_1525], %select_n3A_1522 {strides = array<i32>} : memref<4x128xi32, #tpu.memory_space<vmem>>, vector<16xi32>,
      %reduce_sum3A_1527 = arith.constant true
      %reduce_sum3A_1528 = vector.broadcast %reduce_sum3A_1527 : i1 to vector<16xi1>
      %reduce_sum3A_1529 = tpu.scan <sum>, %get3A_1502 masked %reduce_sum3A_1528 : vector<16xi32>, vector<16xi1> -> vector<16xi32>
      %reduce_sum3A_1530 = vector.extract %reduce_sum3A_1529[15] : i32 from vector<16xi32>
      %add3A_1531 = arith.addi %add3A_1500, %reduce_sum3A_1530 : i32
      %get3A_1532 = arith.constant 496 : index
      %get3A_1533 = tpu.vector_load %arg9[%get3A_1532] {strides = array<i32>} : memref<512xi32, #tpu.memory_space<vmem>>, vector<16xi32>,
      %broadcast_in_dim3A_1534 = arith.constant true
      %broadcast_in_dim3A_1535 = vector.broadcast %broadcast_in_dim3A_1534 : i1 to vector<16xi1>
      %masked_cumsum3A_1536 = tpu.scan <sum>, %get3A_1533 masked %broadcast_in_dim3A_1535 : vector<16xi32>, vector<16xi1> -> vector<16xi32>
      %add3A_1537 = arith.constant 496 : i32
      %add3A_1538 = arith.addi %min3A_96, %add3A_1537 : i32
      %add3A_1539 = vector.broadcast %add3A_1538 : i32 to vector<16xi32>
      %add3A_1540 = arith.addi %add3A_1539, %iota3A : vector<16xi32>
      %ge3A_1541 = vector.broadcast %max3A : i32 to vector<16xi32>
      %ge3A_1542 = arith.cmpi sge, %add3A_1540, %ge3A_1541 : vector<16xi32>
      %lt3A_1543 = vector.broadcast %select_n3A : i32 to vector<16xi32>
      %lt3A_1544 = arith.cmpi slt, %add3A_1540, %lt3A_1543 : vector<16xi32>
      %and3A_1545 = arith.andi %ge3A_1542, %lt3A_1544 : vector<16xi1>
      %add3A_1546 = arith.addi %mul3A_4, %add3A_1531 : i32
      %add3A_1547 = vector.broadcast %add3A_1546 : i32 to vector<16xi32>
      %add3A_1548 = arith.addi %add3A_1547, %masked_cumsum3A_1536 : vector<16xi32>
      %sub3A_1549 = arith.constant 1 : i32
      %sub3A_1550 = vector.broadcast %sub3A_1549 : i32 to vector<16xi32>
      %sub3A_1551 = arith.subi %add3A_1548, %sub3A_1550 : vector<16xi32>
      %broadcast_in_dim3A_1552 = vector.broadcast %add3A_6 : i32 to vector<16xi32>
      %select_n3A_1553 = arith.select %and3A_1545, %sub3A_1551, %broadcast_in_dim3A_1552 : vector<16xi1>, vector<16xi32>
      %swap3A_1554 = arith.constant 3 : i32
      %swap3A_1555 = arith.index_cast %swap3A_1554 : i32 to index
      %swap3A_1556 = arith.constant 112 : index
      %swap3A_1557 = tpu.vector_load %arg8[%swap3A_1555, %swap3A_1556] {strides = array<i32>} : memref<4x128xi32, #tpu.memory_space<vmem>>, vector<16xi32>,
      tpu.vector_store %arg8[%swap3A_1555, %swap3A_1556], %select_n3A_1553 {strides = array<i32>} : memref<4x128xi32, #tpu.memory_space<vmem>>, vector<16xi32>,
      %reduce_sum3A_1558 = arith.constant true
      %reduce_sum3A_1559 = vector.broadcast %reduce_sum3A_1558 : i1 to vector<16xi1>
      %reduce_sum3A_1560 = tpu.scan <sum>, %get3A_1533 masked %reduce_sum3A_1559 : vector<16xi32>, vector<16xi1> -> vector<16xi32>
      %reduce_sum3A_1561 = vector.extract %reduce_sum3A_1560[15] : i32 from vector<16xi32>
      %add3A_1562 = arith.addi %add3A_1531, %reduce_sum3A_1561 : i32
      %dma_wait3A = arith.constant 0 : i32
      %dma_wait3A_1563 = arith.constant 0 : i32
      %dma_wait3A_1564 = tpu.memref_slice %arg10[%dma_wait3A, %dma_wait3A_1563] : memref<512x64xf32, #tpu.memory_space<vmem>> -> memref<128x64xf32, #tpu.memory_space<vmem>>
      %dma_wait3A_1565 = arith.constant 0 : i32
      %dma_wait3A_1566 = tpu.memref_slice %arg7[%dma_wait3A_1565] : memref<512xi32, #tpu.memory_space<vmem>> -> memref<128xi32, #tpu.memory_space<vmem>>
      %dma_wait3A_1567 = arith.constant 0 : i32
      %dma_wait3A_1568 = arith.constant 0 : i32
      %dma_wait3A_1569 = tpu.memref_slice %arg4[%dma_wait3A_1567, %dma_wait3A_1568] : memref<1000000x64xf32, #tpu.memory_space<hbm>> -> memref<1000000x64xf32, #tpu.memory_space<hbm>>
      tpu.wait_indirect_dma semaphore(%arg12 : memref<!tpu.dma_semaphore, #tpu.memory_space<semaphore_mem>>) src(%dma_wait3A_1569 : memref<1000000x64xf32, #tpu.memory_space<hbm>>) dst(%dma_wait3A_1564 : memref<128x64xf32, #tpu.memory_space<vmem>>)
      %dma_wait3A_1570 = arith.constant 128 : i32
      %dma_wait3A_1571 = arith.constant 0 : i32
      %dma_wait3A_1572 = tpu.memref_slice %arg10[%dma_wait3A_1570, %dma_wait3A_1571] : memref<512x64xf32, #tpu.memory_space<vmem>> -> memref<128x64xf32, #tpu.memory_space<vmem>>
      %dma_wait3A_1573 = arith.constant 128 : i32
      %dma_wait3A_1574 = tpu.memref_slice %arg7[%dma_wait3A_1573] : memref<512xi32, #tpu.memory_space<vmem>> -> memref<128xi32, #tpu.memory_space<vmem>>
      %dma_wait3A_1575 = arith.constant 0 : i32
      %dma_wait3A_1576 = arith.constant 0 : i32
      %dma_wait3A_1577 = tpu.memref_slice %arg4[%dma_wait3A_1575, %dma_wait3A_1576] : memref<1000000x64xf32, #tpu.memory_space<hbm>> -> memref<1000000x64xf32, #tpu.memory_space<hbm>>
      tpu.wait_indirect_dma semaphore(%arg12 : memref<!tpu.dma_semaphore, #tpu.memory_space<semaphore_mem>>) src(%dma_wait3A_1577 : memref<1000000x64xf32, #tpu.memory_space<hbm>>) dst(%dma_wait3A_1572 : memref<128x64xf32, #tpu.memory_space<vmem>>)
      %dma_wait3A_1578 = arith.constant 256 : i32
      %dma_wait3A_1579 = arith.constant 0 : i32
      %dma_wait3A_1580 = tpu.memref_slice %arg10[%dma_wait3A_1578, %dma_wait3A_1579] : memref<512x64xf32, #tpu.memory_space<vmem>> -> memref<128x64xf32, #tpu.memory_space<vmem>>
      %dma_wait3A_1581 = arith.constant 256 : i32
      %dma_wait3A_1582 = tpu.memref_slice %arg7[%dma_wait3A_1581] : memref<512xi32, #tpu.memory_space<vmem>> -> memref<128xi32, #tpu.memory_space<vmem>>
      %dma_wait3A_1583 = arith.constant 0 : i32
      %dma_wait3A_1584 = arith.constant 0 : i32
      %dma_wait3A_1585 = tpu.memref_slice %arg4[%dma_wait3A_1583, %dma_wait3A_1584] : memref<1000000x64xf32, #tpu.memory_space<hbm>> -> memref<1000000x64xf32, #tpu.memory_space<hbm>>
      tpu.wait_indirect_dma semaphore(%arg12 : memref<!tpu.dma_semaphore, #tpu.memory_space<semaphore_mem>>) src(%dma_wait3A_1585 : memref<1000000x64xf32, #tpu.memory_space<hbm>>) dst(%dma_wait3A_1580 : memref<128x64xf32, #tpu.memory_space<vmem>>)
      %dma_wait3A_1586 = arith.constant 384 : i32
      %dma_wait3A_1587 = arith.constant 0 : i32
      %dma_wait3A_1588 = tpu.memref_slice %arg10[%dma_wait3A_1586, %dma_wait3A_1587] : memref<512x64xf32, #tpu.memory_space<vmem>> -> memref<128x64xf32, #tpu.memory_space<vmem>>
      %dma_wait3A_1589 = arith.constant 384 : i32
      %dma_wait3A_1590 = tpu.memref_slice %arg7[%dma_wait3A_1589] : memref<512xi32, #tpu.memory_space<vmem>> -> memref<128xi32, #tpu.memory_space<vmem>>
      %dma_wait3A_1591 = arith.constant 0 : i32
      %dma_wait3A_1592 = arith.constant 0 : i32
      %dma_wait3A_1593 = tpu.memref_slice %arg4[%dma_wait3A_1591, %dma_wait3A_1592] : memref<1000000x64xf32, #tpu.memory_space<hbm>> -> memref<1000000x64xf32, #tpu.memory_space<hbm>>
      tpu.wait_indirect_dma semaphore(%arg12 : memref<!tpu.dma_semaphore, #tpu.memory_space<semaphore_mem>>) src(%dma_wait3A_1593 : memref<1000000x64xf32, #tpu.memory_space<hbm>>) dst(%dma_wait3A_1588 : memref<128x64xf32, #tpu.memory_space<vmem>>)
      %run_scoped3A = arith.constant 0 : i32
      "tpu.region"() ({
        %run_scoped3A_1597 = tpu.sem_alloc : memref<!tpu.dma_semaphore, #tpu.memory_space<semaphore_mem>>
        %dma_start3A_1598 = arith.constant 0 : i32
        %dma_start3A_1599 = arith.constant 0 : i32
        %dma_start3A_1600 = tpu.memref_slice %arg10[%dma_start3A_1598, %dma_start3A_1599] : memref<512x64xf32, #tpu.memory_space<vmem>> -> memref<128x64xf32, #tpu.memory_space<vmem>>
        %dma_start3A_1601 = arith.constant 0 : i32
        %dma_start3A_1602 = tpu.memref_slice %arg8[%run_scoped3A, %dma_start3A_1601] : memref<4x128xi32, #tpu.memory_space<vmem>> -> memref<1x128xi32, #tpu.memory_space<vmem>>
        %dma_start3A_1603 = tpu.memref_squeeze %dma_start3A_1602 : memref<1x128xi32, #tpu.memory_space<vmem>> -> memref<128xi32, #tpu.memory_space<vmem>>
        %dma_start3A_1604 = arith.constant 0 : i32
        %dma_start3A_1605 = arith.constant 0 : i32
        %dma_start3A_1606 = tpu.memref_slice %arg11[%dma_start3A_1604, %dma_start3A_1605] : memref<8208x64xf32, #tpu.memory_space<vmem_shared>> -> memref<8208x64xf32, #tpu.memory_space<vmem_shared>>
        tpu.enqueue_indirect_dma source(%dma_start3A_1600 : memref<128x64xf32, #tpu.memory_space<vmem>>) target(%dma_start3A_1606 : memref<8208x64xf32, #tpu.memory_space<vmem_shared>>) offsets(%dma_start3A_1603 : memref<128xi32, #tpu.memory_space<vmem>>) semaphore(%run_scoped3A_1597 : memref<!tpu.dma_semaphore, #tpu.memory_space<semaphore_mem>>) {add = true}
        %dma_wait3A_1607 = arith.constant 0 : i32
        %dma_wait3A_1608 = arith.constant 0 : i32
        %dma_wait3A_1609 = tpu.memref_slice %arg10[%dma_wait3A_1607, %dma_wait3A_1608] : memref<512x64xf32, #tpu.memory_space<vmem>> -> memref<128x64xf32, #tpu.memory_space<vmem>>
        %dma_wait3A_1610 = arith.constant 0 : i32
        %dma_wait3A_1611 = tpu.memref_slice %arg8[%run_scoped3A, %dma_wait3A_1610] : memref<4x128xi32, #tpu.memory_space<vmem>> -> memref<1x128xi32, #tpu.memory_space<vmem>>
        %dma_wait3A_1612 = tpu.memref_squeeze %dma_wait3A_1611 : memref<1x128xi32, #tpu.memory_space<vmem>> -> memref<128xi32, #tpu.memory_space<vmem>>
        %dma_wait3A_1613 = arith.constant 0 : i32
        %dma_wait3A_1614 = arith.constant 0 : i32
        %dma_wait3A_1615 = tpu.memref_slice %arg11[%dma_wait3A_1613, %dma_wait3A_1614] : memref<8208x64xf32, #tpu.memory_space<vmem_shared>> -> memref<8208x64xf32, #tpu.memory_space<vmem_shared>>
        tpu.wait_indirect_dma semaphore(%run_scoped3A_1597 : memref<!tpu.dma_semaphore, #tpu.memory_space<semaphore_mem>>) src(%dma_wait3A_1609 : memref<128x64xf32, #tpu.memory_space<vmem>>) dst(%dma_wait3A_1615 : memref<8208x64xf32, #tpu.memory_space<vmem_shared>>)
        tpu.yield
      }) : () -> ()
      %run_scoped3A_1594 = arith.constant 1 : i32
      "tpu.region"() ({
        %run_scoped3A_1597 = tpu.sem_alloc : memref<!tpu.dma_semaphore, #tpu.memory_space<semaphore_mem>>
        %dma_start3A_1598 = arith.constant 128 : i32
        %dma_start3A_1599 = arith.constant 0 : i32
        %dma_start3A_1600 = tpu.memref_slice %arg10[%dma_start3A_1598, %dma_start3A_1599] : memref<512x64xf32, #tpu.memory_space<vmem>> -> memref<128x64xf32, #tpu.memory_space<vmem>>
        %dma_start3A_1601 = arith.constant 0 : i32
        %dma_start3A_1602 = tpu.memref_slice %arg8[%run_scoped3A_1594, %dma_start3A_1601] : memref<4x128xi32, #tpu.memory_space<vmem>> -> memref<1x128xi32, #tpu.memory_space<vmem>>
        %dma_start3A_1603 = tpu.memref_squeeze %dma_start3A_1602 : memref<1x128xi32, #tpu.memory_space<vmem>> -> memref<128xi32, #tpu.memory_space<vmem>>
        %dma_start3A_1604 = arith.constant 0 : i32
        %dma_start3A_1605 = arith.constant 0 : i32
        %dma_start3A_1606 = tpu.memref_slice %arg11[%dma_start3A_1604, %dma_start3A_1605] : memref<8208x64xf32, #tpu.memory_space<vmem_shared>> -> memref<8208x64xf32, #tpu.memory_space<vmem_shared>>
        tpu.enqueue_indirect_dma source(%dma_start3A_1600 : memref<128x64xf32, #tpu.memory_space<vmem>>) target(%dma_start3A_1606 : memref<8208x64xf32, #tpu.memory_space<vmem_shared>>) offsets(%dma_start3A_1603 : memref<128xi32, #tpu.memory_space<vmem>>) semaphore(%run_scoped3A_1597 : memref<!tpu.dma_semaphore, #tpu.memory_space<semaphore_mem>>) {add = true}
        %dma_wait3A_1607 = arith.constant 128 : i32
        %dma_wait3A_1608 = arith.constant 0 : i32
        %dma_wait3A_1609 = tpu.memref_slice %arg10[%dma_wait3A_1607, %dma_wait3A_1608] : memref<512x64xf32, #tpu.memory_space<vmem>> -> memref<128x64xf32, #tpu.memory_space<vmem>>
        %dma_wait3A_1610 = arith.constant 0 : i32
        %dma_wait3A_1611 = tpu.memref_slice %arg8[%run_scoped3A_1594, %dma_wait3A_1610] : memref<4x128xi32, #tpu.memory_space<vmem>> -> memref<1x128xi32, #tpu.memory_space<vmem>>
        %dma_wait3A_1612 = tpu.memref_squeeze %dma_wait3A_1611 : memref<1x128xi32, #tpu.memory_space<vmem>> -> memref<128xi32, #tpu.memory_space<vmem>>
        %dma_wait3A_1613 = arith.constant 0 : i32
        %dma_wait3A_1614 = arith.constant 0 : i32
        %dma_wait3A_1615 = tpu.memref_slice %arg11[%dma_wait3A_1613, %dma_wait3A_1614] : memref<8208x64xf32, #tpu.memory_space<vmem_shared>> -> memref<8208x64xf32, #tpu.memory_space<vmem_shared>>
        tpu.wait_indirect_dma semaphore(%run_scoped3A_1597 : memref<!tpu.dma_semaphore, #tpu.memory_space<semaphore_mem>>) src(%dma_wait3A_1609 : memref<128x64xf32, #tpu.memory_space<vmem>>) dst(%dma_wait3A_1615 : memref<8208x64xf32, #tpu.memory_space<vmem_shared>>)
        tpu.yield
      }) : () -> ()
      %run_scoped3A_1595 = arith.constant 2 : i32
      "tpu.region"() ({
        %run_scoped3A_1597 = tpu.sem_alloc : memref<!tpu.dma_semaphore, #tpu.memory_space<semaphore_mem>>
        %dma_start3A_1598 = arith.constant 256 : i32
        %dma_start3A_1599 = arith.constant 0 : i32
        %dma_start3A_1600 = tpu.memref_slice %arg10[%dma_start3A_1598, %dma_start3A_1599] : memref<512x64xf32, #tpu.memory_space<vmem>> -> memref<128x64xf32, #tpu.memory_space<vmem>>
        %dma_start3A_1601 = arith.constant 0 : i32
        %dma_start3A_1602 = tpu.memref_slice %arg8[%run_scoped3A_1595, %dma_start3A_1601] : memref<4x128xi32, #tpu.memory_space<vmem>> -> memref<1x128xi32, #tpu.memory_space<vmem>>
        %dma_start3A_1603 = tpu.memref_squeeze %dma_start3A_1602 : memref<1x128xi32, #tpu.memory_space<vmem>> -> memref<128xi32, #tpu.memory_space<vmem>>
        %dma_start3A_1604 = arith.constant 0 : i32
        %dma_start3A_1605 = arith.constant 0 : i32
        %dma_start3A_1606 = tpu.memref_slice %arg11[%dma_start3A_1604, %dma_start3A_1605] : memref<8208x64xf32, #tpu.memory_space<vmem_shared>> -> memref<8208x64xf32, #tpu.memory_space<vmem_shared>>
        tpu.enqueue_indirect_dma source(%dma_start3A_1600 : memref<128x64xf32, #tpu.memory_space<vmem>>) target(%dma_start3A_1606 : memref<8208x64xf32, #tpu.memory_space<vmem_shared>>) offsets(%dma_start3A_1603 : memref<128xi32, #tpu.memory_space<vmem>>) semaphore(%run_scoped3A_1597 : memref<!tpu.dma_semaphore, #tpu.memory_space<semaphore_mem>>) {add = true}
        %dma_wait3A_1607 = arith.constant 256 : i32
        %dma_wait3A_1608 = arith.constant 0 : i32
        %dma_wait3A_1609 = tpu.memref_slice %arg10[%dma_wait3A_1607, %dma_wait3A_1608] : memref<512x64xf32, #tpu.memory_space<vmem>> -> memref<128x64xf32, #tpu.memory_space<vmem>>
        %dma_wait3A_1610 = arith.constant 0 : i32
        %dma_wait3A_1611 = tpu.memref_slice %arg8[%run_scoped3A_1595, %dma_wait3A_1610] : memref<4x128xi32, #tpu.memory_space<vmem>> -> memref<1x128xi32, #tpu.memory_space<vmem>>
        %dma_wait3A_1612 = tpu.memref_squeeze %dma_wait3A_1611 : memref<1x128xi32, #tpu.memory_space<vmem>> -> memref<128xi32, #tpu.memory_space<vmem>>
        %dma_wait3A_1613 = arith.constant 0 : i32
        %dma_wait3A_1614 = arith.constant 0 : i32
        %dma_wait3A_1615 = tpu.memref_slice %arg11[%dma_wait3A_1613, %dma_wait3A_1614] : memref<8208x64xf32, #tpu.memory_space<vmem_shared>> -> memref<8208x64xf32, #tpu.memory_space<vmem_shared>>
        tpu.wait_indirect_dma semaphore(%run_scoped3A_1597 : memref<!tpu.dma_semaphore, #tpu.memory_space<semaphore_mem>>) src(%dma_wait3A_1609 : memref<128x64xf32, #tpu.memory_space<vmem>>) dst(%dma_wait3A_1615 : memref<8208x64xf32, #tpu.memory_space<vmem_shared>>)
        tpu.yield
      }) : () -> ()
      %run_scoped3A_1596 = arith.constant 3 : i32
      "tpu.region"() ({
        %run_scoped3A_1597 = tpu.sem_alloc : memref<!tpu.dma_semaphore, #tpu.memory_space<semaphore_mem>>
        %dma_start3A_1598 = arith.constant 384 : i32
        %dma_start3A_1599 = arith.constant 0 : i32
        %dma_start3A_1600 = tpu.memref_slice %arg10[%dma_start3A_1598, %dma_start3A_1599] : memref<512x64xf32, #tpu.memory_space<vmem>> -> memref<128x64xf32, #tpu.memory_space<vmem>>
        %dma_start3A_1601 = arith.constant 0 : i32
        %dma_start3A_1602 = tpu.memref_slice %arg8[%run_scoped3A_1596, %dma_start3A_1601] : memref<4x128xi32, #tpu.memory_space<vmem>> -> memref<1x128xi32, #tpu.memory_space<vmem>>
        %dma_start3A_1603 = tpu.memref_squeeze %dma_start3A_1602 : memref<1x128xi32, #tpu.memory_space<vmem>> -> memref<128xi32, #tpu.memory_space<vmem>>
        %dma_start3A_1604 = arith.constant 0 : i32
        %dma_start3A_1605 = arith.constant 0 : i32
        %dma_start3A_1606 = tpu.memref_slice %arg11[%dma_start3A_1604, %dma_start3A_1605] : memref<8208x64xf32, #tpu.memory_space<vmem_shared>> -> memref<8208x64xf32, #tpu.memory_space<vmem_shared>>
        tpu.enqueue_indirect_dma source(%dma_start3A_1600 : memref<128x64xf32, #tpu.memory_space<vmem>>) target(%dma_start3A_1606 : memref<8208x64xf32, #tpu.memory_space<vmem_shared>>) offsets(%dma_start3A_1603 : memref<128xi32, #tpu.memory_space<vmem>>) semaphore(%run_scoped3A_1597 : memref<!tpu.dma_semaphore, #tpu.memory_space<semaphore_mem>>) {add = true}
        %dma_wait3A_1607 = arith.constant 384 : i32
        %dma_wait3A_1608 = arith.constant 0 : i32
        %dma_wait3A_1609 = tpu.memref_slice %arg10[%dma_wait3A_1607, %dma_wait3A_1608] : memref<512x64xf32, #tpu.memory_space<vmem>> -> memref<128x64xf32, #tpu.memory_space<vmem>>
        %dma_wait3A_1610 = arith.constant 0 : i32
        %dma_wait3A_1611 = tpu.memref_slice %arg8[%run_scoped3A_1596, %dma_wait3A_1610] : memref<4x128xi32, #tpu.memory_space<vmem>> -> memref<1x128xi32, #tpu.memory_space<vmem>>
        %dma_wait3A_1612 = tpu.memref_squeeze %dma_wait3A_1611 : memref<1x128xi32, #tpu.memory_space<vmem>> -> memref<128xi32, #tpu.memory_space<vmem>>
        %dma_wait3A_1613 = arith.constant 0 : i32
        %dma_wait3A_1614 = arith.constant 0 : i32
        %dma_wait3A_1615 = tpu.memref_slice %arg11[%dma_wait3A_1613, %dma_wait3A_1614] : memref<8208x64xf32, #tpu.memory_space<vmem_shared>> -> memref<8208x64xf32, #tpu.memory_space<vmem_shared>>
        tpu.wait_indirect_dma semaphore(%run_scoped3A_1597 : memref<!tpu.dma_semaphore, #tpu.memory_space<semaphore_mem>>) src(%dma_wait3A_1609 : memref<128x64xf32, #tpu.memory_space<vmem>>) dst(%dma_wait3A_1615 : memref<8208x64xf32, #tpu.memory_space<vmem_shared>>)
        tpu.yield
      }) : () -> ()
      scf.yield %add3A_1562 : i32
    }
    %while3A_83 = arith.constant 1 : i32
    %while3A_84 = scf.for %while3A_91 = %while3A_80 to %while3A_76 step %while3A_83 iter_args(%while3A_92 = %while3A_82) -> (i32)  : i32 {
      %mul3A_93 = arith.constant 512 : i32
      %mul3A_94 = arith.muli %while3A_91, %mul3A_93 : i32
      %add3A_95 = arith.addi %mul3A_32, %mul3A_94 : i32
      %min3A = arith.constant 163328 : i32
      %min3A_96 = arith.minsi %add3A_95, %min3A : i32
      "tpu.region"() ({
        %run_scoped3A_1597 = tpu.sem_alloc : memref<!tpu.dma_semaphore, #tpu.memory_space<semaphore_mem>>
        %dma_start3A_1598 = tpu.memref_slice %arg2[%min3A_96] : memref<163840xi32, #tpu.memory_space<hbm>> -> memref<512xi32, #tpu.memory_space<hbm>>
        %dma_start3A_1599 = tpu.memref_slice %arg2[%min3A_96] : memref<163840xi32, #tpu.memory_space<hbm>> -> memref<512xi32, #tpu.memory_space<hbm>>
        tpu.enqueue_dma source(%dma_start3A_1599 : memref<512xi32, #tpu.memory_space<hbm>>) target(%arg7 : memref<512xi32, #tpu.memory_space<vmem>>) target_semaphore(%run_scoped3A_1597 : memref<!tpu.dma_semaphore, #tpu.memory_space<semaphore_mem>>)
        %dma_wait3A_1600 = tpu.memref_slice %arg2[%min3A_96] : memref<163840xi32, #tpu.memory_space<hbm>> -> memref<512xi32, #tpu.memory_space<hbm>>
        %dma_wait3A_1601 = tpu.memref_slice %arg2[%min3A_96] : memref<163840xi32, #tpu.memory_space<hbm>> -> memref<512xi32, #tpu.memory_space<hbm>>
        tpu.wait_dma2 semaphore(%run_scoped3A_1597 : memref<!tpu.dma_semaphore, #tpu.memory_space<semaphore_mem>>) src(%dma_wait3A_1601 : memref<512xi32, #tpu.memory_space<hbm>>) dst(%arg7 : memref<512xi32, #tpu.memory_space<vmem>>)
        tpu.yield
      }) : () -> ()
      %dma_start3A = arith.constant 0 : i32
      %dma_start3A_97 = arith.constant 0 : i32
      %dma_start3A_98 = tpu.memref_slice %arg10[%dma_start3A, %dma_start3A_97] : memref<512x64xf32, #tpu.memory_space<vmem>> -> memref<128x64xf32, #tpu.memory_space<vmem>>
      %dma_start3A_99 = arith.constant 0 : i32
      %dma_start3A_100 = tpu.memref_slice %arg7[%dma_start3A_99] : memref<512xi32, #tpu.memory_space<vmem>> -> memref<128xi32, #tpu.memory_space<vmem>>
      %dma_start3A_101 = arith.constant 0 : i32
      %dma_start3A_102 = arith.constant 0 : i32
      %dma_start3A_103 = tpu.memref_slice %arg4[%dma_start3A_101, %dma_start3A_102] : memref<1000000x64xf32, #tpu.memory_space<hbm>> -> memref<1000000x64xf32, #tpu.memory_space<hbm>>
      tpu.enqueue_indirect_dma source(%dma_start3A_103 : memref<1000000x64xf32, #tpu.memory_space<hbm>>) target(%dma_start3A_98 : memref<128x64xf32, #tpu.memory_space<vmem>>) offsets(%dma_start3A_100 : memref<128xi32, #tpu.memory_space<vmem>>) semaphore(%arg12 : memref<!tpu.dma_semaphore, #tpu.memory_space<semaphore_mem>>)
      %dma_start3A_104 = arith.constant 128 : i32
      %dma_start3A_105 = arith.constant 0 : i32
      %dma_start3A_106 = tpu.memref_slice %arg10[%dma_start3A_104, %dma_start3A_105] : memref<512x64xf32, #tpu.memory_space<vmem>> -> memref<128x64xf32, #tpu.memory_space<vmem>>
      %dma_start3A_107 = arith.constant 128 : i32
      %dma_start3A_108 = tpu.memref_slice %arg7[%dma_start3A_107] : memref<512xi32, #tpu.memory_space<vmem>> -> memref<128xi32, #tpu.memory_space<vmem>>
      %dma_start3A_109 = arith.constant 0 : i32
      %dma_start3A_110 = arith.constant 0 : i32
      %dma_start3A_111 = tpu.memref_slice %arg4[%dma_start3A_109, %dma_start3A_110] : memref<1000000x64xf32, #tpu.memory_space<hbm>> -> memref<1000000x64xf32, #tpu.memory_space<hbm>>
      tpu.enqueue_indirect_dma source(%dma_start3A_111 : memref<1000000x64xf32, #tpu.memory_space<hbm>>) target(%dma_start3A_106 : memref<128x64xf32, #tpu.memory_space<vmem>>) offsets(%dma_start3A_108 : memref<128xi32, #tpu.memory_space<vmem>>) semaphore(%arg12 : memref<!tpu.dma_semaphore, #tpu.memory_space<semaphore_mem>>)
      %dma_start3A_112 = arith.constant 256 : i32
      %dma_start3A_113 = arith.constant 0 : i32
      %dma_start3A_114 = tpu.memref_slice %arg10[%dma_start3A_112, %dma_start3A_113] : memref<512x64xf32, #tpu.memory_space<vmem>> -> memref<128x64xf32, #tpu.memory_space<vmem>>
      %dma_start3A_115 = arith.constant 256 : i32
      %dma_start3A_116 = tpu.memref_slice %arg7[%dma_start3A_115] : memref<512xi32, #tpu.memory_space<vmem>> -> memref<128xi32, #tpu.memory_space<vmem>>
      %dma_start3A_117 = arith.constant 0 : i32
      %dma_start3A_118 = arith.constant 0 : i32
      %dma_start3A_119 = tpu.memref_slice %arg4[%dma_start3A_117, %dma_start3A_118] : memref<1000000x64xf32, #tpu.memory_space<hbm>> -> memref<1000000x64xf32, #tpu.memory_space<hbm>>
      tpu.enqueue_indirect_dma source(%dma_start3A_119 : memref<1000000x64xf32, #tpu.memory_space<hbm>>) target(%dma_start3A_114 : memref<128x64xf32, #tpu.memory_space<vmem>>) offsets(%dma_start3A_116 : memref<128xi32, #tpu.memory_space<vmem>>) semaphore(%arg12 : memref<!tpu.dma_semaphore, #tpu.memory_space<semaphore_mem>>)
      %dma_start3A_120 = arith.constant 384 : i32
      %dma_start3A_121 = arith.constant 0 : i32
      %dma_start3A_122 = tpu.memref_slice %arg10[%dma_start3A_120, %dma_start3A_121] : memref<512x64xf32, #tpu.memory_space<vmem>> -> memref<128x64xf32, #tpu.memory_space<vmem>>
      %dma_start3A_123 = arith.constant 384 : i32
      %dma_start3A_124 = tpu.memref_slice %arg7[%dma_start3A_123] : memref<512xi32, #tpu.memory_space<vmem>> -> memref<128xi32, #tpu.memory_space<vmem>>
      %dma_start3A_125 = arith.constant 0 : i32
      %dma_start3A_126 = arith.constant 0 : i32
      %dma_start3A_127 = tpu.memref_slice %arg4[%dma_start3A_125, %dma_start3A_126] : memref<1000000x64xf32, #tpu.memory_space<hbm>> -> memref<1000000x64xf32, #tpu.memory_space<hbm>>
      tpu.enqueue_indirect_dma source(%dma_start3A_127 : memref<1000000x64xf32, #tpu.memory_space<hbm>>) target(%dma_start3A_122 : memref<128x64xf32, #tpu.memory_space<vmem>>) offsets(%dma_start3A_124 : memref<128xi32, #tpu.memory_space<vmem>>) semaphore(%arg12 : memref<!tpu.dma_semaphore, #tpu.memory_space<semaphore_mem>>)
      %swap3A = arith.constant 0 : index
      %swap3A_128 = tpu.vector_load %arg9[%swap3A] {strides = array<i32>} : memref<512xi32, #tpu.memory_space<vmem>>, vector<16xi32>,
      tpu.vector_store %arg9[%swap3A], %broadcast_in_dim3A_35 {strides = array<i32>} : memref<512xi32, #tpu.memory_space<vmem>>, vector<16xi32>,
      %swap3A_129 = arith.constant 16 : index
      %swap3A_130 = tpu.vector_load %arg9[%swap3A_129] {strides = array<i32>} : memref<512xi32, #tpu.memory_space<vmem>>, vector<16xi32>,
      tpu.vector_store %arg9[%swap3A_129], %broadcast_in_dim3A_35 {strides = array<i32>} : memref<512xi32, #tpu.memory_space<vmem>>, vector<16xi32>,
      %swap3A_131 = arith.constant 32 : index
      %swap3A_132 = tpu.vector_load %arg9[%swap3A_131] {strides = array<i32>} : memref<512xi32, #tpu.memory_space<vmem>>, vector<16xi32>,
      tpu.vector_store %arg9[%swap3A_131], %broadcast_in_dim3A_35 {strides = array<i32>} : memref<512xi32, #tpu.memory_space<vmem>>, vector<16xi32>,
      %swap3A_133 = arith.constant 48 : index
      %swap3A_134 = tpu.vector_load %arg9[%swap3A_133] {strides = array<i32>} : memref<512xi32, #tpu.memory_space<vmem>>, vector<16xi32>,
      tpu.vector_store %arg9[%swap3A_133], %broadcast_in_dim3A_35 {strides = array<i32>} : memref<512xi32, #tpu.memory_space<vmem>>, vector<16xi32>,
      %swap3A_135 = arith.constant 64 : index
      %swap3A_136 = tpu.vector_load %arg9[%swap3A_135] {strides = array<i32>} : memref<512xi32, #tpu.memory_space<vmem>>, vector<16xi32>,
      tpu.vector_store %arg9[%swap3A_135], %broadcast_in_dim3A_35 {strides = array<i32>} : memref<512xi32, #tpu.memory_space<vmem>>, vector<16xi32>,
      %swap3A_137 = arith.constant 80 : index
      %swap3A_138 = tpu.vector_load %arg9[%swap3A_137] {strides = array<i32>} : memref<512xi32, #tpu.memory_space<vmem>>, vector<16xi32>,
      tpu.vector_store %arg9[%swap3A_137], %broadcast_in_dim3A_35 {strides = array<i32>} : memref<512xi32, #tpu.memory_space<vmem>>, vector<16xi32>,
      %swap3A_139 = arith.constant 96 : index
      %swap3A_140 = tpu.vector_load %arg9[%swap3A_139] {strides = array<i32>} : memref<512xi32, #tpu.memory_space<vmem>>, vector<16xi32>,
      tpu.vector_store %arg9[%swap3A_139], %broadcast_in_dim3A_35 {strides = array<i32>} : memref<512xi32, #tpu.memory_space<vmem>>, vector<16xi32>,
      %swap3A_141 = arith.constant 112 : index
      %swap3A_142 = tpu.vector_load %arg9[%swap3A_141] {strides = array<i32>} : memref<512xi32, #tpu.memory_space<vmem>>, vector<16xi32>,
      tpu.vector_store %arg9[%swap3A_141], %broadcast_in_dim3A_35 {strides = array<i32>} : memref<512xi32, #tpu.memory_space<vmem>>, vector<16xi32>,
      %swap3A_143 = arith.constant 128 : index
      %swap3A_144 = tpu.vector_load %arg9[%swap3A_143] {strides = array<i32>} : memref<512xi32, #tpu.memory_space<vmem>>, vector<16xi32>,
      tpu.vector_store %arg9[%swap3A_143], %broadcast_in_dim3A_35 {strides = array<i32>} : memref<512xi32, #tpu.memory_space<vmem>>, vector<16xi32>,
      %swap3A_145 = arith.constant 144 : index
      %swap3A_146 = tpu.vector_load %arg9[%swap3A_145] {strides = array<i32>} : memref<512xi32, #tpu.memory_space<vmem>>, vector<16xi32>,
      tpu.vector_store %arg9[%swap3A_145], %broadcast_in_dim3A_35 {strides = array<i32>} : memref<512xi32, #tpu.memory_space<vmem>>, vector<16xi32>,
      %swap3A_147 = arith.constant 160 : index
      %swap3A_148 = tpu.vector_load %arg9[%swap3A_147] {strides = array<i32>} : memref<512xi32, #tpu.memory_space<vmem>>, vector<16xi32>,
      tpu.vector_store %arg9[%swap3A_147], %broadcast_in_dim3A_35 {strides = array<i32>} : memref<512xi32, #tpu.memory_space<vmem>>, vector<16xi32>,
      %swap3A_149 = arith.constant 176 : index
      %swap3A_150 = tpu.vector_load %arg9[%swap3A_149] {strides = array<i32>} : memref<512xi32, #tpu.memory_space<vmem>>, vector<16xi32>,
      tpu.vector_store %arg9[%swap3A_149], %broadcast_in_dim3A_35 {strides = array<i32>} : memref<512xi32, #tpu.memory_space<vmem>>, vector<16xi32>,
      %swap3A_151 = arith.constant 192 : index
      %swap3A_152 = tpu.vector_load %arg9[%swap3A_151] {strides = array<i32>} : memref<512xi32, #tpu.memory_space<vmem>>, vector<16xi32>,
      tpu.vector_store %arg9[%swap3A_151], %broadcast_in_dim3A_35 {strides = array<i32>} : memref<512xi32, #tpu.memory_space<vmem>>, vector<16xi32>,
      %swap3A_153 = arith.constant 208 : index
      %swap3A_154 = tpu.vector_load %arg9[%swap3A_153] {strides = array<i32>} : memref<512xi32, #tpu.memory_space<vmem>>, vector<16xi32>,
      tpu.vector_store %arg9[%swap3A_153], %broadcast_in_dim3A_35 {strides = array<i32>} : memref<512xi32, #tpu.memory_space<vmem>>, vector<16xi32>,
      %swap3A_155 = arith.constant 224 : index
      %swap3A_156 = tpu.vector_load %arg9[%swap3A_155] {strides = array<i32>} : memref<512xi32, #tpu.memory_space<vmem>>, vector<16xi32>,
      tpu.vector_store %arg9[%swap3A_155], %broadcast_in_dim3A_35 {strides = array<i32>} : memref<512xi32, #tpu.memory_space<vmem>>, vector<16xi32>,
      %swap3A_157 = arith.constant 240 : index
      %swap3A_158 = tpu.vector_load %arg9[%swap3A_157] {strides = array<i32>} : memref<512xi32, #tpu.memory_space<vmem>>, vector<16xi32>,
      tpu.vector_store %arg9[%swap3A_157], %broadcast_in_dim3A_35 {strides = array<i32>} : memref<512xi32, #tpu.memory_space<vmem>>, vector<16xi32>,
      %swap3A_159 = arith.constant 256 : index
      %swap3A_160 = tpu.vector_load %arg9[%swap3A_159] {strides = array<i32>} : memref<512xi32, #tpu.memory_space<vmem>>, vector<16xi32>,
      tpu.vector_store %arg9[%swap3A_159], %broadcast_in_dim3A_35 {strides = array<i32>} : memref<512xi32, #tpu.memory_space<vmem>>, vector<16xi32>,
      %swap3A_161 = arith.constant 272 : index
      %swap3A_162 = tpu.vector_load %arg9[%swap3A_161] {strides = array<i32>} : memref<512xi32, #tpu.memory_space<vmem>>, vector<16xi32>,
      tpu.vector_store %arg9[%swap3A_161], %broadcast_in_dim3A_35 {strides = array<i32>} : memref<512xi32, #tpu.memory_space<vmem>>, vector<16xi32>,
      %swap3A_163 = arith.constant 288 : index
      %swap3A_164 = tpu.vector_load %arg9[%swap3A_163] {strides = array<i32>} : memref<512xi32, #tpu.memory_space<vmem>>, vector<16xi32>,
      tpu.vector_store %arg9[%swap3A_163], %broadcast_in_dim3A_35 {strides = array<i32>} : memref<512xi32, #tpu.memory_space<vmem>>, vector<16xi32>,
      %swap3A_165 = arith.constant 304 : index
      %swap3A_166 = tpu.vector_load %arg9[%swap3A_165] {strides = array<i32>} : memref<512xi32, #tpu.memory_space<vmem>>, vector<16xi32>,
      tpu.vector_store %arg9[%swap3A_165], %broadcast_in_dim3A_35 {strides = array<i32>} : memref<512xi32, #tpu.memory_space<vmem>>, vector<16xi32>,
      %swap3A_167 = arith.constant 320 : index
      %swap3A_168 = tpu.vector_load %arg9[%swap3A_167] {strides = array<i32>} : memref<512xi32, #tpu.memory_space<vmem>>, vector<16xi32>,
      tpu.vector_store %arg9[%swap3A_167], %broadcast_in_dim3A_35 {strides = array<i32>} : memref<512xi32, #tpu.memory_space<vmem>>, vector<16xi32>,
      %swap3A_169 = arith.constant 336 : index
      %swap3A_170 = tpu.vector_load %arg9[%swap3A_169] {strides = array<i32>} : memref<512xi32, #tpu.memory_space<vmem>>, vector<16xi32>,
      tpu.vector_store %arg9[%swap3A_169], %broadcast_in_dim3A_35 {strides = array<i32>} : memref<512xi32, #tpu.memory_space<vmem>>, vector<16xi32>,
      %swap3A_171 = arith.constant 352 : index
      %swap3A_172 = tpu.vector_load %arg9[%swap3A_171] {strides = array<i32>} : memref<512xi32, #tpu.memory_space<vmem>>, vector<16xi32>,
      tpu.vector_store %arg9[%swap3A_171], %broadcast_in_dim3A_35 {strides = array<i32>} : memref<512xi32, #tpu.memory_space<vmem>>, vector<16xi32>,
      %swap3A_173 = arith.constant 368 : index
      %swap3A_174 = tpu.vector_load %arg9[%swap3A_173] {strides = array<i32>} : memref<512xi32, #tpu.memory_space<vmem>>, vector<16xi32>,
      tpu.vector_store %arg9[%swap3A_173], %broadcast_in_dim3A_35 {strides = array<i32>} : memref<512xi32, #tpu.memory_space<vmem>>, vector<16xi32>,
      %swap3A_175 = arith.constant 384 : index
      %swap3A_176 = tpu.vector_load %arg9[%swap3A_175] {strides = array<i32>} : memref<512xi32, #tpu.memory_space<vmem>>, vector<16xi32>,
      tpu.vector_store %arg9[%swap3A_175], %broadcast_in_dim3A_35 {strides = array<i32>} : memref<512xi32, #tpu.memory_space<vmem>>, vector<16xi32>,
      %swap3A_177 = arith.constant 400 : index
      %swap3A_178 = tpu.vector_load %arg9[%swap3A_177] {strides = array<i32>} : memref<512xi32, #tpu.memory_space<vmem>>, vector<16xi32>,
      tpu.vector_store %arg9[%swap3A_177], %broadcast_in_dim3A_35 {strides = array<i32>} : memref<512xi32, #tpu.memory_space<vmem>>, vector<16xi32>,
      %swap3A_179 = arith.constant 416 : index
      %swap3A_180 = tpu.vector_load %arg9[%swap3A_179] {strides = array<i32>} : memref<512xi32, #tpu.memory_space<vmem>>, vector<16xi32>,
      tpu.vector_store %arg9[%swap3A_179], %broadcast_in_dim3A_35 {strides = array<i32>} : memref<512xi32, #tpu.memory_space<vmem>>, vector<16xi32>,
      %swap3A_181 = arith.constant 432 : index
      %swap3A_182 = tpu.vector_load %arg9[%swap3A_181] {strides = array<i32>} : memref<512xi32, #tpu.memory_space<vmem>>, vector<16xi32>,
      tpu.vector_store %arg9[%swap3A_181], %broadcast_in_dim3A_35 {strides = array<i32>} : memref<512xi32, #tpu.memory_space<vmem>>, vector<16xi32>,
      %swap3A_183 = arith.constant 448 : index
      %swap3A_184 = tpu.vector_load %arg9[%swap3A_183] {strides = array<i32>} : memref<512xi32, #tpu.memory_space<vmem>>, vector<16xi32>,
      tpu.vector_store %arg9[%swap3A_183], %broadcast_in_dim3A_35 {strides = array<i32>} : memref<512xi32, #tpu.memory_space<vmem>>, vector<16xi32>,
      %swap3A_185 = arith.constant 464 : index
      %swap3A_186 = tpu.vector_load %arg9[%swap3A_185] {strides = array<i32>} : memref<512xi32, #tpu.memory_space<vmem>>, vector<16xi32>,
      tpu.vector_store %arg9[%swap3A_185], %broadcast_in_dim3A_35 {strides = array<i32>} : memref<512xi32, #tpu.memory_space<vmem>>, vector<16xi32>,
      %swap3A_187 = arith.constant 480 : index
      %swap3A_188 = tpu.vector_load %arg9[%swap3A_187] {strides = array<i32>} : memref<512xi32, #tpu.memory_space<vmem>>, vector<16xi32>,
      tpu.vector_store %arg9[%swap3A_187], %broadcast_in_dim3A_35 {strides = array<i32>} : memref<512xi32, #tpu.memory_space<vmem>>, vector<16xi32>,
      %swap3A_189 = arith.constant 496 : index
      %swap3A_190 = tpu.vector_load %arg9[%swap3A_189] {strides = array<i32>} : memref<512xi32, #tpu.memory_space<vmem>>, vector<16xi32>,
      tpu.vector_store %arg9[%swap3A_189], %broadcast_in_dim3A_35 {strides = array<i32>} : memref<512xi32, #tpu.memory_space<vmem>>, vector<16xi32>,
      %get3A_191 = arith.constant 0 : index
      %get3A_192 = tpu.vector_load %arg6[%get3A_191] {strides = array<i32>} : memref<528xi32, #tpu.memory_space<vmem>>, vector<16xi32>,
      %ge3A = vector.broadcast %add3A_95 : i32 to vector<16xi32>
      %ge3A_193 = arith.cmpi sge, %get3A_192, %ge3A : vector<16xi32>
      %sub3A_194 = vector.broadcast %min3A_96 : i32 to vector<16xi32>
      %sub3A_195 = arith.subi %get3A_192, %sub3A_194 : vector<16xi32>
      %lt3A = arith.constant 512 : i32
      %lt3A_196 = vector.broadcast %lt3A : i32 to vector<16xi32>
      %lt3A_197 = arith.cmpi slt, %sub3A_195, %lt3A_196 : vector<16xi32>
      %and3A_198 = arith.andi %ge3A_193, %lt3A_197 : vector<16xi1>
      %sub3A_199 = vector.broadcast %min3A_96 : i32 to vector<16xi32>
      %sub3A_200 = arith.subi %get3A_192, %sub3A_199 : vector<16xi32>
      tpu.vector_store_idx %arg9[%sub3A_200], %broadcast_in_dim3A_37 masked %and3A_198 {add = true} : memref<512xi32, #tpu.memory_space<vmem>>[vector<16xi32>], vector<16xi32>, vector<16xi1>
      %get3A_201 = arith.constant 16 : index
      %get3A_202 = tpu.vector_load %arg6[%get3A_201] {strides = array<i32>} : memref<528xi32, #tpu.memory_space<vmem>>, vector<16xi32>,
      %ge3A_203 = vector.broadcast %add3A_95 : i32 to vector<16xi32>
      %ge3A_204 = arith.cmpi sge, %get3A_202, %ge3A_203 : vector<16xi32>
      %sub3A_205 = vector.broadcast %min3A_96 : i32 to vector<16xi32>
      %sub3A_206 = arith.subi %get3A_202, %sub3A_205 : vector<16xi32>
      %lt3A_207 = arith.constant 512 : i32
      %lt3A_208 = vector.broadcast %lt3A_207 : i32 to vector<16xi32>
      %lt3A_209 = arith.cmpi slt, %sub3A_206, %lt3A_208 : vector<16xi32>
      %and3A_210 = arith.andi %ge3A_204, %lt3A_209 : vector<16xi1>
      %sub3A_211 = vector.broadcast %min3A_96 : i32 to vector<16xi32>
      %sub3A_212 = arith.subi %get3A_202, %sub3A_211 : vector<16xi32>
      tpu.vector_store_idx %arg9[%sub3A_212], %broadcast_in_dim3A_37 masked %and3A_210 {add = true} : memref<512xi32, #tpu.memory_space<vmem>>[vector<16xi32>], vector<16xi32>, vector<16xi1>
      %get3A_213 = arith.constant 32 : index
      %get3A_214 = tpu.vector_load %arg6[%get3A_213] {strides = array<i32>} : memref<528xi32, #tpu.memory_space<vmem>>, vector<16xi32>,
      %ge3A_215 = vector.broadcast %add3A_95 : i32 to vector<16xi32>
      %ge3A_216 = arith.cmpi sge, %get3A_214, %ge3A_215 : vector<16xi32>
      %sub3A_217 = vector.broadcast %min3A_96 : i32 to vector<16xi32>
      %sub3A_218 = arith.subi %get3A_214, %sub3A_217 : vector<16xi32>
      %lt3A_219 = arith.constant 512 : i32
      %lt3A_220 = vector.broadcast %lt3A_219 : i32 to vector<16xi32>
      %lt3A_221 = arith.cmpi slt, %sub3A_218, %lt3A_220 : vector<16xi32>
      %and3A_222 = arith.andi %ge3A_216, %lt3A_221 : vector<16xi1>
      %sub3A_223 = vector.broadcast %min3A_96 : i32 to vector<16xi32>
      %sub3A_224 = arith.subi %get3A_214, %sub3A_223 : vector<16xi32>
      tpu.vector_store_idx %arg9[%sub3A_224], %broadcast_in_dim3A_37 masked %and3A_222 {add = true} : memref<512xi32, #tpu.memory_space<vmem>>[vector<16xi32>], vector<16xi32>, vector<16xi1>
      %get3A_225 = arith.constant 48 : index
      %get3A_226 = tpu.vector_load %arg6[%get3A_225] {strides = array<i32>} : memref<528xi32, #tpu.memory_space<vmem>>, vector<16xi32>,
      %ge3A_227 = vector.broadcast %add3A_95 : i32 to vector<16xi32>
      %ge3A_228 = arith.cmpi sge, %get3A_226, %ge3A_227 : vector<16xi32>
      %sub3A_229 = vector.broadcast %min3A_96 : i32 to vector<16xi32>
      %sub3A_230 = arith.subi %get3A_226, %sub3A_229 : vector<16xi32>
      %lt3A_231 = arith.constant 512 : i32
      %lt3A_232 = vector.broadcast %lt3A_231 : i32 to vector<16xi32>
      %lt3A_233 = arith.cmpi slt, %sub3A_230, %lt3A_232 : vector<16xi32>
      %and3A_234 = arith.andi %ge3A_228, %lt3A_233 : vector<16xi1>
      %sub3A_235 = vector.broadcast %min3A_96 : i32 to vector<16xi32>
      %sub3A_236 = arith.subi %get3A_226, %sub3A_235 : vector<16xi32>
      tpu.vector_store_idx %arg9[%sub3A_236], %broadcast_in_dim3A_37 masked %and3A_234 {add = true} : memref<512xi32, #tpu.memory_space<vmem>>[vector<16xi32>], vector<16xi32>, vector<16xi1>
      %get3A_237 = arith.constant 64 : index
      %get3A_238 = tpu.vector_load %arg6[%get3A_237] {strides = array<i32>} : memref<528xi32, #tpu.memory_space<vmem>>, vector<16xi32>,
      %ge3A_239 = vector.broadcast %add3A_95 : i32 to vector<16xi32>
      %ge3A_240 = arith.cmpi sge, %get3A_238, %ge3A_239 : vector<16xi32>
      %sub3A_241 = vector.broadcast %min3A_96 : i32 to vector<16xi32>
      %sub3A_242 = arith.subi %get3A_238, %sub3A_241 : vector<16xi32>
      %lt3A_243 = arith.constant 512 : i32
      %lt3A_244 = vector.broadcast %lt3A_243 : i32 to vector<16xi32>
      %lt3A_245 = arith.cmpi slt, %sub3A_242, %lt3A_244 : vector<16xi32>
      %and3A_246 = arith.andi %ge3A_240, %lt3A_245 : vector<16xi1>
      %sub3A_247 = vector.broadcast %min3A_96 : i32 to vector<16xi32>
      %sub3A_248 = arith.subi %get3A_238, %sub3A_247 : vector<16xi32>
      tpu.vector_store_idx %arg9[%sub3A_248], %broadcast_in_dim3A_37 masked %and3A_246 {add = true} : memref<512xi32, #tpu.memory_space<vmem>>[vector<16xi32>], vector<16xi32>, vector<16xi1>
      %get3A_249 = arith.constant 80 : index
      %get3A_250 = tpu.vector_load %arg6[%get3A_249] {strides = array<i32>} : memref<528xi32, #tpu.memory_space<vmem>>, vector<16xi32>,
      %ge3A_251 = vector.broadcast %add3A_95 : i32 to vector<16xi32>
      %ge3A_252 = arith.cmpi sge, %get3A_250, %ge3A_251 : vector<16xi32>
      %sub3A_253 = vector.broadcast %min3A_96 : i32 to vector<16xi32>
      %sub3A_254 = arith.subi %get3A_250, %sub3A_253 : vector<16xi32>
      %lt3A_255 = arith.constant 512 : i32
      %lt3A_256 = vector.broadcast %lt3A_255 : i32 to vector<16xi32>
      %lt3A_257 = arith.cmpi slt, %sub3A_254, %lt3A_256 : vector<16xi32>
      %and3A_258 = arith.andi %ge3A_252, %lt3A_257 : vector<16xi1>
      %sub3A_259 = vector.broadcast %min3A_96 : i32 to vector<16xi32>
      %sub3A_260 = arith.subi %get3A_250, %sub3A_259 : vector<16xi32>
      tpu.vector_store_idx %arg9[%sub3A_260], %broadcast_in_dim3A_37 masked %and3A_258 {add = true} : memref<512xi32, #tpu.memory_space<vmem>>[vector<16xi32>], vector<16xi32>, vector<16xi1>
      %get3A_261 = arith.constant 96 : index
      %get3A_262 = tpu.vector_load %arg6[%get3A_261] {strides = array<i32>} : memref<528xi32, #tpu.memory_space<vmem>>, vector<16xi32>,
      %ge3A_263 = vector.broadcast %add3A_95 : i32 to vector<16xi32>
      %ge3A_264 = arith.cmpi sge, %get3A_262, %ge3A_263 : vector<16xi32>
      %sub3A_265 = vector.broadcast %min3A_96 : i32 to vector<16xi32>
      %sub3A_266 = arith.subi %get3A_262, %sub3A_265 : vector<16xi32>
      %lt3A_267 = arith.constant 512 : i32
      %lt3A_268 = vector.broadcast %lt3A_267 : i32 to vector<16xi32>
      %lt3A_269 = arith.cmpi slt, %sub3A_266, %lt3A_268 : vector<16xi32>
      %and3A_270 = arith.andi %ge3A_264, %lt3A_269 : vector<16xi1>
      %sub3A_271 = vector.broadcast %min3A_96 : i32 to vector<16xi32>
      %sub3A_272 = arith.subi %get3A_262, %sub3A_271 : vector<16xi32>
      tpu.vector_store_idx %arg9[%sub3A_272], %broadcast_in_dim3A_37 masked %and3A_270 {add = true} : memref<512xi32, #tpu.memory_space<vmem>>[vector<16xi32>], vector<16xi32>, vector<16xi1>
      %get3A_273 = arith.constant 112 : index
      %get3A_274 = tpu.vector_load %arg6[%get3A_273] {strides = array<i32>} : memref<528xi32, #tpu.memory_space<vmem>>, vector<16xi32>,
      %ge3A_275 = vector.broadcast %add3A_95 : i32 to vector<16xi32>
      %ge3A_276 = arith.cmpi sge, %get3A_274, %ge3A_275 : vector<16xi32>
      %sub3A_277 = vector.broadcast %min3A_96 : i32 to vector<16xi32>
      %sub3A_278 = arith.subi %get3A_274, %sub3A_277 : vector<16xi32>
      %lt3A_279 = arith.constant 512 : i32
      %lt3A_280 = vector.broadcast %lt3A_279 : i32 to vector<16xi32>
      %lt3A_281 = arith.cmpi slt, %sub3A_278, %lt3A_280 : vector<16xi32>
      %and3A_282 = arith.andi %ge3A_276, %lt3A_281 : vector<16xi1>
      %sub3A_283 = vector.broadcast %min3A_96 : i32 to vector<16xi32>
      %sub3A_284 = arith.subi %get3A_274, %sub3A_283 : vector<16xi32>
      tpu.vector_store_idx %arg9[%sub3A_284], %broadcast_in_dim3A_37 masked %and3A_282 {add = true} : memref<512xi32, #tpu.memory_space<vmem>>[vector<16xi32>], vector<16xi32>, vector<16xi1>
      %get3A_285 = arith.constant 128 : index
      %get3A_286 = tpu.vector_load %arg6[%get3A_285] {strides = array<i32>} : memref<528xi32, #tpu.memory_space<vmem>>, vector<16xi32>,
      %ge3A_287 = vector.broadcast %add3A_95 : i32 to vector<16xi32>
      %ge3A_288 = arith.cmpi sge, %get3A_286, %ge3A_287 : vector<16xi32>
      %sub3A_289 = vector.broadcast %min3A_96 : i32 to vector<16xi32>
      %sub3A_290 = arith.subi %get3A_286, %sub3A_289 : vector<16xi32>
      %lt3A_291 = arith.constant 512 : i32
      %lt3A_292 = vector.broadcast %lt3A_291 : i32 to vector<16xi32>
      %lt3A_293 = arith.cmpi slt, %sub3A_290, %lt3A_292 : vector<16xi32>
      %and3A_294 = arith.andi %ge3A_288, %lt3A_293 : vector<16xi1>
      %sub3A_295 = vector.broadcast %min3A_96 : i32 to vector<16xi32>
      %sub3A_296 = arith.subi %get3A_286, %sub3A_295 : vector<16xi32>
      tpu.vector_store_idx %arg9[%sub3A_296], %broadcast_in_dim3A_37 masked %and3A_294 {add = true} : memref<512xi32, #tpu.memory_space<vmem>>[vector<16xi32>], vector<16xi32>, vector<16xi1>
      %get3A_297 = arith.constant 144 : index
      %get3A_298 = tpu.vector_load %arg6[%get3A_297] {strides = array<i32>} : memref<528xi32, #tpu.memory_space<vmem>>, vector<16xi32>,
      %ge3A_299 = vector.broadcast %add3A_95 : i32 to vector<16xi32>
      %ge3A_300 = arith.cmpi sge, %get3A_298, %ge3A_299 : vector<16xi32>
      %sub3A_301 = vector.broadcast %min3A_96 : i32 to vector<16xi32>
      %sub3A_302 = arith.subi %get3A_298, %sub3A_301 : vector<16xi32>
      %lt3A_303 = arith.constant 512 : i32
      %lt3A_304 = vector.broadcast %lt3A_303 : i32 to vector<16xi32>
      %lt3A_305 = arith.cmpi slt, %sub3A_302, %lt3A_304 : vector<16xi32>
      %and3A_306 = arith.andi %ge3A_300, %lt3A_305 : vector<16xi1>
      %sub3A_307 = vector.broadcast %min3A_96 : i32 to vector<16xi32>
      %sub3A_308 = arith.subi %get3A_298, %sub3A_307 : vector<16xi32>
      tpu.vector_store_idx %arg9[%sub3A_308], %broadcast_in_dim3A_37 masked %and3A_306 {add = true} : memref<512xi32, #tpu.memory_space<vmem>>[vector<16xi32>], vector<16xi32>, vector<16xi1>
      %get3A_309 = arith.constant 160 : index
      %get3A_310 = tpu.vector_load %arg6[%get3A_309] {strides = array<i32>} : memref<528xi32, #tpu.memory_space<vmem>>, vector<16xi32>,
      %ge3A_311 = vector.broadcast %add3A_95 : i32 to vector<16xi32>
      %ge3A_312 = arith.cmpi sge, %get3A_310, %ge3A_311 : vector<16xi32>
      %sub3A_313 = vector.broadcast %min3A_96 : i32 to vector<16xi32>
      %sub3A_314 = arith.subi %get3A_310, %sub3A_313 : vector<16xi32>
      %lt3A_315 = arith.constant 512 : i32
      %lt3A_316 = vector.broadcast %lt3A_315 : i32 to vector<16xi32>
      %lt3A_317 = arith.cmpi slt, %sub3A_314, %lt3A_316 : vector<16xi32>
      %and3A_318 = arith.andi %ge3A_312, %lt3A_317 : vector<16xi1>
      %sub3A_319 = vector.broadcast %min3A_96 : i32 to vector<16xi32>
      %sub3A_320 = arith.subi %get3A_310, %sub3A_319 : vector<16xi32>
      tpu.vector_store_idx %arg9[%sub3A_320], %broadcast_in_dim3A_37 masked %and3A_318 {add = true} : memref<512xi32, #tpu.memory_space<vmem>>[vector<16xi32>], vector<16xi32>, vector<16xi1>
      %get3A_321 = arith.constant 176 : index
      %get3A_322 = tpu.vector_load %arg6[%get3A_321] {strides = array<i32>} : memref<528xi32, #tpu.memory_space<vmem>>, vector<16xi32>,
      %ge3A_323 = vector.broadcast %add3A_95 : i32 to vector<16xi32>
      %ge3A_324 = arith.cmpi sge, %get3A_322, %ge3A_323 : vector<16xi32>
      %sub3A_325 = vector.broadcast %min3A_96 : i32 to vector<16xi32>
      %sub3A_326 = arith.subi %get3A_322, %sub3A_325 : vector<16xi32>
      %lt3A_327 = arith.constant 512 : i32
      %lt3A_328 = vector.broadcast %lt3A_327 : i32 to vector<16xi32>
      %lt3A_329 = arith.cmpi slt, %sub3A_326, %lt3A_328 : vector<16xi32>
      %and3A_330 = arith.andi %ge3A_324, %lt3A_329 : vector<16xi1>
      %sub3A_331 = vector.broadcast %min3A_96 : i32 to vector<16xi32>
      %sub3A_332 = arith.subi %get3A_322, %sub3A_331 : vector<16xi32>
      tpu.vector_store_idx %arg9[%sub3A_332], %broadcast_in_dim3A_37 masked %and3A_330 {add = true} : memref<512xi32, #tpu.memory_space<vmem>>[vector<16xi32>], vector<16xi32>, vector<16xi1>
      %get3A_333 = arith.constant 192 : index
      %get3A_334 = tpu.vector_load %arg6[%get3A_333] {strides = array<i32>} : memref<528xi32, #tpu.memory_space<vmem>>, vector<16xi32>,
      %ge3A_335 = vector.broadcast %add3A_95 : i32 to vector<16xi32>
      %ge3A_336 = arith.cmpi sge, %get3A_334, %ge3A_335 : vector<16xi32>
      %sub3A_337 = vector.broadcast %min3A_96 : i32 to vector<16xi32>
      %sub3A_338 = arith.subi %get3A_334, %sub3A_337 : vector<16xi32>
      %lt3A_339 = arith.constant 512 : i32
      %lt3A_340 = vector.broadcast %lt3A_339 : i32 to vector<16xi32>
      %lt3A_341 = arith.cmpi slt, %sub3A_338, %lt3A_340 : vector<16xi32>
      %and3A_342 = arith.andi %ge3A_336, %lt3A_341 : vector<16xi1>
      %sub3A_343 = vector.broadcast %min3A_96 : i32 to vector<16xi32>
      %sub3A_344 = arith.subi %get3A_334, %sub3A_343 : vector<16xi32>
      tpu.vector_store_idx %arg9[%sub3A_344], %broadcast_in_dim3A_37 masked %and3A_342 {add = true} : memref<512xi32, #tpu.memory_space<vmem>>[vector<16xi32>], vector<16xi32>, vector<16xi1>
      %get3A_345 = arith.constant 208 : index
      %get3A_346 = tpu.vector_load %arg6[%get3A_345] {strides = array<i32>} : memref<528xi32, #tpu.memory_space<vmem>>, vector<16xi32>,
      %ge3A_347 = vector.broadcast %add3A_95 : i32 to vector<16xi32>
      %ge3A_348 = arith.cmpi sge, %get3A_346, %ge3A_347 : vector<16xi32>
      %sub3A_349 = vector.broadcast %min3A_96 : i32 to vector<16xi32>
      %sub3A_350 = arith.subi %get3A_346, %sub3A_349 : vector<16xi32>
      %lt3A_351 = arith.constant 512 : i32
      %lt3A_352 = vector.broadcast %lt3A_351 : i32 to vector<16xi32>
      %lt3A_353 = arith.cmpi slt, %sub3A_350, %lt3A_352 : vector<16xi32>
      %and3A_354 = arith.andi %ge3A_348, %lt3A_353 : vector<16xi1>
      %sub3A_355 = vector.broadcast %min3A_96 : i32 to vector<16xi32>
      %sub3A_356 = arith.subi %get3A_346, %sub3A_355 : vector<16xi32>
      tpu.vector_store_idx %arg9[%sub3A_356], %broadcast_in_dim3A_37 masked %and3A_354 {add = true} : memref<512xi32, #tpu.memory_space<vmem>>[vector<16xi32>], vector<16xi32>, vector<16xi1>
      %get3A_357 = arith.constant 224 : index
      %get3A_358 = tpu.vector_load %arg6[%get3A_357] {strides = array<i32>} : memref<528xi32, #tpu.memory_space<vmem>>, vector<16xi32>,
      %ge3A_359 = vector.broadcast %add3A_95 : i32 to vector<16xi32>
      %ge3A_360 = arith.cmpi sge, %get3A_358, %ge3A_359 : vector<16xi32>
      %sub3A_361 = vector.broadcast %min3A_96 : i32 to vector<16xi32>
      %sub3A_362 = arith.subi %get3A_358, %sub3A_361 : vector<16xi32>
      %lt3A_363 = arith.constant 512 : i32
      %lt3A_364 = vector.broadcast %lt3A_363 : i32 to vector<16xi32>
      %lt3A_365 = arith.cmpi slt, %sub3A_362, %lt3A_364 : vector<16xi32>
      %and3A_366 = arith.andi %ge3A_360, %lt3A_365 : vector<16xi1>
      %sub3A_367 = vector.broadcast %min3A_96 : i32 to vector<16xi32>
      %sub3A_368 = arith.subi %get3A_358, %sub3A_367 : vector<16xi32>
      tpu.vector_store_idx %arg9[%sub3A_368], %broadcast_in_dim3A_37 masked %and3A_366 {add = true} : memref<512xi32, #tpu.memory_space<vmem>>[vector<16xi32>], vector<16xi32>, vector<16xi1>
      %get3A_369 = arith.constant 240 : index
      %get3A_370 = tpu.vector_load %arg6[%get3A_369] {strides = array<i32>} : memref<528xi32, #tpu.memory_space<vmem>>, vector<16xi32>,
      %ge3A_371 = vector.broadcast %add3A_95 : i32 to vector<16xi32>
      %ge3A_372 = arith.cmpi sge, %get3A_370, %ge3A_371 : vector<16xi32>
      %sub3A_373 = vector.broadcast %min3A_96 : i32 to vector<16xi32>
      %sub3A_374 = arith.subi %get3A_370, %sub3A_373 : vector<16xi32>
      %lt3A_375 = arith.constant 512 : i32
      %lt3A_376 = vector.broadcast %lt3A_375 : i32 to vector<16xi32>
      %lt3A_377 = arith.cmpi slt, %sub3A_374, %lt3A_376 : vector<16xi32>
      %and3A_378 = arith.andi %ge3A_372, %lt3A_377 : vector<16xi1>
      %sub3A_379 = vector.broadcast %min3A_96 : i32 to vector<16xi32>
      %sub3A_380 = arith.subi %get3A_370, %sub3A_379 : vector<16xi32>
      tpu.vector_store_idx %arg9[%sub3A_380], %broadcast_in_dim3A_37 masked %and3A_378 {add = true} : memref<512xi32, #tpu.memory_space<vmem>>[vector<16xi32>], vector<16xi32>, vector<16xi1>
      %get3A_381 = arith.constant 256 : index
      %get3A_382 = tpu.vector_load %arg6[%get3A_381] {strides = array<i32>} : memref<528xi32, #tpu.memory_space<vmem>>, vector<16xi32>,
      %ge3A_383 = vector.broadcast %add3A_95 : i32 to vector<16xi32>
      %ge3A_384 = arith.cmpi sge, %get3A_382, %ge3A_383 : vector<16xi32>
      %sub3A_385 = vector.broadcast %min3A_96 : i32 to vector<16xi32>
      %sub3A_386 = arith.subi %get3A_382, %sub3A_385 : vector<16xi32>
      %lt3A_387 = arith.constant 512 : i32
      %lt3A_388 = vector.broadcast %lt3A_387 : i32 to vector<16xi32>
      %lt3A_389 = arith.cmpi slt, %sub3A_386, %lt3A_388 : vector<16xi32>
      %and3A_390 = arith.andi %ge3A_384, %lt3A_389 : vector<16xi1>
      %sub3A_391 = vector.broadcast %min3A_96 : i32 to vector<16xi32>
      %sub3A_392 = arith.subi %get3A_382, %sub3A_391 : vector<16xi32>
      tpu.vector_store_idx %arg9[%sub3A_392], %broadcast_in_dim3A_37 masked %and3A_390 {add = true} : memref<512xi32, #tpu.memory_space<vmem>>[vector<16xi32>], vector<16xi32>, vector<16xi1>
      %get3A_393 = arith.constant 272 : index
      %get3A_394 = tpu.vector_load %arg6[%get3A_393] {strides = array<i32>} : memref<528xi32, #tpu.memory_space<vmem>>, vector<16xi32>,
      %ge3A_395 = vector.broadcast %add3A_95 : i32 to vector<16xi32>
      %ge3A_396 = arith.cmpi sge, %get3A_394, %ge3A_395 : vector<16xi32>
      %sub3A_397 = vector.broadcast %min3A_96 : i32 to vector<16xi32>
      %sub3A_398 = arith.subi %get3A_394, %sub3A_397 : vector<16xi32>
      %lt3A_399 = arith.constant 512 : i32
      %lt3A_400 = vector.broadcast %lt3A_399 : i32 to vector<16xi32>
      %lt3A_401 = arith.cmpi slt, %sub3A_398, %lt3A_400 : vector<16xi32>
      %and3A_402 = arith.andi %ge3A_396, %lt3A_401 : vector<16xi1>
      %sub3A_403 = vector.broadcast %min3A_96 : i32 to vector<16xi32>
      %sub3A_404 = arith.subi %get3A_394, %sub3A_403 : vector<16xi32>
      tpu.vector_store_idx %arg9[%sub3A_404], %broadcast_in_dim3A_37 masked %and3A_402 {add = true} : memref<512xi32, #tpu.memory_space<vmem>>[vector<16xi32>], vector<16xi32>, vector<16xi1>
      %get3A_405 = arith.constant 288 : index
      %get3A_406 = tpu.vector_load %arg6[%get3A_405] {strides = array<i32>} : memref<528xi32, #tpu.memory_space<vmem>>, vector<16xi32>,
      %ge3A_407 = vector.broadcast %add3A_95 : i32 to vector<16xi32>
      %ge3A_408 = arith.cmpi sge, %get3A_406, %ge3A_407 : vector<16xi32>
      %sub3A_409 = vector.broadcast %min3A_96 : i32 to vector<16xi32>
      %sub3A_410 = arith.subi %get3A_406, %sub3A_409 : vector<16xi32>
      %lt3A_411 = arith.constant 512 : i32
      %lt3A_412 = vector.broadcast %lt3A_411 : i32 to vector<16xi32>
      %lt3A_413 = arith.cmpi slt, %sub3A_410, %lt3A_412 : vector<16xi32>
      %and3A_414 = arith.andi %ge3A_408, %lt3A_413 : vector<16xi1>
      %sub3A_415 = vector.broadcast %min3A_96 : i32 to vector<16xi32>
      %sub3A_416 = arith.subi %get3A_406, %sub3A_415 : vector<16xi32>
      tpu.vector_store_idx %arg9[%sub3A_416], %broadcast_in_dim3A_37 masked %and3A_414 {add = true} : memref<512xi32, #tpu.memory_space<vmem>>[vector<16xi32>], vector<16xi32>, vector<16xi1>
      %get3A_417 = arith.constant 304 : index
      %get3A_418 = tpu.vector_load %arg6[%get3A_417] {strides = array<i32>} : memref<528xi32, #tpu.memory_space<vmem>>, vector<16xi32>,
      %ge3A_419 = vector.broadcast %add3A_95 : i32 to vector<16xi32>
      %ge3A_420 = arith.cmpi sge, %get3A_418, %ge3A_419 : vector<16xi32>
      %sub3A_421 = vector.broadcast %min3A_96 : i32 to vector<16xi32>
      %sub3A_422 = arith.subi %get3A_418, %sub3A_421 : vector<16xi32>
      %lt3A_423 = arith.constant 512 : i32
      %lt3A_424 = vector.broadcast %lt3A_423 : i32 to vector<16xi32>
      %lt3A_425 = arith.cmpi slt, %sub3A_422, %lt3A_424 : vector<16xi32>
      %and3A_426 = arith.andi %ge3A_420, %lt3A_425 : vector<16xi1>
      %sub3A_427 = vector.broadcast %min3A_96 : i32 to vector<16xi32>
      %sub3A_428 = arith.subi %get3A_418, %sub3A_427 : vector<16xi32>
      tpu.vector_store_idx %arg9[%sub3A_428], %broadcast_in_dim3A_37 masked %and3A_426 {add = true} : memref<512xi32, #tpu.memory_space<vmem>>[vector<16xi32>], vector<16xi32>, vector<16xi1>
      %get3A_429 = arith.constant 320 : index
      %get3A_430 = tpu.vector_load %arg6[%get3A_429] {strides = array<i32>} : memref<528xi32, #tpu.memory_space<vmem>>, vector<16xi32>,
      %ge3A_431 = vector.broadcast %add3A_95 : i32 to vector<16xi32>
      %ge3A_432 = arith.cmpi sge, %get3A_430, %ge3A_431 : vector<16xi32>
      %sub3A_433 = vector.broadcast %min3A_96 : i32 to vector<16xi32>
      %sub3A_434 = arith.subi %get3A_430, %sub3A_433 : vector<16xi32>
      %lt3A_435 = arith.constant 512 : i32
      %lt3A_436 = vector.broadcast %lt3A_435 : i32 to vector<16xi32>
      %lt3A_437 = arith.cmpi slt, %sub3A_434, %lt3A_436 : vector<16xi32>
      %and3A_438 = arith.andi %ge3A_432, %lt3A_437 : vector<16xi1>
      %sub3A_439 = vector.broadcast %min3A_96 : i32 to vector<16xi32>
      %sub3A_440 = arith.subi %get3A_430, %sub3A_439 : vector<16xi32>
      tpu.vector_store_idx %arg9[%sub3A_440], %broadcast_in_dim3A_37 masked %and3A_438 {add = true} : memref<512xi32, #tpu.memory_space<vmem>>[vector<16xi32>], vector<16xi32>, vector<16xi1>
      %get3A_441 = arith.constant 336 : index
      %get3A_442 = tpu.vector_load %arg6[%get3A_441] {strides = array<i32>} : memref<528xi32, #tpu.memory_space<vmem>>, vector<16xi32>,
      %ge3A_443 = vector.broadcast %add3A_95 : i32 to vector<16xi32>
      %ge3A_444 = arith.cmpi sge, %get3A_442, %ge3A_443 : vector<16xi32>
      %sub3A_445 = vector.broadcast %min3A_96 : i32 to vector<16xi32>
      %sub3A_446 = arith.subi %get3A_442, %sub3A_445 : vector<16xi32>
      %lt3A_447 = arith.constant 512 : i32
      %lt3A_448 = vector.broadcast %lt3A_447 : i32 to vector<16xi32>
      %lt3A_449 = arith.cmpi slt, %sub3A_446, %lt3A_448 : vector<16xi32>
      %and3A_450 = arith.andi %ge3A_444, %lt3A_449 : vector<16xi1>
      %sub3A_451 = vector.broadcast %min3A_96 : i32 to vector<16xi32>
      %sub3A_452 = arith.subi %get3A_442, %sub3A_451 : vector<16xi32>
      tpu.vector_store_idx %arg9[%sub3A_452], %broadcast_in_dim3A_37 masked %and3A_450 {add = true} : memref<512xi32, #tpu.memory_space<vmem>>[vector<16xi32>], vector<16xi32>, vector<16xi1>
      %get3A_453 = arith.constant 352 : index
      %get3A_454 = tpu.vector_load %arg6[%get3A_453] {strides = array<i32>} : memref<528xi32, #tpu.memory_space<vmem>>, vector<16xi32>,
      %ge3A_455 = vector.broadcast %add3A_95 : i32 to vector<16xi32>
      %ge3A_456 = arith.cmpi sge, %get3A_454, %ge3A_455 : vector<16xi32>
      %sub3A_457 = vector.broadcast %min3A_96 : i32 to vector<16xi32>
      %sub3A_458 = arith.subi %get3A_454, %sub3A_457 : vector<16xi32>
      %lt3A_459 = arith.constant 512 : i32
      %lt3A_460 = vector.broadcast %lt3A_459 : i32 to vector<16xi32>
      %lt3A_461 = arith.cmpi slt, %sub3A_458, %lt3A_460 : vector<16xi32>
      %and3A_462 = arith.andi %ge3A_456, %lt3A_461 : vector<16xi1>
      %sub3A_463 = vector.broadcast %min3A_96 : i32 to vector<16xi32>
      %sub3A_464 = arith.subi %get3A_454, %sub3A_463 : vector<16xi32>
      tpu.vector_store_idx %arg9[%sub3A_464], %broadcast_in_dim3A_37 masked %and3A_462 {add = true} : memref<512xi32, #tpu.memory_space<vmem>>[vector<16xi32>], vector<16xi32>, vector<16xi1>
      %get3A_465 = arith.constant 368 : index
      %get3A_466 = tpu.vector_load %arg6[%get3A_465] {strides = array<i32>} : memref<528xi32, #tpu.memory_space<vmem>>, vector<16xi32>,
      %ge3A_467 = vector.broadcast %add3A_95 : i32 to vector<16xi32>
      %ge3A_468 = arith.cmpi sge, %get3A_466, %ge3A_467 : vector<16xi32>
      %sub3A_469 = vector.broadcast %min3A_96 : i32 to vector<16xi32>
      %sub3A_470 = arith.subi %get3A_466, %sub3A_469 : vector<16xi32>
      %lt3A_471 = arith.constant 512 : i32
      %lt3A_472 = vector.broadcast %lt3A_471 : i32 to vector<16xi32>
      %lt3A_473 = arith.cmpi slt, %sub3A_470, %lt3A_472 : vector<16xi32>
      %and3A_474 = arith.andi %ge3A_468, %lt3A_473 : vector<16xi1>
      %sub3A_475 = vector.broadcast %min3A_96 : i32 to vector<16xi32>
      %sub3A_476 = arith.subi %get3A_466, %sub3A_475 : vector<16xi32>
      tpu.vector_store_idx %arg9[%sub3A_476], %broadcast_in_dim3A_37 masked %and3A_474 {add = true} : memref<512xi32, #tpu.memory_space<vmem>>[vector<16xi32>], vector<16xi32>, vector<16xi1>
      %get3A_477 = arith.constant 384 : index
      %get3A_478 = tpu.vector_load %arg6[%get3A_477] {strides = array<i32>} : memref<528xi32, #tpu.memory_space<vmem>>, vector<16xi32>,
      %ge3A_479 = vector.broadcast %add3A_95 : i32 to vector<16xi32>
      %ge3A_480 = arith.cmpi sge, %get3A_478, %ge3A_479 : vector<16xi32>
      %sub3A_481 = vector.broadcast %min3A_96 : i32 to vector<16xi32>
      %sub3A_482 = arith.subi %get3A_478, %sub3A_481 : vector<16xi32>
      %lt3A_483 = arith.constant 512 : i32
      %lt3A_484 = vector.broadcast %lt3A_483 : i32 to vector<16xi32>
      %lt3A_485 = arith.cmpi slt, %sub3A_482, %lt3A_484 : vector<16xi32>
      %and3A_486 = arith.andi %ge3A_480, %lt3A_485 : vector<16xi1>
      %sub3A_487 = vector.broadcast %min3A_96 : i32 to vector<16xi32>
      %sub3A_488 = arith.subi %get3A_478, %sub3A_487 : vector<16xi32>
      tpu.vector_store_idx %arg9[%sub3A_488], %broadcast_in_dim3A_37 masked %and3A_486 {add = true} : memref<512xi32, #tpu.memory_space<vmem>>[vector<16xi32>], vector<16xi32>, vector<16xi1>
      %get3A_489 = arith.constant 400 : index
      %get3A_490 = tpu.vector_load %arg6[%get3A_489] {strides = array<i32>} : memref<528xi32, #tpu.memory_space<vmem>>, vector<16xi32>,
      %ge3A_491 = vector.broadcast %add3A_95 : i32 to vector<16xi32>
      %ge3A_492 = arith.cmpi sge, %get3A_490, %ge3A_491 : vector<16xi32>
      %sub3A_493 = vector.broadcast %min3A_96 : i32 to vector<16xi32>
      %sub3A_494 = arith.subi %get3A_490, %sub3A_493 : vector<16xi32>
      %lt3A_495 = arith.constant 512 : i32
      %lt3A_496 = vector.broadcast %lt3A_495 : i32 to vector<16xi32>
      %lt3A_497 = arith.cmpi slt, %sub3A_494, %lt3A_496 : vector<16xi32>
      %and3A_498 = arith.andi %ge3A_492, %lt3A_497 : vector<16xi1>
      %sub3A_499 = vector.broadcast %min3A_96 : i32 to vector<16xi32>
      %sub3A_500 = arith.subi %get3A_490, %sub3A_499 : vector<16xi32>
      tpu.vector_store_idx %arg9[%sub3A_500], %broadcast_in_dim3A_37 masked %and3A_498 {add = true} : memref<512xi32, #tpu.memory_space<vmem>>[vector<16xi32>], vector<16xi32>, vector<16xi1>
      %get3A_501 = arith.constant 416 : index
      %get3A_502 = tpu.vector_load %arg6[%get3A_501] {strides = array<i32>} : memref<528xi32, #tpu.memory_space<vmem>>, vector<16xi32>,
      %ge3A_503 = vector.broadcast %add3A_95 : i32 to vector<16xi32>
      %ge3A_504 = arith.cmpi sge, %get3A_502, %ge3A_503 : vector<16xi32>
      %sub3A_505 = vector.broadcast %min3A_96 : i32 to vector<16xi32>
      %sub3A_506 = arith.subi %get3A_502, %sub3A_505 : vector<16xi32>
      %lt3A_507 = arith.constant 512 : i32
      %lt3A_508 = vector.broadcast %lt3A_507 : i32 to vector<16xi32>
      %lt3A_509 = arith.cmpi slt, %sub3A_506, %lt3A_508 : vector<16xi32>
      %and3A_510 = arith.andi %ge3A_504, %lt3A_509 : vector<16xi1>
      %sub3A_511 = vector.broadcast %min3A_96 : i32 to vector<16xi32>
      %sub3A_512 = arith.subi %get3A_502, %sub3A_511 : vector<16xi32>
      tpu.vector_store_idx %arg9[%sub3A_512], %broadcast_in_dim3A_37 masked %and3A_510 {add = true} : memref<512xi32, #tpu.memory_space<vmem>>[vector<16xi32>], vector<16xi32>, vector<16xi1>
      %get3A_513 = arith.constant 432 : index
      %get3A_514 = tpu.vector_load %arg6[%get3A_513] {strides = array<i32>} : memref<528xi32, #tpu.memory_space<vmem>>, vector<16xi32>,
      %ge3A_515 = vector.broadcast %add3A_95 : i32 to vector<16xi32>
      %ge3A_516 = arith.cmpi sge, %get3A_514, %ge3A_515 : vector<16xi32>
      %sub3A_517 = vector.broadcast %min3A_96 : i32 to vector<16xi32>
      %sub3A_518 = arith.subi %get3A_514, %sub3A_517 : vector<16xi32>
      %lt3A_519 = arith.constant 512 : i32
      %lt3A_520 = vector.broadcast %lt3A_519 : i32 to vector<16xi32>
      %lt3A_521 = arith.cmpi slt, %sub3A_518, %lt3A_520 : vector<16xi32>
      %and3A_522 = arith.andi %ge3A_516, %lt3A_521 : vector<16xi1>
      %sub3A_523 = vector.broadcast %min3A_96 : i32 to vector<16xi32>
      %sub3A_524 = arith.subi %get3A_514, %sub3A_523 : vector<16xi32>
      tpu.vector_store_idx %arg9[%sub3A_524], %broadcast_in_dim3A_37 masked %and3A_522 {add = true} : memref<512xi32, #tpu.memory_space<vmem>>[vector<16xi32>], vector<16xi32>, vector<16xi1>
      %get3A_525 = arith.constant 448 : index
      %get3A_526 = tpu.vector_load %arg6[%get3A_525] {strides = array<i32>} : memref<528xi32, #tpu.memory_space<vmem>>, vector<16xi32>,
      %ge3A_527 = vector.broadcast %add3A_95 : i32 to vector<16xi32>
      %ge3A_528 = arith.cmpi sge, %get3A_526, %ge3A_527 : vector<16xi32>
      %sub3A_529 = vector.broadcast %min3A_96 : i32 to vector<16xi32>
      %sub3A_530 = arith.subi %get3A_526, %sub3A_529 : vector<16xi32>
      %lt3A_531 = arith.constant 512 : i32
      %lt3A_532 = vector.broadcast %lt3A_531 : i32 to vector<16xi32>
      %lt3A_533 = arith.cmpi slt, %sub3A_530, %lt3A_532 : vector<16xi32>
      %and3A_534 = arith.andi %ge3A_528, %lt3A_533 : vector<16xi1>
      %sub3A_535 = vector.broadcast %min3A_96 : i32 to vector<16xi32>
      %sub3A_536 = arith.subi %get3A_526, %sub3A_535 : vector<16xi32>
      tpu.vector_store_idx %arg9[%sub3A_536], %broadcast_in_dim3A_37 masked %and3A_534 {add = true} : memref<512xi32, #tpu.memory_space<vmem>>[vector<16xi32>], vector<16xi32>, vector<16xi1>
      %get3A_537 = arith.constant 464 : index
      %get3A_538 = tpu.vector_load %arg6[%get3A_537] {strides = array<i32>} : memref<528xi32, #tpu.memory_space<vmem>>, vector<16xi32>,
      %ge3A_539 = vector.broadcast %add3A_95 : i32 to vector<16xi32>
      %ge3A_540 = arith.cmpi sge, %get3A_538, %ge3A_539 : vector<16xi32>
      %sub3A_541 = vector.broadcast %min3A_96 : i32 to vector<16xi32>
      %sub3A_542 = arith.subi %get3A_538, %sub3A_541 : vector<16xi32>
      %lt3A_543 = arith.constant 512 : i32
      %lt3A_544 = vector.broadcast %lt3A_543 : i32 to vector<16xi32>
      %lt3A_545 = arith.cmpi slt, %sub3A_542, %lt3A_544 : vector<16xi32>
      %and3A_546 = arith.andi %ge3A_540, %lt3A_545 : vector<16xi1>
      %sub3A_547 = vector.broadcast %min3A_96 : i32 to vector<16xi32>
      %sub3A_548 = arith.subi %get3A_538, %sub3A_547 : vector<16xi32>
      tpu.vector_store_idx %arg9[%sub3A_548], %broadcast_in_dim3A_37 masked %and3A_546 {add = true} : memref<512xi32, #tpu.memory_space<vmem>>[vector<16xi32>], vector<16xi32>, vector<16xi1>
      %get3A_549 = arith.constant 480 : index
      %get3A_550 = tpu.vector_load %arg6[%get3A_549] {strides = array<i32>} : memref<528xi32, #tpu.memory_space<vmem>>, vector<16xi32>,
      %ge3A_551 = vector.broadcast %add3A_95 : i32 to vector<16xi32>
      %ge3A_552 = arith.cmpi sge, %get3A_550, %ge3A_551 : vector<16xi32>
      %sub3A_553 = vector.broadcast %min3A_96 : i32 to vector<16xi32>
      %sub3A_554 = arith.subi %get3A_550, %sub3A_553 : vector<16xi32>
      %lt3A_555 = arith.constant 512 : i32
      %lt3A_556 = vector.broadcast %lt3A_555 : i32 to vector<16xi32>
      %lt3A_557 = arith.cmpi slt, %sub3A_554, %lt3A_556 : vector<16xi32>
      %and3A_558 = arith.andi %ge3A_552, %lt3A_557 : vector<16xi1>
      %sub3A_559 = vector.broadcast %min3A_96 : i32 to vector<16xi32>
      %sub3A_560 = arith.subi %get3A_550, %sub3A_559 : vector<16xi32>
      tpu.vector_store_idx %arg9[%sub3A_560], %broadcast_in_dim3A_37 masked %and3A_558 {add = true} : memref<512xi32, #tpu.memory_space<vmem>>[vector<16xi32>], vector<16xi32>, vector<16xi1>
      %get3A_561 = arith.constant 496 : index
      %get3A_562 = tpu.vector_load %arg6[%get3A_561] {strides = array<i32>} : memref<528xi32, #tpu.memory_space<vmem>>, vector<16xi32>,
      %ge3A_563 = vector.broadcast %add3A_95 : i32 to vector<16xi32>
      %ge3A_564 = arith.cmpi sge, %get3A_562, %ge3A_563 : vector<16xi32>
      %sub3A_565 = vector.broadcast %min3A_96 : i32 to vector<16xi32>
      %sub3A_566 = arith.subi %get3A_562, %sub3A_565 : vector<16xi32>
      %lt3A_567 = arith.constant 512 : i32
      %lt3A_568 = vector.broadcast %lt3A_567 : i32 to vector<16xi32>
      %lt3A_569 = arith.cmpi slt, %sub3A_566, %lt3A_568 : vector<16xi32>
      %and3A_570 = arith.andi %ge3A_564, %lt3A_569 : vector<16xi1>
      %sub3A_571 = vector.broadcast %min3A_96 : i32 to vector<16xi32>
      %sub3A_572 = arith.subi %get3A_562, %sub3A_571 : vector<16xi32>
      tpu.vector_store_idx %arg9[%sub3A_572], %broadcast_in_dim3A_37 masked %and3A_570 {add = true} : memref<512xi32, #tpu.memory_space<vmem>>[vector<16xi32>], vector<16xi32>, vector<16xi1>
      %max3A = arith.maxsi %add3A_95, %squeeze3A : i32
      %get3A_573 = arith.constant 0 : index
      %get3A_574 = tpu.vector_load %arg9[%get3A_573] {strides = array<i32>} : memref<512xi32, #tpu.memory_space<vmem>>, vector<16xi32>,
      %broadcast_in_dim3A_575 = arith.constant true
      %broadcast_in_dim3A_576 = vector.broadcast %broadcast_in_dim3A_575 : i1 to vector<16xi1>
      %masked_cumsum3A = tpu.scan <sum>, %get3A_574 masked %broadcast_in_dim3A_576 : vector<16xi32>, vector<16xi1> -> vector<16xi32>
      %add3A_577 = arith.constant 0 : i32
      %add3A_578 = arith.addi %min3A_96, %add3A_577 : i32
      %add3A_579 = vector.broadcast %add3A_578 : i32 to vector<16xi32>
      %add3A_580 = arith.addi %add3A_579, %iota3A : vector<16xi32>
      %ge3A_581 = vector.broadcast %max3A : i32 to vector<16xi32>
      %ge3A_582 = arith.cmpi sge, %add3A_580, %ge3A_581 : vector<16xi32>
      %lt3A_583 = vector.broadcast %select_n3A : i32 to vector<16xi32>
      %lt3A_584 = arith.cmpi slt, %add3A_580, %lt3A_583 : vector<16xi32>
      %and3A_585 = arith.andi %ge3A_582, %lt3A_584 : vector<16xi1>
      %add3A_586 = arith.addi %mul3A_4, %while3A_92 : i32
      %add3A_587 = vector.broadcast %add3A_586 : i32 to vector<16xi32>
      %add3A_588 = arith.addi %add3A_587, %masked_cumsum3A : vector<16xi32>
      %sub3A_589 = arith.constant 1 : i32
      %sub3A_590 = vector.broadcast %sub3A_589 : i32 to vector<16xi32>
      %sub3A_591 = arith.subi %add3A_588, %sub3A_590 : vector<16xi32>
      %broadcast_in_dim3A_592 = vector.broadcast %add3A_6 : i32 to vector<16xi32>
      %select_n3A_593 = arith.select %and3A_585, %sub3A_591, %broadcast_in_dim3A_592 : vector<16xi1>, vector<16xi32>
      %swap3A_594 = arith.constant 0 : i32
      %swap3A_595 = arith.index_cast %swap3A_594 : i32 to index
      %swap3A_596 = arith.constant 0 : index
      %swap3A_597 = tpu.vector_load %arg8[%swap3A_595, %swap3A_596] {strides = array<i32>} : memref<4x128xi32, #tpu.memory_space<vmem>>, vector<16xi32>,
      tpu.vector_store %arg8[%swap3A_595, %swap3A_596], %select_n3A_593 {strides = array<i32>} : memref<4x128xi32, #tpu.memory_space<vmem>>, vector<16xi32>,
      %reduce_sum3A = arith.constant true
      %reduce_sum3A_598 = vector.broadcast %reduce_sum3A : i1 to vector<16xi1>
      %reduce_sum3A_599 = tpu.scan <sum>, %get3A_574 masked %reduce_sum3A_598 : vector<16xi32>, vector<16xi1> -> vector<16xi32>
      %reduce_sum3A_600 = vector.extract %reduce_sum3A_599[15] : i32 from vector<16xi32>
      %add3A_601 = arith.addi %while3A_92, %reduce_sum3A_600 : i32
      %get3A_602 = arith.constant 16 : index
      %get3A_603 = tpu.vector_load %arg9[%get3A_602] {strides = array<i32>} : memref<512xi32, #tpu.memory_space<vmem>>, vector<16xi32>,
      %broadcast_in_dim3A_604 = arith.constant true
      %broadcast_in_dim3A_605 = vector.broadcast %broadcast_in_dim3A_604 : i1 to vector<16xi1>
      %masked_cumsum3A_606 = tpu.scan <sum>, %get3A_603 masked %broadcast_in_dim3A_605 : vector<16xi32>, vector<16xi1> -> vector<16xi32>
      %add3A_607 = arith.constant 16 : i32
      %add3A_608 = arith.addi %min3A_96, %add3A_607 : i32
      %add3A_609 = vector.broadcast %add3A_608 : i32 to vector<16xi32>
      %add3A_610 = arith.addi %add3A_609, %iota3A : vector<16xi32>
      %ge3A_611 = vector.broadcast %max3A : i32 to vector<16xi32>
      %ge3A_612 = arith.cmpi sge, %add3A_610, %ge3A_611 : vector<16xi32>
      %lt3A_613 = vector.broadcast %select_n3A : i32 to vector<16xi32>
      %lt3A_614 = arith.cmpi slt, %add3A_610, %lt3A_613 : vector<16xi32>
      %and3A_615 = arith.andi %ge3A_612, %lt3A_614 : vector<16xi1>
      %add3A_616 = arith.addi %mul3A_4, %add3A_601 : i32
      %add3A_617 = vector.broadcast %add3A_616 : i32 to vector<16xi32>
      %add3A_618 = arith.addi %add3A_617, %masked_cumsum3A_606 : vector<16xi32>
      %sub3A_619 = arith.constant 1 : i32
      %sub3A_620 = vector.broadcast %sub3A_619 : i32 to vector<16xi32>
      %sub3A_621 = arith.subi %add3A_618, %sub3A_620 : vector<16xi32>
      %broadcast_in_dim3A_622 = vector.broadcast %add3A_6 : i32 to vector<16xi32>
      %select_n3A_623 = arith.select %and3A_615, %sub3A_621, %broadcast_in_dim3A_622 : vector<16xi1>, vector<16xi32>
      %swap3A_624 = arith.constant 0 : i32
      %swap3A_625 = arith.index_cast %swap3A_624 : i32 to index
      %swap3A_626 = arith.constant 16 : index
      %swap3A_627 = tpu.vector_load %arg8[%swap3A_625, %swap3A_626] {strides = array<i32>} : memref<4x128xi32, #tpu.memory_space<vmem>>, vector<16xi32>,
      tpu.vector_store %arg8[%swap3A_625, %swap3A_626], %select_n3A_623 {strides = array<i32>} : memref<4x128xi32, #tpu.memory_space<vmem>>, vector<16xi32>,
      %reduce_sum3A_628 = arith.constant true
      %reduce_sum3A_629 = vector.broadcast %reduce_sum3A_628 : i1 to vector<16xi1>
      %reduce_sum3A_630 = tpu.scan <sum>, %get3A_603 masked %reduce_sum3A_629 : vector<16xi32>, vector<16xi1> -> vector<16xi32>
      %reduce_sum3A_631 = vector.extract %reduce_sum3A_630[15] : i32 from vector<16xi32>
      %add3A_632 = arith.addi %add3A_601, %reduce_sum3A_631 : i32
      %get3A_633 = arith.constant 32 : index
      %get3A_634 = tpu.vector_load %arg9[%get3A_633] {strides = array<i32>} : memref<512xi32, #tpu.memory_space<vmem>>, vector<16xi32>,
      %broadcast_in_dim3A_635 = arith.constant true
      %broadcast_in_dim3A_636 = vector.broadcast %broadcast_in_dim3A_635 : i1 to vector<16xi1>
      %masked_cumsum3A_637 = tpu.scan <sum>, %get3A_634 masked %broadcast_in_dim3A_636 : vector<16xi32>, vector<16xi1> -> vector<16xi32>
      %add3A_638 = arith.constant 32 : i32
      %add3A_639 = arith.addi %min3A_96, %add3A_638 : i32
      %add3A_640 = vector.broadcast %add3A_639 : i32 to vector<16xi32>
      %add3A_641 = arith.addi %add3A_640, %iota3A : vector<16xi32>
      %ge3A_642 = vector.broadcast %max3A : i32 to vector<16xi32>
      %ge3A_643 = arith.cmpi sge, %add3A_641, %ge3A_642 : vector<16xi32>
      %lt3A_644 = vector.broadcast %select_n3A : i32 to vector<16xi32>
      %lt3A_645 = arith.cmpi slt, %add3A_641, %lt3A_644 : vector<16xi32>
      %and3A_646 = arith.andi %ge3A_643, %lt3A_645 : vector<16xi1>
      %add3A_647 = arith.addi %mul3A_4, %add3A_632 : i32
      %add3A_648 = vector.broadcast %add3A_647 : i32 to vector<16xi32>
      %add3A_649 = arith.addi %add3A_648, %masked_cumsum3A_637 : vector<16xi32>
      %sub3A_650 = arith.constant 1 : i32
      %sub3A_651 = vector.broadcast %sub3A_650 : i32 to vector<16xi32>
      %sub3A_652 = arith.subi %add3A_649, %sub3A_651 : vector<16xi32>
      %broadcast_in_dim3A_653 = vector.broadcast %add3A_6 : i32 to vector<16xi32>
      %select_n3A_654 = arith.select %and3A_646, %sub3A_652, %broadcast_in_dim3A_653 : vector<16xi1>, vector<16xi32>
      %swap3A_655 = arith.constant 0 : i32
      %swap3A_656 = arith.index_cast %swap3A_655 : i32 to index
      %swap3A_657 = arith.constant 32 : index
      %swap3A_658 = tpu.vector_load %arg8[%swap3A_656, %swap3A_657] {strides = array<i32>} : memref<4x128xi32, #tpu.memory_space<vmem>>, vector<16xi32>,
      tpu.vector_store %arg8[%swap3A_656, %swap3A_657], %select_n3A_654 {strides = array<i32>} : memref<4x128xi32, #tpu.memory_space<vmem>>, vector<16xi32>,
      %reduce_sum3A_659 = arith.constant true
      %reduce_sum3A_660 = vector.broadcast %reduce_sum3A_659 : i1 to vector<16xi1>
      %reduce_sum3A_661 = tpu.scan <sum>, %get3A_634 masked %reduce_sum3A_660 : vector<16xi32>, vector<16xi1> -> vector<16xi32>
      %reduce_sum3A_662 = vector.extract %reduce_sum3A_661[15] : i32 from vector<16xi32>
      %add3A_663 = arith.addi %add3A_632, %reduce_sum3A_662 : i32
      %get3A_664 = arith.constant 48 : index
      %get3A_665 = tpu.vector_load %arg9[%get3A_664] {strides = array<i32>} : memref<512xi32, #tpu.memory_space<vmem>>, vector<16xi32>,
      %broadcast_in_dim3A_666 = arith.constant true
      %broadcast_in_dim3A_667 = vector.broadcast %broadcast_in_dim3A_666 : i1 to vector<16xi1>
      %masked_cumsum3A_668 = tpu.scan <sum>, %get3A_665 masked %broadcast_in_dim3A_667 : vector<16xi32>, vector<16xi1> -> vector<16xi32>
      %add3A_669 = arith.constant 48 : i32
      %add3A_670 = arith.addi %min3A_96, %add3A_669 : i32
      %add3A_671 = vector.broadcast %add3A_670 : i32 to vector<16xi32>
      %add3A_672 = arith.addi %add3A_671, %iota3A : vector<16xi32>
      %ge3A_673 = vector.broadcast %max3A : i32 to vector<16xi32>
      %ge3A_674 = arith.cmpi sge, %add3A_672, %ge3A_673 : vector<16xi32>
      %lt3A_675 = vector.broadcast %select_n3A : i32 to vector<16xi32>
      %lt3A_676 = arith.cmpi slt, %add3A_672, %lt3A_675 : vector<16xi32>
      %and3A_677 = arith.andi %ge3A_674, %lt3A_676 : vector<16xi1>
      %add3A_678 = arith.addi %mul3A_4, %add3A_663 : i32
      %add3A_679 = vector.broadcast %add3A_678 : i32 to vector<16xi32>
      %add3A_680 = arith.addi %add3A_679, %masked_cumsum3A_668 : vector<16xi32>
      %sub3A_681 = arith.constant 1 : i32
      %sub3A_682 = vector.broadcast %sub3A_681 : i32 to vector<16xi32>
      %sub3A_683 = arith.subi %add3A_680, %sub3A_682 : vector<16xi32>
      %broadcast_in_dim3A_684 = vector.broadcast %add3A_6 : i32 to vector<16xi32>
      %select_n3A_685 = arith.select %and3A_677, %sub3A_683, %broadcast_in_dim3A_684 : vector<16xi1>, vector<16xi32>
      %swap3A_686 = arith.constant 0 : i32
      %swap3A_687 = arith.index_cast %swap3A_686 : i32 to index
      %swap3A_688 = arith.constant 48 : index
      %swap3A_689 = tpu.vector_load %arg8[%swap3A_687, %swap3A_688] {strides = array<i32>} : memref<4x128xi32, #tpu.memory_space<vmem>>, vector<16xi32>,
      tpu.vector_store %arg8[%swap3A_687, %swap3A_688], %select_n3A_685 {strides = array<i32>} : memref<4x128xi32, #tpu.memory_space<vmem>>, vector<16xi32>,
      %reduce_sum3A_690 = arith.constant true
      %reduce_sum3A_691 = vector.broadcast %reduce_sum3A_690 : i1 to vector<16xi1>
      %reduce_sum3A_692 = tpu.scan <sum>, %get3A_665 masked %reduce_sum3A_691 : vector<16xi32>, vector<16xi1> -> vector<16xi32>
      %reduce_sum3A_693 = vector.extract %reduce_sum3A_692[15] : i32 from vector<16xi32>
      %add3A_694 = arith.addi %add3A_663, %reduce_sum3A_693 : i32
      %get3A_695 = arith.constant 64 : index
      %get3A_696 = tpu.vector_load %arg9[%get3A_695] {strides = array<i32>} : memref<512xi32, #tpu.memory_space<vmem>>, vector<16xi32>,
      %broadcast_in_dim3A_697 = arith.constant true
      %broadcast_in_dim3A_698 = vector.broadcast %broadcast_in_dim3A_697 : i1 to vector<16xi1>
      %masked_cumsum3A_699 = tpu.scan <sum>, %get3A_696 masked %broadcast_in_dim3A_698 : vector<16xi32>, vector<16xi1> -> vector<16xi32>
      %add3A_700 = arith.constant 64 : i32
      %add3A_701 = arith.addi %min3A_96, %add3A_700 : i32
      %add3A_702 = vector.broadcast %add3A_701 : i32 to vector<16xi32>
      %add3A_703 = arith.addi %add3A_702, %iota3A : vector<16xi32>
      %ge3A_704 = vector.broadcast %max3A : i32 to vector<16xi32>
      %ge3A_705 = arith.cmpi sge, %add3A_703, %ge3A_704 : vector<16xi32>
      %lt3A_706 = vector.broadcast %select_n3A : i32 to vector<16xi32>
      %lt3A_707 = arith.cmpi slt, %add3A_703, %lt3A_706 : vector<16xi32>
      %and3A_708 = arith.andi %ge3A_705, %lt3A_707 : vector<16xi1>
      %add3A_709 = arith.addi %mul3A_4, %add3A_694 : i32
      %add3A_710 = vector.broadcast %add3A_709 : i32 to vector<16xi32>
      %add3A_711 = arith.addi %add3A_710, %masked_cumsum3A_699 : vector<16xi32>
      %sub3A_712 = arith.constant 1 : i32
      %sub3A_713 = vector.broadcast %sub3A_712 : i32 to vector<16xi32>
      %sub3A_714 = arith.subi %add3A_711, %sub3A_713 : vector<16xi32>
      %broadcast_in_dim3A_715 = vector.broadcast %add3A_6 : i32 to vector<16xi32>
      %select_n3A_716 = arith.select %and3A_708, %sub3A_714, %broadcast_in_dim3A_715 : vector<16xi1>, vector<16xi32>
      %swap3A_717 = arith.constant 0 : i32
      %swap3A_718 = arith.index_cast %swap3A_717 : i32 to index
      %swap3A_719 = arith.constant 64 : index
      %swap3A_720 = tpu.vector_load %arg8[%swap3A_718, %swap3A_719] {strides = array<i32>} : memref<4x128xi32, #tpu.memory_space<vmem>>, vector<16xi32>,
      tpu.vector_store %arg8[%swap3A_718, %swap3A_719], %select_n3A_716 {strides = array<i32>} : memref<4x128xi32, #tpu.memory_space<vmem>>, vector<16xi32>,
      %reduce_sum3A_721 = arith.constant true
      %reduce_sum3A_722 = vector.broadcast %reduce_sum3A_721 : i1 to vector<16xi1>
      %reduce_sum3A_723 = tpu.scan <sum>, %get3A_696 masked %reduce_sum3A_722 : vector<16xi32>, vector<16xi1> -> vector<16xi32>
      %reduce_sum3A_724 = vector.extract %reduce_sum3A_723[15] : i32 from vector<16xi32>
      %add3A_725 = arith.addi %add3A_694, %reduce_sum3A_724 : i32
      %get3A_726 = arith.constant 80 : index
      %get3A_727 = tpu.vector_load %arg9[%get3A_726] {strides = array<i32>} : memref<512xi32, #tpu.memory_space<vmem>>, vector<16xi32>,
      %broadcast_in_dim3A_728 = arith.constant true
      %broadcast_in_dim3A_729 = vector.broadcast %broadcast_in_dim3A_728 : i1 to vector<16xi1>
      %masked_cumsum3A_730 = tpu.scan <sum>, %get3A_727 masked %broadcast_in_dim3A_729 : vector<16xi32>, vector<16xi1> -> vector<16xi32>
      %add3A_731 = arith.constant 80 : i32
      %add3A_732 = arith.addi %min3A_96, %add3A_731 : i32
      %add3A_733 = vector.broadcast %add3A_732 : i32 to vector<16xi32>
      %add3A_734 = arith.addi %add3A_733, %iota3A : vector<16xi32>
      %ge3A_735 = vector.broadcast %max3A : i32 to vector<16xi32>
      %ge3A_736 = arith.cmpi sge, %add3A_734, %ge3A_735 : vector<16xi32>
      %lt3A_737 = vector.broadcast %select_n3A : i32 to vector<16xi32>
      %lt3A_738 = arith.cmpi slt, %add3A_734, %lt3A_737 : vector<16xi32>
      %and3A_739 = arith.andi %ge3A_736, %lt3A_738 : vector<16xi1>
      %add3A_740 = arith.addi %mul3A_4, %add3A_725 : i32
      %add3A_741 = vector.broadcast %add3A_740 : i32 to vector<16xi32>
      %add3A_742 = arith.addi %add3A_741, %masked_cumsum3A_730 : vector<16xi32>
      %sub3A_743 = arith.constant 1 : i32
      %sub3A_744 = vector.broadcast %sub3A_743 : i32 to vector<16xi32>
      %sub3A_745 = arith.subi %add3A_742, %sub3A_744 : vector<16xi32>
      %broadcast_in_dim3A_746 = vector.broadcast %add3A_6 : i32 to vector<16xi32>
      %select_n3A_747 = arith.select %and3A_739, %sub3A_745, %broadcast_in_dim3A_746 : vector<16xi1>, vector<16xi32>
      %swap3A_748 = arith.constant 0 : i32
      %swap3A_749 = arith.index_cast %swap3A_748 : i32 to index
      %swap3A_750 = arith.constant 80 : index
      %swap3A_751 = tpu.vector_load %arg8[%swap3A_749, %swap3A_750] {strides = array<i32>} : memref<4x128xi32, #tpu.memory_space<vmem>>, vector<16xi32>,
      tpu.vector_store %arg8[%swap3A_749, %swap3A_750], %select_n3A_747 {strides = array<i32>} : memref<4x128xi32, #tpu.memory_space<vmem>>, vector<16xi32>,
      %reduce_sum3A_752 = arith.constant true
      %reduce_sum3A_753 = vector.broadcast %reduce_sum3A_752 : i1 to vector<16xi1>
      %reduce_sum3A_754 = tpu.scan <sum>, %get3A_727 masked %reduce_sum3A_753 : vector<16xi32>, vector<16xi1> -> vector<16xi32>
      %reduce_sum3A_755 = vector.extract %reduce_sum3A_754[15] : i32 from vector<16xi32>
      %add3A_756 = arith.addi %add3A_725, %reduce_sum3A_755 : i32
      %get3A_757 = arith.constant 96 : index
      %get3A_758 = tpu.vector_load %arg9[%get3A_757] {strides = array<i32>} : memref<512xi32, #tpu.memory_space<vmem>>, vector<16xi32>,
      %broadcast_in_dim3A_759 = arith.constant true
      %broadcast_in_dim3A_760 = vector.broadcast %broadcast_in_dim3A_759 : i1 to vector<16xi1>
      %masked_cumsum3A_761 = tpu.scan <sum>, %get3A_758 masked %broadcast_in_dim3A_760 : vector<16xi32>, vector<16xi1> -> vector<16xi32>
      %add3A_762 = arith.constant 96 : i32
      %add3A_763 = arith.addi %min3A_96, %add3A_762 : i32
      %add3A_764 = vector.broadcast %add3A_763 : i32 to vector<16xi32>
      %add3A_765 = arith.addi %add3A_764, %iota3A : vector<16xi32>
      %ge3A_766 = vector.broadcast %max3A : i32 to vector<16xi32>
      %ge3A_767 = arith.cmpi sge, %add3A_765, %ge3A_766 : vector<16xi32>
      %lt3A_768 = vector.broadcast %select_n3A : i32 to vector<16xi32>
      %lt3A_769 = arith.cmpi slt, %add3A_765, %lt3A_768 : vector<16xi32>
      %and3A_770 = arith.andi %ge3A_767, %lt3A_769 : vector<16xi1>
      %add3A_771 = arith.addi %mul3A_4, %add3A_756 : i32
      %add3A_772 = vector.broadcast %add3A_771 : i32 to vector<16xi32>
      %add3A_773 = arith.addi %add3A_772, %masked_cumsum3A_761 : vector<16xi32>
      %sub3A_774 = arith.constant 1 : i32
      %sub3A_775 = vector.broadcast %sub3A_774 : i32 to vector<16xi32>
      %sub3A_776 = arith.subi %add3A_773, %sub3A_775 : vector<16xi32>
      %broadcast_in_dim3A_777 = vector.broadcast %add3A_6 : i32 to vector<16xi32>
      %select_n3A_778 = arith.select %and3A_770, %sub3A_776, %broadcast_in_dim3A_777 : vector<16xi1>, vector<16xi32>
      %swap3A_779 = arith.constant 0 : i32
      %swap3A_780 = arith.index_cast %swap3A_779 : i32 to index
      %swap3A_781 = arith.constant 96 : index
      %swap3A_782 = tpu.vector_load %arg8[%swap3A_780, %swap3A_781] {strides = array<i32>} : memref<4x128xi32, #tpu.memory_space<vmem>>, vector<16xi32>,
      tpu.vector_store %arg8[%swap3A_780, %swap3A_781], %select_n3A_778 {strides = array<i32>} : memref<4x128xi32, #tpu.memory_space<vmem>>, vector<16xi32>,
      %reduce_sum3A_783 = arith.constant true
      %reduce_sum3A_784 = vector.broadcast %reduce_sum3A_783 : i1 to vector<16xi1>
      %reduce_sum3A_785 = tpu.scan <sum>, %get3A_758 masked %reduce_sum3A_784 : vector<16xi32>, vector<16xi1> -> vector<16xi32>
      %reduce_sum3A_786 = vector.extract %reduce_sum3A_785[15] : i32 from vector<16xi32>
      %add3A_787 = arith.addi %add3A_756, %reduce_sum3A_786 : i32
      %get3A_788 = arith.constant 112 : index
      %get3A_789 = tpu.vector_load %arg9[%get3A_788] {strides = array<i32>} : memref<512xi32, #tpu.memory_space<vmem>>, vector<16xi32>,
      %broadcast_in_dim3A_790 = arith.constant true
      %broadcast_in_dim3A_791 = vector.broadcast %broadcast_in_dim3A_790 : i1 to vector<16xi1>
      %masked_cumsum3A_792 = tpu.scan <sum>, %get3A_789 masked %broadcast_in_dim3A_791 : vector<16xi32>, vector<16xi1> -> vector<16xi32>
      %add3A_793 = arith.constant 112 : i32
      %add3A_794 = arith.addi %min3A_96, %add3A_793 : i32
      %add3A_795 = vector.broadcast %add3A_794 : i32 to vector<16xi32>
      %add3A_796 = arith.addi %add3A_795, %iota3A : vector<16xi32>
      %ge3A_797 = vector.broadcast %max3A : i32 to vector<16xi32>
      %ge3A_798 = arith.cmpi sge, %add3A_796, %ge3A_797 : vector<16xi32>
      %lt3A_799 = vector.broadcast %select_n3A : i32 to vector<16xi32>
      %lt3A_800 = arith.cmpi slt, %add3A_796, %lt3A_799 : vector<16xi32>
      %and3A_801 = arith.andi %ge3A_798, %lt3A_800 : vector<16xi1>
      %add3A_802 = arith.addi %mul3A_4, %add3A_787 : i32
      %add3A_803 = vector.broadcast %add3A_802 : i32 to vector<16xi32>
      %add3A_804 = arith.addi %add3A_803, %masked_cumsum3A_792 : vector<16xi32>
      %sub3A_805 = arith.constant 1 : i32
      %sub3A_806 = vector.broadcast %sub3A_805 : i32 to vector<16xi32>
      %sub3A_807 = arith.subi %add3A_804, %sub3A_806 : vector<16xi32>
      %broadcast_in_dim3A_808 = vector.broadcast %add3A_6 : i32 to vector<16xi32>
      %select_n3A_809 = arith.select %and3A_801, %sub3A_807, %broadcast_in_dim3A_808 : vector<16xi1>, vector<16xi32>
      %swap3A_810 = arith.constant 0 : i32
      %swap3A_811 = arith.index_cast %swap3A_810 : i32 to index
      %swap3A_812 = arith.constant 112 : index
      %swap3A_813 = tpu.vector_load %arg8[%swap3A_811, %swap3A_812] {strides = array<i32>} : memref<4x128xi32, #tpu.memory_space<vmem>>, vector<16xi32>,
      tpu.vector_store %arg8[%swap3A_811, %swap3A_812], %select_n3A_809 {strides = array<i32>} : memref<4x128xi32, #tpu.memory_space<vmem>>, vector<16xi32>,
      %reduce_sum3A_814 = arith.constant true
      %reduce_sum3A_815 = vector.broadcast %reduce_sum3A_814 : i1 to vector<16xi1>
      %reduce_sum3A_816 = tpu.scan <sum>, %get3A_789 masked %reduce_sum3A_815 : vector<16xi32>, vector<16xi1> -> vector<16xi32>
      %reduce_sum3A_817 = vector.extract %reduce_sum3A_816[15] : i32 from vector<16xi32>
      %add3A_818 = arith.addi %add3A_787, %reduce_sum3A_817 : i32
      %get3A_819 = arith.constant 128 : index
      %get3A_820 = tpu.vector_load %arg9[%get3A_819] {strides = array<i32>} : memref<512xi32, #tpu.memory_space<vmem>>, vector<16xi32>,
      %broadcast_in_dim3A_821 = arith.constant true
      %broadcast_in_dim3A_822 = vector.broadcast %broadcast_in_dim3A_821 : i1 to vector<16xi1>
      %masked_cumsum3A_823 = tpu.scan <sum>, %get3A_820 masked %broadcast_in_dim3A_822 : vector<16xi32>, vector<16xi1> -> vector<16xi32>
      %add3A_824 = arith.constant 128 : i32
      %add3A_825 = arith.addi %min3A_96, %add3A_824 : i32
      %add3A_826 = vector.broadcast %add3A_825 : i32 to vector<16xi32>
      %add3A_827 = arith.addi %add3A_826, %iota3A : vector<16xi32>
      %ge3A_828 = vector.broadcast %max3A : i32 to vector<16xi32>
      %ge3A_829 = arith.cmpi sge, %add3A_827, %ge3A_828 : vector<16xi32>
      %lt3A_830 = vector.broadcast %select_n3A : i32 to vector<16xi32>
      %lt3A_831 = arith.cmpi slt, %add3A_827, %lt3A_830 : vector<16xi32>
      %and3A_832 = arith.andi %ge3A_829, %lt3A_831 : vector<16xi1>
      %add3A_833 = arith.addi %mul3A_4, %add3A_818 : i32
      %add3A_834 = vector.broadcast %add3A_833 : i32 to vector<16xi32>
      %add3A_835 = arith.addi %add3A_834, %masked_cumsum3A_823 : vector<16xi32>
      %sub3A_836 = arith.constant 1 : i32
      %sub3A_837 = vector.broadcast %sub3A_836 : i32 to vector<16xi32>
      %sub3A_838 = arith.subi %add3A_835, %sub3A_837 : vector<16xi32>
      %broadcast_in_dim3A_839 = vector.broadcast %add3A_6 : i32 to vector<16xi32>
      %select_n3A_840 = arith.select %and3A_832, %sub3A_838, %broadcast_in_dim3A_839 : vector<16xi1>, vector<16xi32>
      %swap3A_841 = arith.constant 1 : i32
      %swap3A_842 = arith.index_cast %swap3A_841 : i32 to index
      %swap3A_843 = arith.constant 0 : index
      %swap3A_844 = tpu.vector_load %arg8[%swap3A_842, %swap3A_843] {strides = array<i32>} : memref<4x128xi32, #tpu.memory_space<vmem>>, vector<16xi32>,
      tpu.vector_store %arg8[%swap3A_842, %swap3A_843], %select_n3A_840 {strides = array<i32>} : memref<4x128xi32, #tpu.memory_space<vmem>>, vector<16xi32>,
      %reduce_sum3A_845 = arith.constant true
      %reduce_sum3A_846 = vector.broadcast %reduce_sum3A_845 : i1 to vector<16xi1>
      %reduce_sum3A_847 = tpu.scan <sum>, %get3A_820 masked %reduce_sum3A_846 : vector<16xi32>, vector<16xi1> -> vector<16xi32>
      %reduce_sum3A_848 = vector.extract %reduce_sum3A_847[15] : i32 from vector<16xi32>
      %add3A_849 = arith.addi %add3A_818, %reduce_sum3A_848 : i32
      %get3A_850 = arith.constant 144 : index
      %get3A_851 = tpu.vector_load %arg9[%get3A_850] {strides = array<i32>} : memref<512xi32, #tpu.memory_space<vmem>>, vector<16xi32>,
      %broadcast_in_dim3A_852 = arith.constant true
      %broadcast_in_dim3A_853 = vector.broadcast %broadcast_in_dim3A_852 : i1 to vector<16xi1>
      %masked_cumsum3A_854 = tpu.scan <sum>, %get3A_851 masked %broadcast_in_dim3A_853 : vector<16xi32>, vector<16xi1> -> vector<16xi32>
      %add3A_855 = arith.constant 144 : i32
      %add3A_856 = arith.addi %min3A_96, %add3A_855 : i32
      %add3A_857 = vector.broadcast %add3A_856 : i32 to vector<16xi32>
      %add3A_858 = arith.addi %add3A_857, %iota3A : vector<16xi32>
      %ge3A_859 = vector.broadcast %max3A : i32 to vector<16xi32>
      %ge3A_860 = arith.cmpi sge, %add3A_858, %ge3A_859 : vector<16xi32>
      %lt3A_861 = vector.broadcast %select_n3A : i32 to vector<16xi32>
      %lt3A_862 = arith.cmpi slt, %add3A_858, %lt3A_861 : vector<16xi32>
      %and3A_863 = arith.andi %ge3A_860, %lt3A_862 : vector<16xi1>
      %add3A_864 = arith.addi %mul3A_4, %add3A_849 : i32
      %add3A_865 = vector.broadcast %add3A_864 : i32 to vector<16xi32>
      %add3A_866 = arith.addi %add3A_865, %masked_cumsum3A_854 : vector<16xi32>
      %sub3A_867 = arith.constant 1 : i32
      %sub3A_868 = vector.broadcast %sub3A_867 : i32 to vector<16xi32>
      %sub3A_869 = arith.subi %add3A_866, %sub3A_868 : vector<16xi32>
      %broadcast_in_dim3A_870 = vector.broadcast %add3A_6 : i32 to vector<16xi32>
      %select_n3A_871 = arith.select %and3A_863, %sub3A_869, %broadcast_in_dim3A_870 : vector<16xi1>, vector<16xi32>
      %swap3A_872 = arith.constant 1 : i32
      %swap3A_873 = arith.index_cast %swap3A_872 : i32 to index
      %swap3A_874 = arith.constant 16 : index
      %swap3A_875 = tpu.vector_load %arg8[%swap3A_873, %swap3A_874] {strides = array<i32>} : memref<4x128xi32, #tpu.memory_space<vmem>>, vector<16xi32>,
      tpu.vector_store %arg8[%swap3A_873, %swap3A_874], %select_n3A_871 {strides = array<i32>} : memref<4x128xi32, #tpu.memory_space<vmem>>, vector<16xi32>,
      %reduce_sum3A_876 = arith.constant true
      %reduce_sum3A_877 = vector.broadcast %reduce_sum3A_876 : i1 to vector<16xi1>
      %reduce_sum3A_878 = tpu.scan <sum>, %get3A_851 masked %reduce_sum3A_877 : vector<16xi32>, vector<16xi1> -> vector<16xi32>
      %reduce_sum3A_879 = vector.extract %reduce_sum3A_878[15] : i32 from vector<16xi32>
      %add3A_880 = arith.addi %add3A_849, %reduce_sum3A_879 : i32
      %get3A_881 = arith.constant 160 : index
      %get3A_882 = tpu.vector_load %arg9[%get3A_881] {strides = array<i32>} : memref<512xi32, #tpu.memory_space<vmem>>, vector<16xi32>,
      %broadcast_in_dim3A_883 = arith.constant true
      %broadcast_in_dim3A_884 = vector.broadcast %broadcast_in_dim3A_883 : i1 to vector<16xi1>
      %masked_cumsum3A_885 = tpu.scan <sum>, %get3A_882 masked %broadcast_in_dim3A_884 : vector<16xi32>, vector<16xi1> -> vector<16xi32>
      %add3A_886 = arith.constant 160 : i32
      %add3A_887 = arith.addi %min3A_96, %add3A_886 : i32
      %add3A_888 = vector.broadcast %add3A_887 : i32 to vector<16xi32>
      %add3A_889 = arith.addi %add3A_888, %iota3A : vector<16xi32>
      %ge3A_890 = vector.broadcast %max3A : i32 to vector<16xi32>
      %ge3A_891 = arith.cmpi sge, %add3A_889, %ge3A_890 : vector<16xi32>
      %lt3A_892 = vector.broadcast %select_n3A : i32 to vector<16xi32>
      %lt3A_893 = arith.cmpi slt, %add3A_889, %lt3A_892 : vector<16xi32>
      %and3A_894 = arith.andi %ge3A_891, %lt3A_893 : vector<16xi1>
      %add3A_895 = arith.addi %mul3A_4, %add3A_880 : i32
      %add3A_896 = vector.broadcast %add3A_895 : i32 to vector<16xi32>
      %add3A_897 = arith.addi %add3A_896, %masked_cumsum3A_885 : vector<16xi32>
      %sub3A_898 = arith.constant 1 : i32
      %sub3A_899 = vector.broadcast %sub3A_898 : i32 to vector<16xi32>
      %sub3A_900 = arith.subi %add3A_897, %sub3A_899 : vector<16xi32>
      %broadcast_in_dim3A_901 = vector.broadcast %add3A_6 : i32 to vector<16xi32>
      %select_n3A_902 = arith.select %and3A_894, %sub3A_900, %broadcast_in_dim3A_901 : vector<16xi1>, vector<16xi32>
      %swap3A_903 = arith.constant 1 : i32
      %swap3A_904 = arith.index_cast %swap3A_903 : i32 to index
      %swap3A_905 = arith.constant 32 : index
      %swap3A_906 = tpu.vector_load %arg8[%swap3A_904, %swap3A_905] {strides = array<i32>} : memref<4x128xi32, #tpu.memory_space<vmem>>, vector<16xi32>,
      tpu.vector_store %arg8[%swap3A_904, %swap3A_905], %select_n3A_902 {strides = array<i32>} : memref<4x128xi32, #tpu.memory_space<vmem>>, vector<16xi32>,
      %reduce_sum3A_907 = arith.constant true
      %reduce_sum3A_908 = vector.broadcast %reduce_sum3A_907 : i1 to vector<16xi1>
      %reduce_sum3A_909 = tpu.scan <sum>, %get3A_882 masked %reduce_sum3A_908 : vector<16xi32>, vector<16xi1> -> vector<16xi32>
      %reduce_sum3A_910 = vector.extract %reduce_sum3A_909[15] : i32 from vector<16xi32>
      %add3A_911 = arith.addi %add3A_880, %reduce_sum3A_910 : i32
      %get3A_912 = arith.constant 176 : index
      %get3A_913 = tpu.vector_load %arg9[%get3A_912] {strides = array<i32>} : memref<512xi32, #tpu.memory_space<vmem>>, vector<16xi32>,
      %broadcast_in_dim3A_914 = arith.constant true
      %broadcast_in_dim3A_915 = vector.broadcast %broadcast_in_dim3A_914 : i1 to vector<16xi1>
      %masked_cumsum3A_916 = tpu.scan <sum>, %get3A_913 masked %broadcast_in_dim3A_915 : vector<16xi32>, vector<16xi1> -> vector<16xi32>
      %add3A_917 = arith.constant 176 : i32
      %add3A_918 = arith.addi %min3A_96, %add3A_917 : i32
      %add3A_919 = vector.broadcast %add3A_918 : i32 to vector<16xi32>
      %add3A_920 = arith.addi %add3A_919, %iota3A : vector<16xi32>
      %ge3A_921 = vector.broadcast %max3A : i32 to vector<16xi32>
      %ge3A_922 = arith.cmpi sge, %add3A_920, %ge3A_921 : vector<16xi32>
      %lt3A_923 = vector.broadcast %select_n3A : i32 to vector<16xi32>
      %lt3A_924 = arith.cmpi slt, %add3A_920, %lt3A_923 : vector<16xi32>
      %and3A_925 = arith.andi %ge3A_922, %lt3A_924 : vector<16xi1>
      %add3A_926 = arith.addi %mul3A_4, %add3A_911 : i32
      %add3A_927 = vector.broadcast %add3A_926 : i32 to vector<16xi32>
      %add3A_928 = arith.addi %add3A_927, %masked_cumsum3A_916 : vector<16xi32>
      %sub3A_929 = arith.constant 1 : i32
      %sub3A_930 = vector.broadcast %sub3A_929 : i32 to vector<16xi32>
      %sub3A_931 = arith.subi %add3A_928, %sub3A_930 : vector<16xi32>
      %broadcast_in_dim3A_932 = vector.broadcast %add3A_6 : i32 to vector<16xi32>
      %select_n3A_933 = arith.select %and3A_925, %sub3A_931, %broadcast_in_dim3A_932 : vector<16xi1>, vector<16xi32>
      %swap3A_934 = arith.constant 1 : i32
      %swap3A_935 = arith.index_cast %swap3A_934 : i32 to index
      %swap3A_936 = arith.constant 48 : index
      %swap3A_937 = tpu.vector_load %arg8[%swap3A_935, %swap3A_936] {strides = array<i32>} : memref<4x128xi32, #tpu.memory_space<vmem>>, vector<16xi32>,
      tpu.vector_store %arg8[%swap3A_935, %swap3A_936], %select_n3A_933 {strides = array<i32>} : memref<4x128xi32, #tpu.memory_space<vmem>>, vector<16xi32>,
      %reduce_sum3A_938 = arith.constant true
      %reduce_sum3A_939 = vector.broadcast %reduce_sum3A_938 : i1 to vector<16xi1>
      %reduce_sum3A_940 = tpu.scan <sum>, %get3A_913 masked %reduce_sum3A_939 : vector<16xi32>, vector<16xi1> -> vector<16xi32>
      %reduce_sum3A_941 = vector.extract %reduce_sum3A_940[15] : i32 from vector<16xi32>
      %add3A_942 = arith.addi %add3A_911, %reduce_sum3A_941 : i32
      %get3A_943 = arith.constant 192 : index
      %get3A_944 = tpu.vector_load %arg9[%get3A_943] {strides = array<i32>} : memref<512xi32, #tpu.memory_space<vmem>>, vector<16xi32>,
      %broadcast_in_dim3A_945 = arith.constant true
      %broadcast_in_dim3A_946 = vector.broadcast %broadcast_in_dim3A_945 : i1 to vector<16xi1>
      %masked_cumsum3A_947 = tpu.scan <sum>, %get3A_944 masked %broadcast_in_dim3A_946 : vector<16xi32>, vector<16xi1> -> vector<16xi32>
      %add3A_948 = arith.constant 192 : i32
      %add3A_949 = arith.addi %min3A_96, %add3A_948 : i32
      %add3A_950 = vector.broadcast %add3A_949 : i32 to vector<16xi32>
      %add3A_951 = arith.addi %add3A_950, %iota3A : vector<16xi32>
      %ge3A_952 = vector.broadcast %max3A : i32 to vector<16xi32>
      %ge3A_953 = arith.cmpi sge, %add3A_951, %ge3A_952 : vector<16xi32>
      %lt3A_954 = vector.broadcast %select_n3A : i32 to vector<16xi32>
      %lt3A_955 = arith.cmpi slt, %add3A_951, %lt3A_954 : vector<16xi32>
      %and3A_956 = arith.andi %ge3A_953, %lt3A_955 : vector<16xi1>
      %add3A_957 = arith.addi %mul3A_4, %add3A_942 : i32
      %add3A_958 = vector.broadcast %add3A_957 : i32 to vector<16xi32>
      %add3A_959 = arith.addi %add3A_958, %masked_cumsum3A_947 : vector<16xi32>
      %sub3A_960 = arith.constant 1 : i32
      %sub3A_961 = vector.broadcast %sub3A_960 : i32 to vector<16xi32>
      %sub3A_962 = arith.subi %add3A_959, %sub3A_961 : vector<16xi32>
      %broadcast_in_dim3A_963 = vector.broadcast %add3A_6 : i32 to vector<16xi32>
      %select_n3A_964 = arith.select %and3A_956, %sub3A_962, %broadcast_in_dim3A_963 : vector<16xi1>, vector<16xi32>
      %swap3A_965 = arith.constant 1 : i32
      %swap3A_966 = arith.index_cast %swap3A_965 : i32 to index
      %swap3A_967 = arith.constant 64 : index
      %swap3A_968 = tpu.vector_load %arg8[%swap3A_966, %swap3A_967] {strides = array<i32>} : memref<4x128xi32, #tpu.memory_space<vmem>>, vector<16xi32>,
      tpu.vector_store %arg8[%swap3A_966, %swap3A_967], %select_n3A_964 {strides = array<i32>} : memref<4x128xi32, #tpu.memory_space<vmem>>, vector<16xi32>,
      %reduce_sum3A_969 = arith.constant true
      %reduce_sum3A_970 = vector.broadcast %reduce_sum3A_969 : i1 to vector<16xi1>
      %reduce_sum3A_971 = tpu.scan <sum>, %get3A_944 masked %reduce_sum3A_970 : vector<16xi32>, vector<16xi1> -> vector<16xi32>
      %reduce_sum3A_972 = vector.extract %reduce_sum3A_971[15] : i32 from vector<16xi32>
      %add3A_973 = arith.addi %add3A_942, %reduce_sum3A_972 : i32
      %get3A_974 = arith.constant 208 : index
      %get3A_975 = tpu.vector_load %arg9[%get3A_974] {strides = array<i32>} : memref<512xi32, #tpu.memory_space<vmem>>, vector<16xi32>,
      %broadcast_in_dim3A_976 = arith.constant true
      %broadcast_in_dim3A_977 = vector.broadcast %broadcast_in_dim3A_976 : i1 to vector<16xi1>
      %masked_cumsum3A_978 = tpu.scan <sum>, %get3A_975 masked %broadcast_in_dim3A_977 : vector<16xi32>, vector<16xi1> -> vector<16xi32>
      %add3A_979 = arith.constant 208 : i32
      %add3A_980 = arith.addi %min3A_96, %add3A_979 : i32
      %add3A_981 = vector.broadcast %add3A_980 : i32 to vector<16xi32>
      %add3A_982 = arith.addi %add3A_981, %iota3A : vector<16xi32>
      %ge3A_983 = vector.broadcast %max3A : i32 to vector<16xi32>
      %ge3A_984 = arith.cmpi sge, %add3A_982, %ge3A_983 : vector<16xi32>
      %lt3A_985 = vector.broadcast %select_n3A : i32 to vector<16xi32>
      %lt3A_986 = arith.cmpi slt, %add3A_982, %lt3A_985 : vector<16xi32>
      %and3A_987 = arith.andi %ge3A_984, %lt3A_986 : vector<16xi1>
      %add3A_988 = arith.addi %mul3A_4, %add3A_973 : i32
      %add3A_989 = vector.broadcast %add3A_988 : i32 to vector<16xi32>
      %add3A_990 = arith.addi %add3A_989, %masked_cumsum3A_978 : vector<16xi32>
      %sub3A_991 = arith.constant 1 : i32
      %sub3A_992 = vector.broadcast %sub3A_991 : i32 to vector<16xi32>
      %sub3A_993 = arith.subi %add3A_990, %sub3A_992 : vector<16xi32>
      %broadcast_in_dim3A_994 = vector.broadcast %add3A_6 : i32 to vector<16xi32>
      %select_n3A_995 = arith.select %and3A_987, %sub3A_993, %broadcast_in_dim3A_994 : vector<16xi1>, vector<16xi32>
      %swap3A_996 = arith.constant 1 : i32
      %swap3A_997 = arith.index_cast %swap3A_996 : i32 to index
      %swap3A_998 = arith.constant 80 : index
      %swap3A_999 = tpu.vector_load %arg8[%swap3A_997, %swap3A_998] {strides = array<i32>} : memref<4x128xi32, #tpu.memory_space<vmem>>, vector<16xi32>,
      tpu.vector_store %arg8[%swap3A_997, %swap3A_998], %select_n3A_995 {strides = array<i32>} : memref<4x128xi32, #tpu.memory_space<vmem>>, vector<16xi32>,
      %reduce_sum3A_1000 = arith.constant true
      %reduce_sum3A_1001 = vector.broadcast %reduce_sum3A_1000 : i1 to vector<16xi1>
      %reduce_sum3A_1002 = tpu.scan <sum>, %get3A_975 masked %reduce_sum3A_1001 : vector<16xi32>, vector<16xi1> -> vector<16xi32>
      %reduce_sum3A_1003 = vector.extract %reduce_sum3A_1002[15] : i32 from vector<16xi32>
      %add3A_1004 = arith.addi %add3A_973, %reduce_sum3A_1003 : i32
      %get3A_1005 = arith.constant 224 : index
      %get3A_1006 = tpu.vector_load %arg9[%get3A_1005] {strides = array<i32>} : memref<512xi32, #tpu.memory_space<vmem>>, vector<16xi32>,
      %broadcast_in_dim3A_1007 = arith.constant true
      %broadcast_in_dim3A_1008 = vector.broadcast %broadcast_in_dim3A_1007 : i1 to vector<16xi1>
      %masked_cumsum3A_1009 = tpu.scan <sum>, %get3A_1006 masked %broadcast_in_dim3A_1008 : vector<16xi32>, vector<16xi1> -> vector<16xi32>
      %add3A_1010 = arith.constant 224 : i32
      %add3A_1011 = arith.addi %min3A_96, %add3A_1010 : i32
      %add3A_1012 = vector.broadcast %add3A_1011 : i32 to vector<16xi32>
      %add3A_1013 = arith.addi %add3A_1012, %iota3A : vector<16xi32>
      %ge3A_1014 = vector.broadcast %max3A : i32 to vector<16xi32>
      %ge3A_1015 = arith.cmpi sge, %add3A_1013, %ge3A_1014 : vector<16xi32>
      %lt3A_1016 = vector.broadcast %select_n3A : i32 to vector<16xi32>
      %lt3A_1017 = arith.cmpi slt, %add3A_1013, %lt3A_1016 : vector<16xi32>
      %and3A_1018 = arith.andi %ge3A_1015, %lt3A_1017 : vector<16xi1>
      %add3A_1019 = arith.addi %mul3A_4, %add3A_1004 : i32
      %add3A_1020 = vector.broadcast %add3A_1019 : i32 to vector<16xi32>
      %add3A_1021 = arith.addi %add3A_1020, %masked_cumsum3A_1009 : vector<16xi32>
      %sub3A_1022 = arith.constant 1 : i32
      %sub3A_1023 = vector.broadcast %sub3A_1022 : i32 to vector<16xi32>
      %sub3A_1024 = arith.subi %add3A_1021, %sub3A_1023 : vector<16xi32>
      %broadcast_in_dim3A_1025 = vector.broadcast %add3A_6 : i32 to vector<16xi32>
      %select_n3A_1026 = arith.select %and3A_1018, %sub3A_1024, %broadcast_in_dim3A_1025 : vector<16xi1>, vector<16xi32>
      %swap3A_1027 = arith.constant 1 : i32
      %swap3A_1028 = arith.index_cast %swap3A_1027 : i32 to index
      %swap3A_1029 = arith.constant 96 : index
      %swap3A_1030 = tpu.vector_load %arg8[%swap3A_1028, %swap3A_1029] {strides = array<i32>} : memref<4x128xi32, #tpu.memory_space<vmem>>, vector<16xi32>,
      tpu.vector_store %arg8[%swap3A_1028, %swap3A_1029], %select_n3A_1026 {strides = array<i32>} : memref<4x128xi32, #tpu.memory_space<vmem>>, vector<16xi32>,
      %reduce_sum3A_1031 = arith.constant true
      %reduce_sum3A_1032 = vector.broadcast %reduce_sum3A_1031 : i1 to vector<16xi1>
      %reduce_sum3A_1033 = tpu.scan <sum>, %get3A_1006 masked %reduce_sum3A_1032 : vector<16xi32>, vector<16xi1> -> vector<16xi32>
      %reduce_sum3A_1034 = vector.extract %reduce_sum3A_1033[15] : i32 from vector<16xi32>
      %add3A_1035 = arith.addi %add3A_1004, %reduce_sum3A_1034 : i32
      %get3A_1036 = arith.constant 240 : index
      %get3A_1037 = tpu.vector_load %arg9[%get3A_1036] {strides = array<i32>} : memref<512xi32, #tpu.memory_space<vmem>>, vector<16xi32>,
      %broadcast_in_dim3A_1038 = arith.constant true
      %broadcast_in_dim3A_1039 = vector.broadcast %broadcast_in_dim3A_1038 : i1 to vector<16xi1>
      %masked_cumsum3A_1040 = tpu.scan <sum>, %get3A_1037 masked %broadcast_in_dim3A_1039 : vector<16xi32>, vector<16xi1> -> vector<16xi32>
      %add3A_1041 = arith.constant 240 : i32
      %add3A_1042 = arith.addi %min3A_96, %add3A_1041 : i32
      %add3A_1043 = vector.broadcast %add3A_1042 : i32 to vector<16xi32>
      %add3A_1044 = arith.addi %add3A_1043, %iota3A : vector<16xi32>
      %ge3A_1045 = vector.broadcast %max3A : i32 to vector<16xi32>
      %ge3A_1046 = arith.cmpi sge, %add3A_1044, %ge3A_1045 : vector<16xi32>
      %lt3A_1047 = vector.broadcast %select_n3A : i32 to vector<16xi32>
      %lt3A_1048 = arith.cmpi slt, %add3A_1044, %lt3A_1047 : vector<16xi32>
      %and3A_1049 = arith.andi %ge3A_1046, %lt3A_1048 : vector<16xi1>
      %add3A_1050 = arith.addi %mul3A_4, %add3A_1035 : i32
      %add3A_1051 = vector.broadcast %add3A_1050 : i32 to vector<16xi32>
      %add3A_1052 = arith.addi %add3A_1051, %masked_cumsum3A_1040 : vector<16xi32>
      %sub3A_1053 = arith.constant 1 : i32
      %sub3A_1054 = vector.broadcast %sub3A_1053 : i32 to vector<16xi32>
      %sub3A_1055 = arith.subi %add3A_1052, %sub3A_1054 : vector<16xi32>
      %broadcast_in_dim3A_1056 = vector.broadcast %add3A_6 : i32 to vector<16xi32>
      %select_n3A_1057 = arith.select %and3A_1049, %sub3A_1055, %broadcast_in_dim3A_1056 : vector<16xi1>, vector<16xi32>
      %swap3A_1058 = arith.constant 1 : i32
      %swap3A_1059 = arith.index_cast %swap3A_1058 : i32 to index
      %swap3A_1060 = arith.constant 112 : index
      %swap3A_1061 = tpu.vector_load %arg8[%swap3A_1059, %swap3A_1060] {strides = array<i32>} : memref<4x128xi32, #tpu.memory_space<vmem>>, vector<16xi32>,
      tpu.vector_store %arg8[%swap3A_1059, %swap3A_1060], %select_n3A_1057 {strides = array<i32>} : memref<4x128xi32, #tpu.memory_space<vmem>>, vector<16xi32>,
      %reduce_sum3A_1062 = arith.constant true
      %reduce_sum3A_1063 = vector.broadcast %reduce_sum3A_1062 : i1 to vector<16xi1>
      %reduce_sum3A_1064 = tpu.scan <sum>, %get3A_1037 masked %reduce_sum3A_1063 : vector<16xi32>, vector<16xi1> -> vector<16xi32>
      %reduce_sum3A_1065 = vector.extract %reduce_sum3A_1064[15] : i32 from vector<16xi32>
      %add3A_1066 = arith.addi %add3A_1035, %reduce_sum3A_1065 : i32
      %get3A_1067 = arith.constant 256 : index
      %get3A_1068 = tpu.vector_load %arg9[%get3A_1067] {strides = array<i32>} : memref<512xi32, #tpu.memory_space<vmem>>, vector<16xi32>,
      %broadcast_in_dim3A_1069 = arith.constant true
      %broadcast_in_dim3A_1070 = vector.broadcast %broadcast_in_dim3A_1069 : i1 to vector<16xi1>
      %masked_cumsum3A_1071 = tpu.scan <sum>, %get3A_1068 masked %broadcast_in_dim3A_1070 : vector<16xi32>, vector<16xi1> -> vector<16xi32>
      %add3A_1072 = arith.constant 256 : i32
      %add3A_1073 = arith.addi %min3A_96, %add3A_1072 : i32
      %add3A_1074 = vector.broadcast %add3A_1073 : i32 to vector<16xi32>
      %add3A_1075 = arith.addi %add3A_1074, %iota3A : vector<16xi32>
      %ge3A_1076 = vector.broadcast %max3A : i32 to vector<16xi32>
      %ge3A_1077 = arith.cmpi sge, %add3A_1075, %ge3A_1076 : vector<16xi32>
      %lt3A_1078 = vector.broadcast %select_n3A : i32 to vector<16xi32>
      %lt3A_1079 = arith.cmpi slt, %add3A_1075, %lt3A_1078 : vector<16xi32>
      %and3A_1080 = arith.andi %ge3A_1077, %lt3A_1079 : vector<16xi1>
      %add3A_1081 = arith.addi %mul3A_4, %add3A_1066 : i32
      %add3A_1082 = vector.broadcast %add3A_1081 : i32 to vector<16xi32>
      %add3A_1083 = arith.addi %add3A_1082, %masked_cumsum3A_1071 : vector<16xi32>
      %sub3A_1084 = arith.constant 1 : i32
      %sub3A_1085 = vector.broadcast %sub3A_1084 : i32 to vector<16xi32>
      %sub3A_1086 = arith.subi %add3A_1083, %sub3A_1085 : vector<16xi32>
      %broadcast_in_dim3A_1087 = vector.broadcast %add3A_6 : i32 to vector<16xi32>
      %select_n3A_1088 = arith.select %and3A_1080, %sub3A_1086, %broadcast_in_dim3A_1087 : vector<16xi1>, vector<16xi32>
      %swap3A_1089 = arith.constant 2 : i32
      %swap3A_1090 = arith.index_cast %swap3A_1089 : i32 to index
      %swap3A_1091 = arith.constant 0 : index
      %swap3A_1092 = tpu.vector_load %arg8[%swap3A_1090, %swap3A_1091] {strides = array<i32>} : memref<4x128xi32, #tpu.memory_space<vmem>>, vector<16xi32>,
      tpu.vector_store %arg8[%swap3A_1090, %swap3A_1091], %select_n3A_1088 {strides = array<i32>} : memref<4x128xi32, #tpu.memory_space<vmem>>, vector<16xi32>,
      %reduce_sum3A_1093 = arith.constant true
      %reduce_sum3A_1094 = vector.broadcast %reduce_sum3A_1093 : i1 to vector<16xi1>
      %reduce_sum3A_1095 = tpu.scan <sum>, %get3A_1068 masked %reduce_sum3A_1094 : vector<16xi32>, vector<16xi1> -> vector<16xi32>
      %reduce_sum3A_1096 = vector.extract %reduce_sum3A_1095[15] : i32 from vector<16xi32>
      %add3A_1097 = arith.addi %add3A_1066, %reduce_sum3A_1096 : i32
      %get3A_1098 = arith.constant 272 : index
      %get3A_1099 = tpu.vector_load %arg9[%get3A_1098] {strides = array<i32>} : memref<512xi32, #tpu.memory_space<vmem>>, vector<16xi32>,
      %broadcast_in_dim3A_1100 = arith.constant true
      %broadcast_in_dim3A_1101 = vector.broadcast %broadcast_in_dim3A_1100 : i1 to vector<16xi1>
      %masked_cumsum3A_1102 = tpu.scan <sum>, %get3A_1099 masked %broadcast_in_dim3A_1101 : vector<16xi32>, vector<16xi1> -> vector<16xi32>
      %add3A_1103 = arith.constant 272 : i32
      %add3A_1104 = arith.addi %min3A_96, %add3A_1103 : i32
      %add3A_1105 = vector.broadcast %add3A_1104 : i32 to vector<16xi32>
      %add3A_1106 = arith.addi %add3A_1105, %iota3A : vector<16xi32>
      %ge3A_1107 = vector.broadcast %max3A : i32 to vector<16xi32>
      %ge3A_1108 = arith.cmpi sge, %add3A_1106, %ge3A_1107 : vector<16xi32>
      %lt3A_1109 = vector.broadcast %select_n3A : i32 to vector<16xi32>
      %lt3A_1110 = arith.cmpi slt, %add3A_1106, %lt3A_1109 : vector<16xi32>
      %and3A_1111 = arith.andi %ge3A_1108, %lt3A_1110 : vector<16xi1>
      %add3A_1112 = arith.addi %mul3A_4, %add3A_1097 : i32
      %add3A_1113 = vector.broadcast %add3A_1112 : i32 to vector<16xi32>
      %add3A_1114 = arith.addi %add3A_1113, %masked_cumsum3A_1102 : vector<16xi32>
      %sub3A_1115 = arith.constant 1 : i32
      %sub3A_1116 = vector.broadcast %sub3A_1115 : i32 to vector<16xi32>
      %sub3A_1117 = arith.subi %add3A_1114, %sub3A_1116 : vector<16xi32>
      %broadcast_in_dim3A_1118 = vector.broadcast %add3A_6 : i32 to vector<16xi32>
      %select_n3A_1119 = arith.select %and3A_1111, %sub3A_1117, %broadcast_in_dim3A_1118 : vector<16xi1>, vector<16xi32>
      %swap3A_1120 = arith.constant 2 : i32
      %swap3A_1121 = arith.index_cast %swap3A_1120 : i32 to index
      %swap3A_1122 = arith.constant 16 : index
      %swap3A_1123 = tpu.vector_load %arg8[%swap3A_1121, %swap3A_1122] {strides = array<i32>} : memref<4x128xi32, #tpu.memory_space<vmem>>, vector<16xi32>,
      tpu.vector_store %arg8[%swap3A_1121, %swap3A_1122], %select_n3A_1119 {strides = array<i32>} : memref<4x128xi32, #tpu.memory_space<vmem>>, vector<16xi32>,
      %reduce_sum3A_1124 = arith.constant true
      %reduce_sum3A_1125 = vector.broadcast %reduce_sum3A_1124 : i1 to vector<16xi1>
      %reduce_sum3A_1126 = tpu.scan <sum>, %get3A_1099 masked %reduce_sum3A_1125 : vector<16xi32>, vector<16xi1> -> vector<16xi32>
      %reduce_sum3A_1127 = vector.extract %reduce_sum3A_1126[15] : i32 from vector<16xi32>
      %add3A_1128 = arith.addi %add3A_1097, %reduce_sum3A_1127 : i32
      %get3A_1129 = arith.constant 288 : index
      %get3A_1130 = tpu.vector_load %arg9[%get3A_1129] {strides = array<i32>} : memref<512xi32, #tpu.memory_space<vmem>>, vector<16xi32>,
      %broadcast_in_dim3A_1131 = arith.constant true
      %broadcast_in_dim3A_1132 = vector.broadcast %broadcast_in_dim3A_1131 : i1 to vector<16xi1>
      %masked_cumsum3A_1133 = tpu.scan <sum>, %get3A_1130 masked %broadcast_in_dim3A_1132 : vector<16xi32>, vector<16xi1> -> vector<16xi32>
      %add3A_1134 = arith.constant 288 : i32
      %add3A_1135 = arith.addi %min3A_96, %add3A_1134 : i32
      %add3A_1136 = vector.broadcast %add3A_1135 : i32 to vector<16xi32>
      %add3A_1137 = arith.addi %add3A_1136, %iota3A : vector<16xi32>
      %ge3A_1138 = vector.broadcast %max3A : i32 to vector<16xi32>
      %ge3A_1139 = arith.cmpi sge, %add3A_1137, %ge3A_1138 : vector<16xi32>
      %lt3A_1140 = vector.broadcast %select_n3A : i32 to vector<16xi32>
      %lt3A_1141 = arith.cmpi slt, %add3A_1137, %lt3A_1140 : vector<16xi32>
      %and3A_1142 = arith.andi %ge3A_1139, %lt3A_1141 : vector<16xi1>
      %add3A_1143 = arith.addi %mul3A_4, %add3A_1128 : i32
      %add3A_1144 = vector.broadcast %add3A_1143 : i32 to vector<16xi32>
      %add3A_1145 = arith.addi %add3A_1144, %masked_cumsum3A_1133 : vector<16xi32>
      %sub3A_1146 = arith.constant 1 : i32
      %sub3A_1147 = vector.broadcast %sub3A_1146 : i32 to vector<16xi32>
      %sub3A_1148 = arith.subi %add3A_1145, %sub3A_1147 : vector<16xi32>
      %broadcast_in_dim3A_1149 = vector.broadcast %add3A_6 : i32 to vector<16xi32>
      %select_n3A_1150 = arith.select %and3A_1142, %sub3A_1148, %broadcast_in_dim3A_1149 : vector<16xi1>, vector<16xi32>
      %swap3A_1151 = arith.constant 2 : i32
      %swap3A_1152 = arith.index_cast %swap3A_1151 : i32 to index
      %swap3A_1153 = arith.constant 32 : index
      %swap3A_1154 = tpu.vector_load %arg8[%swap3A_1152, %swap3A_1153] {strides = array<i32>} : memref<4x128xi32, #tpu.memory_space<vmem>>, vector<16xi32>,
      tpu.vector_store %arg8[%swap3A_1152, %swap3A_1153], %select_n3A_1150 {strides = array<i32>} : memref<4x128xi32, #tpu.memory_space<vmem>>, vector<16xi32>,
      %reduce_sum3A_1155 = arith.constant true
      %reduce_sum3A_1156 = vector.broadcast %reduce_sum3A_1155 : i1 to vector<16xi1>
      %reduce_sum3A_1157 = tpu.scan <sum>, %get3A_1130 masked %reduce_sum3A_1156 : vector<16xi32>, vector<16xi1> -> vector<16xi32>
      %reduce_sum3A_1158 = vector.extract %reduce_sum3A_1157[15] : i32 from vector<16xi32>
      %add3A_1159 = arith.addi %add3A_1128, %reduce_sum3A_1158 : i32
      %get3A_1160 = arith.constant 304 : index
      %get3A_1161 = tpu.vector_load %arg9[%get3A_1160] {strides = array<i32>} : memref<512xi32, #tpu.memory_space<vmem>>, vector<16xi32>,
      %broadcast_in_dim3A_1162 = arith.constant true
      %broadcast_in_dim3A_1163 = vector.broadcast %broadcast_in_dim3A_1162 : i1 to vector<16xi1>
      %masked_cumsum3A_1164 = tpu.scan <sum>, %get3A_1161 masked %broadcast_in_dim3A_1163 : vector<16xi32>, vector<16xi1> -> vector<16xi32>
      %add3A_1165 = arith.constant 304 : i32
      %add3A_1166 = arith.addi %min3A_96, %add3A_1165 : i32
      %add3A_1167 = vector.broadcast %add3A_1166 : i32 to vector<16xi32>
      %add3A_1168 = arith.addi %add3A_1167, %iota3A : vector<16xi32>
      %ge3A_1169 = vector.broadcast %max3A : i32 to vector<16xi32>
      %ge3A_1170 = arith.cmpi sge, %add3A_1168, %ge3A_1169 : vector<16xi32>
      %lt3A_1171 = vector.broadcast %select_n3A : i32 to vector<16xi32>
      %lt3A_1172 = arith.cmpi slt, %add3A_1168, %lt3A_1171 : vector<16xi32>
      %and3A_1173 = arith.andi %ge3A_1170, %lt3A_1172 : vector<16xi1>
      %add3A_1174 = arith.addi %mul3A_4, %add3A_1159 : i32
      %add3A_1175 = vector.broadcast %add3A_1174 : i32 to vector<16xi32>
      %add3A_1176 = arith.addi %add3A_1175, %masked_cumsum3A_1164 : vector<16xi32>
      %sub3A_1177 = arith.constant 1 : i32
      %sub3A_1178 = vector.broadcast %sub3A_1177 : i32 to vector<16xi32>
      %sub3A_1179 = arith.subi %add3A_1176, %sub3A_1178 : vector<16xi32>
      %broadcast_in_dim3A_1180 = vector.broadcast %add3A_6 : i32 to vector<16xi32>
      %select_n3A_1181 = arith.select %and3A_1173, %sub3A_1179, %broadcast_in_dim3A_1180 : vector<16xi1>, vector<16xi32>
      %swap3A_1182 = arith.constant 2 : i32
      %swap3A_1183 = arith.index_cast %swap3A_1182 : i32 to index
      %swap3A_1184 = arith.constant 48 : index
      %swap3A_1185 = tpu.vector_load %arg8[%swap3A_1183, %swap3A_1184] {strides = array<i32>} : memref<4x128xi32, #tpu.memory_space<vmem>>, vector<16xi32>,
      tpu.vector_store %arg8[%swap3A_1183, %swap3A_1184], %select_n3A_1181 {strides = array<i32>} : memref<4x128xi32, #tpu.memory_space<vmem>>, vector<16xi32>,
      %reduce_sum3A_1186 = arith.constant true
      %reduce_sum3A_1187 = vector.broadcast %reduce_sum3A_1186 : i1 to vector<16xi1>
      %reduce_sum3A_1188 = tpu.scan <sum>, %get3A_1161 masked %reduce_sum3A_1187 : vector<16xi32>, vector<16xi1> -> vector<16xi32>
      %reduce_sum3A_1189 = vector.extract %reduce_sum3A_1188[15] : i32 from vector<16xi32>
      %add3A_1190 = arith.addi %add3A_1159, %reduce_sum3A_1189 : i32
      %get3A_1191 = arith.constant 320 : index
      %get3A_1192 = tpu.vector_load %arg9[%get3A_1191] {strides = array<i32>} : memref<512xi32, #tpu.memory_space<vmem>>, vector<16xi32>,
      %broadcast_in_dim3A_1193 = arith.constant true
      %broadcast_in_dim3A_1194 = vector.broadcast %broadcast_in_dim3A_1193 : i1 to vector<16xi1>
      %masked_cumsum3A_1195 = tpu.scan <sum>, %get3A_1192 masked %broadcast_in_dim3A_1194 : vector<16xi32>, vector<16xi1> -> vector<16xi32>
      %add3A_1196 = arith.constant 320 : i32
      %add3A_1197 = arith.addi %min3A_96, %add3A_1196 : i32
      %add3A_1198 = vector.broadcast %add3A_1197 : i32 to vector<16xi32>
      %add3A_1199 = arith.addi %add3A_1198, %iota3A : vector<16xi32>
      %ge3A_1200 = vector.broadcast %max3A : i32 to vector<16xi32>
      %ge3A_1201 = arith.cmpi sge, %add3A_1199, %ge3A_1200 : vector<16xi32>
      %lt3A_1202 = vector.broadcast %select_n3A : i32 to vector<16xi32>
      %lt3A_1203 = arith.cmpi slt, %add3A_1199, %lt3A_1202 : vector<16xi32>
      %and3A_1204 = arith.andi %ge3A_1201, %lt3A_1203 : vector<16xi1>
      %add3A_1205 = arith.addi %mul3A_4, %add3A_1190 : i32
      %add3A_1206 = vector.broadcast %add3A_1205 : i32 to vector<16xi32>
      %add3A_1207 = arith.addi %add3A_1206, %masked_cumsum3A_1195 : vector<16xi32>
      %sub3A_1208 = arith.constant 1 : i32
      %sub3A_1209 = vector.broadcast %sub3A_1208 : i32 to vector<16xi32>
      %sub3A_1210 = arith.subi %add3A_1207, %sub3A_1209 : vector<16xi32>
      %broadcast_in_dim3A_1211 = vector.broadcast %add3A_6 : i32 to vector<16xi32>
      %select_n3A_1212 = arith.select %and3A_1204, %sub3A_1210, %broadcast_in_dim3A_1211 : vector<16xi1>, vector<16xi32>
      %swap3A_1213 = arith.constant 2 : i32
      %swap3A_1214 = arith.index_cast %swap3A_1213 : i32 to index
      %swap3A_1215 = arith.constant 64 : index
      %swap3A_1216 = tpu.vector_load %arg8[%swap3A_1214, %swap3A_1215] {strides = array<i32>} : memref<4x128xi32, #tpu.memory_space<vmem>>, vector<16xi32>,
      tpu.vector_store %arg8[%swap3A_1214, %swap3A_1215], %select_n3A_1212 {strides = array<i32>} : memref<4x128xi32, #tpu.memory_space<vmem>>, vector<16xi32>,
      %reduce_sum3A_1217 = arith.constant true
      %reduce_sum3A_1218 = vector.broadcast %reduce_sum3A_1217 : i1 to vector<16xi1>
      %reduce_sum3A_1219 = tpu.scan <sum>, %get3A_1192 masked %reduce_sum3A_1218 : vector<16xi32>, vector<16xi1> -> vector<16xi32>
      %reduce_sum3A_1220 = vector.extract %reduce_sum3A_1219[15] : i32 from vector<16xi32>
      %add3A_1221 = arith.addi %add3A_1190, %reduce_sum3A_1220 : i32
      %get3A_1222 = arith.constant 336 : index
      %get3A_1223 = tpu.vector_load %arg9[%get3A_1222] {strides = array<i32>} : memref<512xi32, #tpu.memory_space<vmem>>, vector<16xi32>,
      %broadcast_in_dim3A_1224 = arith.constant true
      %broadcast_in_dim3A_1225 = vector.broadcast %broadcast_in_dim3A_1224 : i1 to vector<16xi1>
      %masked_cumsum3A_1226 = tpu.scan <sum>, %get3A_1223 masked %broadcast_in_dim3A_1225 : vector<16xi32>, vector<16xi1> -> vector<16xi32>
      %add3A_1227 = arith.constant 336 : i32
      %add3A_1228 = arith.addi %min3A_96, %add3A_1227 : i32
      %add3A_1229 = vector.broadcast %add3A_1228 : i32 to vector<16xi32>
      %add3A_1230 = arith.addi %add3A_1229, %iota3A : vector<16xi32>
      %ge3A_1231 = vector.broadcast %max3A : i32 to vector<16xi32>
      %ge3A_1232 = arith.cmpi sge, %add3A_1230, %ge3A_1231 : vector<16xi32>
      %lt3A_1233 = vector.broadcast %select_n3A : i32 to vector<16xi32>
      %lt3A_1234 = arith.cmpi slt, %add3A_1230, %lt3A_1233 : vector<16xi32>
      %and3A_1235 = arith.andi %ge3A_1232, %lt3A_1234 : vector<16xi1>
      %add3A_1236 = arith.addi %mul3A_4, %add3A_1221 : i32
      %add3A_1237 = vector.broadcast %add3A_1236 : i32 to vector<16xi32>
      %add3A_1238 = arith.addi %add3A_1237, %masked_cumsum3A_1226 : vector<16xi32>
      %sub3A_1239 = arith.constant 1 : i32
      %sub3A_1240 = vector.broadcast %sub3A_1239 : i32 to vector<16xi32>
      %sub3A_1241 = arith.subi %add3A_1238, %sub3A_1240 : vector<16xi32>
      %broadcast_in_dim3A_1242 = vector.broadcast %add3A_6 : i32 to vector<16xi32>
      %select_n3A_1243 = arith.select %and3A_1235, %sub3A_1241, %broadcast_in_dim3A_1242 : vector<16xi1>, vector<16xi32>
      %swap3A_1244 = arith.constant 2 : i32
      %swap3A_1245 = arith.index_cast %swap3A_1244 : i32 to index
      %swap3A_1246 = arith.constant 80 : index
      %swap3A_1247 = tpu.vector_load %arg8[%swap3A_1245, %swap3A_1246] {strides = array<i32>} : memref<4x128xi32, #tpu.memory_space<vmem>>, vector<16xi32>,
      tpu.vector_store %arg8[%swap3A_1245, %swap3A_1246], %select_n3A_1243 {strides = array<i32>} : memref<4x128xi32, #tpu.memory_space<vmem>>, vector<16xi32>,
      %reduce_sum3A_1248 = arith.constant true
      %reduce_sum3A_1249 = vector.broadcast %reduce_sum3A_1248 : i1 to vector<16xi1>
      %reduce_sum3A_1250 = tpu.scan <sum>, %get3A_1223 masked %reduce_sum3A_1249 : vector<16xi32>, vector<16xi1> -> vector<16xi32>
      %reduce_sum3A_1251 = vector.extract %reduce_sum3A_1250[15] : i32 from vector<16xi32>
      %add3A_1252 = arith.addi %add3A_1221, %reduce_sum3A_1251 : i32
      %get3A_1253 = arith.constant 352 : index
      %get3A_1254 = tpu.vector_load %arg9[%get3A_1253] {strides = array<i32>} : memref<512xi32, #tpu.memory_space<vmem>>, vector<16xi32>,
      %broadcast_in_dim3A_1255 = arith.constant true
      %broadcast_in_dim3A_1256 = vector.broadcast %broadcast_in_dim3A_1255 : i1 to vector<16xi1>
      %masked_cumsum3A_1257 = tpu.scan <sum>, %get3A_1254 masked %broadcast_in_dim3A_1256 : vector<16xi32>, vector<16xi1> -> vector<16xi32>
      %add3A_1258 = arith.constant 352 : i32
      %add3A_1259 = arith.addi %min3A_96, %add3A_1258 : i32
      %add3A_1260 = vector.broadcast %add3A_1259 : i32 to vector<16xi32>
      %add3A_1261 = arith.addi %add3A_1260, %iota3A : vector<16xi32>
      %ge3A_1262 = vector.broadcast %max3A : i32 to vector<16xi32>
      %ge3A_1263 = arith.cmpi sge, %add3A_1261, %ge3A_1262 : vector<16xi32>
      %lt3A_1264 = vector.broadcast %select_n3A : i32 to vector<16xi32>
      %lt3A_1265 = arith.cmpi slt, %add3A_1261, %lt3A_1264 : vector<16xi32>
      %and3A_1266 = arith.andi %ge3A_1263, %lt3A_1265 : vector<16xi1>
      %add3A_1267 = arith.addi %mul3A_4, %add3A_1252 : i32
      %add3A_1268 = vector.broadcast %add3A_1267 : i32 to vector<16xi32>
      %add3A_1269 = arith.addi %add3A_1268, %masked_cumsum3A_1257 : vector<16xi32>
      %sub3A_1270 = arith.constant 1 : i32
      %sub3A_1271 = vector.broadcast %sub3A_1270 : i32 to vector<16xi32>
      %sub3A_1272 = arith.subi %add3A_1269, %sub3A_1271 : vector<16xi32>
      %broadcast_in_dim3A_1273 = vector.broadcast %add3A_6 : i32 to vector<16xi32>
      %select_n3A_1274 = arith.select %and3A_1266, %sub3A_1272, %broadcast_in_dim3A_1273 : vector<16xi1>, vector<16xi32>
      %swap3A_1275 = arith.constant 2 : i32
      %swap3A_1276 = arith.index_cast %swap3A_1275 : i32 to index
      %swap3A_1277 = arith.constant 96 : index
      %swap3A_1278 = tpu.vector_load %arg8[%swap3A_1276, %swap3A_1277] {strides = array<i32>} : memref<4x128xi32, #tpu.memory_space<vmem>>, vector<16xi32>,
      tpu.vector_store %arg8[%swap3A_1276, %swap3A_1277], %select_n3A_1274 {strides = array<i32>} : memref<4x128xi32, #tpu.memory_space<vmem>>, vector<16xi32>,
      %reduce_sum3A_1279 = arith.constant true
      %reduce_sum3A_1280 = vector.broadcast %reduce_sum3A_1279 : i1 to vector<16xi1>
      %reduce_sum3A_1281 = tpu.scan <sum>, %get3A_1254 masked %reduce_sum3A_1280 : vector<16xi32>, vector<16xi1> -> vector<16xi32>
      %reduce_sum3A_1282 = vector.extract %reduce_sum3A_1281[15] : i32 from vector<16xi32>
      %add3A_1283 = arith.addi %add3A_1252, %reduce_sum3A_1282 : i32
      %get3A_1284 = arith.constant 368 : index
      %get3A_1285 = tpu.vector_load %arg9[%get3A_1284] {strides = array<i32>} : memref<512xi32, #tpu.memory_space<vmem>>, vector<16xi32>,
      %broadcast_in_dim3A_1286 = arith.constant true
      %broadcast_in_dim3A_1287 = vector.broadcast %broadcast_in_dim3A_1286 : i1 to vector<16xi1>
      %masked_cumsum3A_1288 = tpu.scan <sum>, %get3A_1285 masked %broadcast_in_dim3A_1287 : vector<16xi32>, vector<16xi1> -> vector<16xi32>
      %add3A_1289 = arith.constant 368 : i32
      %add3A_1290 = arith.addi %min3A_96, %add3A_1289 : i32
      %add3A_1291 = vector.broadcast %add3A_1290 : i32 to vector<16xi32>
      %add3A_1292 = arith.addi %add3A_1291, %iota3A : vector<16xi32>
      %ge3A_1293 = vector.broadcast %max3A : i32 to vector<16xi32>
      %ge3A_1294 = arith.cmpi sge, %add3A_1292, %ge3A_1293 : vector<16xi32>
      %lt3A_1295 = vector.broadcast %select_n3A : i32 to vector<16xi32>
      %lt3A_1296 = arith.cmpi slt, %add3A_1292, %lt3A_1295 : vector<16xi32>
      %and3A_1297 = arith.andi %ge3A_1294, %lt3A_1296 : vector<16xi1>
      %add3A_1298 = arith.addi %mul3A_4, %add3A_1283 : i32
      %add3A_1299 = vector.broadcast %add3A_1298 : i32 to vector<16xi32>
      %add3A_1300 = arith.addi %add3A_1299, %masked_cumsum3A_1288 : vector<16xi32>
      %sub3A_1301 = arith.constant 1 : i32
      %sub3A_1302 = vector.broadcast %sub3A_1301 : i32 to vector<16xi32>
      %sub3A_1303 = arith.subi %add3A_1300, %sub3A_1302 : vector<16xi32>
      %broadcast_in_dim3A_1304 = vector.broadcast %add3A_6 : i32 to vector<16xi32>
      %select_n3A_1305 = arith.select %and3A_1297, %sub3A_1303, %broadcast_in_dim3A_1304 : vector<16xi1>, vector<16xi32>
      %swap3A_1306 = arith.constant 2 : i32
      %swap3A_1307 = arith.index_cast %swap3A_1306 : i32 to index
      %swap3A_1308 = arith.constant 112 : index
      %swap3A_1309 = tpu.vector_load %arg8[%swap3A_1307, %swap3A_1308] {strides = array<i32>} : memref<4x128xi32, #tpu.memory_space<vmem>>, vector<16xi32>,
      tpu.vector_store %arg8[%swap3A_1307, %swap3A_1308], %select_n3A_1305 {strides = array<i32>} : memref<4x128xi32, #tpu.memory_space<vmem>>, vector<16xi32>,
      %reduce_sum3A_1310 = arith.constant true
      %reduce_sum3A_1311 = vector.broadcast %reduce_sum3A_1310 : i1 to vector<16xi1>
      %reduce_sum3A_1312 = tpu.scan <sum>, %get3A_1285 masked %reduce_sum3A_1311 : vector<16xi32>, vector<16xi1> -> vector<16xi32>
      %reduce_sum3A_1313 = vector.extract %reduce_sum3A_1312[15] : i32 from vector<16xi32>
      %add3A_1314 = arith.addi %add3A_1283, %reduce_sum3A_1313 : i32
      %get3A_1315 = arith.constant 384 : index
      %get3A_1316 = tpu.vector_load %arg9[%get3A_1315] {strides = array<i32>} : memref<512xi32, #tpu.memory_space<vmem>>, vector<16xi32>,
      %broadcast_in_dim3A_1317 = arith.constant true
      %broadcast_in_dim3A_1318 = vector.broadcast %broadcast_in_dim3A_1317 : i1 to vector<16xi1>
      %masked_cumsum3A_1319 = tpu.scan <sum>, %get3A_1316 masked %broadcast_in_dim3A_1318 : vector<16xi32>, vector<16xi1> -> vector<16xi32>
      %add3A_1320 = arith.constant 384 : i32
      %add3A_1321 = arith.addi %min3A_96, %add3A_1320 : i32
      %add3A_1322 = vector.broadcast %add3A_1321 : i32 to vector<16xi32>
      %add3A_1323 = arith.addi %add3A_1322, %iota3A : vector<16xi32>
      %ge3A_1324 = vector.broadcast %max3A : i32 to vector<16xi32>
      %ge3A_1325 = arith.cmpi sge, %add3A_1323, %ge3A_1324 : vector<16xi32>
      %lt3A_1326 = vector.broadcast %select_n3A : i32 to vector<16xi32>
      %lt3A_1327 = arith.cmpi slt, %add3A_1323, %lt3A_1326 : vector<16xi32>
      %and3A_1328 = arith.andi %ge3A_1325, %lt3A_1327 : vector<16xi1>
      %add3A_1329 = arith.addi %mul3A_4, %add3A_1314 : i32
      %add3A_1330 = vector.broadcast %add3A_1329 : i32 to vector<16xi32>
      %add3A_1331 = arith.addi %add3A_1330, %masked_cumsum3A_1319 : vector<16xi32>
      %sub3A_1332 = arith.constant 1 : i32
      %sub3A_1333 = vector.broadcast %sub3A_1332 : i32 to vector<16xi32>
      %sub3A_1334 = arith.subi %add3A_1331, %sub3A_1333 : vector<16xi32>
      %broadcast_in_dim3A_1335 = vector.broadcast %add3A_6 : i32 to vector<16xi32>
      %select_n3A_1336 = arith.select %and3A_1328, %sub3A_1334, %broadcast_in_dim3A_1335 : vector<16xi1>, vector<16xi32>
      %swap3A_1337 = arith.constant 3 : i32
      %swap3A_1338 = arith.index_cast %swap3A_1337 : i32 to index
      %swap3A_1339 = arith.constant 0 : index
      %swap3A_1340 = tpu.vector_load %arg8[%swap3A_1338, %swap3A_1339] {strides = array<i32>} : memref<4x128xi32, #tpu.memory_space<vmem>>, vector<16xi32>,
      tpu.vector_store %arg8[%swap3A_1338, %swap3A_1339], %select_n3A_1336 {strides = array<i32>} : memref<4x128xi32, #tpu.memory_space<vmem>>, vector<16xi32>,
      %reduce_sum3A_1341 = arith.constant true
      %reduce_sum3A_1342 = vector.broadcast %reduce_sum3A_1341 : i1 to vector<16xi1>
      %reduce_sum3A_1343 = tpu.scan <sum>, %get3A_1316 masked %reduce_sum3A_1342 : vector<16xi32>, vector<16xi1> -> vector<16xi32>
      %reduce_sum3A_1344 = vector.extract %reduce_sum3A_1343[15] : i32 from vector<16xi32>
      %add3A_1345 = arith.addi %add3A_1314, %reduce_sum3A_1344 : i32
      %get3A_1346 = arith.constant 400 : index
      %get3A_1347 = tpu.vector_load %arg9[%get3A_1346] {strides = array<i32>} : memref<512xi32, #tpu.memory_space<vmem>>, vector<16xi32>,
      %broadcast_in_dim3A_1348 = arith.constant true
      %broadcast_in_dim3A_1349 = vector.broadcast %broadcast_in_dim3A_1348 : i1 to vector<16xi1>
      %masked_cumsum3A_1350 = tpu.scan <sum>, %get3A_1347 masked %broadcast_in_dim3A_1349 : vector<16xi32>, vector<16xi1> -> vector<16xi32>
      %add3A_1351 = arith.constant 400 : i32
      %add3A_1352 = arith.addi %min3A_96, %add3A_1351 : i32
      %add3A_1353 = vector.broadcast %add3A_1352 : i32 to vector<16xi32>
      %add3A_1354 = arith.addi %add3A_1353, %iota3A : vector<16xi32>
      %ge3A_1355 = vector.broadcast %max3A : i32 to vector<16xi32>
      %ge3A_1356 = arith.cmpi sge, %add3A_1354, %ge3A_1355 : vector<16xi32>
      %lt3A_1357 = vector.broadcast %select_n3A : i32 to vector<16xi32>
      %lt3A_1358 = arith.cmpi slt, %add3A_1354, %lt3A_1357 : vector<16xi32>
      %and3A_1359 = arith.andi %ge3A_1356, %lt3A_1358 : vector<16xi1>
      %add3A_1360 = arith.addi %mul3A_4, %add3A_1345 : i32
      %add3A_1361 = vector.broadcast %add3A_1360 : i32 to vector<16xi32>
      %add3A_1362 = arith.addi %add3A_1361, %masked_cumsum3A_1350 : vector<16xi32>
      %sub3A_1363 = arith.constant 1 : i32
      %sub3A_1364 = vector.broadcast %sub3A_1363 : i32 to vector<16xi32>
      %sub3A_1365 = arith.subi %add3A_1362, %sub3A_1364 : vector<16xi32>
      %broadcast_in_dim3A_1366 = vector.broadcast %add3A_6 : i32 to vector<16xi32>
      %select_n3A_1367 = arith.select %and3A_1359, %sub3A_1365, %broadcast_in_dim3A_1366 : vector<16xi1>, vector<16xi32>
      %swap3A_1368 = arith.constant 3 : i32
      %swap3A_1369 = arith.index_cast %swap3A_1368 : i32 to index
      %swap3A_1370 = arith.constant 16 : index
      %swap3A_1371 = tpu.vector_load %arg8[%swap3A_1369, %swap3A_1370] {strides = array<i32>} : memref<4x128xi32, #tpu.memory_space<vmem>>, vector<16xi32>,
      tpu.vector_store %arg8[%swap3A_1369, %swap3A_1370], %select_n3A_1367 {strides = array<i32>} : memref<4x128xi32, #tpu.memory_space<vmem>>, vector<16xi32>,
      %reduce_sum3A_1372 = arith.constant true
      %reduce_sum3A_1373 = vector.broadcast %reduce_sum3A_1372 : i1 to vector<16xi1>
      %reduce_sum3A_1374 = tpu.scan <sum>, %get3A_1347 masked %reduce_sum3A_1373 : vector<16xi32>, vector<16xi1> -> vector<16xi32>
      %reduce_sum3A_1375 = vector.extract %reduce_sum3A_1374[15] : i32 from vector<16xi32>
      %add3A_1376 = arith.addi %add3A_1345, %reduce_sum3A_1375 : i32
      %get3A_1377 = arith.constant 416 : index
      %get3A_1378 = tpu.vector_load %arg9[%get3A_1377] {strides = array<i32>} : memref<512xi32, #tpu.memory_space<vmem>>, vector<16xi32>,
      %broadcast_in_dim3A_1379 = arith.constant true
      %broadcast_in_dim3A_1380 = vector.broadcast %broadcast_in_dim3A_1379 : i1 to vector<16xi1>
      %masked_cumsum3A_1381 = tpu.scan <sum>, %get3A_1378 masked %broadcast_in_dim3A_1380 : vector<16xi32>, vector<16xi1> -> vector<16xi32>
      %add3A_1382 = arith.constant 416 : i32
      %add3A_1383 = arith.addi %min3A_96, %add3A_1382 : i32
      %add3A_1384 = vector.broadcast %add3A_1383 : i32 to vector<16xi32>
      %add3A_1385 = arith.addi %add3A_1384, %iota3A : vector<16xi32>
      %ge3A_1386 = vector.broadcast %max3A : i32 to vector<16xi32>
      %ge3A_1387 = arith.cmpi sge, %add3A_1385, %ge3A_1386 : vector<16xi32>
      %lt3A_1388 = vector.broadcast %select_n3A : i32 to vector<16xi32>
      %lt3A_1389 = arith.cmpi slt, %add3A_1385, %lt3A_1388 : vector<16xi32>
      %and3A_1390 = arith.andi %ge3A_1387, %lt3A_1389 : vector<16xi1>
      %add3A_1391 = arith.addi %mul3A_4, %add3A_1376 : i32
      %add3A_1392 = vector.broadcast %add3A_1391 : i32 to vector<16xi32>
      %add3A_1393 = arith.addi %add3A_1392, %masked_cumsum3A_1381 : vector<16xi32>
      %sub3A_1394 = arith.constant 1 : i32
      %sub3A_1395 = vector.broadcast %sub3A_1394 : i32 to vector<16xi32>
      %sub3A_1396 = arith.subi %add3A_1393, %sub3A_1395 : vector<16xi32>
      %broadcast_in_dim3A_1397 = vector.broadcast %add3A_6 : i32 to vector<16xi32>
      %select_n3A_1398 = arith.select %and3A_1390, %sub3A_1396, %broadcast_in_dim3A_1397 : vector<16xi1>, vector<16xi32>
      %swap3A_1399 = arith.constant 3 : i32
      %swap3A_1400 = arith.index_cast %swap3A_1399 : i32 to index
      %swap3A_1401 = arith.constant 32 : index
      %swap3A_1402 = tpu.vector_load %arg8[%swap3A_1400, %swap3A_1401] {strides = array<i32>} : memref<4x128xi32, #tpu.memory_space<vmem>>, vector<16xi32>,
      tpu.vector_store %arg8[%swap3A_1400, %swap3A_1401], %select_n3A_1398 {strides = array<i32>} : memref<4x128xi32, #tpu.memory_space<vmem>>, vector<16xi32>,
      %reduce_sum3A_1403 = arith.constant true
      %reduce_sum3A_1404 = vector.broadcast %reduce_sum3A_1403 : i1 to vector<16xi1>
      %reduce_sum3A_1405 = tpu.scan <sum>, %get3A_1378 masked %reduce_sum3A_1404 : vector<16xi32>, vector<16xi1> -> vector<16xi32>
      %reduce_sum3A_1406 = vector.extract %reduce_sum3A_1405[15] : i32 from vector<16xi32>
      %add3A_1407 = arith.addi %add3A_1376, %reduce_sum3A_1406 : i32
      %get3A_1408 = arith.constant 432 : index
      %get3A_1409 = tpu.vector_load %arg9[%get3A_1408] {strides = array<i32>} : memref<512xi32, #tpu.memory_space<vmem>>, vector<16xi32>,
      %broadcast_in_dim3A_1410 = arith.constant true
      %broadcast_in_dim3A_1411 = vector.broadcast %broadcast_in_dim3A_1410 : i1 to vector<16xi1>
      %masked_cumsum3A_1412 = tpu.scan <sum>, %get3A_1409 masked %broadcast_in_dim3A_1411 : vector<16xi32>, vector<16xi1> -> vector<16xi32>
      %add3A_1413 = arith.constant 432 : i32
      %add3A_1414 = arith.addi %min3A_96, %add3A_1413 : i32
      %add3A_1415 = vector.broadcast %add3A_1414 : i32 to vector<16xi32>
      %add3A_1416 = arith.addi %add3A_1415, %iota3A : vector<16xi32>
      %ge3A_1417 = vector.broadcast %max3A : i32 to vector<16xi32>
      %ge3A_1418 = arith.cmpi sge, %add3A_1416, %ge3A_1417 : vector<16xi32>
      %lt3A_1419 = vector.broadcast %select_n3A : i32 to vector<16xi32>
      %lt3A_1420 = arith.cmpi slt, %add3A_1416, %lt3A_1419 : vector<16xi32>
      %and3A_1421 = arith.andi %ge3A_1418, %lt3A_1420 : vector<16xi1>
      %add3A_1422 = arith.addi %mul3A_4, %add3A_1407 : i32
      %add3A_1423 = vector.broadcast %add3A_1422 : i32 to vector<16xi32>
      %add3A_1424 = arith.addi %add3A_1423, %masked_cumsum3A_1412 : vector<16xi32>
      %sub3A_1425 = arith.constant 1 : i32
      %sub3A_1426 = vector.broadcast %sub3A_1425 : i32 to vector<16xi32>
      %sub3A_1427 = arith.subi %add3A_1424, %sub3A_1426 : vector<16xi32>
      %broadcast_in_dim3A_1428 = vector.broadcast %add3A_6 : i32 to vector<16xi32>
      %select_n3A_1429 = arith.select %and3A_1421, %sub3A_1427, %broadcast_in_dim3A_1428 : vector<16xi1>, vector<16xi32>
      %swap3A_1430 = arith.constant 3 : i32
      %swap3A_1431 = arith.index_cast %swap3A_1430 : i32 to index
      %swap3A_1432 = arith.constant 48 : index
      %swap3A_1433 = tpu.vector_load %arg8[%swap3A_1431, %swap3A_1432] {strides = array<i32>} : memref<4x128xi32, #tpu.memory_space<vmem>>, vector<16xi32>,
      tpu.vector_store %arg8[%swap3A_1431, %swap3A_1432], %select_n3A_1429 {strides = array<i32>} : memref<4x128xi32, #tpu.memory_space<vmem>>, vector<16xi32>,
      %reduce_sum3A_1434 = arith.constant true
      %reduce_sum3A_1435 = vector.broadcast %reduce_sum3A_1434 : i1 to vector<16xi1>
      %reduce_sum3A_1436 = tpu.scan <sum>, %get3A_1409 masked %reduce_sum3A_1435 : vector<16xi32>, vector<16xi1> -> vector<16xi32>
      %reduce_sum3A_1437 = vector.extract %reduce_sum3A_1436[15] : i32 from vector<16xi32>
      %add3A_1438 = arith.addi %add3A_1407, %reduce_sum3A_1437 : i32
      %get3A_1439 = arith.constant 448 : index
      %get3A_1440 = tpu.vector_load %arg9[%get3A_1439] {strides = array<i32>} : memref<512xi32, #tpu.memory_space<vmem>>, vector<16xi32>,
      %broadcast_in_dim3A_1441 = arith.constant true
      %broadcast_in_dim3A_1442 = vector.broadcast %broadcast_in_dim3A_1441 : i1 to vector<16xi1>
      %masked_cumsum3A_1443 = tpu.scan <sum>, %get3A_1440 masked %broadcast_in_dim3A_1442 : vector<16xi32>, vector<16xi1> -> vector<16xi32>
      %add3A_1444 = arith.constant 448 : i32
      %add3A_1445 = arith.addi %min3A_96, %add3A_1444 : i32
      %add3A_1446 = vector.broadcast %add3A_1445 : i32 to vector<16xi32>
      %add3A_1447 = arith.addi %add3A_1446, %iota3A : vector<16xi32>
      %ge3A_1448 = vector.broadcast %max3A : i32 to vector<16xi32>
      %ge3A_1449 = arith.cmpi sge, %add3A_1447, %ge3A_1448 : vector<16xi32>
      %lt3A_1450 = vector.broadcast %select_n3A : i32 to vector<16xi32>
      %lt3A_1451 = arith.cmpi slt, %add3A_1447, %lt3A_1450 : vector<16xi32>
      %and3A_1452 = arith.andi %ge3A_1449, %lt3A_1451 : vector<16xi1>
      %add3A_1453 = arith.addi %mul3A_4, %add3A_1438 : i32
      %add3A_1454 = vector.broadcast %add3A_1453 : i32 to vector<16xi32>
      %add3A_1455 = arith.addi %add3A_1454, %masked_cumsum3A_1443 : vector<16xi32>
      %sub3A_1456 = arith.constant 1 : i32
      %sub3A_1457 = vector.broadcast %sub3A_1456 : i32 to vector<16xi32>
      %sub3A_1458 = arith.subi %add3A_1455, %sub3A_1457 : vector<16xi32>
      %broadcast_in_dim3A_1459 = vector.broadcast %add3A_6 : i32 to vector<16xi32>
      %select_n3A_1460 = arith.select %and3A_1452, %sub3A_1458, %broadcast_in_dim3A_1459 : vector<16xi1>, vector<16xi32>
      %swap3A_1461 = arith.constant 3 : i32
      %swap3A_1462 = arith.index_cast %swap3A_1461 : i32 to index
      %swap3A_1463 = arith.constant 64 : index
      %swap3A_1464 = tpu.vector_load %arg8[%swap3A_1462, %swap3A_1463] {strides = array<i32>} : memref<4x128xi32, #tpu.memory_space<vmem>>, vector<16xi32>,
      tpu.vector_store %arg8[%swap3A_1462, %swap3A_1463], %select_n3A_1460 {strides = array<i32>} : memref<4x128xi32, #tpu.memory_space<vmem>>, vector<16xi32>,
      %reduce_sum3A_1465 = arith.constant true
      %reduce_sum3A_1466 = vector.broadcast %reduce_sum3A_1465 : i1 to vector<16xi1>
      %reduce_sum3A_1467 = tpu.scan <sum>, %get3A_1440 masked %reduce_sum3A_1466 : vector<16xi32>, vector<16xi1> -> vector<16xi32>
      %reduce_sum3A_1468 = vector.extract %reduce_sum3A_1467[15] : i32 from vector<16xi32>
      %add3A_1469 = arith.addi %add3A_1438, %reduce_sum3A_1468 : i32
      %get3A_1470 = arith.constant 464 : index
      %get3A_1471 = tpu.vector_load %arg9[%get3A_1470] {strides = array<i32>} : memref<512xi32, #tpu.memory_space<vmem>>, vector<16xi32>,
      %broadcast_in_dim3A_1472 = arith.constant true
      %broadcast_in_dim3A_1473 = vector.broadcast %broadcast_in_dim3A_1472 : i1 to vector<16xi1>
      %masked_cumsum3A_1474 = tpu.scan <sum>, %get3A_1471 masked %broadcast_in_dim3A_1473 : vector<16xi32>, vector<16xi1> -> vector<16xi32>
      %add3A_1475 = arith.constant 464 : i32
      %add3A_1476 = arith.addi %min3A_96, %add3A_1475 : i32
      %add3A_1477 = vector.broadcast %add3A_1476 : i32 to vector<16xi32>
      %add3A_1478 = arith.addi %add3A_1477, %iota3A : vector<16xi32>
      %ge3A_1479 = vector.broadcast %max3A : i32 to vector<16xi32>
      %ge3A_1480 = arith.cmpi sge, %add3A_1478, %ge3A_1479 : vector<16xi32>
      %lt3A_1481 = vector.broadcast %select_n3A : i32 to vector<16xi32>
      %lt3A_1482 = arith.cmpi slt, %add3A_1478, %lt3A_1481 : vector<16xi32>
      %and3A_1483 = arith.andi %ge3A_1480, %lt3A_1482 : vector<16xi1>
      %add3A_1484 = arith.addi %mul3A_4, %add3A_1469 : i32
      %add3A_1485 = vector.broadcast %add3A_1484 : i32 to vector<16xi32>
      %add3A_1486 = arith.addi %add3A_1485, %masked_cumsum3A_1474 : vector<16xi32>
      %sub3A_1487 = arith.constant 1 : i32
      %sub3A_1488 = vector.broadcast %sub3A_1487 : i32 to vector<16xi32>
      %sub3A_1489 = arith.subi %add3A_1486, %sub3A_1488 : vector<16xi32>
      %broadcast_in_dim3A_1490 = vector.broadcast %add3A_6 : i32 to vector<16xi32>
      %select_n3A_1491 = arith.select %and3A_1483, %sub3A_1489, %broadcast_in_dim3A_1490 : vector<16xi1>, vector<16xi32>
      %swap3A_1492 = arith.constant 3 : i32
      %swap3A_1493 = arith.index_cast %swap3A_1492 : i32 to index
      %swap3A_1494 = arith.constant 80 : index
      %swap3A_1495 = tpu.vector_load %arg8[%swap3A_1493, %swap3A_1494] {strides = array<i32>} : memref<4x128xi32, #tpu.memory_space<vmem>>, vector<16xi32>,
      tpu.vector_store %arg8[%swap3A_1493, %swap3A_1494], %select_n3A_1491 {strides = array<i32>} : memref<4x128xi32, #tpu.memory_space<vmem>>, vector<16xi32>,
      %reduce_sum3A_1496 = arith.constant true
      %reduce_sum3A_1497 = vector.broadcast %reduce_sum3A_1496 : i1 to vector<16xi1>
      %reduce_sum3A_1498 = tpu.scan <sum>, %get3A_1471 masked %reduce_sum3A_1497 : vector<16xi32>, vector<16xi1> -> vector<16xi32>
      %reduce_sum3A_1499 = vector.extract %reduce_sum3A_1498[15] : i32 from vector<16xi32>
      %add3A_1500 = arith.addi %add3A_1469, %reduce_sum3A_1499 : i32
      %get3A_1501 = arith.constant 480 : index
      %get3A_1502 = tpu.vector_load %arg9[%get3A_1501] {strides = array<i32>} : memref<512xi32, #tpu.memory_space<vmem>>, vector<16xi32>,
      %broadcast_in_dim3A_1503 = arith.constant true
      %broadcast_in_dim3A_1504 = vector.broadcast %broadcast_in_dim3A_1503 : i1 to vector<16xi1>
      %masked_cumsum3A_1505 = tpu.scan <sum>, %get3A_1502 masked %broadcast_in_dim3A_1504 : vector<16xi32>, vector<16xi1> -> vector<16xi32>
      %add3A_1506 = arith.constant 480 : i32
      %add3A_1507 = arith.addi %min3A_96, %add3A_1506 : i32
      %add3A_1508 = vector.broadcast %add3A_1507 : i32 to vector<16xi32>
      %add3A_1509 = arith.addi %add3A_1508, %iota3A : vector<16xi32>
      %ge3A_1510 = vector.broadcast %max3A : i32 to vector<16xi32>
      %ge3A_1511 = arith.cmpi sge, %add3A_1509, %ge3A_1510 : vector<16xi32>
      %lt3A_1512 = vector.broadcast %select_n3A : i32 to vector<16xi32>
      %lt3A_1513 = arith.cmpi slt, %add3A_1509, %lt3A_1512 : vector<16xi32>
      %and3A_1514 = arith.andi %ge3A_1511, %lt3A_1513 : vector<16xi1>
      %add3A_1515 = arith.addi %mul3A_4, %add3A_1500 : i32
      %add3A_1516 = vector.broadcast %add3A_1515 : i32 to vector<16xi32>
      %add3A_1517 = arith.addi %add3A_1516, %masked_cumsum3A_1505 : vector<16xi32>
      %sub3A_1518 = arith.constant 1 : i32
      %sub3A_1519 = vector.broadcast %sub3A_1518 : i32 to vector<16xi32>
      %sub3A_1520 = arith.subi %add3A_1517, %sub3A_1519 : vector<16xi32>
      %broadcast_in_dim3A_1521 = vector.broadcast %add3A_6 : i32 to vector<16xi32>
      %select_n3A_1522 = arith.select %and3A_1514, %sub3A_1520, %broadcast_in_dim3A_1521 : vector<16xi1>, vector<16xi32>
      %swap3A_1523 = arith.constant 3 : i32
      %swap3A_1524 = arith.index_cast %swap3A_1523 : i32 to index
      %swap3A_1525 = arith.constant 96 : index
      %swap3A_1526 = tpu.vector_load %arg8[%swap3A_1524, %swap3A_1525] {strides = array<i32>} : memref<4x128xi32, #tpu.memory_space<vmem>>, vector<16xi32>,
      tpu.vector_store %arg8[%swap3A_1524, %swap3A_1525], %select_n3A_1522 {strides = array<i32>} : memref<4x128xi32, #tpu.memory_space<vmem>>, vector<16xi32>,
      %reduce_sum3A_1527 = arith.constant true
      %reduce_sum3A_1528 = vector.broadcast %reduce_sum3A_1527 : i1 to vector<16xi1>
      %reduce_sum3A_1529 = tpu.scan <sum>, %get3A_1502 masked %reduce_sum3A_1528 : vector<16xi32>, vector<16xi1> -> vector<16xi32>
      %reduce_sum3A_1530 = vector.extract %reduce_sum3A_1529[15] : i32 from vector<16xi32>
      %add3A_1531 = arith.addi %add3A_1500, %reduce_sum3A_1530 : i32
      %get3A_1532 = arith.constant 496 : index
      %get3A_1533 = tpu.vector_load %arg9[%get3A_1532] {strides = array<i32>} : memref<512xi32, #tpu.memory_space<vmem>>, vector<16xi32>,
      %broadcast_in_dim3A_1534 = arith.constant true
      %broadcast_in_dim3A_1535 = vector.broadcast %broadcast_in_dim3A_1534 : i1 to vector<16xi1>
      %masked_cumsum3A_1536 = tpu.scan <sum>, %get3A_1533 masked %broadcast_in_dim3A_1535 : vector<16xi32>, vector<16xi1> -> vector<16xi32>
      %add3A_1537 = arith.constant 496 : i32
      %add3A_1538 = arith.addi %min3A_96, %add3A_1537 : i32
      %add3A_1539 = vector.broadcast %add3A_1538 : i32 to vector<16xi32>
      %add3A_1540 = arith.addi %add3A_1539, %iota3A : vector<16xi32>
      %ge3A_1541 = vector.broadcast %max3A : i32 to vector<16xi32>
      %ge3A_1542 = arith.cmpi sge, %add3A_1540, %ge3A_1541 : vector<16xi32>
      %lt3A_1543 = vector.broadcast %select_n3A : i32 to vector<16xi32>
      %lt3A_1544 = arith.cmpi slt, %add3A_1540, %lt3A_1543 : vector<16xi32>
      %and3A_1545 = arith.andi %ge3A_1542, %lt3A_1544 : vector<16xi1>
      %add3A_1546 = arith.addi %mul3A_4, %add3A_1531 : i32
      %add3A_1547 = vector.broadcast %add3A_1546 : i32 to vector<16xi32>
      %add3A_1548 = arith.addi %add3A_1547, %masked_cumsum3A_1536 : vector<16xi32>
      %sub3A_1549 = arith.constant 1 : i32
      %sub3A_1550 = vector.broadcast %sub3A_1549 : i32 to vector<16xi32>
      %sub3A_1551 = arith.subi %add3A_1548, %sub3A_1550 : vector<16xi32>
      %broadcast_in_dim3A_1552 = vector.broadcast %add3A_6 : i32 to vector<16xi32>
      %select_n3A_1553 = arith.select %and3A_1545, %sub3A_1551, %broadcast_in_dim3A_1552 : vector<16xi1>, vector<16xi32>
      %swap3A_1554 = arith.constant 3 : i32
      %swap3A_1555 = arith.index_cast %swap3A_1554 : i32 to index
      %swap3A_1556 = arith.constant 112 : index
      %swap3A_1557 = tpu.vector_load %arg8[%swap3A_1555, %swap3A_1556] {strides = array<i32>} : memref<4x128xi32, #tpu.memory_space<vmem>>, vector<16xi32>,
      tpu.vector_store %arg8[%swap3A_1555, %swap3A_1556], %select_n3A_1553 {strides = array<i32>} : memref<4x128xi32, #tpu.memory_space<vmem>>, vector<16xi32>,
      %reduce_sum3A_1558 = arith.constant true
      %reduce_sum3A_1559 = vector.broadcast %reduce_sum3A_1558 : i1 to vector<16xi1>
      %reduce_sum3A_1560 = tpu.scan <sum>, %get3A_1533 masked %reduce_sum3A_1559 : vector<16xi32>, vector<16xi1> -> vector<16xi32>
      %reduce_sum3A_1561 = vector.extract %reduce_sum3A_1560[15] : i32 from vector<16xi32>
      %add3A_1562 = arith.addi %add3A_1531, %reduce_sum3A_1561 : i32
      %dma_wait3A = arith.constant 0 : i32
      %dma_wait3A_1563 = arith.constant 0 : i32
      %dma_wait3A_1564 = tpu.memref_slice %arg10[%dma_wait3A, %dma_wait3A_1563] : memref<512x64xf32, #tpu.memory_space<vmem>> -> memref<128x64xf32, #tpu.memory_space<vmem>>
      %dma_wait3A_1565 = arith.constant 0 : i32
      %dma_wait3A_1566 = tpu.memref_slice %arg7[%dma_wait3A_1565] : memref<512xi32, #tpu.memory_space<vmem>> -> memref<128xi32, #tpu.memory_space<vmem>>
      %dma_wait3A_1567 = arith.constant 0 : i32
      %dma_wait3A_1568 = arith.constant 0 : i32
      %dma_wait3A_1569 = tpu.memref_slice %arg4[%dma_wait3A_1567, %dma_wait3A_1568] : memref<1000000x64xf32, #tpu.memory_space<hbm>> -> memref<1000000x64xf32, #tpu.memory_space<hbm>>
      tpu.wait_indirect_dma semaphore(%arg12 : memref<!tpu.dma_semaphore, #tpu.memory_space<semaphore_mem>>) src(%dma_wait3A_1569 : memref<1000000x64xf32, #tpu.memory_space<hbm>>) dst(%dma_wait3A_1564 : memref<128x64xf32, #tpu.memory_space<vmem>>)
      %dma_wait3A_1570 = arith.constant 128 : i32
      %dma_wait3A_1571 = arith.constant 0 : i32
      %dma_wait3A_1572 = tpu.memref_slice %arg10[%dma_wait3A_1570, %dma_wait3A_1571] : memref<512x64xf32, #tpu.memory_space<vmem>> -> memref<128x64xf32, #tpu.memory_space<vmem>>
      %dma_wait3A_1573 = arith.constant 128 : i32
      %dma_wait3A_1574 = tpu.memref_slice %arg7[%dma_wait3A_1573] : memref<512xi32, #tpu.memory_space<vmem>> -> memref<128xi32, #tpu.memory_space<vmem>>
      %dma_wait3A_1575 = arith.constant 0 : i32
      %dma_wait3A_1576 = arith.constant 0 : i32
      %dma_wait3A_1577 = tpu.memref_slice %arg4[%dma_wait3A_1575, %dma_wait3A_1576] : memref<1000000x64xf32, #tpu.memory_space<hbm>> -> memref<1000000x64xf32, #tpu.memory_space<hbm>>
      tpu.wait_indirect_dma semaphore(%arg12 : memref<!tpu.dma_semaphore, #tpu.memory_space<semaphore_mem>>) src(%dma_wait3A_1577 : memref<1000000x64xf32, #tpu.memory_space<hbm>>) dst(%dma_wait3A_1572 : memref<128x64xf32, #tpu.memory_space<vmem>>)
      %dma_wait3A_1578 = arith.constant 256 : i32
      %dma_wait3A_1579 = arith.constant 0 : i32
      %dma_wait3A_1580 = tpu.memref_slice %arg10[%dma_wait3A_1578, %dma_wait3A_1579] : memref<512x64xf32, #tpu.memory_space<vmem>> -> memref<128x64xf32, #tpu.memory_space<vmem>>
      %dma_wait3A_1581 = arith.constant 256 : i32
      %dma_wait3A_1582 = tpu.memref_slice %arg7[%dma_wait3A_1581] : memref<512xi32, #tpu.memory_space<vmem>> -> memref<128xi32, #tpu.memory_space<vmem>>
      %dma_wait3A_1583 = arith.constant 0 : i32
      %dma_wait3A_1584 = arith.constant 0 : i32
      %dma_wait3A_1585 = tpu.memref_slice %arg4[%dma_wait3A_1583, %dma_wait3A_1584] : memref<1000000x64xf32, #tpu.memory_space<hbm>> -> memref<1000000x64xf32, #tpu.memory_space<hbm>>
      tpu.wait_indirect_dma semaphore(%arg12 : memref<!tpu.dma_semaphore, #tpu.memory_space<semaphore_mem>>) src(%dma_wait3A_1585 : memref<1000000x64xf32, #tpu.memory_space<hbm>>) dst(%dma_wait3A_1580 : memref<128x64xf32, #tpu.memory_space<vmem>>)
      %dma_wait3A_1586 = arith.constant 384 : i32
      %dma_wait3A_1587 = arith.constant 0 : i32
      %dma_wait3A_1588 = tpu.memref_slice %arg10[%dma_wait3A_1586, %dma_wait3A_1587] : memref<512x64xf32, #tpu.memory_space<vmem>> -> memref<128x64xf32, #tpu.memory_space<vmem>>
      %dma_wait3A_1589 = arith.constant 384 : i32
      %dma_wait3A_1590 = tpu.memref_slice %arg7[%dma_wait3A_1589] : memref<512xi32, #tpu.memory_space<vmem>> -> memref<128xi32, #tpu.memory_space<vmem>>
      %dma_wait3A_1591 = arith.constant 0 : i32
      %dma_wait3A_1592 = arith.constant 0 : i32
      %dma_wait3A_1593 = tpu.memref_slice %arg4[%dma_wait3A_1591, %dma_wait3A_1592] : memref<1000000x64xf32, #tpu.memory_space<hbm>> -> memref<1000000x64xf32, #tpu.memory_space<hbm>>
      tpu.wait_indirect_dma semaphore(%arg12 : memref<!tpu.dma_semaphore, #tpu.memory_space<semaphore_mem>>) src(%dma_wait3A_1593 : memref<1000000x64xf32, #tpu.memory_space<hbm>>) dst(%dma_wait3A_1588 : memref<128x64xf32, #tpu.memory_space<vmem>>)
      %run_scoped3A = arith.constant 0 : i32
      "tpu.region"() ({
        %run_scoped3A_1597 = tpu.sem_alloc : memref<!tpu.dma_semaphore, #tpu.memory_space<semaphore_mem>>
        %dma_start3A_1598 = arith.constant 0 : i32
        %dma_start3A_1599 = arith.constant 0 : i32
        %dma_start3A_1600 = tpu.memref_slice %arg10[%dma_start3A_1598, %dma_start3A_1599] : memref<512x64xf32, #tpu.memory_space<vmem>> -> memref<128x64xf32, #tpu.memory_space<vmem>>
        %dma_start3A_1601 = arith.constant 0 : i32
        %dma_start3A_1602 = tpu.memref_slice %arg8[%run_scoped3A, %dma_start3A_1601] : memref<4x128xi32, #tpu.memory_space<vmem>> -> memref<1x128xi32, #tpu.memory_space<vmem>>
        %dma_start3A_1603 = tpu.memref_squeeze %dma_start3A_1602 : memref<1x128xi32, #tpu.memory_space<vmem>> -> memref<128xi32, #tpu.memory_space<vmem>>
        %dma_start3A_1604 = arith.constant 0 : i32
        %dma_start3A_1605 = arith.constant 0 : i32
        %dma_start3A_1606 = tpu.memref_slice %arg11[%dma_start3A_1604, %dma_start3A_1605] : memref<8208x64xf32, #tpu.memory_space<vmem_shared>> -> memref<8208x64xf32, #tpu.memory_space<vmem_shared>>
        tpu.enqueue_indirect_dma source(%dma_start3A_1600 : memref<128x64xf32, #tpu.memory_space<vmem>>) target(%dma_start3A_1606 : memref<8208x64xf32, #tpu.memory_space<vmem_shared>>) offsets(%dma_start3A_1603 : memref<128xi32, #tpu.memory_space<vmem>>) semaphore(%run_scoped3A_1597 : memref<!tpu.dma_semaphore, #tpu.memory_space<semaphore_mem>>) {add = true}
        %dma_wait3A_1607 = arith.constant 0 : i32
        %dma_wait3A_1608 = arith.constant 0 : i32
        %dma_wait3A_1609 = tpu.memref_slice %arg10[%dma_wait3A_1607, %dma_wait3A_1608] : memref<512x64xf32, #tpu.memory_space<vmem>> -> memref<128x64xf32, #tpu.memory_space<vmem>>
        %dma_wait3A_1610 = arith.constant 0 : i32
        %dma_wait3A_1611 = tpu.memref_slice %arg8[%run_scoped3A, %dma_wait3A_1610] : memref<4x128xi32, #tpu.memory_space<vmem>> -> memref<1x128xi32, #tpu.memory_space<vmem>>
        %dma_wait3A_1612 = tpu.memref_squeeze %dma_wait3A_1611 : memref<1x128xi32, #tpu.memory_space<vmem>> -> memref<128xi32, #tpu.memory_space<vmem>>
        %dma_wait3A_1613 = arith.constant 0 : i32
        %dma_wait3A_1614 = arith.constant 0 : i32
        %dma_wait3A_1615 = tpu.memref_slice %arg11[%dma_wait3A_1613, %dma_wait3A_1614] : memref<8208x64xf32, #tpu.memory_space<vmem_shared>> -> memref<8208x64xf32, #tpu.memory_space<vmem_shared>>
        tpu.wait_indirect_dma semaphore(%run_scoped3A_1597 : memref<!tpu.dma_semaphore, #tpu.memory_space<semaphore_mem>>) src(%dma_wait3A_1609 : memref<128x64xf32, #tpu.memory_space<vmem>>) dst(%dma_wait3A_1615 : memref<8208x64xf32, #tpu.memory_space<vmem_shared>>)
        tpu.yield
      }) : () -> ()
      %run_scoped3A_1594 = arith.constant 1 : i32
      "tpu.region"() ({
        %run_scoped3A_1597 = tpu.sem_alloc : memref<!tpu.dma_semaphore, #tpu.memory_space<semaphore_mem>>
        %dma_start3A_1598 = arith.constant 128 : i32
        %dma_start3A_1599 = arith.constant 0 : i32
        %dma_start3A_1600 = tpu.memref_slice %arg10[%dma_start3A_1598, %dma_start3A_1599] : memref<512x64xf32, #tpu.memory_space<vmem>> -> memref<128x64xf32, #tpu.memory_space<vmem>>
        %dma_start3A_1601 = arith.constant 0 : i32
        %dma_start3A_1602 = tpu.memref_slice %arg8[%run_scoped3A_1594, %dma_start3A_1601] : memref<4x128xi32, #tpu.memory_space<vmem>> -> memref<1x128xi32, #tpu.memory_space<vmem>>
        %dma_start3A_1603 = tpu.memref_squeeze %dma_start3A_1602 : memref<1x128xi32, #tpu.memory_space<vmem>> -> memref<128xi32, #tpu.memory_space<vmem>>
        %dma_start3A_1604 = arith.constant 0 : i32
        %dma_start3A_1605 = arith.constant 0 : i32
        %dma_start3A_1606 = tpu.memref_slice %arg11[%dma_start3A_1604, %dma_start3A_1605] : memref<8208x64xf32, #tpu.memory_space<vmem_shared>> -> memref<8208x64xf32, #tpu.memory_space<vmem_shared>>
        tpu.enqueue_indirect_dma source(%dma_start3A_1600 : memref<128x64xf32, #tpu.memory_space<vmem>>) target(%dma_start3A_1606 : memref<8208x64xf32, #tpu.memory_space<vmem_shared>>) offsets(%dma_start3A_1603 : memref<128xi32, #tpu.memory_space<vmem>>) semaphore(%run_scoped3A_1597 : memref<!tpu.dma_semaphore, #tpu.memory_space<semaphore_mem>>) {add = true}
        %dma_wait3A_1607 = arith.constant 128 : i32
        %dma_wait3A_1608 = arith.constant 0 : i32
        %dma_wait3A_1609 = tpu.memref_slice %arg10[%dma_wait3A_1607, %dma_wait3A_1608] : memref<512x64xf32, #tpu.memory_space<vmem>> -> memref<128x64xf32, #tpu.memory_space<vmem>>
        %dma_wait3A_1610 = arith.constant 0 : i32
        %dma_wait3A_1611 = tpu.memref_slice %arg8[%run_scoped3A_1594, %dma_wait3A_1610] : memref<4x128xi32, #tpu.memory_space<vmem>> -> memref<1x128xi32, #tpu.memory_space<vmem>>
        %dma_wait3A_1612 = tpu.memref_squeeze %dma_wait3A_1611 : memref<1x128xi32, #tpu.memory_space<vmem>> -> memref<128xi32, #tpu.memory_space<vmem>>
        %dma_wait3A_1613 = arith.constant 0 : i32
        %dma_wait3A_1614 = arith.constant 0 : i32
        %dma_wait3A_1615 = tpu.memref_slice %arg11[%dma_wait3A_1613, %dma_wait3A_1614] : memref<8208x64xf32, #tpu.memory_space<vmem_shared>> -> memref<8208x64xf32, #tpu.memory_space<vmem_shared>>
        tpu.wait_indirect_dma semaphore(%run_scoped3A_1597 : memref<!tpu.dma_semaphore, #tpu.memory_space<semaphore_mem>>) src(%dma_wait3A_1609 : memref<128x64xf32, #tpu.memory_space<vmem>>) dst(%dma_wait3A_1615 : memref<8208x64xf32, #tpu.memory_space<vmem_shared>>)
        tpu.yield
      }) : () -> ()
      %run_scoped3A_1595 = arith.constant 2 : i32
      "tpu.region"() ({
        %run_scoped3A_1597 = tpu.sem_alloc : memref<!tpu.dma_semaphore, #tpu.memory_space<semaphore_mem>>
        %dma_start3A_1598 = arith.constant 256 : i32
        %dma_start3A_1599 = arith.constant 0 : i32
        %dma_start3A_1600 = tpu.memref_slice %arg10[%dma_start3A_1598, %dma_start3A_1599] : memref<512x64xf32, #tpu.memory_space<vmem>> -> memref<128x64xf32, #tpu.memory_space<vmem>>
        %dma_start3A_1601 = arith.constant 0 : i32
        %dma_start3A_1602 = tpu.memref_slice %arg8[%run_scoped3A_1595, %dma_start3A_1601] : memref<4x128xi32, #tpu.memory_space<vmem>> -> memref<1x128xi32, #tpu.memory_space<vmem>>
        %dma_start3A_1603 = tpu.memref_squeeze %dma_start3A_1602 : memref<1x128xi32, #tpu.memory_space<vmem>> -> memref<128xi32, #tpu.memory_space<vmem>>
        %dma_start3A_1604 = arith.constant 0 : i32
        %dma_start3A_1605 = arith.constant 0 : i32
        %dma_start3A_1606 = tpu.memref_slice %arg11[%dma_start3A_1604, %dma_start3A_1605] : memref<8208x64xf32, #tpu.memory_space<vmem_shared>> -> memref<8208x64xf32, #tpu.memory_space<vmem_shared>>
        tpu.enqueue_indirect_dma source(%dma_start3A_1600 : memref<128x64xf32, #tpu.memory_space<vmem>>) target(%dma_start3A_1606 : memref<8208x64xf32, #tpu.memory_space<vmem_shared>>) offsets(%dma_start3A_1603 : memref<128xi32, #tpu.memory_space<vmem>>) semaphore(%run_scoped3A_1597 : memref<!tpu.dma_semaphore, #tpu.memory_space<semaphore_mem>>) {add = true}
        %dma_wait3A_1607 = arith.constant 256 : i32
        %dma_wait3A_1608 = arith.constant 0 : i32
        %dma_wait3A_1609 = tpu.memref_slice %arg10[%dma_wait3A_1607, %dma_wait3A_1608] : memref<512x64xf32, #tpu.memory_space<vmem>> -> memref<128x64xf32, #tpu.memory_space<vmem>>
        %dma_wait3A_1610 = arith.constant 0 : i32
        %dma_wait3A_1611 = tpu.memref_slice %arg8[%run_scoped3A_1595, %dma_wait3A_1610] : memref<4x128xi32, #tpu.memory_space<vmem>> -> memref<1x128xi32, #tpu.memory_space<vmem>>
        %dma_wait3A_1612 = tpu.memref_squeeze %dma_wait3A_1611 : memref<1x128xi32, #tpu.memory_space<vmem>> -> memref<128xi32, #tpu.memory_space<vmem>>
        %dma_wait3A_1613 = arith.constant 0 : i32
        %dma_wait3A_1614 = arith.constant 0 : i32
        %dma_wait3A_1615 = tpu.memref_slice %arg11[%dma_wait3A_1613, %dma_wait3A_1614] : memref<8208x64xf32, #tpu.memory_space<vmem_shared>> -> memref<8208x64xf32, #tpu.memory_space<vmem_shared>>
        tpu.wait_indirect_dma semaphore(%run_scoped3A_1597 : memref<!tpu.dma_semaphore, #tpu.memory_space<semaphore_mem>>) src(%dma_wait3A_1609 : memref<128x64xf32, #tpu.memory_space<vmem>>) dst(%dma_wait3A_1615 : memref<8208x64xf32, #tpu.memory_space<vmem_shared>>)
        tpu.yield
      }) : () -> ()
      %run_scoped3A_1596 = arith.constant 3 : i32
      "tpu.region"() ({
        %run_scoped3A_1597 = tpu.sem_alloc : memref<!tpu.dma_semaphore, #tpu.memory_space<semaphore_mem>>
        %dma_start3A_1598 = arith.constant 384 : i32
        %dma_start3A_1599 = arith.constant 0 : i32
        %dma_start3A_1600 = tpu.memref_slice %arg10[%dma_start3A_1598, %dma_start3A_1599] : memref<512x64xf32, #tpu.memory_space<vmem>> -> memref<128x64xf32, #tpu.memory_space<vmem>>
        %dma_start3A_1601 = arith.constant 0 : i32
        %dma_start3A_1602 = tpu.memref_slice %arg8[%run_scoped3A_1596, %dma_start3A_1601] : memref<4x128xi32, #tpu.memory_space<vmem>> -> memref<1x128xi32, #tpu.memory_space<vmem>>
        %dma_start3A_1603 = tpu.memref_squeeze %dma_start3A_1602 : memref<1x128xi32, #tpu.memory_space<vmem>> -> memref<128xi32, #tpu.memory_space<vmem>>
        %dma_start3A_1604 = arith.constant 0 : i32
        %dma_start3A_1605 = arith.constant 0 : i32
        %dma_start3A_1606 = tpu.memref_slice %arg11[%dma_start3A_1604, %dma_start3A_1605] : memref<8208x64xf32, #tpu.memory_space<vmem_shared>> -> memref<8208x64xf32, #tpu.memory_space<vmem_shared>>
        tpu.enqueue_indirect_dma source(%dma_start3A_1600 : memref<128x64xf32, #tpu.memory_space<vmem>>) target(%dma_start3A_1606 : memref<8208x64xf32, #tpu.memory_space<vmem_shared>>) offsets(%dma_start3A_1603 : memref<128xi32, #tpu.memory_space<vmem>>) semaphore(%run_scoped3A_1597 : memref<!tpu.dma_semaphore, #tpu.memory_space<semaphore_mem>>) {add = true}
        %dma_wait3A_1607 = arith.constant 384 : i32
        %dma_wait3A_1608 = arith.constant 0 : i32
        %dma_wait3A_1609 = tpu.memref_slice %arg10[%dma_wait3A_1607, %dma_wait3A_1608] : memref<512x64xf32, #tpu.memory_space<vmem>> -> memref<128x64xf32, #tpu.memory_space<vmem>>
        %dma_wait3A_1610 = arith.constant 0 : i32
        %dma_wait3A_1611 = tpu.memref_slice %arg8[%run_scoped3A_1596, %dma_wait3A_1610] : memref<4x128xi32, #tpu.memory_space<vmem>> -> memref<1x128xi32, #tpu.memory_space<vmem>>
        %dma_wait3A_1612 = tpu.memref_squeeze %dma_wait3A_1611 : memref<1x128xi32, #tpu.memory_space<vmem>> -> memref<128xi32, #tpu.memory_space<vmem>>
        %dma_wait3A_1613 = arith.constant 0 : i32
        %dma_wait3A_1614 = arith.constant 0 : i32
        %dma_wait3A_1615 = tpu.memref_slice %arg11[%dma_wait3A_1613, %dma_wait3A_1614] : memref<8208x64xf32, #tpu.memory_space<vmem_shared>> -> memref<8208x64xf32, #tpu.memory_space<vmem_shared>>
        tpu.wait_indirect_dma semaphore(%run_scoped3A_1597 : memref<!tpu.dma_semaphore, #tpu.memory_space<semaphore_mem>>) src(%dma_wait3A_1609 : memref<128x64xf32, #tpu.memory_space<vmem>>) dst(%dma_wait3A_1615 : memref<8208x64xf32, #tpu.memory_space<vmem_shared>>)
        tpu.yield
      }) : () -> ()
      scf.yield %add3A_1562 : i32
    }
    "tpu.region"() ({
      %run_scoped3A = tpu.sem_alloc : memref<!tpu.dma_semaphore, #tpu.memory_space<semaphore_mem>>
      %dma_start3A = arith.constant 0 : i32
      %dma_start3A_91 = tpu.memref_slice %arg11[%mul3A_4, %dma_start3A] : memref<8208x64xf32, #tpu.memory_space<vmem_shared>> -> memref<512x64xf32, #tpu.memory_space<vmem_shared>>
      %dma_start3A_92 = arith.constant 0 : i32
      %dma_start3A_93 = tpu.memref_slice %arg11[%mul3A_4, %dma_start3A_92] : memref<8208x64xf32, #tpu.memory_space<vmem_shared>> -> memref<512x64xf32, #tpu.memory_space<vmem_shared>>
      tpu.enqueue_dma source(%dma_start3A_93 : memref<512x64xf32, #tpu.memory_space<vmem_shared>>) target(%arg10 : memref<512x64xf32, #tpu.memory_space<vmem>>) target_semaphore(%run_scoped3A : memref<!tpu.dma_semaphore, #tpu.memory_space<semaphore_mem>>)
      %dma_wait3A = arith.constant 0 : i32
      %dma_wait3A_94 = tpu.memref_slice %arg11[%mul3A_4, %dma_wait3A] : memref<8208x64xf32, #tpu.memory_space<vmem_shared>> -> memref<512x64xf32, #tpu.memory_space<vmem_shared>>
      %dma_wait3A_95 = arith.constant 0 : i32
      %dma_wait3A_96 = tpu.memref_slice %arg11[%mul3A_4, %dma_wait3A_95] : memref<8208x64xf32, #tpu.memory_space<vmem_shared>> -> memref<512x64xf32, #tpu.memory_space<vmem_shared>>
      tpu.wait_dma2 semaphore(%run_scoped3A : memref<!tpu.dma_semaphore, #tpu.memory_space<semaphore_mem>>) src(%dma_wait3A_96 : memref<512x64xf32, #tpu.memory_space<vmem_shared>>) dst(%arg10 : memref<512x64xf32, #tpu.memory_space<vmem>>)
      tpu.yield
    }) : () -> ()
    %scan3A_85 = arith.constant 0 : i32
    %scan3A_86 = arith.constant 0 : i32
    %scan3A_87 = arith.constant 32 : i32
    %scan3A_88 = arith.addi %scan3A_86, %scan3A_87 : i32
    %scan3A_89 = arith.constant 1 : i32
    scf.for %scan3A_91 = %scan3A_86 to %scan3A_88 step %scan3A_89  : i32 {
      %mul3A_92 = arith.constant 16 : i32
      %mul3A_93 = arith.muli %scan3A_91, %mul3A_92 : i32
      %get3A_94 = arith.index_cast %mul3A_93 : i32 to index
      %get3A_95 = tpu.vector_load %arg6[%get3A_94] {strides = array<i32>} : memref<528xi32, #tpu.memory_space<vmem>>, vector<16xi32>,
      %add3A_96 = arith.constant 1 : i32
      %add3A_97 = arith.addi %mul3A_93, %add3A_96 : i32
      %get3A_98 = arith.index_cast %add3A_97 : i32 to index
      %get3A_99 = tpu.vector_load %arg6[%get3A_98] {strides = array<i32>} : memref<528xi32, #tpu.memory_space<vmem>>, vector<16xi32>,
      %add3A_100 = vector.broadcast %mul3A_93 : i32 to vector<16xi32>
      %add3A_101 = arith.addi %add3A_100, %iota3A : vector<16xi32>
      %eq3A_102 = arith.constant 511 : i32
      %eq3A_103 = vector.broadcast %eq3A_102 : i32 to vector<16xi32>
      %eq3A_104 = arith.cmpi eq, %add3A_101, %eq3A_103 : vector<16xi32>
      %broadcast_in_dim3A_105 = vector.broadcast %select_n3A : i32 to vector<16xi32>
      %select_n3A_106 = arith.select %eq3A_104, %broadcast_in_dim3A_105, %get3A_99 : vector<16xi1>, vector<16xi32>
      %sub3A_107 = arith.subi %select_n3A_106, %get3A_95 : vector<16xi32>
      %convert_element_type3A = arith.sitofp %sub3A_107 : vector<16xi32> to vector<16xf32>
      %gt3A = arith.constant 0.000000e+00 : f32
      %gt3A_108 = vector.broadcast %gt3A : f32 to vector<16xf32>
      %gt3A_109 = arith.cmpf ogt, %convert_element_type3A, %gt3A_108 : vector<16xf32>
      %div3A_110 = arith.constant 1.000000e+00 : f32
      %div3A_111 = vector.broadcast %div3A_110 : f32 to vector<16xf32>
      %div3A_112 = arith.divf %div3A_111, %convert_element_type3A : vector<16xf32>
      %jit3A_113 = arith.constant 0.000000e+00 : f32
      %broadcast_in_dim3A_114 = vector.broadcast %jit3A_113 : f32 to vector<16xf32>
      %select_n3A_115 = arith.select %gt3A_109, %div3A_112, %broadcast_in_dim3A_114 : vector<16xi1>, vector<16xf32>
      %slice3A_116 = vector.extract_strided_slice %select_n3A_115 {offsets = [0], sizes = [1], strides = [1]} : vector<16xf32> to vector<1xf32>
      %squeeze3A_117 = vector.extract %slice3A_116[0] : f32 from vector<1xf32>
      %broadcast_in_dim3A_118 = vector.broadcast %squeeze3A_117 : f32 to vector<16xf32>
      %add3A_119 = arith.constant 0 : i32
      %add3A_120 = arith.addi %mul3A_93, %add3A_119 : i32
      %get3A_121 = arith.index_cast %add3A_120 : i32 to index
      %get3A_122 = arith.constant 0 : index
      %get3A_123 = tpu.vector_load %arg10[%get3A_121, %get3A_122] {strides = array<i32>} : memref<512x64xf32, #tpu.memory_space<vmem>>, vector<16xf32>,
      %mul3A_124 = arith.mulf %get3A_123, %broadcast_in_dim3A_118 : vector<16xf32>
      %add3A_125 = arith.constant 0 : i32
      %add3A_126 = arith.addi %mul3A_93, %add3A_125 : i32
      %swap3A = arith.index_cast %add3A_126 : i32 to index
      %swap3A_127 = arith.constant 0 : index
      %swap3A_128 = tpu.vector_load %arg10[%swap3A, %swap3A_127] {strides = array<i32>} : memref<512x64xf32, #tpu.memory_space<vmem>>, vector<16xf32>,
      tpu.vector_store %arg10[%swap3A, %swap3A_127], %mul3A_124 {strides = array<i32>} : memref<512x64xf32, #tpu.memory_space<vmem>>, vector<16xf32>,
      %add3A_129 = arith.constant 0 : i32
      %add3A_130 = arith.addi %mul3A_93, %add3A_129 : i32
      %get3A_131 = arith.index_cast %add3A_130 : i32 to index
      %get3A_132 = arith.constant 16 : index
      %get3A_133 = tpu.vector_load %arg10[%get3A_131, %get3A_132] {strides = array<i32>} : memref<512x64xf32, #tpu.memory_space<vmem>>, vector<16xf32>,
      %mul3A_134 = arith.mulf %get3A_133, %broadcast_in_dim3A_118 : vector<16xf32>
      %add3A_135 = arith.constant 0 : i32
      %add3A_136 = arith.addi %mul3A_93, %add3A_135 : i32
      %swap3A_137 = arith.index_cast %add3A_136 : i32 to index
      %swap3A_138 = arith.constant 16 : index
      %swap3A_139 = tpu.vector_load %arg10[%swap3A_137, %swap3A_138] {strides = array<i32>} : memref<512x64xf32, #tpu.memory_space<vmem>>, vector<16xf32>,
      tpu.vector_store %arg10[%swap3A_137, %swap3A_138], %mul3A_134 {strides = array<i32>} : memref<512x64xf32, #tpu.memory_space<vmem>>, vector<16xf32>,
      %add3A_140 = arith.constant 0 : i32
      %add3A_141 = arith.addi %mul3A_93, %add3A_140 : i32
      %get3A_142 = arith.index_cast %add3A_141 : i32 to index
      %get3A_143 = arith.constant 32 : index
      %get3A_144 = tpu.vector_load %arg10[%get3A_142, %get3A_143] {strides = array<i32>} : memref<512x64xf32, #tpu.memory_space<vmem>>, vector<16xf32>,
      %mul3A_145 = arith.mulf %get3A_144, %broadcast_in_dim3A_118 : vector<16xf32>
      %add3A_146 = arith.constant 0 : i32
      %add3A_147 = arith.addi %mul3A_93, %add3A_146 : i32
      %swap3A_148 = arith.index_cast %add3A_147 : i32 to index
      %swap3A_149 = arith.constant 32 : index
      %swap3A_150 = tpu.vector_load %arg10[%swap3A_148, %swap3A_149] {strides = array<i32>} : memref<512x64xf32, #tpu.memory_space<vmem>>, vector<16xf32>,
      tpu.vector_store %arg10[%swap3A_148, %swap3A_149], %mul3A_145 {strides = array<i32>} : memref<512x64xf32, #tpu.memory_space<vmem>>, vector<16xf32>,
      %add3A_151 = arith.constant 0 : i32
      %add3A_152 = arith.addi %mul3A_93, %add3A_151 : i32
      %get3A_153 = arith.index_cast %add3A_152 : i32 to index
      %get3A_154 = arith.constant 48 : index
      %get3A_155 = tpu.vector_load %arg10[%get3A_153, %get3A_154] {strides = array<i32>} : memref<512x64xf32, #tpu.memory_space<vmem>>, vector<16xf32>,
      %mul3A_156 = arith.mulf %get3A_155, %broadcast_in_dim3A_118 : vector<16xf32>
      %add3A_157 = arith.constant 0 : i32
      %add3A_158 = arith.addi %mul3A_93, %add3A_157 : i32
      %swap3A_159 = arith.index_cast %add3A_158 : i32 to index
      %swap3A_160 = arith.constant 48 : index
      %swap3A_161 = tpu.vector_load %arg10[%swap3A_159, %swap3A_160] {strides = array<i32>} : memref<512x64xf32, #tpu.memory_space<vmem>>, vector<16xf32>,
      tpu.vector_store %arg10[%swap3A_159, %swap3A_160], %mul3A_156 {strides = array<i32>} : memref<512x64xf32, #tpu.memory_space<vmem>>, vector<16xf32>,
      %slice3A_162 = vector.extract_strided_slice %select_n3A_115 {offsets = [1], sizes = [1], strides = [1]} : vector<16xf32> to vector<1xf32>
      %squeeze3A_163 = vector.extract %slice3A_162[0] : f32 from vector<1xf32>
      %broadcast_in_dim3A_164 = vector.broadcast %squeeze3A_163 : f32 to vector<16xf32>
      %add3A_165 = arith.constant 1 : i32
      %add3A_166 = arith.addi %mul3A_93, %add3A_165 : i32
      %get3A_167 = arith.index_cast %add3A_166 : i32 to index
      %get3A_168 = arith.constant 0 : index
      %get3A_169 = tpu.vector_load %arg10[%get3A_167, %get3A_168] {strides = array<i32>} : memref<512x64xf32, #tpu.memory_space<vmem>>, vector<16xf32>,
      %mul3A_170 = arith.mulf %get3A_169, %broadcast_in_dim3A_164 : vector<16xf32>
      %add3A_171 = arith.constant 1 : i32
      %add3A_172 = arith.addi %mul3A_93, %add3A_171 : i32
      %swap3A_173 = arith.index_cast %add3A_172 : i32 to index
      %swap3A_174 = arith.constant 0 : index
      %swap3A_175 = tpu.vector_load %arg10[%swap3A_173, %swap3A_174] {strides = array<i32>} : memref<512x64xf32, #tpu.memory_space<vmem>>, vector<16xf32>,
      tpu.vector_store %arg10[%swap3A_173, %swap3A_174], %mul3A_170 {strides = array<i32>} : memref<512x64xf32, #tpu.memory_space<vmem>>, vector<16xf32>,
      %add3A_176 = arith.constant 1 : i32
      %add3A_177 = arith.addi %mul3A_93, %add3A_176 : i32
      %get3A_178 = arith.index_cast %add3A_177 : i32 to index
      %get3A_179 = arith.constant 16 : index
      %get3A_180 = tpu.vector_load %arg10[%get3A_178, %get3A_179] {strides = array<i32>} : memref<512x64xf32, #tpu.memory_space<vmem>>, vector<16xf32>,
      %mul3A_181 = arith.mulf %get3A_180, %broadcast_in_dim3A_164 : vector<16xf32>
      %add3A_182 = arith.constant 1 : i32
      %add3A_183 = arith.addi %mul3A_93, %add3A_182 : i32
      %swap3A_184 = arith.index_cast %add3A_183 : i32 to index
      %swap3A_185 = arith.constant 16 : index
      %swap3A_186 = tpu.vector_load %arg10[%swap3A_184, %swap3A_185] {strides = array<i32>} : memref<512x64xf32, #tpu.memory_space<vmem>>, vector<16xf32>,
      tpu.vector_store %arg10[%swap3A_184, %swap3A_185], %mul3A_181 {strides = array<i32>} : memref<512x64xf32, #tpu.memory_space<vmem>>, vector<16xf32>,
      %add3A_187 = arith.constant 1 : i32
      %add3A_188 = arith.addi %mul3A_93, %add3A_187 : i32
      %get3A_189 = arith.index_cast %add3A_188 : i32 to index
      %get3A_190 = arith.constant 32 : index
      %get3A_191 = tpu.vector_load %arg10[%get3A_189, %get3A_190] {strides = array<i32>} : memref<512x64xf32, #tpu.memory_space<vmem>>, vector<16xf32>,
      %mul3A_192 = arith.mulf %get3A_191, %broadcast_in_dim3A_164 : vector<16xf32>
      %add3A_193 = arith.constant 1 : i32
      %add3A_194 = arith.addi %mul3A_93, %add3A_193 : i32
      %swap3A_195 = arith.index_cast %add3A_194 : i32 to index
      %swap3A_196 = arith.constant 32 : index
      %swap3A_197 = tpu.vector_load %arg10[%swap3A_195, %swap3A_196] {strides = array<i32>} : memref<512x64xf32, #tpu.memory_space<vmem>>, vector<16xf32>,
      tpu.vector_store %arg10[%swap3A_195, %swap3A_196], %mul3A_192 {strides = array<i32>} : memref<512x64xf32, #tpu.memory_space<vmem>>, vector<16xf32>,
      %add3A_198 = arith.constant 1 : i32
      %add3A_199 = arith.addi %mul3A_93, %add3A_198 : i32
      %get3A_200 = arith.index_cast %add3A_199 : i32 to index
      %get3A_201 = arith.constant 48 : index
      %get3A_202 = tpu.vector_load %arg10[%get3A_200, %get3A_201] {strides = array<i32>} : memref<512x64xf32, #tpu.memory_space<vmem>>, vector<16xf32>,
      %mul3A_203 = arith.mulf %get3A_202, %broadcast_in_dim3A_164 : vector<16xf32>
      %add3A_204 = arith.constant 1 : i32
      %add3A_205 = arith.addi %mul3A_93, %add3A_204 : i32
      %swap3A_206 = arith.index_cast %add3A_205 : i32 to index
      %swap3A_207 = arith.constant 48 : index
      %swap3A_208 = tpu.vector_load %arg10[%swap3A_206, %swap3A_207] {strides = array<i32>} : memref<512x64xf32, #tpu.memory_space<vmem>>, vector<16xf32>,
      tpu.vector_store %arg10[%swap3A_206, %swap3A_207], %mul3A_203 {strides = array<i32>} : memref<512x64xf32, #tpu.memory_space<vmem>>, vector<16xf32>,
      %slice3A_209 = vector.extract_strided_slice %select_n3A_115 {offsets = [2], sizes = [1], strides = [1]} : vector<16xf32> to vector<1xf32>
      %squeeze3A_210 = vector.extract %slice3A_209[0] : f32 from vector<1xf32>
      %broadcast_in_dim3A_211 = vector.broadcast %squeeze3A_210 : f32 to vector<16xf32>
      %add3A_212 = arith.constant 2 : i32
      %add3A_213 = arith.addi %mul3A_93, %add3A_212 : i32
      %get3A_214 = arith.index_cast %add3A_213 : i32 to index
      %get3A_215 = arith.constant 0 : index
      %get3A_216 = tpu.vector_load %arg10[%get3A_214, %get3A_215] {strides = array<i32>} : memref<512x64xf32, #tpu.memory_space<vmem>>, vector<16xf32>,
      %mul3A_217 = arith.mulf %get3A_216, %broadcast_in_dim3A_211 : vector<16xf32>
      %add3A_218 = arith.constant 2 : i32
      %add3A_219 = arith.addi %mul3A_93, %add3A_218 : i32
      %swap3A_220 = arith.index_cast %add3A_219 : i32 to index
      %swap3A_221 = arith.constant 0 : index
      %swap3A_222 = tpu.vector_load %arg10[%swap3A_220, %swap3A_221] {strides = array<i32>} : memref<512x64xf32, #tpu.memory_space<vmem>>, vector<16xf32>,
      tpu.vector_store %arg10[%swap3A_220, %swap3A_221], %mul3A_217 {strides = array<i32>} : memref<512x64xf32, #tpu.memory_space<vmem>>, vector<16xf32>,
      %add3A_223 = arith.constant 2 : i32
      %add3A_224 = arith.addi %mul3A_93, %add3A_223 : i32
      %get3A_225 = arith.index_cast %add3A_224 : i32 to index
      %get3A_226 = arith.constant 16 : index
      %get3A_227 = tpu.vector_load %arg10[%get3A_225, %get3A_226] {strides = array<i32>} : memref<512x64xf32, #tpu.memory_space<vmem>>, vector<16xf32>,
      %mul3A_228 = arith.mulf %get3A_227, %broadcast_in_dim3A_211 : vector<16xf32>
      %add3A_229 = arith.constant 2 : i32
      %add3A_230 = arith.addi %mul3A_93, %add3A_229 : i32
      %swap3A_231 = arith.index_cast %add3A_230 : i32 to index
      %swap3A_232 = arith.constant 16 : index
      %swap3A_233 = tpu.vector_load %arg10[%swap3A_231, %swap3A_232] {strides = array<i32>} : memref<512x64xf32, #tpu.memory_space<vmem>>, vector<16xf32>,
      tpu.vector_store %arg10[%swap3A_231, %swap3A_232], %mul3A_228 {strides = array<i32>} : memref<512x64xf32, #tpu.memory_space<vmem>>, vector<16xf32>,
      %add3A_234 = arith.constant 2 : i32
      %add3A_235 = arith.addi %mul3A_93, %add3A_234 : i32
      %get3A_236 = arith.index_cast %add3A_235 : i32 to index
      %get3A_237 = arith.constant 32 : index
      %get3A_238 = tpu.vector_load %arg10[%get3A_236, %get3A_237] {strides = array<i32>} : memref<512x64xf32, #tpu.memory_space<vmem>>, vector<16xf32>,
      %mul3A_239 = arith.mulf %get3A_238, %broadcast_in_dim3A_211 : vector<16xf32>
      %add3A_240 = arith.constant 2 : i32
      %add3A_241 = arith.addi %mul3A_93, %add3A_240 : i32
      %swap3A_242 = arith.index_cast %add3A_241 : i32 to index
      %swap3A_243 = arith.constant 32 : index
      %swap3A_244 = tpu.vector_load %arg10[%swap3A_242, %swap3A_243] {strides = array<i32>} : memref<512x64xf32, #tpu.memory_space<vmem>>, vector<16xf32>,
      tpu.vector_store %arg10[%swap3A_242, %swap3A_243], %mul3A_239 {strides = array<i32>} : memref<512x64xf32, #tpu.memory_space<vmem>>, vector<16xf32>,
      %add3A_245 = arith.constant 2 : i32
      %add3A_246 = arith.addi %mul3A_93, %add3A_245 : i32
      %get3A_247 = arith.index_cast %add3A_246 : i32 to index
      %get3A_248 = arith.constant 48 : index
      %get3A_249 = tpu.vector_load %arg10[%get3A_247, %get3A_248] {strides = array<i32>} : memref<512x64xf32, #tpu.memory_space<vmem>>, vector<16xf32>,
      %mul3A_250 = arith.mulf %get3A_249, %broadcast_in_dim3A_211 : vector<16xf32>
      %add3A_251 = arith.constant 2 : i32
      %add3A_252 = arith.addi %mul3A_93, %add3A_251 : i32
      %swap3A_253 = arith.index_cast %add3A_252 : i32 to index
      %swap3A_254 = arith.constant 48 : index
      %swap3A_255 = tpu.vector_load %arg10[%swap3A_253, %swap3A_254] {strides = array<i32>} : memref<512x64xf32, #tpu.memory_space<vmem>>, vector<16xf32>,
      tpu.vector_store %arg10[%swap3A_253, %swap3A_254], %mul3A_250 {strides = array<i32>} : memref<512x64xf32, #tpu.memory_space<vmem>>, vector<16xf32>,
      %slice3A_256 = vector.extract_strided_slice %select_n3A_115 {offsets = [3], sizes = [1], strides = [1]} : vector<16xf32> to vector<1xf32>
      %squeeze3A_257 = vector.extract %slice3A_256[0] : f32 from vector<1xf32>
      %broadcast_in_dim3A_258 = vector.broadcast %squeeze3A_257 : f32 to vector<16xf32>
      %add3A_259 = arith.constant 3 : i32
      %add3A_260 = arith.addi %mul3A_93, %add3A_259 : i32
      %get3A_261 = arith.index_cast %add3A_260 : i32 to index
      %get3A_262 = arith.constant 0 : index
      %get3A_263 = tpu.vector_load %arg10[%get3A_261, %get3A_262] {strides = array<i32>} : memref<512x64xf32, #tpu.memory_space<vmem>>, vector<16xf32>,
      %mul3A_264 = arith.mulf %get3A_263, %broadcast_in_dim3A_258 : vector<16xf32>
      %add3A_265 = arith.constant 3 : i32
      %add3A_266 = arith.addi %mul3A_93, %add3A_265 : i32
      %swap3A_267 = arith.index_cast %add3A_266 : i32 to index
      %swap3A_268 = arith.constant 0 : index
      %swap3A_269 = tpu.vector_load %arg10[%swap3A_267, %swap3A_268] {strides = array<i32>} : memref<512x64xf32, #tpu.memory_space<vmem>>, vector<16xf32>,
      tpu.vector_store %arg10[%swap3A_267, %swap3A_268], %mul3A_264 {strides = array<i32>} : memref<512x64xf32, #tpu.memory_space<vmem>>, vector<16xf32>,
      %add3A_270 = arith.constant 3 : i32
      %add3A_271 = arith.addi %mul3A_93, %add3A_270 : i32
      %get3A_272 = arith.index_cast %add3A_271 : i32 to index
      %get3A_273 = arith.constant 16 : index
      %get3A_274 = tpu.vector_load %arg10[%get3A_272, %get3A_273] {strides = array<i32>} : memref<512x64xf32, #tpu.memory_space<vmem>>, vector<16xf32>,
      %mul3A_275 = arith.mulf %get3A_274, %broadcast_in_dim3A_258 : vector<16xf32>
      %add3A_276 = arith.constant 3 : i32
      %add3A_277 = arith.addi %mul3A_93, %add3A_276 : i32
      %swap3A_278 = arith.index_cast %add3A_277 : i32 to index
      %swap3A_279 = arith.constant 16 : index
      %swap3A_280 = tpu.vector_load %arg10[%swap3A_278, %swap3A_279] {strides = array<i32>} : memref<512x64xf32, #tpu.memory_space<vmem>>, vector<16xf32>,
      tpu.vector_store %arg10[%swap3A_278, %swap3A_279], %mul3A_275 {strides = array<i32>} : memref<512x64xf32, #tpu.memory_space<vmem>>, vector<16xf32>,
      %add3A_281 = arith.constant 3 : i32
      %add3A_282 = arith.addi %mul3A_93, %add3A_281 : i32
      %get3A_283 = arith.index_cast %add3A_282 : i32 to index
      %get3A_284 = arith.constant 32 : index
      %get3A_285 = tpu.vector_load %arg10[%get3A_283, %get3A_284] {strides = array<i32>} : memref<512x64xf32, #tpu.memory_space<vmem>>, vector<16xf32>,
      %mul3A_286 = arith.mulf %get3A_285, %broadcast_in_dim3A_258 : vector<16xf32>
      %add3A_287 = arith.constant 3 : i32
      %add3A_288 = arith.addi %mul3A_93, %add3A_287 : i32
      %swap3A_289 = arith.index_cast %add3A_288 : i32 to index
      %swap3A_290 = arith.constant 32 : index
      %swap3A_291 = tpu.vector_load %arg10[%swap3A_289, %swap3A_290] {strides = array<i32>} : memref<512x64xf32, #tpu.memory_space<vmem>>, vector<16xf32>,
      tpu.vector_store %arg10[%swap3A_289, %swap3A_290], %mul3A_286 {strides = array<i32>} : memref<512x64xf32, #tpu.memory_space<vmem>>, vector<16xf32>,
      %add3A_292 = arith.constant 3 : i32
      %add3A_293 = arith.addi %mul3A_93, %add3A_292 : i32
      %get3A_294 = arith.index_cast %add3A_293 : i32 to index
      %get3A_295 = arith.constant 48 : index
      %get3A_296 = tpu.vector_load %arg10[%get3A_294, %get3A_295] {strides = array<i32>} : memref<512x64xf32, #tpu.memory_space<vmem>>, vector<16xf32>,
      %mul3A_297 = arith.mulf %get3A_296, %broadcast_in_dim3A_258 : vector<16xf32>
      %add3A_298 = arith.constant 3 : i32
      %add3A_299 = arith.addi %mul3A_93, %add3A_298 : i32
      %swap3A_300 = arith.index_cast %add3A_299 : i32 to index
      %swap3A_301 = arith.constant 48 : index
      %swap3A_302 = tpu.vector_load %arg10[%swap3A_300, %swap3A_301] {strides = array<i32>} : memref<512x64xf32, #tpu.memory_space<vmem>>, vector<16xf32>,
      tpu.vector_store %arg10[%swap3A_300, %swap3A_301], %mul3A_297 {strides = array<i32>} : memref<512x64xf32, #tpu.memory_space<vmem>>, vector<16xf32>,
      %slice3A_303 = vector.extract_strided_slice %select_n3A_115 {offsets = [4], sizes = [1], strides = [1]} : vector<16xf32> to vector<1xf32>
      %squeeze3A_304 = vector.extract %slice3A_303[0] : f32 from vector<1xf32>
      %broadcast_in_dim3A_305 = vector.broadcast %squeeze3A_304 : f32 to vector<16xf32>
      %add3A_306 = arith.constant 4 : i32
      %add3A_307 = arith.addi %mul3A_93, %add3A_306 : i32
      %get3A_308 = arith.index_cast %add3A_307 : i32 to index
      %get3A_309 = arith.constant 0 : index
      %get3A_310 = tpu.vector_load %arg10[%get3A_308, %get3A_309] {strides = array<i32>} : memref<512x64xf32, #tpu.memory_space<vmem>>, vector<16xf32>,
      %mul3A_311 = arith.mulf %get3A_310, %broadcast_in_dim3A_305 : vector<16xf32>
      %add3A_312 = arith.constant 4 : i32
      %add3A_313 = arith.addi %mul3A_93, %add3A_312 : i32
      %swap3A_314 = arith.index_cast %add3A_313 : i32 to index
      %swap3A_315 = arith.constant 0 : index
      %swap3A_316 = tpu.vector_load %arg10[%swap3A_314, %swap3A_315] {strides = array<i32>} : memref<512x64xf32, #tpu.memory_space<vmem>>, vector<16xf32>,
      tpu.vector_store %arg10[%swap3A_314, %swap3A_315], %mul3A_311 {strides = array<i32>} : memref<512x64xf32, #tpu.memory_space<vmem>>, vector<16xf32>,
      %add3A_317 = arith.constant 4 : i32
      %add3A_318 = arith.addi %mul3A_93, %add3A_317 : i32
      %get3A_319 = arith.index_cast %add3A_318 : i32 to index
      %get3A_320 = arith.constant 16 : index
      %get3A_321 = tpu.vector_load %arg10[%get3A_319, %get3A_320] {strides = array<i32>} : memref<512x64xf32, #tpu.memory_space<vmem>>, vector<16xf32>,
      %mul3A_322 = arith.mulf %get3A_321, %broadcast_in_dim3A_305 : vector<16xf32>
      %add3A_323 = arith.constant 4 : i32
      %add3A_324 = arith.addi %mul3A_93, %add3A_323 : i32
      %swap3A_325 = arith.index_cast %add3A_324 : i32 to index
      %swap3A_326 = arith.constant 16 : index
      %swap3A_327 = tpu.vector_load %arg10[%swap3A_325, %swap3A_326] {strides = array<i32>} : memref<512x64xf32, #tpu.memory_space<vmem>>, vector<16xf32>,
      tpu.vector_store %arg10[%swap3A_325, %swap3A_326], %mul3A_322 {strides = array<i32>} : memref<512x64xf32, #tpu.memory_space<vmem>>, vector<16xf32>,
      %add3A_328 = arith.constant 4 : i32
      %add3A_329 = arith.addi %mul3A_93, %add3A_328 : i32
      %get3A_330 = arith.index_cast %add3A_329 : i32 to index
      %get3A_331 = arith.constant 32 : index
      %get3A_332 = tpu.vector_load %arg10[%get3A_330, %get3A_331] {strides = array<i32>} : memref<512x64xf32, #tpu.memory_space<vmem>>, vector<16xf32>,
      %mul3A_333 = arith.mulf %get3A_332, %broadcast_in_dim3A_305 : vector<16xf32>
      %add3A_334 = arith.constant 4 : i32
      %add3A_335 = arith.addi %mul3A_93, %add3A_334 : i32
      %swap3A_336 = arith.index_cast %add3A_335 : i32 to index
      %swap3A_337 = arith.constant 32 : index
      %swap3A_338 = tpu.vector_load %arg10[%swap3A_336, %swap3A_337] {strides = array<i32>} : memref<512x64xf32, #tpu.memory_space<vmem>>, vector<16xf32>,
      tpu.vector_store %arg10[%swap3A_336, %swap3A_337], %mul3A_333 {strides = array<i32>} : memref<512x64xf32, #tpu.memory_space<vmem>>, vector<16xf32>,
      %add3A_339 = arith.constant 4 : i32
      %add3A_340 = arith.addi %mul3A_93, %add3A_339 : i32
      %get3A_341 = arith.index_cast %add3A_340 : i32 to index
      %get3A_342 = arith.constant 48 : index
      %get3A_343 = tpu.vector_load %arg10[%get3A_341, %get3A_342] {strides = array<i32>} : memref<512x64xf32, #tpu.memory_space<vmem>>, vector<16xf32>,
      %mul3A_344 = arith.mulf %get3A_343, %broadcast_in_dim3A_305 : vector<16xf32>
      %add3A_345 = arith.constant 4 : i32
      %add3A_346 = arith.addi %mul3A_93, %add3A_345 : i32
      %swap3A_347 = arith.index_cast %add3A_346 : i32 to index
      %swap3A_348 = arith.constant 48 : index
      %swap3A_349 = tpu.vector_load %arg10[%swap3A_347, %swap3A_348] {strides = array<i32>} : memref<512x64xf32, #tpu.memory_space<vmem>>, vector<16xf32>,
      tpu.vector_store %arg10[%swap3A_347, %swap3A_348], %mul3A_344 {strides = array<i32>} : memref<512x64xf32, #tpu.memory_space<vmem>>, vector<16xf32>,
      %slice3A_350 = vector.extract_strided_slice %select_n3A_115 {offsets = [5], sizes = [1], strides = [1]} : vector<16xf32> to vector<1xf32>
      %squeeze3A_351 = vector.extract %slice3A_350[0] : f32 from vector<1xf32>
      %broadcast_in_dim3A_352 = vector.broadcast %squeeze3A_351 : f32 to vector<16xf32>
      %add3A_353 = arith.constant 5 : i32
      %add3A_354 = arith.addi %mul3A_93, %add3A_353 : i32
      %get3A_355 = arith.index_cast %add3A_354 : i32 to index
      %get3A_356 = arith.constant 0 : index
      %get3A_357 = tpu.vector_load %arg10[%get3A_355, %get3A_356] {strides = array<i32>} : memref<512x64xf32, #tpu.memory_space<vmem>>, vector<16xf32>,
      %mul3A_358 = arith.mulf %get3A_357, %broadcast_in_dim3A_352 : vector<16xf32>
      %add3A_359 = arith.constant 5 : i32
      %add3A_360 = arith.addi %mul3A_93, %add3A_359 : i32
      %swap3A_361 = arith.index_cast %add3A_360 : i32 to index
      %swap3A_362 = arith.constant 0 : index
      %swap3A_363 = tpu.vector_load %arg10[%swap3A_361, %swap3A_362] {strides = array<i32>} : memref<512x64xf32, #tpu.memory_space<vmem>>, vector<16xf32>,
      tpu.vector_store %arg10[%swap3A_361, %swap3A_362], %mul3A_358 {strides = array<i32>} : memref<512x64xf32, #tpu.memory_space<vmem>>, vector<16xf32>,
      %add3A_364 = arith.constant 5 : i32
      %add3A_365 = arith.addi %mul3A_93, %add3A_364 : i32
      %get3A_366 = arith.index_cast %add3A_365 : i32 to index
      %get3A_367 = arith.constant 16 : index
      %get3A_368 = tpu.vector_load %arg10[%get3A_366, %get3A_367] {strides = array<i32>} : memref<512x64xf32, #tpu.memory_space<vmem>>, vector<16xf32>,
      %mul3A_369 = arith.mulf %get3A_368, %broadcast_in_dim3A_352 : vector<16xf32>
      %add3A_370 = arith.constant 5 : i32
      %add3A_371 = arith.addi %mul3A_93, %add3A_370 : i32
      %swap3A_372 = arith.index_cast %add3A_371 : i32 to index
      %swap3A_373 = arith.constant 16 : index
      %swap3A_374 = tpu.vector_load %arg10[%swap3A_372, %swap3A_373] {strides = array<i32>} : memref<512x64xf32, #tpu.memory_space<vmem>>, vector<16xf32>,
      tpu.vector_store %arg10[%swap3A_372, %swap3A_373], %mul3A_369 {strides = array<i32>} : memref<512x64xf32, #tpu.memory_space<vmem>>, vector<16xf32>,
      %add3A_375 = arith.constant 5 : i32
      %add3A_376 = arith.addi %mul3A_93, %add3A_375 : i32
      %get3A_377 = arith.index_cast %add3A_376 : i32 to index
      %get3A_378 = arith.constant 32 : index
      %get3A_379 = tpu.vector_load %arg10[%get3A_377, %get3A_378] {strides = array<i32>} : memref<512x64xf32, #tpu.memory_space<vmem>>, vector<16xf32>,
      %mul3A_380 = arith.mulf %get3A_379, %broadcast_in_dim3A_352 : vector<16xf32>
      %add3A_381 = arith.constant 5 : i32
      %add3A_382 = arith.addi %mul3A_93, %add3A_381 : i32
      %swap3A_383 = arith.index_cast %add3A_382 : i32 to index
      %swap3A_384 = arith.constant 32 : index
      %swap3A_385 = tpu.vector_load %arg10[%swap3A_383, %swap3A_384] {strides = array<i32>} : memref<512x64xf32, #tpu.memory_space<vmem>>, vector<16xf32>,
      tpu.vector_store %arg10[%swap3A_383, %swap3A_384], %mul3A_380 {strides = array<i32>} : memref<512x64xf32, #tpu.memory_space<vmem>>, vector<16xf32>,
      %add3A_386 = arith.constant 5 : i32
      %add3A_387 = arith.addi %mul3A_93, %add3A_386 : i32
      %get3A_388 = arith.index_cast %add3A_387 : i32 to index
      %get3A_389 = arith.constant 48 : index
      %get3A_390 = tpu.vector_load %arg10[%get3A_388, %get3A_389] {strides = array<i32>} : memref<512x64xf32, #tpu.memory_space<vmem>>, vector<16xf32>,
      %mul3A_391 = arith.mulf %get3A_390, %broadcast_in_dim3A_352 : vector<16xf32>
      %add3A_392 = arith.constant 5 : i32
      %add3A_393 = arith.addi %mul3A_93, %add3A_392 : i32
      %swap3A_394 = arith.index_cast %add3A_393 : i32 to index
      %swap3A_395 = arith.constant 48 : index
      %swap3A_396 = tpu.vector_load %arg10[%swap3A_394, %swap3A_395] {strides = array<i32>} : memref<512x64xf32, #tpu.memory_space<vmem>>, vector<16xf32>,
      tpu.vector_store %arg10[%swap3A_394, %swap3A_395], %mul3A_391 {strides = array<i32>} : memref<512x64xf32, #tpu.memory_space<vmem>>, vector<16xf32>,
      %slice3A_397 = vector.extract_strided_slice %select_n3A_115 {offsets = [6], sizes = [1], strides = [1]} : vector<16xf32> to vector<1xf32>
      %squeeze3A_398 = vector.extract %slice3A_397[0] : f32 from vector<1xf32>
      %broadcast_in_dim3A_399 = vector.broadcast %squeeze3A_398 : f32 to vector<16xf32>
      %add3A_400 = arith.constant 6 : i32
      %add3A_401 = arith.addi %mul3A_93, %add3A_400 : i32
      %get3A_402 = arith.index_cast %add3A_401 : i32 to index
      %get3A_403 = arith.constant 0 : index
      %get3A_404 = tpu.vector_load %arg10[%get3A_402, %get3A_403] {strides = array<i32>} : memref<512x64xf32, #tpu.memory_space<vmem>>, vector<16xf32>,
      %mul3A_405 = arith.mulf %get3A_404, %broadcast_in_dim3A_399 : vector<16xf32>
      %add3A_406 = arith.constant 6 : i32
      %add3A_407 = arith.addi %mul3A_93, %add3A_406 : i32
      %swap3A_408 = arith.index_cast %add3A_407 : i32 to index
      %swap3A_409 = arith.constant 0 : index
      %swap3A_410 = tpu.vector_load %arg10[%swap3A_408, %swap3A_409] {strides = array<i32>} : memref<512x64xf32, #tpu.memory_space<vmem>>, vector<16xf32>,
      tpu.vector_store %arg10[%swap3A_408, %swap3A_409], %mul3A_405 {strides = array<i32>} : memref<512x64xf32, #tpu.memory_space<vmem>>, vector<16xf32>,
      %add3A_411 = arith.constant 6 : i32
      %add3A_412 = arith.addi %mul3A_93, %add3A_411 : i32
      %get3A_413 = arith.index_cast %add3A_412 : i32 to index
      %get3A_414 = arith.constant 16 : index
      %get3A_415 = tpu.vector_load %arg10[%get3A_413, %get3A_414] {strides = array<i32>} : memref<512x64xf32, #tpu.memory_space<vmem>>, vector<16xf32>,
      %mul3A_416 = arith.mulf %get3A_415, %broadcast_in_dim3A_399 : vector<16xf32>
      %add3A_417 = arith.constant 6 : i32
      %add3A_418 = arith.addi %mul3A_93, %add3A_417 : i32
      %swap3A_419 = arith.index_cast %add3A_418 : i32 to index
      %swap3A_420 = arith.constant 16 : index
      %swap3A_421 = tpu.vector_load %arg10[%swap3A_419, %swap3A_420] {strides = array<i32>} : memref<512x64xf32, #tpu.memory_space<vmem>>, vector<16xf32>,
      tpu.vector_store %arg10[%swap3A_419, %swap3A_420], %mul3A_416 {strides = array<i32>} : memref<512x64xf32, #tpu.memory_space<vmem>>, vector<16xf32>,
      %add3A_422 = arith.constant 6 : i32
      %add3A_423 = arith.addi %mul3A_93, %add3A_422 : i32
      %get3A_424 = arith.index_cast %add3A_423 : i32 to index
      %get3A_425 = arith.constant 32 : index
      %get3A_426 = tpu.vector_load %arg10[%get3A_424, %get3A_425] {strides = array<i32>} : memref<512x64xf32, #tpu.memory_space<vmem>>, vector<16xf32>,
      %mul3A_427 = arith.mulf %get3A_426, %broadcast_in_dim3A_399 : vector<16xf32>
      %add3A_428 = arith.constant 6 : i32
      %add3A_429 = arith.addi %mul3A_93, %add3A_428 : i32
      %swap3A_430 = arith.index_cast %add3A_429 : i32 to index
      %swap3A_431 = arith.constant 32 : index
      %swap3A_432 = tpu.vector_load %arg10[%swap3A_430, %swap3A_431] {strides = array<i32>} : memref<512x64xf32, #tpu.memory_space<vmem>>, vector<16xf32>,
      tpu.vector_store %arg10[%swap3A_430, %swap3A_431], %mul3A_427 {strides = array<i32>} : memref<512x64xf32, #tpu.memory_space<vmem>>, vector<16xf32>,
      %add3A_433 = arith.constant 6 : i32
      %add3A_434 = arith.addi %mul3A_93, %add3A_433 : i32
      %get3A_435 = arith.index_cast %add3A_434 : i32 to index
      %get3A_436 = arith.constant 48 : index
      %get3A_437 = tpu.vector_load %arg10[%get3A_435, %get3A_436] {strides = array<i32>} : memref<512x64xf32, #tpu.memory_space<vmem>>, vector<16xf32>,
      %mul3A_438 = arith.mulf %get3A_437, %broadcast_in_dim3A_399 : vector<16xf32>
      %add3A_439 = arith.constant 6 : i32
      %add3A_440 = arith.addi %mul3A_93, %add3A_439 : i32
      %swap3A_441 = arith.index_cast %add3A_440 : i32 to index
      %swap3A_442 = arith.constant 48 : index
      %swap3A_443 = tpu.vector_load %arg10[%swap3A_441, %swap3A_442] {strides = array<i32>} : memref<512x64xf32, #tpu.memory_space<vmem>>, vector<16xf32>,
      tpu.vector_store %arg10[%swap3A_441, %swap3A_442], %mul3A_438 {strides = array<i32>} : memref<512x64xf32, #tpu.memory_space<vmem>>, vector<16xf32>,
      %slice3A_444 = vector.extract_strided_slice %select_n3A_115 {offsets = [7], sizes = [1], strides = [1]} : vector<16xf32> to vector<1xf32>
      %squeeze3A_445 = vector.extract %slice3A_444[0] : f32 from vector<1xf32>
      %broadcast_in_dim3A_446 = vector.broadcast %squeeze3A_445 : f32 to vector<16xf32>
      %add3A_447 = arith.constant 7 : i32
      %add3A_448 = arith.addi %mul3A_93, %add3A_447 : i32
      %get3A_449 = arith.index_cast %add3A_448 : i32 to index
      %get3A_450 = arith.constant 0 : index
      %get3A_451 = tpu.vector_load %arg10[%get3A_449, %get3A_450] {strides = array<i32>} : memref<512x64xf32, #tpu.memory_space<vmem>>, vector<16xf32>,
      %mul3A_452 = arith.mulf %get3A_451, %broadcast_in_dim3A_446 : vector<16xf32>
      %add3A_453 = arith.constant 7 : i32
      %add3A_454 = arith.addi %mul3A_93, %add3A_453 : i32
      %swap3A_455 = arith.index_cast %add3A_454 : i32 to index
      %swap3A_456 = arith.constant 0 : index
      %swap3A_457 = tpu.vector_load %arg10[%swap3A_455, %swap3A_456] {strides = array<i32>} : memref<512x64xf32, #tpu.memory_space<vmem>>, vector<16xf32>,
      tpu.vector_store %arg10[%swap3A_455, %swap3A_456], %mul3A_452 {strides = array<i32>} : memref<512x64xf32, #tpu.memory_space<vmem>>, vector<16xf32>,
      %add3A_458 = arith.constant 7 : i32
      %add3A_459 = arith.addi %mul3A_93, %add3A_458 : i32
      %get3A_460 = arith.index_cast %add3A_459 : i32 to index
      %get3A_461 = arith.constant 16 : index
      %get3A_462 = tpu.vector_load %arg10[%get3A_460, %get3A_461] {strides = array<i32>} : memref<512x64xf32, #tpu.memory_space<vmem>>, vector<16xf32>,
      %mul3A_463 = arith.mulf %get3A_462, %broadcast_in_dim3A_446 : vector<16xf32>
      %add3A_464 = arith.constant 7 : i32
      %add3A_465 = arith.addi %mul3A_93, %add3A_464 : i32
      %swap3A_466 = arith.index_cast %add3A_465 : i32 to index
      %swap3A_467 = arith.constant 16 : index
      %swap3A_468 = tpu.vector_load %arg10[%swap3A_466, %swap3A_467] {strides = array<i32>} : memref<512x64xf32, #tpu.memory_space<vmem>>, vector<16xf32>,
      tpu.vector_store %arg10[%swap3A_466, %swap3A_467], %mul3A_463 {strides = array<i32>} : memref<512x64xf32, #tpu.memory_space<vmem>>, vector<16xf32>,
      %add3A_469 = arith.constant 7 : i32
      %add3A_470 = arith.addi %mul3A_93, %add3A_469 : i32
      %get3A_471 = arith.index_cast %add3A_470 : i32 to index
      %get3A_472 = arith.constant 32 : index
      %get3A_473 = tpu.vector_load %arg10[%get3A_471, %get3A_472] {strides = array<i32>} : memref<512x64xf32, #tpu.memory_space<vmem>>, vector<16xf32>,
      %mul3A_474 = arith.mulf %get3A_473, %broadcast_in_dim3A_446 : vector<16xf32>
      %add3A_475 = arith.constant 7 : i32
      %add3A_476 = arith.addi %mul3A_93, %add3A_475 : i32
      %swap3A_477 = arith.index_cast %add3A_476 : i32 to index
      %swap3A_478 = arith.constant 32 : index
      %swap3A_479 = tpu.vector_load %arg10[%swap3A_477, %swap3A_478] {strides = array<i32>} : memref<512x64xf32, #tpu.memory_space<vmem>>, vector<16xf32>,
      tpu.vector_store %arg10[%swap3A_477, %swap3A_478], %mul3A_474 {strides = array<i32>} : memref<512x64xf32, #tpu.memory_space<vmem>>, vector<16xf32>,
      %add3A_480 = arith.constant 7 : i32
      %add3A_481 = arith.addi %mul3A_93, %add3A_480 : i32
      %get3A_482 = arith.index_cast %add3A_481 : i32 to index
      %get3A_483 = arith.constant 48 : index
      %get3A_484 = tpu.vector_load %arg10[%get3A_482, %get3A_483] {strides = array<i32>} : memref<512x64xf32, #tpu.memory_space<vmem>>, vector<16xf32>,
      %mul3A_485 = arith.mulf %get3A_484, %broadcast_in_dim3A_446 : vector<16xf32>
      %add3A_486 = arith.constant 7 : i32
      %add3A_487 = arith.addi %mul3A_93, %add3A_486 : i32
      %swap3A_488 = arith.index_cast %add3A_487 : i32 to index
      %swap3A_489 = arith.constant 48 : index
      %swap3A_490 = tpu.vector_load %arg10[%swap3A_488, %swap3A_489] {strides = array<i32>} : memref<512x64xf32, #tpu.memory_space<vmem>>, vector<16xf32>,
      tpu.vector_store %arg10[%swap3A_488, %swap3A_489], %mul3A_485 {strides = array<i32>} : memref<512x64xf32, #tpu.memory_space<vmem>>, vector<16xf32>,
      %slice3A_491 = vector.extract_strided_slice %select_n3A_115 {offsets = [8], sizes = [1], strides = [1]} : vector<16xf32> to vector<1xf32>
      %squeeze3A_492 = vector.extract %slice3A_491[0] : f32 from vector<1xf32>
      %broadcast_in_dim3A_493 = vector.broadcast %squeeze3A_492 : f32 to vector<16xf32>
      %add3A_494 = arith.constant 8 : i32
      %add3A_495 = arith.addi %mul3A_93, %add3A_494 : i32
      %get3A_496 = arith.index_cast %add3A_495 : i32 to index
      %get3A_497 = arith.constant 0 : index
      %get3A_498 = tpu.vector_load %arg10[%get3A_496, %get3A_497] {strides = array<i32>} : memref<512x64xf32, #tpu.memory_space<vmem>>, vector<16xf32>,
      %mul3A_499 = arith.mulf %get3A_498, %broadcast_in_dim3A_493 : vector<16xf32>
      %add3A_500 = arith.constant 8 : i32
      %add3A_501 = arith.addi %mul3A_93, %add3A_500 : i32
      %swap3A_502 = arith.index_cast %add3A_501 : i32 to index
      %swap3A_503 = arith.constant 0 : index
      %swap3A_504 = tpu.vector_load %arg10[%swap3A_502, %swap3A_503] {strides = array<i32>} : memref<512x64xf32, #tpu.memory_space<vmem>>, vector<16xf32>,
      tpu.vector_store %arg10[%swap3A_502, %swap3A_503], %mul3A_499 {strides = array<i32>} : memref<512x64xf32, #tpu.memory_space<vmem>>, vector<16xf32>,
      %add3A_505 = arith.constant 8 : i32
      %add3A_506 = arith.addi %mul3A_93, %add3A_505 : i32
      %get3A_507 = arith.index_cast %add3A_506 : i32 to index
      %get3A_508 = arith.constant 16 : index
      %get3A_509 = tpu.vector_load %arg10[%get3A_507, %get3A_508] {strides = array<i32>} : memref<512x64xf32, #tpu.memory_space<vmem>>, vector<16xf32>,
      %mul3A_510 = arith.mulf %get3A_509, %broadcast_in_dim3A_493 : vector<16xf32>
      %add3A_511 = arith.constant 8 : i32
      %add3A_512 = arith.addi %mul3A_93, %add3A_511 : i32
      %swap3A_513 = arith.index_cast %add3A_512 : i32 to index
      %swap3A_514 = arith.constant 16 : index
      %swap3A_515 = tpu.vector_load %arg10[%swap3A_513, %swap3A_514] {strides = array<i32>} : memref<512x64xf32, #tpu.memory_space<vmem>>, vector<16xf32>,
      tpu.vector_store %arg10[%swap3A_513, %swap3A_514], %mul3A_510 {strides = array<i32>} : memref<512x64xf32, #tpu.memory_space<vmem>>, vector<16xf32>,
      %add3A_516 = arith.constant 8 : i32
      %add3A_517 = arith.addi %mul3A_93, %add3A_516 : i32
      %get3A_518 = arith.index_cast %add3A_517 : i32 to index
      %get3A_519 = arith.constant 32 : index
      %get3A_520 = tpu.vector_load %arg10[%get3A_518, %get3A_519] {strides = array<i32>} : memref<512x64xf32, #tpu.memory_space<vmem>>, vector<16xf32>,
      %mul3A_521 = arith.mulf %get3A_520, %broadcast_in_dim3A_493 : vector<16xf32>
      %add3A_522 = arith.constant 8 : i32
      %add3A_523 = arith.addi %mul3A_93, %add3A_522 : i32
      %swap3A_524 = arith.index_cast %add3A_523 : i32 to index
      %swap3A_525 = arith.constant 32 : index
      %swap3A_526 = tpu.vector_load %arg10[%swap3A_524, %swap3A_525] {strides = array<i32>} : memref<512x64xf32, #tpu.memory_space<vmem>>, vector<16xf32>,
      tpu.vector_store %arg10[%swap3A_524, %swap3A_525], %mul3A_521 {strides = array<i32>} : memref<512x64xf32, #tpu.memory_space<vmem>>, vector<16xf32>,
      %add3A_527 = arith.constant 8 : i32
      %add3A_528 = arith.addi %mul3A_93, %add3A_527 : i32
      %get3A_529 = arith.index_cast %add3A_528 : i32 to index
      %get3A_530 = arith.constant 48 : index
      %get3A_531 = tpu.vector_load %arg10[%get3A_529, %get3A_530] {strides = array<i32>} : memref<512x64xf32, #tpu.memory_space<vmem>>, vector<16xf32>,
      %mul3A_532 = arith.mulf %get3A_531, %broadcast_in_dim3A_493 : vector<16xf32>
      %add3A_533 = arith.constant 8 : i32
      %add3A_534 = arith.addi %mul3A_93, %add3A_533 : i32
      %swap3A_535 = arith.index_cast %add3A_534 : i32 to index
      %swap3A_536 = arith.constant 48 : index
      %swap3A_537 = tpu.vector_load %arg10[%swap3A_535, %swap3A_536] {strides = array<i32>} : memref<512x64xf32, #tpu.memory_space<vmem>>, vector<16xf32>,
      tpu.vector_store %arg10[%swap3A_535, %swap3A_536], %mul3A_532 {strides = array<i32>} : memref<512x64xf32, #tpu.memory_space<vmem>>, vector<16xf32>,
      %slice3A_538 = vector.extract_strided_slice %select_n3A_115 {offsets = [9], sizes = [1], strides = [1]} : vector<16xf32> to vector<1xf32>
      %squeeze3A_539 = vector.extract %slice3A_538[0] : f32 from vector<1xf32>
      %broadcast_in_dim3A_540 = vector.broadcast %squeeze3A_539 : f32 to vector<16xf32>
      %add3A_541 = arith.constant 9 : i32
      %add3A_542 = arith.addi %mul3A_93, %add3A_541 : i32
      %get3A_543 = arith.index_cast %add3A_542 : i32 to index
      %get3A_544 = arith.constant 0 : index
      %get3A_545 = tpu.vector_load %arg10[%get3A_543, %get3A_544] {strides = array<i32>} : memref<512x64xf32, #tpu.memory_space<vmem>>, vector<16xf32>,
      %mul3A_546 = arith.mulf %get3A_545, %broadcast_in_dim3A_540 : vector<16xf32>
      %add3A_547 = arith.constant 9 : i32
      %add3A_548 = arith.addi %mul3A_93, %add3A_547 : i32
      %swap3A_549 = arith.index_cast %add3A_548 : i32 to index
      %swap3A_550 = arith.constant 0 : index
      %swap3A_551 = tpu.vector_load %arg10[%swap3A_549, %swap3A_550] {strides = array<i32>} : memref<512x64xf32, #tpu.memory_space<vmem>>, vector<16xf32>,
      tpu.vector_store %arg10[%swap3A_549, %swap3A_550], %mul3A_546 {strides = array<i32>} : memref<512x64xf32, #tpu.memory_space<vmem>>, vector<16xf32>,
      %add3A_552 = arith.constant 9 : i32
      %add3A_553 = arith.addi %mul3A_93, %add3A_552 : i32
      %get3A_554 = arith.index_cast %add3A_553 : i32 to index
      %get3A_555 = arith.constant 16 : index
      %get3A_556 = tpu.vector_load %arg10[%get3A_554, %get3A_555] {strides = array<i32>} : memref<512x64xf32, #tpu.memory_space<vmem>>, vector<16xf32>,
      %mul3A_557 = arith.mulf %get3A_556, %broadcast_in_dim3A_540 : vector<16xf32>
      %add3A_558 = arith.constant 9 : i32
      %add3A_559 = arith.addi %mul3A_93, %add3A_558 : i32
      %swap3A_560 = arith.index_cast %add3A_559 : i32 to index
      %swap3A_561 = arith.constant 16 : index
      %swap3A_562 = tpu.vector_load %arg10[%swap3A_560, %swap3A_561] {strides = array<i32>} : memref<512x64xf32, #tpu.memory_space<vmem>>, vector<16xf32>,
      tpu.vector_store %arg10[%swap3A_560, %swap3A_561], %mul3A_557 {strides = array<i32>} : memref<512x64xf32, #tpu.memory_space<vmem>>, vector<16xf32>,
      %add3A_563 = arith.constant 9 : i32
      %add3A_564 = arith.addi %mul3A_93, %add3A_563 : i32
      %get3A_565 = arith.index_cast %add3A_564 : i32 to index
      %get3A_566 = arith.constant 32 : index
      %get3A_567 = tpu.vector_load %arg10[%get3A_565, %get3A_566] {strides = array<i32>} : memref<512x64xf32, #tpu.memory_space<vmem>>, vector<16xf32>,
      %mul3A_568 = arith.mulf %get3A_567, %broadcast_in_dim3A_540 : vector<16xf32>
      %add3A_569 = arith.constant 9 : i32
      %add3A_570 = arith.addi %mul3A_93, %add3A_569 : i32
      %swap3A_571 = arith.index_cast %add3A_570 : i32 to index
      %swap3A_572 = arith.constant 32 : index
      %swap3A_573 = tpu.vector_load %arg10[%swap3A_571, %swap3A_572] {strides = array<i32>} : memref<512x64xf32, #tpu.memory_space<vmem>>, vector<16xf32>,
      tpu.vector_store %arg10[%swap3A_571, %swap3A_572], %mul3A_568 {strides = array<i32>} : memref<512x64xf32, #tpu.memory_space<vmem>>, vector<16xf32>,
      %add3A_574 = arith.constant 9 : i32
      %add3A_575 = arith.addi %mul3A_93, %add3A_574 : i32
      %get3A_576 = arith.index_cast %add3A_575 : i32 to index
      %get3A_577 = arith.constant 48 : index
      %get3A_578 = tpu.vector_load %arg10[%get3A_576, %get3A_577] {strides = array<i32>} : memref<512x64xf32, #tpu.memory_space<vmem>>, vector<16xf32>,
      %mul3A_579 = arith.mulf %get3A_578, %broadcast_in_dim3A_540 : vector<16xf32>
      %add3A_580 = arith.constant 9 : i32
      %add3A_581 = arith.addi %mul3A_93, %add3A_580 : i32
      %swap3A_582 = arith.index_cast %add3A_581 : i32 to index
      %swap3A_583 = arith.constant 48 : index
      %swap3A_584 = tpu.vector_load %arg10[%swap3A_582, %swap3A_583] {strides = array<i32>} : memref<512x64xf32, #tpu.memory_space<vmem>>, vector<16xf32>,
      tpu.vector_store %arg10[%swap3A_582, %swap3A_583], %mul3A_579 {strides = array<i32>} : memref<512x64xf32, #tpu.memory_space<vmem>>, vector<16xf32>,
      %slice3A_585 = vector.extract_strided_slice %select_n3A_115 {offsets = [10], sizes = [1], strides = [1]} : vector<16xf32> to vector<1xf32>
      %squeeze3A_586 = vector.extract %slice3A_585[0] : f32 from vector<1xf32>
      %broadcast_in_dim3A_587 = vector.broadcast %squeeze3A_586 : f32 to vector<16xf32>
      %add3A_588 = arith.constant 10 : i32
      %add3A_589 = arith.addi %mul3A_93, %add3A_588 : i32
      %get3A_590 = arith.index_cast %add3A_589 : i32 to index
      %get3A_591 = arith.constant 0 : index
      %get3A_592 = tpu.vector_load %arg10[%get3A_590, %get3A_591] {strides = array<i32>} : memref<512x64xf32, #tpu.memory_space<vmem>>, vector<16xf32>,
      %mul3A_593 = arith.mulf %get3A_592, %broadcast_in_dim3A_587 : vector<16xf32>
      %add3A_594 = arith.constant 10 : i32
      %add3A_595 = arith.addi %mul3A_93, %add3A_594 : i32
      %swap3A_596 = arith.index_cast %add3A_595 : i32 to index
      %swap3A_597 = arith.constant 0 : index
      %swap3A_598 = tpu.vector_load %arg10[%swap3A_596, %swap3A_597] {strides = array<i32>} : memref<512x64xf32, #tpu.memory_space<vmem>>, vector<16xf32>,
      tpu.vector_store %arg10[%swap3A_596, %swap3A_597], %mul3A_593 {strides = array<i32>} : memref<512x64xf32, #tpu.memory_space<vmem>>, vector<16xf32>,
      %add3A_599 = arith.constant 10 : i32
      %add3A_600 = arith.addi %mul3A_93, %add3A_599 : i32
      %get3A_601 = arith.index_cast %add3A_600 : i32 to index
      %get3A_602 = arith.constant 16 : index
      %get3A_603 = tpu.vector_load %arg10[%get3A_601, %get3A_602] {strides = array<i32>} : memref<512x64xf32, #tpu.memory_space<vmem>>, vector<16xf32>,
      %mul3A_604 = arith.mulf %get3A_603, %broadcast_in_dim3A_587 : vector<16xf32>
      %add3A_605 = arith.constant 10 : i32
      %add3A_606 = arith.addi %mul3A_93, %add3A_605 : i32
      %swap3A_607 = arith.index_cast %add3A_606 : i32 to index
      %swap3A_608 = arith.constant 16 : index
      %swap3A_609 = tpu.vector_load %arg10[%swap3A_607, %swap3A_608] {strides = array<i32>} : memref<512x64xf32, #tpu.memory_space<vmem>>, vector<16xf32>,
      tpu.vector_store %arg10[%swap3A_607, %swap3A_608], %mul3A_604 {strides = array<i32>} : memref<512x64xf32, #tpu.memory_space<vmem>>, vector<16xf32>,
      %add3A_610 = arith.constant 10 : i32
      %add3A_611 = arith.addi %mul3A_93, %add3A_610 : i32
      %get3A_612 = arith.index_cast %add3A_611 : i32 to index
      %get3A_613 = arith.constant 32 : index
      %get3A_614 = tpu.vector_load %arg10[%get3A_612, %get3A_613] {strides = array<i32>} : memref<512x64xf32, #tpu.memory_space<vmem>>, vector<16xf32>,
      %mul3A_615 = arith.mulf %get3A_614, %broadcast_in_dim3A_587 : vector<16xf32>
      %add3A_616 = arith.constant 10 : i32
      %add3A_617 = arith.addi %mul3A_93, %add3A_616 : i32
      %swap3A_618 = arith.index_cast %add3A_617 : i32 to index
      %swap3A_619 = arith.constant 32 : index
      %swap3A_620 = tpu.vector_load %arg10[%swap3A_618, %swap3A_619] {strides = array<i32>} : memref<512x64xf32, #tpu.memory_space<vmem>>, vector<16xf32>,
      tpu.vector_store %arg10[%swap3A_618, %swap3A_619], %mul3A_615 {strides = array<i32>} : memref<512x64xf32, #tpu.memory_space<vmem>>, vector<16xf32>,
      %add3A_621 = arith.constant 10 : i32
      %add3A_622 = arith.addi %mul3A_93, %add3A_621 : i32
      %get3A_623 = arith.index_cast %add3A_622 : i32 to index
      %get3A_624 = arith.constant 48 : index
      %get3A_625 = tpu.vector_load %arg10[%get3A_623, %get3A_624] {strides = array<i32>} : memref<512x64xf32, #tpu.memory_space<vmem>>, vector<16xf32>,
      %mul3A_626 = arith.mulf %get3A_625, %broadcast_in_dim3A_587 : vector<16xf32>
      %add3A_627 = arith.constant 10 : i32
      %add3A_628 = arith.addi %mul3A_93, %add3A_627 : i32
      %swap3A_629 = arith.index_cast %add3A_628 : i32 to index
      %swap3A_630 = arith.constant 48 : index
      %swap3A_631 = tpu.vector_load %arg10[%swap3A_629, %swap3A_630] {strides = array<i32>} : memref<512x64xf32, #tpu.memory_space<vmem>>, vector<16xf32>,
      tpu.vector_store %arg10[%swap3A_629, %swap3A_630], %mul3A_626 {strides = array<i32>} : memref<512x64xf32, #tpu.memory_space<vmem>>, vector<16xf32>,
      %slice3A_632 = vector.extract_strided_slice %select_n3A_115 {offsets = [11], sizes = [1], strides = [1]} : vector<16xf32> to vector<1xf32>
      %squeeze3A_633 = vector.extract %slice3A_632[0] : f32 from vector<1xf32>
      %broadcast_in_dim3A_634 = vector.broadcast %squeeze3A_633 : f32 to vector<16xf32>
      %add3A_635 = arith.constant 11 : i32
      %add3A_636 = arith.addi %mul3A_93, %add3A_635 : i32
      %get3A_637 = arith.index_cast %add3A_636 : i32 to index
      %get3A_638 = arith.constant 0 : index
      %get3A_639 = tpu.vector_load %arg10[%get3A_637, %get3A_638] {strides = array<i32>} : memref<512x64xf32, #tpu.memory_space<vmem>>, vector<16xf32>,
      %mul3A_640 = arith.mulf %get3A_639, %broadcast_in_dim3A_634 : vector<16xf32>
      %add3A_641 = arith.constant 11 : i32
      %add3A_642 = arith.addi %mul3A_93, %add3A_641 : i32
      %swap3A_643 = arith.index_cast %add3A_642 : i32 to index
      %swap3A_644 = arith.constant 0 : index
      %swap3A_645 = tpu.vector_load %arg10[%swap3A_643, %swap3A_644] {strides = array<i32>} : memref<512x64xf32, #tpu.memory_space<vmem>>, vector<16xf32>,
      tpu.vector_store %arg10[%swap3A_643, %swap3A_644], %mul3A_640 {strides = array<i32>} : memref<512x64xf32, #tpu.memory_space<vmem>>, vector<16xf32>,
      %add3A_646 = arith.constant 11 : i32
      %add3A_647 = arith.addi %mul3A_93, %add3A_646 : i32
      %get3A_648 = arith.index_cast %add3A_647 : i32 to index
      %get3A_649 = arith.constant 16 : index
      %get3A_650 = tpu.vector_load %arg10[%get3A_648, %get3A_649] {strides = array<i32>} : memref<512x64xf32, #tpu.memory_space<vmem>>, vector<16xf32>,
      %mul3A_651 = arith.mulf %get3A_650, %broadcast_in_dim3A_634 : vector<16xf32>
      %add3A_652 = arith.constant 11 : i32
      %add3A_653 = arith.addi %mul3A_93, %add3A_652 : i32
      %swap3A_654 = arith.index_cast %add3A_653 : i32 to index
      %swap3A_655 = arith.constant 16 : index
      %swap3A_656 = tpu.vector_load %arg10[%swap3A_654, %swap3A_655] {strides = array<i32>} : memref<512x64xf32, #tpu.memory_space<vmem>>, vector<16xf32>,
      tpu.vector_store %arg10[%swap3A_654, %swap3A_655], %mul3A_651 {strides = array<i32>} : memref<512x64xf32, #tpu.memory_space<vmem>>, vector<16xf32>,
      %add3A_657 = arith.constant 11 : i32
      %add3A_658 = arith.addi %mul3A_93, %add3A_657 : i32
      %get3A_659 = arith.index_cast %add3A_658 : i32 to index
      %get3A_660 = arith.constant 32 : index
      %get3A_661 = tpu.vector_load %arg10[%get3A_659, %get3A_660] {strides = array<i32>} : memref<512x64xf32, #tpu.memory_space<vmem>>, vector<16xf32>,
      %mul3A_662 = arith.mulf %get3A_661, %broadcast_in_dim3A_634 : vector<16xf32>
      %add3A_663 = arith.constant 11 : i32
      %add3A_664 = arith.addi %mul3A_93, %add3A_663 : i32
      %swap3A_665 = arith.index_cast %add3A_664 : i32 to index
      %swap3A_666 = arith.constant 32 : index
      %swap3A_667 = tpu.vector_load %arg10[%swap3A_665, %swap3A_666] {strides = array<i32>} : memref<512x64xf32, #tpu.memory_space<vmem>>, vector<16xf32>,
      tpu.vector_store %arg10[%swap3A_665, %swap3A_666], %mul3A_662 {strides = array<i32>} : memref<512x64xf32, #tpu.memory_space<vmem>>, vector<16xf32>,
      %add3A_668 = arith.constant 11 : i32
      %add3A_669 = arith.addi %mul3A_93, %add3A_668 : i32
      %get3A_670 = arith.index_cast %add3A_669 : i32 to index
      %get3A_671 = arith.constant 48 : index
      %get3A_672 = tpu.vector_load %arg10[%get3A_670, %get3A_671] {strides = array<i32>} : memref<512x64xf32, #tpu.memory_space<vmem>>, vector<16xf32>,
      %mul3A_673 = arith.mulf %get3A_672, %broadcast_in_dim3A_634 : vector<16xf32>
      %add3A_674 = arith.constant 11 : i32
      %add3A_675 = arith.addi %mul3A_93, %add3A_674 : i32
      %swap3A_676 = arith.index_cast %add3A_675 : i32 to index
      %swap3A_677 = arith.constant 48 : index
      %swap3A_678 = tpu.vector_load %arg10[%swap3A_676, %swap3A_677] {strides = array<i32>} : memref<512x64xf32, #tpu.memory_space<vmem>>, vector<16xf32>,
      tpu.vector_store %arg10[%swap3A_676, %swap3A_677], %mul3A_673 {strides = array<i32>} : memref<512x64xf32, #tpu.memory_space<vmem>>, vector<16xf32>,
      %slice3A_679 = vector.extract_strided_slice %select_n3A_115 {offsets = [12], sizes = [1], strides = [1]} : vector<16xf32> to vector<1xf32>
      %squeeze3A_680 = vector.extract %slice3A_679[0] : f32 from vector<1xf32>
      %broadcast_in_dim3A_681 = vector.broadcast %squeeze3A_680 : f32 to vector<16xf32>
      %add3A_682 = arith.constant 12 : i32
      %add3A_683 = arith.addi %mul3A_93, %add3A_682 : i32
      %get3A_684 = arith.index_cast %add3A_683 : i32 to index
      %get3A_685 = arith.constant 0 : index
      %get3A_686 = tpu.vector_load %arg10[%get3A_684, %get3A_685] {strides = array<i32>} : memref<512x64xf32, #tpu.memory_space<vmem>>, vector<16xf32>,
      %mul3A_687 = arith.mulf %get3A_686, %broadcast_in_dim3A_681 : vector<16xf32>
      %add3A_688 = arith.constant 12 : i32
      %add3A_689 = arith.addi %mul3A_93, %add3A_688 : i32
      %swap3A_690 = arith.index_cast %add3A_689 : i32 to index
      %swap3A_691 = arith.constant 0 : index
      %swap3A_692 = tpu.vector_load %arg10[%swap3A_690, %swap3A_691] {strides = array<i32>} : memref<512x64xf32, #tpu.memory_space<vmem>>, vector<16xf32>,
      tpu.vector_store %arg10[%swap3A_690, %swap3A_691], %mul3A_687 {strides = array<i32>} : memref<512x64xf32, #tpu.memory_space<vmem>>, vector<16xf32>,
      %add3A_693 = arith.constant 12 : i32
      %add3A_694 = arith.addi %mul3A_93, %add3A_693 : i32
      %get3A_695 = arith.index_cast %add3A_694 : i32 to index
      %get3A_696 = arith.constant 16 : index
      %get3A_697 = tpu.vector_load %arg10[%get3A_695, %get3A_696] {strides = array<i32>} : memref<512x64xf32, #tpu.memory_space<vmem>>, vector<16xf32>,
      %mul3A_698 = arith.mulf %get3A_697, %broadcast_in_dim3A_681 : vector<16xf32>
      %add3A_699 = arith.constant 12 : i32
      %add3A_700 = arith.addi %mul3A_93, %add3A_699 : i32
      %swap3A_701 = arith.index_cast %add3A_700 : i32 to index
      %swap3A_702 = arith.constant 16 : index
      %swap3A_703 = tpu.vector_load %arg10[%swap3A_701, %swap3A_702] {strides = array<i32>} : memref<512x64xf32, #tpu.memory_space<vmem>>, vector<16xf32>,
      tpu.vector_store %arg10[%swap3A_701, %swap3A_702], %mul3A_698 {strides = array<i32>} : memref<512x64xf32, #tpu.memory_space<vmem>>, vector<16xf32>,
      %add3A_704 = arith.constant 12 : i32
      %add3A_705 = arith.addi %mul3A_93, %add3A_704 : i32
      %get3A_706 = arith.index_cast %add3A_705 : i32 to index
      %get3A_707 = arith.constant 32 : index
      %get3A_708 = tpu.vector_load %arg10[%get3A_706, %get3A_707] {strides = array<i32>} : memref<512x64xf32, #tpu.memory_space<vmem>>, vector<16xf32>,
      %mul3A_709 = arith.mulf %get3A_708, %broadcast_in_dim3A_681 : vector<16xf32>
      %add3A_710 = arith.constant 12 : i32
      %add3A_711 = arith.addi %mul3A_93, %add3A_710 : i32
      %swap3A_712 = arith.index_cast %add3A_711 : i32 to index
      %swap3A_713 = arith.constant 32 : index
      %swap3A_714 = tpu.vector_load %arg10[%swap3A_712, %swap3A_713] {strides = array<i32>} : memref<512x64xf32, #tpu.memory_space<vmem>>, vector<16xf32>,
      tpu.vector_store %arg10[%swap3A_712, %swap3A_713], %mul3A_709 {strides = array<i32>} : memref<512x64xf32, #tpu.memory_space<vmem>>, vector<16xf32>,
      %add3A_715 = arith.constant 12 : i32
      %add3A_716 = arith.addi %mul3A_93, %add3A_715 : i32
      %get3A_717 = arith.index_cast %add3A_716 : i32 to index
      %get3A_718 = arith.constant 48 : index
      %get3A_719 = tpu.vector_load %arg10[%get3A_717, %get3A_718] {strides = array<i32>} : memref<512x64xf32, #tpu.memory_space<vmem>>, vector<16xf32>,
      %mul3A_720 = arith.mulf %get3A_719, %broadcast_in_dim3A_681 : vector<16xf32>
      %add3A_721 = arith.constant 12 : i32
      %add3A_722 = arith.addi %mul3A_93, %add3A_721 : i32
      %swap3A_723 = arith.index_cast %add3A_722 : i32 to index
      %swap3A_724 = arith.constant 48 : index
      %swap3A_725 = tpu.vector_load %arg10[%swap3A_723, %swap3A_724] {strides = array<i32>} : memref<512x64xf32, #tpu.memory_space<vmem>>, vector<16xf32>,
      tpu.vector_store %arg10[%swap3A_723, %swap3A_724], %mul3A_720 {strides = array<i32>} : memref<512x64xf32, #tpu.memory_space<vmem>>, vector<16xf32>,
      %slice3A_726 = vector.extract_strided_slice %select_n3A_115 {offsets = [13], sizes = [1], strides = [1]} : vector<16xf32> to vector<1xf32>
      %squeeze3A_727 = vector.extract %slice3A_726[0] : f32 from vector<1xf32>
      %broadcast_in_dim3A_728 = vector.broadcast %squeeze3A_727 : f32 to vector<16xf32>
      %add3A_729 = arith.constant 13 : i32
      %add3A_730 = arith.addi %mul3A_93, %add3A_729 : i32
      %get3A_731 = arith.index_cast %add3A_730 : i32 to index
      %get3A_732 = arith.constant 0 : index
      %get3A_733 = tpu.vector_load %arg10[%get3A_731, %get3A_732] {strides = array<i32>} : memref<512x64xf32, #tpu.memory_space<vmem>>, vector<16xf32>,
      %mul3A_734 = arith.mulf %get3A_733, %broadcast_in_dim3A_728 : vector<16xf32>
      %add3A_735 = arith.constant 13 : i32
      %add3A_736 = arith.addi %mul3A_93, %add3A_735 : i32
      %swap3A_737 = arith.index_cast %add3A_736 : i32 to index
      %swap3A_738 = arith.constant 0 : index
      %swap3A_739 = tpu.vector_load %arg10[%swap3A_737, %swap3A_738] {strides = array<i32>} : memref<512x64xf32, #tpu.memory_space<vmem>>, vector<16xf32>,
      tpu.vector_store %arg10[%swap3A_737, %swap3A_738], %mul3A_734 {strides = array<i32>} : memref<512x64xf32, #tpu.memory_space<vmem>>, vector<16xf32>,
      %add3A_740 = arith.constant 13 : i32
      %add3A_741 = arith.addi %mul3A_93, %add3A_740 : i32
      %get3A_742 = arith.index_cast %add3A_741 : i32 to index
      %get3A_743 = arith.constant 16 : index
      %get3A_744 = tpu.vector_load %arg10[%get3A_742, %get3A_743] {strides = array<i32>} : memref<512x64xf32, #tpu.memory_space<vmem>>, vector<16xf32>,
      %mul3A_745 = arith.mulf %get3A_744, %broadcast_in_dim3A_728 : vector<16xf32>
      %add3A_746 = arith.constant 13 : i32
      %add3A_747 = arith.addi %mul3A_93, %add3A_746 : i32
      %swap3A_748 = arith.index_cast %add3A_747 : i32 to index
      %swap3A_749 = arith.constant 16 : index
      %swap3A_750 = tpu.vector_load %arg10[%swap3A_748, %swap3A_749] {strides = array<i32>} : memref<512x64xf32, #tpu.memory_space<vmem>>, vector<16xf32>,
      tpu.vector_store %arg10[%swap3A_748, %swap3A_749], %mul3A_745 {strides = array<i32>} : memref<512x64xf32, #tpu.memory_space<vmem>>, vector<16xf32>,
      %add3A_751 = arith.constant 13 : i32
      %add3A_752 = arith.addi %mul3A_93, %add3A_751 : i32
      %get3A_753 = arith.index_cast %add3A_752 : i32 to index
      %get3A_754 = arith.constant 32 : index
      %get3A_755 = tpu.vector_load %arg10[%get3A_753, %get3A_754] {strides = array<i32>} : memref<512x64xf32, #tpu.memory_space<vmem>>, vector<16xf32>,
      %mul3A_756 = arith.mulf %get3A_755, %broadcast_in_dim3A_728 : vector<16xf32>
      %add3A_757 = arith.constant 13 : i32
      %add3A_758 = arith.addi %mul3A_93, %add3A_757 : i32
      %swap3A_759 = arith.index_cast %add3A_758 : i32 to index
      %swap3A_760 = arith.constant 32 : index
      %swap3A_761 = tpu.vector_load %arg10[%swap3A_759, %swap3A_760] {strides = array<i32>} : memref<512x64xf32, #tpu.memory_space<vmem>>, vector<16xf32>,
      tpu.vector_store %arg10[%swap3A_759, %swap3A_760], %mul3A_756 {strides = array<i32>} : memref<512x64xf32, #tpu.memory_space<vmem>>, vector<16xf32>,
      %add3A_762 = arith.constant 13 : i32
      %add3A_763 = arith.addi %mul3A_93, %add3A_762 : i32
      %get3A_764 = arith.index_cast %add3A_763 : i32 to index
      %get3A_765 = arith.constant 48 : index
      %get3A_766 = tpu.vector_load %arg10[%get3A_764, %get3A_765] {strides = array<i32>} : memref<512x64xf32, #tpu.memory_space<vmem>>, vector<16xf32>,
      %mul3A_767 = arith.mulf %get3A_766, %broadcast_in_dim3A_728 : vector<16xf32>
      %add3A_768 = arith.constant 13 : i32
      %add3A_769 = arith.addi %mul3A_93, %add3A_768 : i32
      %swap3A_770 = arith.index_cast %add3A_769 : i32 to index
      %swap3A_771 = arith.constant 48 : index
      %swap3A_772 = tpu.vector_load %arg10[%swap3A_770, %swap3A_771] {strides = array<i32>} : memref<512x64xf32, #tpu.memory_space<vmem>>, vector<16xf32>,
      tpu.vector_store %arg10[%swap3A_770, %swap3A_771], %mul3A_767 {strides = array<i32>} : memref<512x64xf32, #tpu.memory_space<vmem>>, vector<16xf32>,
      %slice3A_773 = vector.extract_strided_slice %select_n3A_115 {offsets = [14], sizes = [1], strides = [1]} : vector<16xf32> to vector<1xf32>
      %squeeze3A_774 = vector.extract %slice3A_773[0] : f32 from vector<1xf32>
      %broadcast_in_dim3A_775 = vector.broadcast %squeeze3A_774 : f32 to vector<16xf32>
      %add3A_776 = arith.constant 14 : i32
      %add3A_777 = arith.addi %mul3A_93, %add3A_776 : i32
      %get3A_778 = arith.index_cast %add3A_777 : i32 to index
      %get3A_779 = arith.constant 0 : index
      %get3A_780 = tpu.vector_load %arg10[%get3A_778, %get3A_779] {strides = array<i32>} : memref<512x64xf32, #tpu.memory_space<vmem>>, vector<16xf32>,
      %mul3A_781 = arith.mulf %get3A_780, %broadcast_in_dim3A_775 : vector<16xf32>
      %add3A_782 = arith.constant 14 : i32
      %add3A_783 = arith.addi %mul3A_93, %add3A_782 : i32
      %swap3A_784 = arith.index_cast %add3A_783 : i32 to index
      %swap3A_785 = arith.constant 0 : index
      %swap3A_786 = tpu.vector_load %arg10[%swap3A_784, %swap3A_785] {strides = array<i32>} : memref<512x64xf32, #tpu.memory_space<vmem>>, vector<16xf32>,
      tpu.vector_store %arg10[%swap3A_784, %swap3A_785], %mul3A_781 {strides = array<i32>} : memref<512x64xf32, #tpu.memory_space<vmem>>, vector<16xf32>,
      %add3A_787 = arith.constant 14 : i32
      %add3A_788 = arith.addi %mul3A_93, %add3A_787 : i32
      %get3A_789 = arith.index_cast %add3A_788 : i32 to index
      %get3A_790 = arith.constant 16 : index
      %get3A_791 = tpu.vector_load %arg10[%get3A_789, %get3A_790] {strides = array<i32>} : memref<512x64xf32, #tpu.memory_space<vmem>>, vector<16xf32>,
      %mul3A_792 = arith.mulf %get3A_791, %broadcast_in_dim3A_775 : vector<16xf32>
      %add3A_793 = arith.constant 14 : i32
      %add3A_794 = arith.addi %mul3A_93, %add3A_793 : i32
      %swap3A_795 = arith.index_cast %add3A_794 : i32 to index
      %swap3A_796 = arith.constant 16 : index
      %swap3A_797 = tpu.vector_load %arg10[%swap3A_795, %swap3A_796] {strides = array<i32>} : memref<512x64xf32, #tpu.memory_space<vmem>>, vector<16xf32>,
      tpu.vector_store %arg10[%swap3A_795, %swap3A_796], %mul3A_792 {strides = array<i32>} : memref<512x64xf32, #tpu.memory_space<vmem>>, vector<16xf32>,
      %add3A_798 = arith.constant 14 : i32
      %add3A_799 = arith.addi %mul3A_93, %add3A_798 : i32
      %get3A_800 = arith.index_cast %add3A_799 : i32 to index
      %get3A_801 = arith.constant 32 : index
      %get3A_802 = tpu.vector_load %arg10[%get3A_800, %get3A_801] {strides = array<i32>} : memref<512x64xf32, #tpu.memory_space<vmem>>, vector<16xf32>,
      %mul3A_803 = arith.mulf %get3A_802, %broadcast_in_dim3A_775 : vector<16xf32>
      %add3A_804 = arith.constant 14 : i32
      %add3A_805 = arith.addi %mul3A_93, %add3A_804 : i32
      %swap3A_806 = arith.index_cast %add3A_805 : i32 to index
      %swap3A_807 = arith.constant 32 : index
      %swap3A_808 = tpu.vector_load %arg10[%swap3A_806, %swap3A_807] {strides = array<i32>} : memref<512x64xf32, #tpu.memory_space<vmem>>, vector<16xf32>,
      tpu.vector_store %arg10[%swap3A_806, %swap3A_807], %mul3A_803 {strides = array<i32>} : memref<512x64xf32, #tpu.memory_space<vmem>>, vector<16xf32>,
      %add3A_809 = arith.constant 14 : i32
      %add3A_810 = arith.addi %mul3A_93, %add3A_809 : i32
      %get3A_811 = arith.index_cast %add3A_810 : i32 to index
      %get3A_812 = arith.constant 48 : index
      %get3A_813 = tpu.vector_load %arg10[%get3A_811, %get3A_812] {strides = array<i32>} : memref<512x64xf32, #tpu.memory_space<vmem>>, vector<16xf32>,
      %mul3A_814 = arith.mulf %get3A_813, %broadcast_in_dim3A_775 : vector<16xf32>
      %add3A_815 = arith.constant 14 : i32
      %add3A_816 = arith.addi %mul3A_93, %add3A_815 : i32
      %swap3A_817 = arith.index_cast %add3A_816 : i32 to index
      %swap3A_818 = arith.constant 48 : index
      %swap3A_819 = tpu.vector_load %arg10[%swap3A_817, %swap3A_818] {strides = array<i32>} : memref<512x64xf32, #tpu.memory_space<vmem>>, vector<16xf32>,
      tpu.vector_store %arg10[%swap3A_817, %swap3A_818], %mul3A_814 {strides = array<i32>} : memref<512x64xf32, #tpu.memory_space<vmem>>, vector<16xf32>,
      %slice3A_820 = vector.extract_strided_slice %select_n3A_115 {offsets = [15], sizes = [1], strides = [1]} : vector<16xf32> to vector<1xf32>
      %squeeze3A_821 = vector.extract %slice3A_820[0] : f32 from vector<1xf32>
      %broadcast_in_dim3A_822 = vector.broadcast %squeeze3A_821 : f32 to vector<16xf32>
      %add3A_823 = arith.constant 15 : i32
      %add3A_824 = arith.addi %mul3A_93, %add3A_823 : i32
      %get3A_825 = arith.index_cast %add3A_824 : i32 to index
      %get3A_826 = arith.constant 0 : index
      %get3A_827 = tpu.vector_load %arg10[%get3A_825, %get3A_826] {strides = array<i32>} : memref<512x64xf32, #tpu.memory_space<vmem>>, vector<16xf32>,
      %mul3A_828 = arith.mulf %get3A_827, %broadcast_in_dim3A_822 : vector<16xf32>
      %add3A_829 = arith.constant 15 : i32
      %add3A_830 = arith.addi %mul3A_93, %add3A_829 : i32
      %swap3A_831 = arith.index_cast %add3A_830 : i32 to index
      %swap3A_832 = arith.constant 0 : index
      %swap3A_833 = tpu.vector_load %arg10[%swap3A_831, %swap3A_832] {strides = array<i32>} : memref<512x64xf32, #tpu.memory_space<vmem>>, vector<16xf32>,
      tpu.vector_store %arg10[%swap3A_831, %swap3A_832], %mul3A_828 {strides = array<i32>} : memref<512x64xf32, #tpu.memory_space<vmem>>, vector<16xf32>,
      %add3A_834 = arith.constant 15 : i32
      %add3A_835 = arith.addi %mul3A_93, %add3A_834 : i32
      %get3A_836 = arith.index_cast %add3A_835 : i32 to index
      %get3A_837 = arith.constant 16 : index
      %get3A_838 = tpu.vector_load %arg10[%get3A_836, %get3A_837] {strides = array<i32>} : memref<512x64xf32, #tpu.memory_space<vmem>>, vector<16xf32>,
      %mul3A_839 = arith.mulf %get3A_838, %broadcast_in_dim3A_822 : vector<16xf32>
      %add3A_840 = arith.constant 15 : i32
      %add3A_841 = arith.addi %mul3A_93, %add3A_840 : i32
      %swap3A_842 = arith.index_cast %add3A_841 : i32 to index
      %swap3A_843 = arith.constant 16 : index
      %swap3A_844 = tpu.vector_load %arg10[%swap3A_842, %swap3A_843] {strides = array<i32>} : memref<512x64xf32, #tpu.memory_space<vmem>>, vector<16xf32>,
      tpu.vector_store %arg10[%swap3A_842, %swap3A_843], %mul3A_839 {strides = array<i32>} : memref<512x64xf32, #tpu.memory_space<vmem>>, vector<16xf32>,
      %add3A_845 = arith.constant 15 : i32
      %add3A_846 = arith.addi %mul3A_93, %add3A_845 : i32
      %get3A_847 = arith.index_cast %add3A_846 : i32 to index
      %get3A_848 = arith.constant 32 : index
      %get3A_849 = tpu.vector_load %arg10[%get3A_847, %get3A_848] {strides = array<i32>} : memref<512x64xf32, #tpu.memory_space<vmem>>, vector<16xf32>,
      %mul3A_850 = arith.mulf %get3A_849, %broadcast_in_dim3A_822 : vector<16xf32>
      %add3A_851 = arith.constant 15 : i32
      %add3A_852 = arith.addi %mul3A_93, %add3A_851 : i32
      %swap3A_853 = arith.index_cast %add3A_852 : i32 to index
      %swap3A_854 = arith.constant 32 : index
      %swap3A_855 = tpu.vector_load %arg10[%swap3A_853, %swap3A_854] {strides = array<i32>} : memref<512x64xf32, #tpu.memory_space<vmem>>, vector<16xf32>,
      tpu.vector_store %arg10[%swap3A_853, %swap3A_854], %mul3A_850 {strides = array<i32>} : memref<512x64xf32, #tpu.memory_space<vmem>>, vector<16xf32>,
      %add3A_856 = arith.constant 15 : i32
      %add3A_857 = arith.addi %mul3A_93, %add3A_856 : i32
      %get3A_858 = arith.index_cast %add3A_857 : i32 to index
      %get3A_859 = arith.constant 48 : index
      %get3A_860 = tpu.vector_load %arg10[%get3A_858, %get3A_859] {strides = array<i32>} : memref<512x64xf32, #tpu.memory_space<vmem>>, vector<16xf32>,
      %mul3A_861 = arith.mulf %get3A_860, %broadcast_in_dim3A_822 : vector<16xf32>
      %add3A_862 = arith.constant 15 : i32
      %add3A_863 = arith.addi %mul3A_93, %add3A_862 : i32
      %swap3A_864 = arith.index_cast %add3A_863 : i32 to index
      %swap3A_865 = arith.constant 48 : index
      %swap3A_866 = tpu.vector_load %arg10[%swap3A_864, %swap3A_865] {strides = array<i32>} : memref<512x64xf32, #tpu.memory_space<vmem>>, vector<16xf32>,
      tpu.vector_store %arg10[%swap3A_864, %swap3A_865], %mul3A_861 {strides = array<i32>} : memref<512x64xf32, #tpu.memory_space<vmem>>, vector<16xf32>,
    }
    %scan3A_90 = arith.constant 32 : i32
    "tpu.region"() ({
      %run_scoped3A = tpu.sem_alloc : memref<!tpu.dma_semaphore, #tpu.memory_space<semaphore_mem>>
      %dma_start3A = arith.constant 0 : i32
      %dma_start3A_91 = tpu.memref_slice %arg5[%mul3A_2, %dma_start3A] : memref<16384x64xf32, #tpu.memory_space<hbm>> -> memref<512x64xf32, #tpu.memory_space<hbm>>
      %dma_start3A_92 = arith.constant 0 : i32
      %dma_start3A_93 = tpu.memref_slice %arg5[%mul3A_2, %dma_start3A_92] : memref<16384x64xf32, #tpu.memory_space<hbm>> -> memref<512x64xf32, #tpu.memory_space<hbm>>
      tpu.enqueue_dma source(%arg10 : memref<512x64xf32, #tpu.memory_space<vmem>>) target(%dma_start3A_93 : memref<512x64xf32, #tpu.memory_space<hbm>>) target_semaphore(%run_scoped3A : memref<!tpu.dma_semaphore, #tpu.memory_space<semaphore_mem>>)
      %dma_wait3A = arith.constant 0 : i32
      %dma_wait3A_94 = tpu.memref_slice %arg5[%mul3A_2, %dma_wait3A] : memref<16384x64xf32, #tpu.memory_space<hbm>> -> memref<512x64xf32, #tpu.memory_space<hbm>>
      %dma_wait3A_95 = arith.constant 0 : i32
      %dma_wait3A_96 = tpu.memref_slice %arg5[%mul3A_2, %dma_wait3A_95] : memref<16384x64xf32, #tpu.memory_space<hbm>> -> memref<512x64xf32, #tpu.memory_space<hbm>>
      tpu.wait_dma2 semaphore(%run_scoped3A : memref<!tpu.dma_semaphore, #tpu.memory_space<semaphore_mem>>) src(%arg10 : memref<512x64xf32, #tpu.memory_space<vmem>>) dst(%dma_wait3A_96 : memref<512x64xf32, #tpu.memory_space<hbm>>)
      tpu.yield
    }) : () -> ()
    return
  }
}

</mosaic_0001>

<sc_bundles>
// kernel: kernel.3.cloned.1.call-start
scs
__scs_entry_jumppad:
0x0: {  	(pc) =	sbr.rel $0x88, $3  }
0x1: {  	(tag) =	ssettag $0x0;
	lr =	simm.s32 $0x1  }
0x2: {  	[smem:$0x3F9E] =	sst lr;
	_ =	strace $0xD0000000  }
0x3: {  	_ = 	snop  }
0x4: {  	_ = 	snop  }
0x5: {  	_ = 	snop  }
0x6: {  	_ = 	snop  }
0x7: {  	_ = 	snop  }
__scs_overlays_trampoline_lowered:
0x8: {  	[smem:$0x3FAD] =	sst s0  }
0x9: {  	[smem:$0x3FAE] =	sst s1  }
0xa: {  	[smem:$0x3FAF] =	sst s2  }
0xb: {  	[smem:$0x3FB0] =	sst s3  }
0xc: {  	[smem:$0x3FB1] =	sst s4  }
0xd: {  	[smem:$0x3FB2] =	sst s5  }
0xe: {  	[smem:$0x3FB3] =	sst s6  }
0xf: {  	[smem:$0x3FB4] =	sst s7  }
0x10: {  	[smem:$0x3FB5] =	sst s8  }
0x11: {  	[smem:$0x3FB6] =	sst s9;
	s0 =	simm.s32 @!p0 $0x0  }
0x12: {  	s1 =	sld [smem:$0x3F9C];
	s0 =	simm.s32 @p0 $0x1  }
0x13: {  	[smem:$0x3FB7] =	sst s0;
	s0 =	simm.s32 @!p1 $0x0  }
0x14: {  	s2 =	sld [smem:$0x3F9B];
	s0 =	simm.s32 @p1 $0x1  }
0x15: {  	[smem:$0x3FB8] =	sst s0;
	s0 =	simm.s32 @!p2 $0x0  }
0x16: {  	s3 =	sld [smem:$0x3FDB];
	s0 =	simm.s32 @p2 $0x1  }
0x17: {  	s4 =	simm.s32 $0x1BF5;
	[smem:$0x3FBA] =	sst s0  }
0x18: {  	s0 =	sld [smem:$0x3F9D];
	_ =	swait.ge [sflag:s4], $0x0  }
0x19: {  	s7 =	sld [smem:$0x3F9E]  }
0x1a: {  	s8 =	sadd.s32 $0xFFFFE003, lr  }
0x1b: {  	s9 =	sadd.s32 $0xFFFFFEF7, lr;
	s5 =	simm.s32 $0xFFFFFFFF;
	p2 =	slt.u32 s8, $0xFFFFF086  }
0x1c: {  	p1 =	slt.u32 s9, $0xF7A;
	s5 =	simm.s32 @!p2 $0x0  }
0x1d: {  	s5 =	simm.s32 @p1 $0x1;
	p0 =	seq.s32 s7, s2  }
0x1e: {  	s7 =	smul.u32 @!p0 $0xF7A, s2;
	p2 =	seq.s32 @!p0 s5, $0x0  }
0x1f: {  	s9 =	smul.u32 $0xF7A, s1;
	s8 =	simm.s32 @!p0 $0x1BF5;
	p2 =	por !p2, p0  }
0x20: {  	[sflag:s8] =	ssyncset.s32 @!p0 $0xFFFFF086;
	s6 =	sadd.s32 @!p0 s3, s7;
	s7 =	simm.s32 @!p0 $0x108  }
0x21: {  	s3 =	sadd.s32 s3, s9;
	s6 =	sadd.s32 @!p0 $0x88, s6;
	s7 =	simm.s32 @p2 $0x1082  }
0x22: {  	[simem:s7], [sflag:s8] =	dma.local @!p0 [hbm:s6], $0xF7A  }
0x23: {  	s9 =	sor.u32 $0xD0000000, s2;
	s6 =	simm.s32 $0x108;
	_ =	swait.ge @!p0 [sflag:s8], $0x0  }
0x24: {  	s3 =	sadd.s32 $0x88, s3;
	s6 =	simm.s32 @!p1 $0x1082;
	[sflag:s4] =	ssyncset.s32 $0xFFFFF086  }
0x25: {  	[simem:s6], [sflag:s4] =	dma.local [hbm:s3], $0xF7A  }
0x26: {  	[smem:$0x3F9E] =	sst s1;
	(tag) =	ssettag s2;
	_ =	strace s9  }
0x27: {  	s1 =	sld [smem:$0x3FAE]  }
0x28: {  	s2 =	sld [smem:$0x3FAF]  }
0x29: {  	s4 =	sld [smem:$0x3FB1]  }
0x2a: {  	p0 =	seq.s32 s5, $0x0;
	s5 =	sld [smem:$0x3FB2]  }
0x2b: {  	s6 =	sld [smem:$0x3FB3]  }
0x2c: {  	s7 =	sld [smem:$0x3FB4]  }
0x2d: {  	s3 =	simm.s32 $0x108;
	s8 =	sld [smem:$0x3FB5]  }
0x2e: {  	s3 =	simm.s32 @!p0 $0x1082;
	s9 =	sld [smem:$0x3FB6]  }
0x2f: {  	lr =	sadd.s32 s0, s3;
	s0 =	sld [smem:$0x3FAD]  }
0x30: {  	s3 =	sld [smem:$0x3FB0]  }
0x31: {  	[smem:$0x3FB9] =	sst s10  }
0x32: {  	s10 =	sld [smem:$0x3FB7];
	_ =	sdelay $0x3  }
0x33: {  	p0 =	seq.s32 s10, $0x1;
	s10 =	sld [smem:$0x3FB9];
	_ =	sdelay $0x3  }
0x34: {  	[smem:$0x3FB9] =	sst s10  }
0x35: {  	s10 =	sld [smem:$0x3FB8];
	_ =	sdelay $0x3  }
0x36: {  	p1 =	seq.s32 s10, $0x1;
	s10 =	sld [smem:$0x3FB9];
	_ =	sdelay $0x3  }
0x37: {  	[smem:$0x3FB9] =	sst s10  }
0x38: {  	s10 =	sld [smem:$0x3FBA]  }
0x39: {  	_ = 	snop;
	(pc) =	sbr.ind lr, $3  }
0x3a: {  	_ = 	snop  }
0x3b: {  	_ = 	snop  }
0x3c: {  	p2 =	seq.s32 s10, $0x1;
	s10 =	sld [smem:$0x3FB9]  }
0x3d: {  	_ =	shalt  }
0x3e: {  	_ =	shalt  }
0x3f: {  	_ =	shalt  }
0x40: {  	_ =	shalt  }
0x41: {  	_ =	shalt  }
0x42: {  	_ =	shalt  }
0x43: {  	_ =	shalt  }
0x44: {  	_ =	shalt  }
0x45: {  	_ =	shalt  }
0x46: {  	_ =	shalt  }
0x47: {  	_ =	shalt  }
0x48: {  	_ =	shalt  }
0x49: {  	_ =	shalt  }
0x4a: {  	_ =	shalt  }
0x4b: {  	_ =	shalt  }
0x4c: {  	_ =	shalt  }
0x4d: {  	_ =	shalt  }
0x4e: {  	_ =	shalt  }
0x4f: {  	_ =	shalt  }
0x50: {  	_ =	shalt  }
0x51: {  	_ =	shalt  }
0x52: {  	_ =	shalt  }
0x53: {  	_ =	shalt  }
0x54: {  	_ =	shalt  }
0x55: {  	_ =	shalt  }
0x56: {  	_ =	shalt  }
0x57: {  	_ =	shalt  }
0x58: {  	_ =	shalt  }
0x59: {  	_ =	shalt  }
0x5a: {  	_ =	shalt  }
0x5b: {  	_ =	shalt  }
0x5c: {  	_ =	shalt  }
0x5d: {  	_ =	shalt  }
0x5e: {  	_ =	shalt  }
0x5f: {  	_ =	shalt  }
0x60: {  	_ =	shalt  }
0x61: {  	_ =	shalt  }
0x62: {  	_ =	shalt  }
0x63: {  	_ =	shalt  }
0x64: {  	_ =	shalt  }
0x65: {  	_ =	shalt  }
0x66: {  	_ =	shalt  }
0x67: {  	_ =	shalt  }
0x68: {  	_ =	shalt  }
0x69: {  	_ =	shalt  }
0x6a: {  	_ =	shalt  }
0x6b: {  	_ =	shalt  }
0x6c: {  	_ =	shalt  }
0x6d: {  	_ =	shalt  }
0x6e: {  	_ =	shalt  }
0x6f: {  	_ =	shalt  }
0x70: {  	_ =	shalt  }
0x71: {  	_ =	shalt  }
0x72: {  	_ =	shalt  }
0x73: {  	_ =	shalt  }
0x74: {  	_ =	shalt  }
0x75: {  	_ =	shalt  }
0x76: {  	_ =	shalt  }
0x77: {  	_ =	shalt  }
0x78: {  	_ =	shalt  }
0x79: {  	_ =	shalt  }
0x7a: {  	_ =	shalt  }
0x7b: {  	_ =	shalt  }
0x7c: {  	_ =	shalt  }
0x7d: {  	_ =	shalt  }
0x7e: {  	_ =	shalt  }
0x7f: {  	_ =	shalt  }
0x80: {  	_ =	shalt  }
0x81: {  	_ =	shalt  }
0x82: {  	_ =	shalt  }
0x83: {  	_ =	shalt  }
0x84: {  	_ =	shalt  }
0x85: {  	_ =	shalt  }
0x86: {  	_ =	shalt  }
0x87: {  	_ =	shalt  }
.Lfunc_end0:
.L_simem_size_0:
called_computation_lowered:
.L_overlay_start_0:
0x88: {  	s2 =	sld [smem:$0x3FD9]  }
0x89: {  	s3 =	sld [smem:$0x3FFE];
	_ =	sdelay $0x1  }
0x8a: {  	s1 =	srdreg.scid  }
0x8b: {  	s0 =	sand.u32 $0x1, s1  }
0x8c: {  	s17 =	sshll.u32 s0, $0xA;
	s2 =	sadd.s32 s3, s2  }
0x8d: {  	s2 =	sadd.s32 s2, s17  }
0x8e: {  	[smem:$0x3FC5] =	sst s2  }
0x8f: {  	_ = 	snop  }
0x90: {  	s2 =	sld [smem:$0x3FC9]  }
0x91: {  	s18 =	sld [smem:$0x3FC8]  }
0x92: {  	s4 =	sld [smem:$0x3FD0];
	(tm) =	ssettm $0x1  }
0x93: {  	s5 =	sld [smem:$0x3FFB];
	_ =	sdelay $0x3  }
0x94: {  	_ =	strace s5  }
0x95: {  	s5 =	sld [smem:$0x3FFC];
	_ =	sdelay $0x3  }
0x96: {  	_ =	strace s5  }
0x97: {  	s5 =	sld [smem:$0x3FFD];
	_ =	sdelay $0x3  }
0x98: {  	_ =	strace s5  }
0x99: {  	_ =	strace $0x8FFFFFFF  }
0x9a: {  	s19 =	sld [smem:$0x3FDB];
	_ =	sdelay $0x1  }
0x9b: {  	s6 =	simm.s32 $_scs_section_size  }
0x9c: {  	s7 =	simm.s32 $_size__tile_overlayer_lowered;
	s8 =	simm.s32 $_tile_overlayer_lowered  }
0x9d: {  	s22 =	simm.s32 $0x1BFF;
	s21 =	sshll.u32 s8, $0x1;
	s5 =	sadd.s32 s6, s19  }
0x9e: {  	s9 =	simm.s32 $0x0;
	s20 =	sshll.u32 s7, $0x1;
	s7 =	sadd.s32 s21, s5  }
0x9f: {  	[timem:s9], [sflag:s22] =	dma.local [hbm:s7], s20  }
0xa0: {  	_ =	swait.ge [sflag:s22], s20  }
0xa1: {  	s6 =	ssub.s32 $0x0, s20;
	[sflag:s22] =	ssyncset.done $0x0  }
0xa2: {  	[sflag:s22] =	ssyncadd.s32 s6;
	_ =	sdelay $0x1  }
0xa3: {  	s23 =	simm.s32 $0x1B8B  }
0xa4: {  	_ =	swait.ge [sflag:s23], $0x1  }
0xa5: {  	[sflag:s23] =	ssyncset.done $0x0  }
0xa6: {  	s25 =	simm.s32 $0x1B8E;
	s24 =	sld [smem:$0x3FFE];
	[sflag:s23] =	ssyncadd.s32 $0xFFFFFFFF  }
0xa7: {  	s26 =	simm.s32 $execute0_lowered;
	[smem:$0x3FD2] =	sst s25  }
0xa8: {  	s7 =	sshll.u32 s26, $0x1;
	_ =	strace $0x80000046;
	[dreg:$0x1] =	wrdreg $0xFFFFFFFF  }
0xa9: {  	s28 =	simm.s32 $_size_execute0_lowered;
	s5 =	sadd.s32 s5, s7;
	[dreg:$0x0] =	wrdreg $0x0  }
0xaa: {  	s7 =	sshll.u32 s28, $0x1;
	[dreg:$0x2] =	wrdreg s5  }
0xab: {  	[dreg:$0x3] =	wrdreg s7  }
0xac: {  	[dreg:$0x4] =	wrdreg $0xC0  }
0xad: {  	_ =	task [dreg:s9], $0x5FFFF  }
0xae: {  	[dreg:$0x1] =	wrdreg $0xFFFFFFFF  }
0xaf: {  	[dreg:$0x0] =	wrdreg $0x60  }
0xb0: {  	[dreg:$0x2] =	wrdreg s2  }
0xb1: {  	[dreg:$0x3] =	wrdreg s18  }
0xb2: {  	[dreg:$0x4] =	wrdreg s24  }
0xb3: {  	[dreg:$0x5] =	wrdreg s4  }
0xb4: {  	[dreg:$0x6] =	wrdreg $0x88100  }
0xb5: {  	[dreg:$0x7] =	wrdreg $0x9  }
0xb6: {  	_ =	task.clear_ibuf [dreg:s9], $0x8FFFF;
	_ =	strace $0x90000046  }
0xb7: {  	s29 =	simm.s32 $0x9;
	_ =	strace $0x80000048  }
0xb8: {  	_ =	swait.ge [sflag:s29], $0x1  }
0xb9: {  	[sflag:s29] =	ssyncadd.s32 $0xFFFFFFFF  }
0xba: {  	_ =	strace $0x90000048  }
0xbb: {  	_ =	sfence  }
0xbc: {  	s30 =	sld [smem:$0x0];
	_ =	sdelay $0x2  }
0xbd: {  	s31 =	sshll.u32 s1, $0xD;
	s1 =	sshrl.u32 s1, $0x2  }
0xbe: {  	s3 =	sand.u32 $0x4000, s31;
	s1 =	sadd.s32 s1, s30  }
0xbf: {  	s0 =	sor.u32 s3, s0;
	s1 =	sshll.u32 s1, $0x11  }
0xc0: {  	s0 =	sor.u32 s1, s0  }
0xc1: {  	s0 =	sadd.s32 $0x8F2B, s0  }
0xc2: {  	[sflag:s0] =	ssyncadd.remote.s32 $0x1  }
0xc3: {  	_ =	sfence.sel $0xFFFF  }
0xc4: {  	[dreg:$0x0] =	wrdreg $0xFFFFFFFF;
	(pc) =	sbr.abs _section_cstart, $3  }
0xc5: {  	[dreg:$0x1] =	wrdreg $0xFFFFFFFF  }
0xc6: {  	_ =	task.clear_ibuf [dreg:s9], $0x2FFFF;
	_ =	strace $0x9FFFFFFF  }
0xc7: {  	(tm) =	ssettm $0x7FFFFFFF  }
tec
execute0_lowered:
.L_overlay_start_1:
0x0: {  	(tag) =	ssettag $0x1  }
0x1: {  	s0 =	rddreg [dreg:$0x0]  }
0x2: {  	s6 =	rddreg [dreg:$0x1]  }
0x3: {  	s3 =	rddreg [dreg:$0x2]  }
0x4: {  	s9 =	rddreg [dreg:$0x3]  }
0x5: {  	s1 =	rddreg [dreg:$0x4]  }
0x6: {  	s2 =	simm.s32 $0x0;
	s5 =	srdreg.scid;
	s14 =	simm.s32 $0x290  }
0x7: {  	s13 =	simm.s32 $0x810;
	s15 =	simm.s32 $0x310;
	[dreg:$0x6] =	wrdreg s0  }
0x8: {  	s16 =	simm.s32 $0x390;
	s17 =	simm.s32 $0x410;
	s0 =	rddreg [dreg:$0x5]  }
0x9: {  	s19 =	simm.s32 $0x490;
	s31 =	simm.s32 $0x510;
	[smem:$0x7FF] =	sst s2  }
0xa: {  	s20 =	simm.s32 $0x590;
	_ =	strace $0x80000047;
	[dreg:$0x7] =	wrdreg s14  }
0xb: {  	s4 =	sadd.s32 $0xF42800, s3;
	s5 =	sand.u32 $0x1, s5;
	[dreg:$0x8] =	wrdreg s15  }
0xc: {  	s3 =	stileid.u32;
	s7 =	ssub.s32 $0x2, s5;
	[dreg:$0x9] =	wrdreg s16  }
0xd: {  	s8 =	sshll.u32 s5, $0x4;
	s5 =	smul.u32 $0x201, s3;
	[dreg:$0xa] =	wrdreg s17  }
0xe: {  	s26 =	smul.u32 $0x20100, s3;
	s14 =	simm.s32 $0x210;
	[dreg:$0xb] =	wrdreg s19  }
0xf: {  	s15 =	simm.s32 $0x80;
	s16 =	simm.s32 $0x2810;
	[dreg:$0xc] =	wrdreg s31  }
0x10: {  	s17 =	simm.s32 $0x4810;
	s19 =	simm.s32 $0x610;
	[dreg:$0xd] =	wrdreg s20  }
0x11: {  	s20 =	simm.s32 $0x0;
	s10 =	sshrl.u32 s7, $0x1;
	s12 =	sor.u32 s3, s8  }
0x12: {  	s10 =	ssub.s32 s7, s10;
	s18 =	sadd.s32 $0x200, s5;
	s28 =	sshll.u32 s12, $0x6  }
0x13: {  	s29 =	sshrl.u32 s26, $0x2;
	s11 =	sshll.u32 s12, $0xC;
	p0 =	seq.s32 s12, $0x1F  }
0x14: {  	s12 =	simm.s32 $0x1;
	s6 =	sadd.s32 s6, s28;
	s30 =	sshll.u32 s18, $0x6  }
0x15: {  	v1 =	vimm.f32 $0.0e+00;
	v2 =	vimm.s32 $0x0;
	s7 =	sadd.s32 s29, s1;
	s9 =	sadd.s32 s9, s11;
	s10 =	smax.u32 s10, $0x1  }
0x16: {  	v3 =	vimm.s32 $0x1;
	v4 =	vlaneseq.u32;
	s11 =	simm.s32 $0x2;
	v0 =	vmov s18;
	s18 =	simm.s32 $0x6810;
	s8 =	sadd.s32 s30, s1  }
.LBB2_1:
0x17: {  	[tilespmem:s2], [sflag:$0x2] =	stream.linear.gather [hbm4b:s6+s2], $0x201, $0x38;
	[tilespmem:$0x10850] =	vst v63  }
0x18: {  	_ =	swait.ge [sflag:s11], $0x201  }
0x19: {  	[sflag:s11] =	ssyncset.done $0x0  }
0x1a: {  	[sflag:s11] =	ssyncadd.s32 $0xFFFFFDFF  }
0x1b: {  	v5 =	vld [tilespmem:$0x0]  }
0x1c: {  	s21 =	simm.s32 $0x100;
	s22 =	simm.s32 $0x0;
	v6 =	vld [tilespmem:$0x200]  }
.LBB2_2:
0x1d: {  	p1 =	sne.s32 s21, $0x1FF00;
	[tilespmem:s22+$0x840] =	vst v1;
	s23 =	smov.u32 s21;
	s21 =	sadd.s32 $0x100, s21  }
.Ltmp0:
0x1e: {  	[tilespmem:s22+$0x830] =	vst v1;
	(pc) =	sbr.rel @p1 .LBB2_2-.Ltmp0, $3  }
0x1f: {  	[tilespmem:s22+$0x810] =	vst v1  }
0x20: {  	[tilespmem:s22+$0x820] =	vst v1;
	_ =	sdelay $0x1  }
0x21: {  	s22 =	sshra.s32 s23, $0x2  }
0x22: {  	(v2sf) =	vpush v5, $0x0;
	_ =	sdelay $0x5  }
0x23: {  	(v2sf) =	vpush v6, $0x0;
	_ =	sdelay $0x3  }
0x24: {  	[tilespmem:s22+$0x840] =	vst v1  }
0x25: {  	[tilespmem:s22+$0x830] =	vst v1  }
0x26: {  	[tilespmem:s22+$0x810] =	vst v1  }
0x27: {  	[tilespmem:s22+$0x820] =	vst v1  }
0x28: {  	[spmem:s7] =	stream.linear.scatter [tilespmem:s13], [sflag:$0x2], $0x8000, $0x38;
	[tilespmem:$0x10850] =	vst v63  }
0x29: {  	s21 =	spop (v2sf)  }
0x2a: {  	s23 =	sand.u32 $0x7, s21  }
0x2b: {  	s24 =	sshra.s32 s21, $0x1F;
	p1 =	slt.s32 s21, $0x1;
	p2 =	sne.s32 s23, $0x0  }
0x2c: {  	s26 =	sshrl.u32 s24, $0x1D;
	p1 =	por !p1, !p2  }
0x2d: {  	s23 =	simm.s32 $0x1;
	s28 =	sadd.s32 s26, s21;
	p1 =	por !p1, !p1  }
0x2e: {  	s22 =	sshrl.u32 s28, $0x3;
	s23 =	simm.s32 @!p1 $0x0  }
0x2f: {  	s25 =	spop (v2sf);
	s22 =	ssub.s32 s22, s23  }
0x30: {  	s25 =	simm.s32 @p0 $0x28000;
	s22 =	sshll.u32 s22, $0x3  }
0x31: {  	s29 =	ssub.s32 s25, s22  }
0x32: {  	s23 =	sadd.s32 $0x1FF, s29  }
0x33: {  	s30 =	sand.u32 $0x1FF, s23  }
0x34: {  	s31 =	sshra.s32 s23, $0x1F;
	p6 =	slt.s32 s23, $0x1;
	p5 =	sne.s32 s30, $0x0  }
0x35: {  	s24 =	sshrl.u32 s31, $0x17;
	p1 =	por !p6, !p5  }
0x36: {  	s23 =	sadd.s32 s24, s23;
	s24 =	simm.s32 $0x1;
	p1 =	por !p1, !p1  }
0x37: {  	s23 =	sshra.s32 s23, $0x9;
	s24 =	simm.s32 @!p1 $0x0  }
0x38: {  	_ =	swait.ge [sflag:s11], $0x8000;
	s23 =	ssub.s32 s23, s24  }
0x39: {  	[sflag:s11] =	ssyncset.done $0x0;
	p1 =	slt.s32 s23, $0x1  }
.Ltmp1:
0x3a: {  	[sflag:s11] =	ssyncadd.s32 $0xFFFF8000;
	(pc) =	sbr.rel @p1 .LBB2_5-.Ltmp1, $4  }
0x3b: {  	[spmem:s8] =	stream.linear.scatter [tilespmem:s13], [sflag:$0x2], $0x40, $0x38;
	[tilespmem:$0x10850] =	vst v63  }
0x3c: {  	_ =	swait.ge [sflag:s11], $0x40  }
0x3d: {  	[sflag:s11] =	ssyncset.done $0x0  }
0x3e: {  	v5 =	vmov s25;
	s26 =	simm.s32 $0x0;
	[sflag:s11] =	ssyncadd.s32 $0xFFFFFFC0  }
.LBB2_4:
0x3f: {  	p1 =	slt.s32 s22, $0x27E00;
	s24 =	smov.u32 s22  }
0x40: {  	s24 =	simm.s32 @!p1 $0x27E00  }
0x41: {  	s25 =	rddreg [dreg:$0x6];
	s28 =	sshrl.u32 s24, $0x3  }
0x42: {  	s25 =	sadd.s32 s25, s28  }
0x43: {  	[tilespmem:s14], [sflag:$0x2] =	stream.linear.gather [hbm4b:s25+s2], $0x200, $0x38;
	[tilespmem:$0x10850] =	vst v63  }
0x44: {  	_ =	swait.ge [sflag:s11], $0x200  }
0x45: {  	[sflag:s11] =	ssyncset.done $0x0  }
0x46: {  	[sflag:s11] =	ssyncadd.s32 $0xFFFFFE00  }
0x47: {  	[tilespmem:s13], [sflag:$0x1] =	stream.indirect.gather [hbm4b:s4+s15], $0x40, s14, s15, $0xb8;
	[tilespmem:$0x10850] =	vst v63  }
0x48: {  	s30 =	rddreg [dreg:$0x7]  }
0x49: {  	[tilespmem:s16], [sflag:$0x1] =	stream.indirect.gather [hbm4b:s4+s15], $0x40, s30, s15, $0xb8;
	[tilespmem:$0x10850] =	vst v63  }
0x4a: {  	s31 =	rddreg [dreg:$0x8]  }
0x4b: {  	[tilespmem:s17], [sflag:$0x1] =	stream.indirect.gather [hbm4b:s4+s15], $0x40, s31, s15, $0xb8;
	[tilespmem:$0x10850] =	vst v63  }
0x4c: {  	s29 =	rddreg [dreg:$0x9]  }
0x4d: {  	[tilespmem:s18], [sflag:$0x1] =	stream.indirect.gather [hbm4b:s4+s15], $0x40, s29, s15, $0xb8;
	[tilespmem:$0x10850] =	vst v63  }
0x4e: {  	[tilespmem:$0x610] =	vst v2  }
0x4f: {  	[tilespmem:$0x620] =	vst v2  }
0x50: {  	[tilespmem:$0x630] =	vst v2  }
0x51: {  	[tilespmem:$0x640] =	vst v2  }
0x52: {  	[tilespmem:$0x650] =	vst v2  }
0x53: {  	[tilespmem:$0x660] =	vst v2  }
0x54: {  	[tilespmem:$0x670] =	vst v2  }
0x55: {  	[tilespmem:$0x680] =	vst v2  }
0x56: {  	[tilespmem:$0x690] =	vst v2  }
0x57: {  	[tilespmem:$0x6A0] =	vst v2  }
0x58: {  	[tilespmem:$0x6B0] =	vst v2  }
0x59: {  	[tilespmem:$0x6C0] =	vst v2  }
0x5a: {  	[tilespmem:$0x6D0] =	vst v2  }
0x5b: {  	[tilespmem:$0x6E0] =	vst v2  }
0x5c: {  	[tilespmem:$0x6F0] =	vst v2  }
0x5d: {  	[tilespmem:$0x700] =	vst v2  }
0x5e: {  	[tilespmem:$0x710] =	vst v2  }
0x5f: {  	[tilespmem:$0x720] =	vst v2  }
0x60: {  	[tilespmem:$0x730] =	vst v2  }
0x61: {  	[tilespmem:$0x740] =	vst v2;
	v7 =	vld [tilespmem:$0x0]  }
0x62: {  	[tilespmem:$0x750] =	vst v2  }
0x63: {  	[tilespmem:$0x760] =	vst v2  }
0x64: {  	[tilespmem:$0x770] =	vst v2  }
0x65: {  	v6 =	vmov s24;
	[tilespmem:$0x780] =	vst v2  }
0x66: {  	[tilespmem:$0x790] =	vst v2;
	v8 =	vsub.s32 v7, v6  }
0x67: {  	[tilespmem:$0x7A0] =	vst v2;
	vm0 =	vge.s32 v7, s22;
	vm1 =	vlt.s32 v8, $0x200  }
0x68: {  	[tilespmem:$0x7B0] =	vst v2;
	v7 =	vand.u32 $0x7, v7;
	v8 =	vand.u32 $0xFFFFFFF8, v8;
	vm0 =	vmand vm0, vm1  }
0x69: {  	[tilespmem:$0x7C0] =	vst v2;
	v7 =	vor.u32 v7, v8  }
0x6a: {  	[tilespmem:$0x7D0] =	vst v2  }
0x6b: {  	[tilespmem:$0x7E0] =	vst v2  }
0x6c: {  	[tilespmem:$0x7F0] =	vst v2  }
0x6d: {  	[tilespmem:$0x800] =	vst v2  }
0x6e: {  	[tilespmem:v7+s19+$0x0] =	vst.idx.add.s32.msk vm0, v3  }
0x6f: {  	v7 =	vld [tilespmem:$0x10];
	_ =	sdelay $0x4  }
0x70: {  	v16 =	vsub.s32 v7, v6  }
0x71: {  	vm12 =	vge.s32 v7, s22;
	vm13 =	vlt.s32 v16, $0x200  }
0x72: {  	v7 =	vand.u32 $0x7, v7;
	v8 =	vand.u32 $0xFFFFFFF8, v16;
	vm0 =	vmand vm12, vm13  }
0x73: {  	v7 =	vor.u32 v7, v8;
	_ =	sdelay $0x4  }
0x74: {  	[tilespmem:v7+s19+$0x0] =	vst.idx.add.s32.msk vm0, v3  }
0x75: {  	v7 =	vld [tilespmem:$0x20];
	_ =	sdelay $0x4  }
0x76: {  	v17 =	vsub.s32 v7, v6  }
0x77: {  	vm14 =	vge.s32 v7, s22;
	vm15 =	vlt.s32 v17, $0x200  }
0x78: {  	v7 =	vand.u32 $0x7, v7;
	v8 =	vand.u32 $0xFFFFFFF8, v17;
	vm0 =	vmand vm14, vm15  }
0x79: {  	v7 =	vor.u32 v7, v8;
	_ =	sdelay $0x4  }
0x7a: {  	[tilespmem:v7+s19+$0x0] =	vst.idx.add.s32.msk vm0, v3  }
0x7b: {  	v7 =	vld [tilespmem:$0x30];
	_ =	sdelay $0x4  }
0x7c: {  	v18 =	vsub.s32 v7, v6  }
0x7d: {  	vm4 =	vge.s32 v7, s22;
	vm5 =	vlt.s32 v18, $0x200  }
0x7e: {  	v7 =	vand.u32 $0x7, v7;
	v8 =	vand.u32 $0xFFFFFFF8, v18;
	vm0 =	vmand vm4, vm5  }
0x7f: {  	v7 =	vor.u32 v7, v8;
	_ =	sdelay $0x4  }
0x80: {  	[tilespmem:v7+s19+$0x0] =	vst.idx.add.s32.msk vm0, v3  }
0x81: {  	v7 =	vld [tilespmem:$0x40];
	_ =	sdelay $0x4  }
0x82: {  	v19 =	vsub.s32 v7, v6  }
0x83: {  	vm6 =	vge.s32 v7, s22;
	vm7 =	vlt.s32 v19, $0x200  }
0x84: {  	v7 =	vand.u32 $0x7, v7;
	v8 =	vand.u32 $0xFFFFFFF8, v19;
	vm0 =	vmand vm6, vm7  }
0x85: {  	v7 =	vor.u32 v7, v8;
	_ =	sdelay $0x4  }
0x86: {  	[tilespmem:v7+s19+$0x0] =	vst.idx.add.s32.msk vm0, v3  }
0x87: {  	v7 =	vld [tilespmem:$0x50];
	_ =	sdelay $0x4  }
0x88: {  	v20 =	vsub.s32 v7, v6  }
0x89: {  	vm8 =	vge.s32 v7, s22;
	vm9 =	vlt.s32 v20, $0x200  }
0x8a: {  	v7 =	vand.u32 $0x7, v7;
	v8 =	vand.u32 $0xFFFFFFF8, v20;
	vm0 =	vmand vm8, vm9  }
0x8b: {  	v7 =	vor.u32 v7, v8;
	_ =	sdelay $0x4  }
0x8c: {  	[tilespmem:v7+s19+$0x0] =	vst.idx.add.s32.msk vm0, v3  }
0x8d: {  	v7 =	vld [tilespmem:$0x60];
	_ =	sdelay $0x4  }
0x8e: {  	v21 =	vsub.s32 v7, v6  }
0x8f: {  	vm10 =	vge.s32 v7, s22;
	vm11 =	vlt.s32 v21, $0x200  }
0x90: {  	v7 =	vand.u32 $0x7, v7;
	v8 =	vand.u32 $0xFFFFFFF8, v21;
	vm0 =	vmand vm10, vm11  }
0x91: {  	v7 =	vor.u32 v7, v8;
	_ =	sdelay $0x4  }
0x92: {  	[tilespmem:v7+s19+$0x0] =	vst.idx.add.s32.msk vm0, v3  }
0x93: {  	v7 =	vld [tilespmem:$0x70];
	_ =	sdelay $0x4  }
0x94: {  	v22 =	vsub.s32 v7, v6  }
0x95: {  	vm12 =	vge.s32 v7, s22;
	vm13 =	vlt.s32 v22, $0x200  }
0x96: {  	v7 =	vand.u32 $0x7, v7;
	v8 =	vand.u32 $0xFFFFFFF8, v22;
	vm0 =	vmand vm12, vm13  }
0x97: {  	v7 =	vor.u32 v7, v8;
	_ =	sdelay $0x4  }
0x98: {  	[tilespmem:v7+s19+$0x0] =	vst.idx.add.s32.msk vm0, v3  }
0x99: {  	v7 =	vld [tilespmem:$0x80];
	_ =	sdelay $0x4  }
0x9a: {  	v23 =	vsub.s32 v7, v6  }
0x9b: {  	vm14 =	vge.s32 v7, s22;
	vm15 =	vlt.s32 v23, $0x200  }
0x9c: {  	v7 =	vand.u32 $0x7, v7;
	v8 =	vand.u32 $0xFFFFFFF8, v23;
	vm0 =	vmand vm14, vm15  }
0x9d: {  	v7 =	vor.u32 v7, v8;
	_ =	sdelay $0x4  }
0x9e: {  	[tilespmem:v7+s19+$0x0] =	vst.idx.add.s32.msk vm0, v3  }
0x9f: {  	v7 =	vld [tilespmem:$0x90];
	_ =	sdelay $0x4  }
0xa0: {  	v24 =	vsub.s32 v7, v6  }
0xa1: {  	vm4 =	vge.s32 v7, s22;
	vm5 =	vlt.s32 v24, $0x200  }
0xa2: {  	v7 =	vand.u32 $0x7, v7;
	v8 =	vand.u32 $0xFFFFFFF8, v24;
	vm0 =	vmand vm4, vm5  }
0xa3: {  	v7 =	vor.u32 v7, v8;
	_ =	sdelay $0x4  }
0xa4: {  	[tilespmem:v7+s19+$0x0] =	vst.idx.add.s32.msk vm0, v3  }
0xa5: {  	v7 =	vld [tilespmem:$0xA0];
	_ =	sdelay $0x4  }
0xa6: {  	v25 =	vsub.s32 v7, v6  }
0xa7: {  	vm6 =	vge.s32 v7, s22;
	vm7 =	vlt.s32 v25, $0x200  }
0xa8: {  	v7 =	vand.u32 $0x7, v7;
	v8 =	vand.u32 $0xFFFFFFF8, v25;
	vm0 =	vmand vm6, vm7  }
0xa9: {  	v7 =	vor.u32 v7, v8;
	_ =	sdelay $0x4  }
0xaa: {  	[tilespmem:v7+s19+$0x0] =	vst.idx.add.s32.msk vm0, v3  }
0xab: {  	v7 =	vld [tilespmem:$0xB0];
	_ =	sdelay $0x4  }
0xac: {  	v26 =	vsub.s32 v7, v6  }
0xad: {  	vm8 =	vge.s32 v7, s22;
	vm9 =	vlt.s32 v26, $0x200  }
0xae: {  	v7 =	vand.u32 $0x7, v7;
	v8 =	vand.u32 $0xFFFFFFF8, v26;
	vm0 =	vmand vm8, vm9  }
0xaf: {  	v7 =	vor.u32 v7, v8;
	_ =	sdelay $0x4  }
0xb0: {  	[tilespmem:v7+s19+$0x0] =	vst.idx.add.s32.msk vm0, v3  }
0xb1: {  	v7 =	vld [tilespmem:$0xC0];
	_ =	sdelay $0x4  }
0xb2: {  	v27 =	vsub.s32 v7, v6  }
0xb3: {  	vm10 =	vge.s32 v7, s22;
	vm11 =	vlt.s32 v27, $0x200  }
0xb4: {  	v7 =	vand.u32 $0x7, v7;
	v8 =	vand.u32 $0xFFFFFFF8, v27;
	vm0 =	vmand vm10, vm11  }
0xb5: {  	v7 =	vor.u32 v7, v8;
	_ =	sdelay $0x4  }
0xb6: {  	[tilespmem:v7+s19+$0x0] =	vst.idx.add.s32.msk vm0, v3  }
0xb7: {  	v7 =	vld [tilespmem:$0xD0];
	_ =	sdelay $0x4  }
0xb8: {  	v28 =	vsub.s32 v7, v6  }
0xb9: {  	vm12 =	vge.s32 v7, s22;
	vm13 =	vlt.s32 v28, $0x200  }
0xba: {  	v7 =	vand.u32 $0x7, v7;
	v8 =	vand.u32 $0xFFFFFFF8, v28;
	vm0 =	vmand vm12, vm13  }
0xbb: {  	v7 =	vor.u32 v7, v8;
	_ =	sdelay $0x4  }
0xbc: {  	[tilespmem:v7+s19+$0x0] =	vst.idx.add.s32.msk vm0, v3  }
0xbd: {  	v7 =	vld [tilespmem:$0xE0];
	_ =	sdelay $0x4  }
0xbe: {  	v29 =	vsub.s32 v7, v6  }
0xbf: {  	vm14 =	vge.s32 v7, s22;
	vm15 =	vlt.s32 v29, $0x200  }
0xc0: {  	v7 =	vand.u32 $0x7, v7;
	v8 =	vand.u32 $0xFFFFFFF8, v29;
	vm0 =	vmand vm14, vm15  }
0xc1: {  	v7 =	vor.u32 v7, v8;
	_ =	sdelay $0x4  }
0xc2: {  	[tilespmem:v7+s19+$0x0] =	vst.idx.add.s32.msk vm0, v3  }
0xc3: {  	v7 =	vld [tilespmem:$0xF0];
	_ =	sdelay $0x4  }
0xc4: {  	v30 =	vsub.s32 v7, v6  }
0xc5: {  	vm4 =	vge.s32 v7, s22;
	vm5 =	vlt.s32 v30, $0x200  }
0xc6: {  	v7 =	vand.u32 $0x7, v7;
	v8 =	vand.u32 $0xFFFFFFF8, v30;
	vm0 =	vmand vm4, vm5  }
0xc7: {  	v7 =	vor.u32 v7, v8;
	_ =	sdelay $0x4  }
0xc8: {  	[tilespmem:v7+s19+$0x0] =	vst.idx.add.s32.msk vm0, v3  }
0xc9: {  	v7 =	vld [tilespmem:$0x100];
	_ =	sdelay $0x4  }
0xca: {  	v31 =	vsub.s32 v7, v6  }
0xcb: {  	vm6 =	vge.s32 v7, s22;
	vm7 =	vlt.s32 v31, $0x200  }
0xcc: {  	v7 =	vand.u32 $0x7, v7;
	v8 =	vand.u32 $0xFFFFFFF8, v31;
	vm0 =	vmand vm6, vm7  }
0xcd: {  	v7 =	vor.u32 v7, v8;
	_ =	sdelay $0x4  }
0xce: {  	[tilespmem:v7+s19+$0x0] =	vst.idx.add.s32.msk vm0, v3  }
0xcf: {  	v7 =	vld [tilespmem:$0x110];
	_ =	sdelay $0x4  }
0xd0: {  	v32 =	vsub.s32 v7, v6  }
0xd1: {  	vm8 =	vge.s32 v7, s22;
	vm9 =	vlt.s32 v32, $0x200  }
0xd2: {  	v7 =	vand.u32 $0x7, v7;
	v8 =	vand.u32 $0xFFFFFFF8, v32;
	vm0 =	vmand vm8, vm9  }
0xd3: {  	v7 =	vor.u32 v7, v8;
	_ =	sdelay $0x4  }
0xd4: {  	[tilespmem:v7+s19+$0x0] =	vst.idx.add.s32.msk vm0, v3  }
0xd5: {  	v7 =	vld [tilespmem:$0x120];
	_ =	sdelay $0x4  }
0xd6: {  	v33 =	vsub.s32 v7, v6  }
0xd7: {  	vm10 =	vge.s32 v7, s22;
	vm11 =	vlt.s32 v33, $0x200  }
0xd8: {  	v7 =	vand.u32 $0x7, v7;
	v8 =	vand.u32 $0xFFFFFFF8, v33;
	vm0 =	vmand vm10, vm11  }
0xd9: {  	v7 =	vor.u32 v7, v8;
	_ =	sdelay $0x4  }
0xda: {  	[tilespmem:v7+s19+$0x0] =	vst.idx.add.s32.msk vm0, v3  }
0xdb: {  	v7 =	vld [tilespmem:$0x130];
	_ =	sdelay $0x4  }
0xdc: {  	v34 =	vsub.s32 v7, v6  }
0xdd: {  	vm12 =	vge.s32 v7, s22;
	vm13 =	vlt.s32 v34, $0x200  }
0xde: {  	v7 =	vand.u32 $0x7, v7;
	v8 =	vand.u32 $0xFFFFFFF8, v34;
	vm0 =	vmand vm12, vm13  }
0xdf: {  	v7 =	vor.u32 v7, v8;
	_ =	sdelay $0x4  }
0xe0: {  	[tilespmem:v7+s19+$0x0] =	vst.idx.add.s32.msk vm0, v3  }
0xe1: {  	v7 =	vld [tilespmem:$0x140];
	_ =	sdelay $0x4  }
0xe2: {  	v35 =	vsub.s32 v7, v6  }
0xe3: {  	vm14 =	vge.s32 v7, s22;
	vm15 =	vlt.s32 v35, $0x200  }
0xe4: {  	v7 =	vand.u32 $0x7, v7;
	v8 =	vand.u32 $0xFFFFFFF8, v35;
	vm0 =	vmand vm14, vm15  }
0xe5: {  	v7 =	vor.u32 v7, v8;
	_ =	sdelay $0x4  }
0xe6: {  	[tilespmem:v7+s19+$0x0] =	vst.idx.add.s32.msk vm0, v3  }
0xe7: {  	v7 =	vld [tilespmem:$0x150];
	_ =	sdelay $0x4  }
0xe8: {  	v36 =	vsub.s32 v7, v6  }
0xe9: {  	vm4 =	vge.s32 v7, s22;
	vm5 =	vlt.s32 v36, $0x200  }
0xea: {  	v7 =	vand.u32 $0x7, v7;
	v8 =	vand.u32 $0xFFFFFFF8, v36;
	vm0 =	vmand vm4, vm5  }
0xeb: {  	v7 =	vor.u32 v7, v8;
	_ =	sdelay $0x4  }
0xec: {  	[tilespmem:v7+s19+$0x0] =	vst.idx.add.s32.msk vm0, v3  }
0xed: {  	v7 =	vld [tilespmem:$0x160];
	_ =	sdelay $0x4  }
0xee: {  	v37 =	vsub.s32 v7, v6  }
0xef: {  	vm6 =	vge.s32 v7, s22;
	vm7 =	vlt.s32 v37, $0x200  }
0xf0: {  	v7 =	vand.u32 $0x7, v7;
	v8 =	vand.u32 $0xFFFFFFF8, v37;
	vm0 =	vmand vm6, vm7  }
0xf1: {  	v7 =	vor.u32 v7, v8;
	_ =	sdelay $0x4  }
0xf2: {  	[tilespmem:v7+s19+$0x0] =	vst.idx.add.s32.msk vm0, v3  }
0xf3: {  	v7 =	vld [tilespmem:$0x170];
	_ =	sdelay $0x4  }
0xf4: {  	v38 =	vsub.s32 v7, v6  }
0xf5: {  	vm8 =	vge.s32 v7, s22;
	vm9 =	vlt.s32 v38, $0x200  }
0xf6: {  	v7 =	vand.u32 $0x7, v7;
	v8 =	vand.u32 $0xFFFFFFF8, v38;
	vm0 =	vmand vm8, vm9  }
0xf7: {  	v7 =	vor.u32 v7, v8;
	_ =	sdelay $0x4  }
0xf8: {  	[tilespmem:v7+s19+$0x0] =	vst.idx.add.s32.msk vm0, v3  }
0xf9: {  	v7 =	vld [tilespmem:$0x180];
	_ =	sdelay $0x4  }
0xfa: {  	v39 =	vsub.s32 v7, v6  }
0xfb: {  	vm10 =	vge.s32 v7, s22;
	vm11 =	vlt.s32 v39, $0x200  }
0xfc: {  	v7 =	vand.u32 $0x7, v7;
	v8 =	vand.u32 $0xFFFFFFF8, v39;
	vm0 =	vmand vm10, vm11  }
0xfd: {  	v7 =	vor.u32 v7, v8;
	_ =	sdelay $0x4  }
0xfe: {  	[tilespmem:v7+s19+$0x0] =	vst.idx.add.s32.msk vm0, v3  }
0xff: {  	v7 =	vld [tilespmem:$0x190];
	_ =	sdelay $0x4  }
0x100: {  	v40 =	vsub.s32 v7, v6  }
0x101: {  	vm12 =	vge.s32 v7, s22;
	vm13 =	vlt.s32 v40, $0x200  }
0x102: {  	v7 =	vand.u32 $0x7, v7;
	v8 =	vand.u32 $0xFFFFFFF8, v40;
	vm0 =	vmand vm12, vm13  }
0x103: {  	v7 =	vor.u32 v7, v8;
	_ =	sdelay $0x4  }
0x104: {  	[tilespmem:v7+s19+$0x0] =	vst.idx.add.s32.msk vm0, v3  }
0x105: {  	v7 =	vld [tilespmem:$0x1A0];
	_ =	sdelay $0x4  }
0x106: {  	v41 =	vsub.s32 v7, v6  }
0x107: {  	vm14 =	vge.s32 v7, s22;
	vm15 =	vlt.s32 v41, $0x200  }
0x108: {  	v7 =	vand.u32 $0x7, v7;
	v8 =	vand.u32 $0xFFFFFFF8, v41;
	vm0 =	vmand vm14, vm15  }
0x109: {  	v7 =	vor.u32 v7, v8;
	_ =	sdelay $0x4  }
0x10a: {  	[tilespmem:v7+s19+$0x0] =	vst.idx.add.s32.msk vm0, v3  }
0x10b: {  	v7 =	vld [tilespmem:$0x1B0];
	_ =	sdelay $0x4  }
0x10c: {  	v42 =	vsub.s32 v7, v6  }
0x10d: {  	vm4 =	vge.s32 v7, s22;
	vm5 =	vlt.s32 v42, $0x200  }
0x10e: {  	v7 =	vand.u32 $0x7, v7;
	v8 =	vand.u32 $0xFFFFFFF8, v42;
	vm0 =	vmand vm4, vm5  }
0x10f: {  	v7 =	vor.u32 v7, v8;
	_ =	sdelay $0x4  }
0x110: {  	[tilespmem:v7+s19+$0x0] =	vst.idx.add.s32.msk vm0, v3  }
0x111: {  	v7 =	vld [tilespmem:$0x1C0];
	_ =	sdelay $0x4  }
0x112: {  	v43 =	vsub.s32 v7, v6  }
0x113: {  	vm6 =	vge.s32 v7, s22;
	vm7 =	vlt.s32 v43, $0x200  }
0x114: {  	v7 =	vand.u32 $0x7, v7;
	v8 =	vand.u32 $0xFFFFFFF8, v43;
	vm0 =	vmand vm6, vm7  }
0x115: {  	v7 =	vor.u32 v7, v8;
	_ =	sdelay $0x4  }
0x116: {  	[tilespmem:v7+s19+$0x0] =	vst.idx.add.s32.msk vm0, v3  }
0x117: {  	v7 =	vld [tilespmem:$0x1D0];
	_ =	sdelay $0x4  }
0x118: {  	v44 =	vsub.s32 v7, v6  }
0x119: {  	vm8 =	vge.s32 v7, s22;
	vm9 =	vlt.s32 v44, $0x200  }
0x11a: {  	v7 =	vand.u32 $0x7, v7;
	v8 =	vand.u32 $0xFFFFFFF8, v44;
	vm0 =	vmand vm8, vm9  }
0x11b: {  	v7 =	vor.u32 v7, v8;
	_ =	sdelay $0x4  }
0x11c: {  	[tilespmem:v7+s19+$0x0] =	vst.idx.add.s32.msk vm0, v3  }
0x11d: {  	v7 =	vld [tilespmem:$0x1E0];
	_ =	sdelay $0x4  }
0x11e: {  	v45 =	vsub.s32 v7, v6  }
0x11f: {  	vm10 =	vge.s32 v7, s22;
	vm11 =	vlt.s32 v45, $0x200  }
0x120: {  	v7 =	vand.u32 $0x7, v7;
	v8 =	vand.u32 $0xFFFFFFF8, v45;
	vm0 =	vmand vm10, vm11  }
0x121: {  	v7 =	vor.u32 v7, v8;
	_ =	sdelay $0x4  }
0x122: {  	[tilespmem:v7+s19+$0x0] =	vst.idx.add.s32.msk vm0, v3  }
0x123: {  	v7 =	vld [tilespmem:$0x1F0];
	_ =	sdelay $0x4  }
0x124: {  	v6 =	vsub.s32 v7, v6  }
0x125: {  	vm12 =	vge.s32 v7, s22;
	vm13 =	vlt.s32 v6, $0x200  }
0x126: {  	v7 =	vand.u32 $0x7, v7;
	v6 =	vand.u32 $0xFFFFFFF8, v6;
	vm0 =	vmand vm12, vm13  }
0x127: {  	v6 =	vor.u32 v7, v6;
	_ =	sdelay $0x4  }
0x128: {  	[tilespmem:v6+s19+$0x0] =	vst.idx.add.s32.msk vm0, v3  }
0x129: {  	v6 =	vld [tilespmem:$0x610];
	_ =	sdelay $0x1  }
0x12a: {  	v7 =	vld [tilespmem:$0x620];
	_ =	sdelay $0x2  }
0x12b: {  	(xrf0) =	vadd.scan.msk.s32 $0xffff, v6  }
0x12c: {  	v6 =	vld [tilespmem:$0x630]  }
0x12d: {  	(xrf0) =	vadd.scan.msk.s32 $0xffff, v7;
	_ =	sdelay $0x1  }
0x12e: {  	v7 =	vld [tilespmem:$0x640];
	_ =	sdelay $0x1  }
0x12f: {  	v46, _, _ =	vpop (xrf0);
	(xrf0) =	vadd.scan.msk.s32 $0xffff, v6  }
0x130: {  	v6 =	vld [tilespmem:$0x650];
	(v2sf) =	vpush v46, $0xF  }
0x131: {  	v9, _, _ =	vpop (xrf0)  }
0x132: {  	(xrf0) =	vadd.scan.msk.s32 $0xffff, v7;
	(v2sf) =	vpush v9, $0xF  }
0x133: {  	v7 =	vld [tilespmem:$0x660];
	_ =	sdelay $0x1  }
0x134: {  	v10, _, _ =	vpop (xrf0);
	(xrf0) =	vadd.scan.msk.s32 $0xffff, v6  }
0x135: {  	v6 =	vld [tilespmem:$0x670]  }
0x136: {  	(v2sf) =	vpush v10, $0xF  }
0x137: {  	v11, _, _ =	vpop (xrf0);
	(xrf0) =	vadd.scan.msk.s32 $0xffff, v7  }
0x138: {  	v7 =	vld [tilespmem:$0x680];
	(v2sf) =	vpush v11, $0xF;
	_ =	sdelay $0x1  }
0x139: {  	s30 =	sadd.s32 s5, s26;
	v12, _, _ =	vpop (xrf0);
	(xrf0) =	vadd.scan.msk.s32 $0xffff, v6  }
0x13a: {  	v13 =	vmov s30  }
0x13b: {  	p1 =	sgt.s32 s22, s21;
	s25 =	smov.u32 s21;
	v13 =	vadd.s32 $0xFFFFFFFF, v13  }
0x13c: {  	v14 =	vadd.s32 s24, v4;
	s25 =	smov.u32 @p1 s22;
	v6 =	vld [tilespmem:$0x690];
	(v2sf) =	vpush v12, $0xF;
	v15, _, _ =	vpop (xrf0);
	(xrf0) =	vadd.scan.msk.s32 $0xffff, v7;
	v7 =	vbroadcast v13, $0x0  }
0x13d: {  	vm14 =	vge.s32 v14, s25;
	vm15 =	vlt.s32 v14, v5;
	s29 =	spop (v2sf)  }
0x13e: {  	vm0 =	vmand vm14, vm15;
	v7 =	vadd.s32 v46, v7;
	s26 =	sadd.s32 s26, s29;
	s29 =	sadd.s32 $0x10, s24  }
0x13f: {  	v48 =	vld [tilespmem:$0x6A0];
	(v2sf) =	vpush v15, $0xF;
	v7 =	vsel vm0, v7, v0;
	s30 =	spop (v2sf);
	s31 =	sadd.s32 s5, s26;
	v16 =	vadd.s32 s29, v4;
	v17, _, _ =	vpop (xrf0)  }
0x140: {  	s26 =	sadd.s32 s26, s30;
	v47 =	vmov s31;
	s31 =	sadd.s32 $0x20, s24;
	(v2sf) =	vpush v17, $0xF;
	vm4 =	vge.s32 v16, s25  }
0x141: {  	(xrf0) =	vadd.scan.msk.s32 $0xffff, v6;
	vm2 =	vlt.s32 v16, v5;
	s29 =	sadd.s32 s5, s26;
	v13 =	vadd.s32 $0xFFFFFFFF, v47;
	v50 =	vadd.s32 s31, v4  }
0x142: {  	v51 =	vld [tilespmem:$0x6B0];
	vm1 =	vmand vm4, vm2;
	v52 =	vmov s29;
	s31 =	sadd.s32 $0x30, s24;
	v49 =	vbroadcast v13, $0x0  }
0x143: {  	v18, _, _ =	vpop (xrf0);
	v8 =	vadd.s32 $0xFFFFFFFF, v52;
	v53 =	vadd.s32 s31, v4;
	vm5 =	vge.s32 v50, s25  }
0x144: {  	(xrf0) =	vadd.scan.msk.s32 $0xffff, v48;
	vm6 =	vlt.s32 v50, v5;
	s30 =	spop (v2sf);
	v8 =	vbroadcast v8, $0x0;
	(v2sf) =	vpush v18, $0xF  }
0x145: {  	v55 =	vld [tilespmem:$0x6C0];
	s31 =	sadd.s32 $0x40, s24;
	vm0 =	vmand vm5, vm6;
	vm7 =	vge.s32 v53, s25;
	vm8 =	vlt.s32 v53, v5  }
0x146: {  	v57 =	vadd.s32 s31, v4;
	s31 =	sadd.s32 $0x50, s24;
	v6 =	vadd.s32 v9, v49;
	s26 =	sadd.s32 s26, s30;
	s30 =	spop (v2sf);
	vm9 =	vmand vm7, vm8  }
0x147: {  	vm10 =	vge.s32 v57, s25;
	vm11 =	vlt.s32 v57, v5;
	v61 =	vadd.s32 s31, v4;
	s29 =	sadd.s32 s5, s26;
	s26 =	sadd.s32 s26, s30;
	v19, _, _ =	vpop (xrf0);
	(xrf0) =	vadd.scan.msk.s32 $0xffff, v51  }
0x148: {  	v6 =	vsel vm1, v6, v0;
	v8 =	vadd.s32 v10, v8;
	v54 =	vmov s29;
	s29 =	sadd.s32 s5, s26  }
0x149: {  	v59 =	vld [tilespmem:$0x6D0];
	vm1 =	vmand vm10, vm11;
	vm12 =	vge.s32 v61, s25;
	v58 =	vmov s29  }
0x14a: {  	(v2sf) =	vpush v19, $0xF;
	v20, _, _ =	vpop (xrf0);
	(xrf0) =	vadd.scan.msk.s32 $0xffff, v55;
	v56 =	vadd.s32 $0xFFFFFFFF, v54;
	v9 =	vadd.s32 $0xFFFFFFFF, v58  }
0x14b: {  	vm3 =	vlt.s32 v61, v5;
	v10 =	vbroadcast v56, $0x0;
	s30 =	spop (v2sf);
	v9 =	vbroadcast v9, $0x0  }
0x14c: {  	v8 =	vsel vm0, v8, v0;
	vm2 =	vmand vm12, vm3;
	(v2sf) =	vpush v20, $0xF;
	s26 =	sadd.s32 s26, s30;
	s30 =	sadd.s32 $0x60, s24  }
0x14d: {  	v10 =	vadd.s32 v11, v10;
	s28 =	sadd.s32 s5, s26;
	v21, _, _ =	vpop (xrf0);
	v9 =	vadd.s32 v12, v9;
	v63 =	vadd.s32 s30, v4  }
0x14e: {  	v62 =	vld [tilespmem:$0x6E0];
	(xrf0) =	vadd.scan.msk.s32 $0xffff, v59;
	s30 =	sadd.s32 $0x70, s24;
	v60 =	vmov s28;
	s29 =	spop (v2sf);
	(v2sf) =	vpush v21, $0xF;
	vm13 =	vge.s32 v63, s25  }
0x14f: {  	vm14 =	vlt.s32 v63, v5;
	v30 =	vadd.s32 s30, v4;
	v11 =	vadd.s32 $0xFFFFFFFF, v60;
	s26 =	sadd.s32 s26, s29  }
0x150: {  	v26 =	vld [tilespmem:$0x6F0];
	v22, _, _ =	vpop (xrf0);
	vm0 =	vmand vm13, vm14;
	vm15 =	vge.s32 v30, s25;
	v11 =	vbroadcast v11, $0x0;
	s31 =	sadd.s32 s5, s26  }
0x151: {  	vm4 =	vlt.s32 v30, v5;
	v25 =	vmov s31;
	s29 =	spop (v2sf);
	(v2sf) =	vpush v22, $0xF  }
0x152: {  	v24 =	vadd.s32 v15, v11;
	v11 =	vsel vm9, v10, v0;
	v10 =	vsel vm1, v9, v0;
	s26 =	sadd.s32 s26, s29  }
0x153: {  	(xrf0) =	vadd.scan.msk.s32 $0xffff, v62;
	v27 =	vadd.s32 $0xFFFFFFFF, v25;
	s29 =	sadd.s32 $0x80, s24;
	vm1 =	vmand vm15, vm4;
	v9 =	vsel vm2, v24, v0;
	s28 =	sadd.s32 s5, s26  }
0x154: {  	v31 =	vld [tilespmem:$0x700];
	v28 =	vbroadcast v27, $0x0;
	v23, _, _ =	vpop (xrf0);
	v32 =	vadd.s32 s29, v4;
	s29 =	sadd.s32 $0x90, s24;
	v29 =	vmov s28  }
0x155: {  	(xrf0) =	vadd.scan.msk.s32 $0xffff, v26;
	s31 =	spop (v2sf);
	(v2sf) =	vpush v23, $0xF;
	v37 =	vadd.s32 s29, v4;
	vm5 =	vge.s32 v32, s25  }
0x156: {  	v35 =	vld [tilespmem:$0x710];
	vm6 =	vlt.s32 v32, v5;
	s29 =	sadd.s32 $0xA0, s24;
	v13 =	vadd.s32 $0xFFFFFFFF, v29;
	v12 =	vadd.s32 v17, v28  }
0x157: {  	s26 =	sadd.s32 s26, s31;
	v26 =	vadd.s32 s29, v4;
	vm7 =	vge.s32 v37, s25;
	vm8 =	vlt.s32 v37, v5  }
0x158: {  	s29 =	sadd.s32 $0xB0, s24;
	v13 =	vbroadcast v13, $0x0;
	s30 =	sadd.s32 s5, s26;
	vm9 =	vmand vm7, vm8;
	vm10 =	vge.s32 v26, s25  }
0x159: {  	v24, _, _ =	vpop (xrf0);
	(xrf0) =	vadd.scan.msk.s32 $0xffff, v31;
	vm11 =	vlt.s32 v26, v5;
	v48 =	vadd.s32 s29, v4;
	v34 =	vmov s30;
	s31 =	spop (v2sf)  }
0x15a: {  	v39 =	vld [tilespmem:$0x720];
	(v2sf) =	vpush v24, $0xF;
	vm12 =	vge.s32 v48, s25;
	vm13 =	vlt.s32 v48, v5;
	s26 =	sadd.s32 s26, s31  }
0x15b: {  	v33 =	vadd.s32 v18, v13;
	v13 =	vsel vm0, v12, v0;
	v36 =	vadd.s32 $0xFFFFFFFF, v34;
	s30 =	sadd.s32 s5, s26;
	v25, _, _ =	vpop (xrf0);
	(xrf0) =	vadd.scan.msk.s32 $0xffff, v35  }
0x15c: {  	vm0 =	vmand vm5, vm6;
	v16 =	vbroadcast v36, $0x0;
	v38 =	vmov s30;
	s31 =	spop (v2sf)  }
0x15d: {  	v42 =	vld [tilespmem:$0x730];
	vm2 =	vmand vm12, vm13;
	(v2sf) =	vpush v25, $0xF;
	v14 =	vadd.s32 $0xFFFFFFFF, v38;
	s26 =	sadd.s32 s26, s31  }
0x15e: {  	v12 =	vsel vm1, v33, v0;
	v16 =	vadd.s32 v19, v16;
	v40 =	vbroadcast v14, $0x0;
	s30 =	sadd.s32 s5, s26;
	s31 =	spop (v2sf)  }
0x15f: {  	vm1 =	vmand vm10, vm11;
	v44, _, _ =	vpop (xrf0);
	(xrf0) =	vadd.scan.msk.s32 $0xffff, v39;
	v14 =	vsel vm0, v16, v0;
	v41 =	vmov s30;
	s26 =	sadd.s32 s26, s31  }
0x160: {  	v47 =	vld [tilespmem:$0x740];
	(v2sf) =	vpush v44, $0xF;
	v43 =	vadd.s32 v20, v40;
	v17 =	vadd.s32 $0xFFFFFFFF, v41;
	s31 =	sadd.s32 $0xC0, s24;
	s28 =	sadd.s32 s5, s26  }
0x161: {  	v45 =	vbroadcast v17, $0x0;
	v27, _, _ =	vpop (xrf0);
	v49 =	vadd.s32 s31, v4;
	v46 =	vmov s28  }
0x162: {  	(xrf0) =	vadd.scan.msk.s32 $0xffff, v42;
	s31 =	sadd.s32 $0xD0, s24;
	s30 =	spop (v2sf);
	(v2sf) =	vpush v27, $0xF;
	vm14 =	vge.s32 v49, s25;
	vm15 =	vlt.s32 v49, v5  }
0x163: {  	v50 =	vld [tilespmem:$0x750];
	v28 =	vadd.s32 s31, v4;
	v17 =	vadd.s32 $0xFFFFFFFF, v46;
	v15 =	vadd.s32 v21, v45  }
0x164: {  	s26 =	sadd.s32 s26, s30;
	vm4 =	vge.s32 v28, s25;
	vm5 =	vlt.s32 v28, v5;
	v17 =	vbroadcast v17, $0x0  }
0x165: {  	v52, _, _ =	vpop (xrf0);
	(xrf0) =	vadd.scan.msk.s32 $0xffff, v47;
	vm0 =	vmand vm14, vm15;
	s29 =	sadd.s32 s5, s26;
	v16 =	vsel vm1, v15, v0;
	vm1 =	vmand vm4, vm5;
	s30 =	spop (v2sf)  }
0x166: {  	v51 =	vmov s29;
	(v2sf) =	vpush v52, $0xF;
	v22 =	vadd.s32 v22, v17;
	s26 =	sadd.s32 s26, s30  }
0x167: {  	v54 =	vld [tilespmem:$0x760];
	v17 =	vsel vm9, v43, v0;
	v53 =	vadd.s32 $0xFFFFFFFF, v51;
	s30 =	sadd.s32 $0xE0, s24;
	v15 =	vsel vm2, v22, v0;
	s28 =	sadd.s32 s5, s26  }
0x168: {  	v55 =	vbroadcast v53, $0x0;
	v29, _, _ =	vpop (xrf0);
	(xrf0) =	vadd.scan.msk.s32 $0xffff, v50;
	v58 =	vadd.s32 s30, v4;
	v56 =	vmov s28  }
0x169: {  	s30 =	sadd.s32 $0xF0, s24;
	s29 =	spop (v2sf);
	(v2sf) =	vpush v29, $0xF;
	vm6 =	vge.s32 v58, s25;
	v19 =	vadd.s32 $0xFFFFFFFF, v56  }
0x16a: {  	v57 =	vld [tilespmem:$0x770];
	vm7 =	vlt.s32 v58, v5;
	v36 =	vadd.s32 s30, v4;
	s26 =	sadd.s32 s26, s29;
	v19 =	vbroadcast v19, $0x0  }
0x16b: {  	v18 =	vadd.s32 v23, v55;
	v30, _, _ =	vpop (xrf0);
	vm8 =	vge.s32 v36, s25;
	vm9 =	vlt.s32 v36, v5;
	s31 =	sadd.s32 s5, s26  }
0x16c: {  	(xrf0) =	vadd.scan.msk.s32 $0xffff, v54;
	v59 =	vmov s31;
	s29 =	spop (v2sf);
	(v2sf) =	vpush v30, $0xF;
	v24 =	vadd.s32 v24, v19  }
0x16d: {  	v60 =	vld [tilespmem:$0x780];
	v19 =	vsel vm0, v18, v0;
	s26 =	sadd.s32 s26, s29;
	v61 =	vadd.s32 $0xFFFFFFFF, v59;
	vm0 =	vmand vm6, vm7  }
0x16e: {  	s29 =	sadd.s32 $0x100, s24;
	v18 =	vsel vm1, v24, v0;
	s28 =	sadd.s32 s5, s26;
	v23 =	vbroadcast v61, $0x0;
	v63, _, _ =	vpop (xrf0);
	vm1 =	vmand vm8, vm9  }
0x16f: {  	(xrf0) =	vadd.scan.msk.s32 $0xffff, v57;
	v38 =	vadd.s32 s29, v4;
	s29 =	sadd.s32 $0x110, s24;
	v62 =	vmov s28;
	s31 =	spop (v2sf);
	(v2sf) =	vpush v63, $0xF  }
0x170: {  	v31 =	vld [tilespmem:$0x790];
	vm10 =	vge.s32 v38, s25;
	v42 =	vadd.s32 s29, v4;
	vm11 =	vlt.s32 v38, v5  }
0x171: {  	s29 =	sadd.s32 $0x120, s24;
	v26 =	vadd.s32 $0xFFFFFFFF, v62;
	v23 =	vadd.s32 v25, v23;
	vm12 =	vge.s32 v42, s25  }
0x172: {  	s26 =	sadd.s32 s26, s31;
	v32, _, _ =	vpop (xrf0);
	(xrf0) =	vadd.scan.msk.s32 $0xffff, v60;
	v45 =	vadd.s32 s29, v4;
	vm13 =	vlt.s32 v42, v5;
	v37 =	vbroadcast v26, $0x0  }
0x173: {  	v40 =	vld [tilespmem:$0x7A0];
	s29 =	sadd.s32 $0x130, s24;
	s30 =	sadd.s32 s5, s26;
	v21 =	vsel vm0, v23, v0;
	vm0 =	vmand vm10, vm11;
	vm14 =	vge.s32 v45, s25  }
0x174: {  	vm15 =	vlt.s32 v45, v5;
	v48 =	vadd.s32 s29, v4;
	s29 =	sadd.s32 $0x140, s24;
	v39 =	vmov s30  }
0x175: {  	s31 =	spop (v2sf);
	(v2sf) =	vpush v32, $0xF;
	vm5 =	vmand vm14, vm15;
	v36 =	vadd.s32 s29, v4;
	v33, _, _ =	vpop (xrf0);
	(xrf0) =	vadd.scan.msk.s32 $0xffff, v31  }
0x176: {  	vm6 =	vge.s32 v48, s25;
	vm7 =	vlt.s32 v48, v5;
	s29 =	sadd.s32 $0x150, s24;
	v20 =	vadd.s32 v44, v37;
	s26 =	sadd.s32 s26, s31;
	v44 =	vld [tilespmem:$0x7B0];
	s31 =	spop (v2sf)  }
0x177: {  	v41 =	vadd.s32 $0xFFFFFFFF, v39;
	v53 =	vadd.s32 s29, v4;
	vm8 =	vge.s32 v36, s25;
	s30 =	sadd.s32 s5, s26;
	s26 =	sadd.s32 s26, s31  }
0x178: {  	vm9 =	vlt.s32 v36, v5;
	v43 =	vmov s30;
	(v2sf) =	vpush v33, $0xF;
	v34, _, _ =	vpop (xrf0);
	(xrf0) =	vadd.scan.msk.s32 $0xffff, v40;
	s30 =	sadd.s32 s5, s26;
	s31 =	spop (v2sf)  }
0x179: {  	v20 =	vsel vm1, v20, v0;
	v25 =	vadd.s32 $0xFFFFFFFF, v43;
	v46 =	vmov s30;
	s26 =	sadd.s32 s26, s31  }
0x17a: {  	v47 =	vld [tilespmem:$0x7C0];
	v23 =	vbroadcast v41, $0x0;
	v25 =	vbroadcast v25, $0x0;
	v24 =	vadd.s32 $0xFFFFFFFF, v46;
	s30 =	sadd.s32 s5, s26  }
0x17b: {  	(v2sf) =	vpush v34, $0xF;
	v35, _, _ =	vpop (xrf0);
	(xrf0) =	vadd.scan.msk.s32 $0xffff, v44;
	v24 =	vbroadcast v24, $0x0;
	v49 =	vmov s30  }
0x17c: {  	v50 =	vld [tilespmem:$0x7D0];
	vm1 =	vmand vm12, vm13;
	vm10 =	vmand vm8, vm9;
	v51 =	vadd.s32 $0xFFFFFFFF, v49  }
0x17d: {  	s29 =	sadd.s32 $0x160, s24;
	s31 =	spop (v2sf);
	(v2sf) =	vpush v35, $0xF;
	v24 =	vadd.s32 v29, v24;
	v29 =	vbroadcast v51, $0x0  }
0x17e: {  	[tilespmem:$0x410] =	vst v7;
	v56 =	vadd.s32 s29, v4;
	s29 =	sadd.s32 $0x170, s24;
	vm11 =	vge.s32 v53, s25;
	v22 =	vadd.s32 v52, v25;
	v25, _, _ =	vpop (xrf0)  }
0x17f: {  	vm12 =	vlt.s32 v53, v5;
	v7 =	vadd.s32 s29, v4;
	(xrf0) =	vadd.scan.msk.s32 $0xffff, v47;
	(v2sf) =	vpush v25, $0xF  }
0x180: {  	v54 =	vld [tilespmem:$0x7E0];
	vm13 =	vge.s32 v56, s25;
	vm14 =	vlt.s32 v56, v5;
	v23 =	vadd.s32 v27, v23;
	s26 =	sadd.s32 s26, s31  }
0x181: {  	vm15 =	vmand vm13, vm14;
	vm4 =	vge.s32 v7, s25;
	s30 =	sadd.s32 s5, s26;
	v52 =	vadd.s32 v30, v29;
	v29, _, _ =	vpop (xrf0);
	(xrf0) =	vadd.scan.msk.s32 $0xffff, v50  }
0x182: {  	v57 =	vld [tilespmem:$0x7F0];
	v23 =	vsel vm0, v23, v0;
	vm0 =	vmand vm6, vm7;
	v37 =	vmov s30;
	s31 =	spop (v2sf)  }
0x183: {  	v24 =	vsel vm5, v24, v0;
	vm5 =	vlt.s32 v7, v5;
	s26 =	sadd.s32 s26, s31;
	v37 =	vadd.s32 $0xFFFFFFFF, v37  }
0x184: {  	v22 =	vsel vm1, v22, v0;
	vm1 =	vmand vm4, vm5;
	s30 =	sadd.s32 s5, s26;
	v55 =	vbroadcast v37, $0x0  }
0x185: {  	v26 =	vsel vm0, v52, v0;
	vm0 =	vmand vm11, vm12;
	v38 =	vmov s30;
	v39, _, _ =	vpop (xrf0);
	(xrf0) =	vadd.scan.msk.s32 $0xffff, v54  }
0x186: {  	[tilespmem:$0x420] =	vst v6;
	s29 =	sadd.s32 $0x180, s24;
	s31 =	spop (v2sf);
	(v2sf) =	vpush v29, $0xF;
	v28 =	vadd.s32 v63, v55;
	v58 =	vadd.s32 $0xFFFFFFFF, v38  }
0x187: {  	s26 =	sadd.s32 s26, s31;
	v38 =	vadd.s32 s29, v4;
	s29 =	sadd.s32 $0x190, s24;
	v28 =	vsel vm10, v28, v0;
	s31 =	spop (v2sf);
	(v2sf) =	vpush v39, $0xF;
	v62, _, _ =	vpop (xrf0);
	(xrf0) =	vadd.scan.msk.s32 $0xffff, v57  }
0x188: {  	[tilespmem:$0x430] =	vst v8;
	s30 =	sadd.s32 s5, s26;
	v60 =	vbroadcast v58, $0x0;
	v44 =	vadd.s32 s29, v4;
	s29 =	sadd.s32 $0x1A0, s24;
	vm6 =	vge.s32 v38, s25  }
0x189: {  	[tilespmem:$0x440] =	vst v11;
	vm7 =	vlt.s32 v38, v5;
	v59 =	vmov s30;
	v48 =	vadd.s32 s29, v4  }
0x18a: {  	[tilespmem:$0x450] =	vst v10;
	vm8 =	vmand vm6, vm7;
	vm9 =	vge.s32 v44, s25;
	s26 =	sadd.s32 s26, s31;
	s31 =	spop (v2sf);
	(v2sf) =	vpush v62, $0xF  }
0x18b: {  	[tilespmem:$0x460] =	vst v9;
	v45 =	vld [tilespmem:$0x800];
	s29 =	sadd.s32 $0x1B0, s24;
	vm10 =	vlt.s32 v44, v5;
	v6 =	vadd.s32 v32, v60;
	v63 =	vadd.s32 $0xFFFFFFFF, v59;
	v41, _, _ =	vpop (xrf0)  }
0x18c: {  	[tilespmem:$0x470] =	vst v13;
	v50 =	vadd.s32 s29, v4;
	vm11 =	vge.s32 v48, s25;
	s30 =	sadd.s32 s5, s26;
	s26 =	sadd.s32 s26, s31;
	s31 =	spop (v2sf);
	(v2sf) =	vpush v41, $0xF  }
0x18d: {  	[tilespmem:$0x480] =	vst v12;
	vm12 =	vlt.s32 v48, v5;
	s29 =	sadd.s32 $0x1C0, s24;
	v37 =	vbroadcast v63, $0x0;
	v6 =	vsel vm0, v6, v0;
	v47, _, _ =	vpop (xrf0)  }
0x18e: {  	[tilespmem:$0x490] =	vst v14;
	vm0 =	vmand vm9, vm10;
	v61 =	vmov s30;
	s30 =	sadd.s32 s5, s26;
	s26 =	sadd.s32 s26, s31;
	s31 =	spop (v2sf);
	(v2sf) =	vpush v47, $0xF  }
0x18f: {  	[tilespmem:$0x4B0] =	vst v16;
	vm13 =	vmand vm11, vm12;
	v54 =	vadd.s32 s29, v4;
	vm14 =	vge.s32 v50, s25;
	s29 =	sadd.s32 $0x1D0, s24  }
0x190: {  	v57 =	vadd.s32 s29, v4;
	vm5 =	vge.s32 v54, s25;
	vm6 =	vlt.s32 v54, v5;
	(xrf0) =	vadd.scan.msk.s32 $0xffff, v45  }
0x191: {  	[tilespmem:$0x4A0] =	vst v17;
	v8 =	vadd.s32 v33, v37;
	v42 =	vadd.s32 $0xFFFFFFFF, v61;
	v40 =	vmov s30  }
0x192: {  	[tilespmem:$0x4C0] =	vst v15;
	vm7 =	vge.s32 v57, s25;
	v43 =	vbroadcast v42, $0x0;
	v7 =	vadd.s32 $0xFFFFFFFF, v40  }
0x193: {  	[tilespmem:$0x4D0] =	vst v19;
	v8 =	vsel vm15, v8, v0;
	vm15 =	vlt.s32 v50, v5;
	s30 =	sadd.s32 s5, s26;
	v7 =	vbroadcast v7, $0x0  }
0x194: {  	[tilespmem:$0x4E0] =	vst v18;
	vm2 =	vmand vm14, vm15;
	v9 =	vadd.s32 v34, v43;
	v46 =	vmov s30;
	s26 =	sadd.s32 s26, s31  }
0x195: {  	[tilespmem:$0x4F0] =	vst v21;
	v9 =	vsel vm1, v9, v0;
	s30 =	sadd.s32 s5, s26;
	v7 =	vadd.s32 v35, v7;
	v51 =	vadd.s32 $0xFFFFFFFF, v46;
	s31 =	spop (v2sf)  }
0x196: {  	[tilespmem:$0x500] =	vst v20;
	v49 =	vmov s30;
	v7 =	vsel vm8, v7, v0;
	v10 =	vbroadcast v51, $0x0;
	s26 =	sadd.s32 s26, s31;
	s31 =	spop (v2sf);
	v56, _, _ =	vpop (xrf0)  }
0x197: {  	[tilespmem:$0x510] =	vst v23;
	vm8 =	vlt.s32 v57, v5;
	v14 =	vadd.s32 $0xFFFFFFFF, v49;
	s30 =	sadd.s32 s5, s26;
	s26 =	sadd.s32 s26, s31;
	(v2sf) =	vpush v56, $0xF  }
0x198: {  	[tilespmem:$0x520] =	vst v22;
	vm9 =	vmand vm7, vm8;
	v53 =	vbroadcast v14, $0x0;
	v52 =	vmov s30;
	s30 =	sadd.s32 s5, s26  }
0x199: {  	[tilespmem:$0x530] =	vst v24;
	v10 =	vadd.s32 v25, v10;
	v11 =	vadd.s32 $0xFFFFFFFF, v52;
	v55 =	vmov s30;
	s31 =	spop (v2sf)  }
0x19a: {  	[tilespmem:$0x540] =	vst v26;
	v10 =	vsel vm0, v10, v0;
	v11 =	vbroadcast v11, $0x0;
	v15 =	vadd.s32 $0xFFFFFFFF, v55;
	s26 =	sadd.s32 s26, s31  }
0x19b: {  	[tilespmem:$0x550] =	vst v28;
	vm0 =	vmand vm5, vm6;
	v13 =	vadd.s32 v29, v53;
	v15 =	vbroadcast v15, $0x0;
	s30 =	sadd.s32 s5, s26;
	s31 =	spop (v2sf)  }
0x19c: {  	[tilespmem:$0x560] =	vst v6;
	v13 =	vsel vm13, v13, v0;
	v11 =	vadd.s32 v39, v11;
	v58 =	vmov s30;
	s26 =	sadd.s32 s26, s31  }
0x19d: {  	[tilespmem:$0x570] =	vst v8;
	v11 =	vsel vm2, v11, v0;
	v59 =	vadd.s32 v62, v15;
	s30 =	sadd.s32 $0x1E0, s24;
	s24 =	sadd.s32 $0x1F0, s24;
	v6 =	vadd.s32 $0xFFFFFFFF, v58;
	s29 =	spop (v2sf)  }
0x19e: {  	[tilespmem:$0x590] =	vst v7;
	s28 =	sadd.s32 s5, s26;
	v61 =	vsel vm0, v59, v0;
	v7 =	vadd.s32 s30, v4;
	v63 =	vadd.s32 s24, v4;
	s26 =	sadd.s32 s26, s29  }
0x19f: {  	[tilespmem:$0x580] =	vst v9;
	v60 =	vmov s28;
	v6 =	vbroadcast v6, $0x0;
	vm10 =	vge.s32 v7, s25;
	s31 =	sadd.s32 s5, s26  }
0x1a0: {  	[tilespmem:$0x5A0] =	vst v10;
	vm11 =	vlt.s32 v7, v5;
	v8 =	vadd.s32 $0xFFFFFFFF, v60;
	v62 =	vmov s31  }
0x1a1: {  	[tilespmem:$0x5B0] =	vst v13;
	vm13 =	vge.s32 v63, s25;
	v8 =	vbroadcast v8, $0x0;
	v7 =	vadd.s32 $0xFFFFFFFF, v62  }
0x1a2: {  	[tilespmem:$0x5C0] =	vst v11;
	vm14 =	vlt.s32 v63, v5;
	v6 =	vadd.s32 v41, v6;
	v7 =	vbroadcast v7, $0x0  }
0x1a3: {  	[tilespmem:$0x5D0] =	vst v61;
	vm12 =	vmand vm10, vm11;
	v6 =	vsel vm9, v6, v0;
	v8 =	vadd.s32 v47, v8  }
0x1a4: {  	vm15 =	vmand vm13, vm14;
	[tilespmem:$0x5E0] =	vst v6;
	v8 =	vsel vm12, v8, v0;
	v6 =	vadd.s32 v56, v7  }
0x1a5: {  	[tilespmem:$0x5F0] =	vst v8;
	v6 =	vsel vm15, v6, v0  }
0x1a6: {  	s24 =	spop (v2sf);
	[tilespmem:$0x600] =	vst v6  }
0x1a7: {  	_ =	swait.ge [sflag:s12], $0x2000  }
0x1a8: {  	[sflag:s12] =	ssyncset.done $0x0  }
0x1a9: {  	[sflag:s12] =	ssyncadd.s32 $0xFFFFE000  }
0x1aa: {  	_ =	swait.ge [sflag:s12], $0x2000  }
0x1ab: {  	[sflag:s12] =	ssyncset.done $0x0  }
0x1ac: {  	[sflag:s12] =	ssyncadd.s32 $0xFFFFE000  }
0x1ad: {  	_ =	swait.ge [sflag:s12], $0x2000  }
0x1ae: {  	[sflag:s12] =	ssyncset.done $0x0  }
0x1af: {  	[sflag:s12] =	ssyncadd.s32 $0xFFFFE000  }
0x1b0: {  	_ =	swait.ge [sflag:s12], $0x2000  }
0x1b1: {  	[sflag:s12] =	ssyncset.done $0x0  }
0x1b2: {  	s28 =	rddreg [dreg:$0xa];
	[sflag:s12] =	ssyncadd.s32 $0xFFFFE000  }
0x1b3: {  	[spmem:s1] =	stream.indirect.scatter.add.f32 [tilespmem:s13], [sflag:$0x2], $0x40, s28, s15, $0xb8;
	[tilespmem:$0x10850] =	vst v63  }
0x1b4: {  	_ =	swait.ge [sflag:s11], $0x2000  }
0x1b5: {  	[sflag:s11] =	ssyncset.done $0x0  }
0x1b6: {  	s29 =	rddreg [dreg:$0xb];
	[sflag:s11] =	ssyncadd.s32 $0xFFFFE000  }
0x1b7: {  	[spmem:s1] =	stream.indirect.scatter.add.f32 [tilespmem:s16], [sflag:$0x2], $0x40, s29, s15, $0xb8;
	[tilespmem:$0x10850] =	vst v63  }
0x1b8: {  	_ =	swait.ge [sflag:s11], $0x2000  }
0x1b9: {  	[sflag:s11] =	ssyncset.done $0x0  }
0x1ba: {  	s30 =	rddreg [dreg:$0xc];
	[sflag:s11] =	ssyncadd.s32 $0xFFFFE000  }
0x1bb: {  	[spmem:s1] =	stream.indirect.scatter.add.f32 [tilespmem:s17], [sflag:$0x2], $0x40, s30, s15, $0xb8;
	[tilespmem:$0x10850] =	vst v63  }
0x1bc: {  	_ =	swait.ge [sflag:s11], $0x2000  }
0x1bd: {  	p1 =	sne.s32 s23, $0x1;
	[sflag:s11] =	ssyncset.done $0x0  }
.Ltmp2:
0x1be: {  	s31 =	rddreg [dreg:$0xd];
	[sflag:s11] =	ssyncadd.s32 $0xFFFFE000;
	(pc) =	sbr.rel @p1 .LBB2_4-.Ltmp2, $4  }
0x1bf: {  	[spmem:s1] =	stream.indirect.scatter.add.f32 [tilespmem:s18], [sflag:$0x2], $0x40, s31, s15, $0xb8;
	[tilespmem:$0x10850] =	vst v63  }
0x1c0: {  	_ =	swait.ge [sflag:s11], $0x2000  }
0x1c1: {  	s23 =	sadd.s32 $0xFFFFFFFF, s23;
	[sflag:s11] =	ssyncset.done $0x0  }
0x1c2: {  	s22 =	sadd.s32 $0x200, s22;
	s26 =	sadd.s32 s26, s24;
	[sflag:s11] =	ssyncadd.s32 $0xFFFFE000  }
.LBB2_5:
0x1c3: {  	[tilespmem:s13], [sflag:$0x2] =	stream.linear.gather [spmem:s7], $0x8000, $0x38;
	[tilespmem:$0x10850] =	vst v63  }
0x1c4: {  	_ =	swait.ge [sflag:s11], $0x8000  }
0x1c5: {  	[sflag:s11] =	ssyncset.done $0x0  }
0x1c6: {  	s21 =	simm.s32 $0xA10;
	[sflag:s11] =	ssyncadd.s32 $0xFFFF8000  }
0x1c7: {  	v6 =	vld [tilespmem:s21+$0xFFFFFFF0]  }
0x1c8: {  	v13 =	vld [tilespmem:s21+$0x1F0]  }
0x1c9: {  	v17 =	vld [tilespmem:s21+$0x1E0]  }
0x1ca: {  	v14 =	vld [tilespmem:s21+$0x1D0]  }
0x1cb: {  	v18 =	vld [tilespmem:s21+$0x1C0]  }
0x1cc: {  	v15 =	vld [tilespmem:s21+$0x1B0]  }
0x1cd: {  	v16 =	vld [tilespmem:s21+$0x1A0]  }
0x1ce: {  	v10 =	vld [tilespmem:s21+$0x190]  }
0x1cf: {  	v12 =	vld [tilespmem:s21+$0x180]  }
0x1d0: {  	v9 =	vld [tilespmem:s21+$0x170]  }
0x1d1: {  	s23 =	simm.s32 $0x1;
	v11 =	vld [tilespmem:s21+$0x160]  }
0x1d2: {  	s24 =	simm.s32 $0x0;
	s25 =	simm.s32 $0x10;
	s22 =	simm.s32 $0xA10;
	v8 =	vld [tilespmem:s23+$0x0]  }
.LBB2_6:
0x1d3: {  	p1 =	sne.s32 s25, $0x1F0;
	v19 =	vld [tilespmem:s23+$0xFFFFFFFF];
	v7 =	vmul.u32 $0xFFFFFFFF, v4  }
0x1d4: {  	v20 =	vld [tilespmem:s21+$0x150]  }
0x1d5: {  	v21 =	vmov s24;
	s24 =	smov.u32 s25;
	v7 =	vadd.s32 $0x1FF, v7;
	v22 =	vld [tilespmem:s21+$0x140]  }
0x1d6: {  	vm0 =	veq.s32 v21, v7;
	v21 =	vld [tilespmem:s21+$0x130]  }
0x1d7: {  	v8 =	vsel vm0, v5, v8;
	v23 =	vld [tilespmem:s21+$0x120]  }
0x1d8: {  	v8 =	vsub.s32 v8, v19;
	v19 =	vld [tilespmem:s21+$0x110]  }
0x1d9: {  	v24 =	vcvt.s32.f32 v8;
	v25 =	vld [tilespmem:s21+$0x100]  }
0x1da: {  	v26 =	vld [tilespmem:s21+$0xF0]  }
0x1db: {  	v27 =	vld [tilespmem:s21+$0xE0];
	(erf) = vrcp.f32 v24  }
0x1dc: {  	v24 =	vld [tilespmem:s21+$0xD0]  }
0x1dd: {  	v28 =	vld [tilespmem:s21+$0xC0]  }
0x1de: {  	v29 =	vld [tilespmem:s21+$0xB0]  }
0x1df: {  	v30 =	vld [tilespmem:s21+$0xA0]  }
0x1e0: {  	v31 =	vld [tilespmem:s21+$0x90]  }
0x1e1: {  	v32 =	vld [tilespmem:s21+$0x80]  }
0x1e2: {  	v33 =	vld [tilespmem:s21+$0x70]  }
0x1e3: {  	v34 =	vld [tilespmem:s21+$0x60]  }
0x1e4: {  	vm0 =	vgt.s32 v8, $0x0;
	v35 =	vld [tilespmem:s21+$0x50];
	v8 =	vpop (erf)  }
0x1e5: {  	v8 =	vnsel vm0, $0x0, v8;
	v36 =	vld [tilespmem:s21+$0x40]  }
0x1e6: {  	v37 =	vld [tilespmem:s21+$0x30];
	v38 =	vbroadcast v8, $0xE;
	v39 =	vbroadcast v8, $0xF  }
0x1e7: {  	v41 =	vbroadcast v8, $0xC;
	v42 =	vbroadcast v8, $0xD;
	v40 =	vld [tilespmem:s21+$0x20]  }
0x1e8: {  	v43 =	vld [tilespmem:s21+$0x10];
	v17 =	vmul.f32 v17, v39;
	v13 =	vmul.f32 v13, v39  }
0x1e9: {  	v18 =	vmul.f32 v18, v39;
	v14 =	vmul.f32 v14, v39;
	v44 =	vld [tilespmem:s21+$0x0]  }
0x1ea: {  	v16 =	vmul.f32 v16, v38;
	v15 =	vmul.f32 v15, v38;
	v39 =	vld [tilespmem:s21+$0xFFFFFFE0];
	[tilespmem:s21+$0x1F0] =	vst v13  }
0x1eb: {  	v12 =	vmul.f32 v12, v38;
	v10 =	vmul.f32 v10, v38;
	v13 =	vld [tilespmem:s21+$0xFFFFFFD0];
	[tilespmem:s21+$0x1E0] =	vst v17  }
0x1ec: {  	v11 =	vmul.f32 v11, v42;
	v9 =	vmul.f32 v9, v42;
	v17 =	vld [tilespmem:s21+$0xFFFFFFC0];
	[tilespmem:s21+$0x1D0] =	vst v14  }
0x1ed: {  	v22 =	vmul.f32 v22, v42;
	v20 =	vmul.f32 v20, v42;
	v14 =	vld [tilespmem:s21+$0xFFFFFFB0];
	[tilespmem:s21+$0x1C0] =	vst v18  }
0x1ee: {  	v23 =	vmul.f32 v23, v41;
	v21 =	vmul.f32 v21, v41;
	v18 =	vld [tilespmem:s21+$0xFFFFFFA0];
	[tilespmem:s21+$0x1B0] =	vst v15  }
0x1ef: {  	v25 =	vmul.f32 v25, v41;
	v19 =	vmul.f32 v19, v41;
	v15 =	vld [tilespmem:s21+$0xFFFFFF90];
	[tilespmem:s21+$0x1A0] =	vst v16  }
0x1f0: {  	v38 =	vbroadcast v8, $0xA;
	v41 =	vbroadcast v8, $0xB;
	v16 =	vld [tilespmem:s21+$0xFFFFFF80];
	[tilespmem:s21+$0x190] =	vst v10  }
0x1f1: {  	v45 =	vbroadcast v8, $0x9;
	v42 =	vbroadcast v8, $0x8;
	v10 =	vld [tilespmem:s21+$0xFFFFFF70];
	[tilespmem:s21+$0x180] =	vst v12  }
0x1f2: {  	v27 =	vmul.f32 v27, v41;
	v26 =	vmul.f32 v26, v41;
	v12 =	vld [tilespmem:s21+$0xFFFFFF60];
	[tilespmem:s21+$0x170] =	vst v9  }
0x1f3: {  	v28 =	vmul.f32 v28, v41;
	v24 =	vmul.f32 v24, v41;
	v9 =	vld [tilespmem:s21+$0xFFFFFF50];
	[tilespmem:s21+$0x160] =	vst v11  }
0x1f4: {  	v30 =	vmul.f32 v30, v38;
	v29 =	vmul.f32 v29, v38;
	v11 =	vld [tilespmem:s21+$0xFFFFFF40];
	[tilespmem:s21+$0x150] =	vst v20  }
0x1f5: {  	v32 =	vmul.f32 v32, v38;
	v31 =	vmul.f32 v31, v38;
	v20 =	vld [tilespmem:s21+$0xFFFFFF30];
	[tilespmem:s21+$0x140] =	vst v22  }
0x1f6: {  	v34 =	vmul.f32 v34, v45;
	v33 =	vmul.f32 v33, v45;
	v22 =	vld [tilespmem:s21+$0xFFFFFF20];
	[tilespmem:s21+$0x130] =	vst v21  }
0x1f7: {  	v35 =	vmul.f32 v35, v45;
	v36 =	vmul.f32 v36, v45;
	v21 =	vld [tilespmem:s21+$0xFFFFFF10];
	[tilespmem:s21+$0x120] =	vst v23  }
0x1f8: {  	v37 =	vmul.f32 v37, v42;
	v38 =	vmul.f32 v40, v42;
	v23 =	vld [tilespmem:s21+$0xFFFFFF00];
	[tilespmem:s21+$0x110] =	vst v19  }
0x1f9: {  	v41 =	vmul.f32 v43, v42;
	v40 =	vmul.f32 v44, v42;
	v19 =	vld [tilespmem:s21+$0xFFFFFEF0];
	[tilespmem:s21+$0x100] =	vst v25  }
0x1fa: {  	v43 =	vbroadcast v8, $0x7;
	v42 =	vbroadcast v8, $0x6;
	v25 =	vld [tilespmem:s21+$0xFFFFFEE0];
	[tilespmem:s21+$0xF0] =	vst v26  }
0x1fb: {  	v45 =	vbroadcast v8, $0x5;
	v44 =	vbroadcast v8, $0x4;
	v26 =	vld [tilespmem:s21+$0xFFFFFED0];
	[tilespmem:s21+$0xE0] =	vst v27  }
0x1fc: {  	v39 =	vmul.f32 v39, v43;
	v6 =	vmul.f32 v6, v43;
	v27 =	vld [tilespmem:s21+$0xFFFFFEC0];
	[tilespmem:s21+$0xD0] =	vst v24  }
0x1fd: {  	v13 =	vmul.f32 v13, v43;
	v17 =	vmul.f32 v17, v43;
	v24 =	vld [tilespmem:s21+$0xFFFFFEB0];
	[tilespmem:s21+$0xC0] =	vst v28  }
0x1fe: {  	v14 =	vmul.f32 v14, v42;
	v18 =	vmul.f32 v18, v42;
	v28 =	vld [tilespmem:s21+$0xFFFFFEA0];
	[tilespmem:s21+$0xB0] =	vst v29  }
0x1ff: {  	v15 =	vmul.f32 v15, v42;
	v16 =	vmul.f32 v16, v42;
	v29 =	vld [tilespmem:s21+$0xFFFFFE90];
	[tilespmem:s21+$0xA0] =	vst v30  }
0x200: {  	v10 =	vmul.f32 v10, v45;
	v12 =	vmul.f32 v12, v45;
	v30 =	vld [tilespmem:s21+$0xFFFFFE80];
	[tilespmem:s21+$0x90] =	vst v31  }
0x201: {  	v9 =	vmul.f32 v9, v45;
	v11 =	vmul.f32 v11, v45;
	v31 =	vld [tilespmem:s21+$0xFFFFFE70];
	[tilespmem:s21+$0x80] =	vst v32  }
0x202: {  	v20 =	vmul.f32 v20, v44;
	v22 =	vmul.f32 v22, v44;
	v32 =	vld [tilespmem:s21+$0xFFFFFE60];
	[tilespmem:s21+$0x70] =	vst v33  }
0x203: {  	v21 =	vmul.f32 v21, v44;
	v23 =	vmul.f32 v23, v44;
	v33 =	vld [tilespmem:s21+$0xFFFFFE50];
	[tilespmem:s21+$0x60] =	vst v34  }
0x204: {  	v43 =	vbroadcast v8, $0x3;
	v42 =	vbroadcast v8, $0x2;
	v34 =	vld [tilespmem:s21+$0xFFFFFE40];
	[tilespmem:s21+$0x50] =	vst v35  }
0x205: {  	v35 =	vbroadcast v8, $0x0;
	v8 =	vbroadcast v8, $0x1;
	v44 =	vld [tilespmem:s21+$0xFFFFFE30];
	[tilespmem:s21+$0x40] =	vst v36  }
0x206: {  	v19 =	vmul.f32 v19, v43;
	v25 =	vmul.f32 v25, v43;
	v36 =	vld [tilespmem:s21+$0xFFFFFE20];
	[tilespmem:s21+$0x30] =	vst v37  }
0x207: {  	v26 =	vmul.f32 v26, v43;
	v27 =	vmul.f32 v27, v43;
	v37 =	vld [tilespmem:s21+$0xFFFFFE10];
	[tilespmem:s21+$0x20] =	vst v38  }
0x208: {  	v24 =	vmul.f32 v24, v42;
	v28 =	vmul.f32 v28, v42;
	v38 =	vld [tilespmem:s21+$0xFFFFFE00];
	[tilespmem:s21+$0x10] =	vst v41  }
0x209: {  	v29 =	vmul.f32 v29, v42;
	v30 =	vmul.f32 v30, v42;
	[tilespmem:s21+$0x0] =	vst v40  }
0x20a: {  	v31 =	vmul.f32 v31, v8;
	v32 =	vmul.f32 v32, v8;
	[tilespmem:s21+$0xFFFFFFF0] =	vst v6  }
0x20b: {  	v34 =	vmul.f32 v34, v8;
	v8 =	vmul.f32 v33, v8;
	[tilespmem:s21+$0xFFFFFFE0] =	vst v39  }
0x20c: {  	v33 =	vmul.f32 v35, v36;
	v36 =	vmul.f32 v44, v35;
	[tilespmem:s21+$0xFFFFFFD0] =	vst v13  }
0x20d: {  	v38 =	vmul.f32 v35, v38;
	v35 =	vmul.f32 v35, v37;
	[tilespmem:s21+$0xFFFFFFC0] =	vst v17  }
0x20e: {  	[tilespmem:s21+$0xFFFFFFB0] =	vst v14  }
0x20f: {  	[tilespmem:s21+$0xFFFFFFA0] =	vst v18  }
0x210: {  	[tilespmem:s21+$0xFFFFFF90] =	vst v15  }
0x211: {  	[tilespmem:s21+$0xFFFFFF80] =	vst v16  }
0x212: {  	[tilespmem:s21+$0xFFFFFF70] =	vst v10  }
0x213: {  	[tilespmem:s21+$0xFFFFFF60] =	vst v12  }
0x214: {  	[tilespmem:s21+$0xFFFFFF50] =	vst v9  }
0x215: {  	[tilespmem:s21+$0xFFFFFF40] =	vst v11  }
0x216: {  	[tilespmem:s21+$0xFFFFFF30] =	vst v20  }
0x217: {  	[tilespmem:s21+$0xFFFFFF20] =	vst v22  }
0x218: {  	[tilespmem:s21+$0xFFFFFF10] =	vst v21  }
0x219: {  	[tilespmem:s21+$0xFFFFFF00] =	vst v23  }
0x21a: {  	[tilespmem:s21+$0xFFFFFEF0] =	vst v19  }
0x21b: {  	[tilespmem:s21+$0xFFFFFEE0] =	vst v25  }
0x21c: {  	[tilespmem:s21+$0xFFFFFED0] =	vst v26  }
0x21d: {  	[tilespmem:s21+$0xFFFFFEC0] =	vst v27  }
0x21e: {  	s21 =	sadd.s32 $0x400, s21;
	[tilespmem:s22+$0xFFFFFEB0] =	vst v24  }
0x21f: {  	v6 =	vld [tilespmem:s21+$0xFFFFFFF0];
	[tilespmem:s22+$0xFFFFFEA0] =	vst v28  }
0x220: {  	v13 =	vld [tilespmem:s21+$0x1F0];
	[tilespmem:s22+$0xFFFFFE90] =	vst v29  }
0x221: {  	v17 =	vld [tilespmem:s21+$0x1E0];
	[tilespmem:s22+$0xFFFFFE80] =	vst v30  }
0x222: {  	v14 =	vld [tilespmem:s21+$0x1D0];
	[tilespmem:s22+$0xFFFFFE70] =	vst v31  }
0x223: {  	v18 =	vld [tilespmem:s21+$0x1C0];
	[tilespmem:s22+$0xFFFFFE60] =	vst v32  }
0x224: {  	v15 =	vld [tilespmem:s21+$0x1B0];
	[tilespmem:s22+$0xFFFFFE50] =	vst v8  }
0x225: {  	v16 =	vld [tilespmem:s21+$0x1A0];
	[tilespmem:s22+$0xFFFFFE40] =	vst v34  }
.Ltmp3:
0x226: {  	v10 =	vld [tilespmem:s21+$0x190];
	[tilespmem:s22+$0xFFFFFE30] =	vst v36;
	(pc) =	sbr.rel @p1 .LBB2_6-.Ltmp3, $4  }
0x227: {  	v12 =	vld [tilespmem:s21+$0x180];
	[tilespmem:s22+$0xFFFFFE20] =	vst v33  }
0x228: {  	v9 =	vld [tilespmem:s21+$0x170];
	[tilespmem:s22+$0xFFFFFE10] =	vst v35  }
0x229: {  	s23 =	sadd.s32 $0x10, s23;
	v11 =	vld [tilespmem:s21+$0x160];
	[tilespmem:s22+$0xFFFFFE00] =	vst v38;
	s22 =	smov.u32 s21  }
0x22a: {  	s25 =	sadd.s32 $0x10, s25;
	v8 =	vld [tilespmem:s23+$0x0]  }
0x22b: {  	v19 =	vld [tilespmem:s23+$0xFFFFFFFF];
	_ =	sdelay $0x1  }
0x22c: {  	v20 =	vmov s24  }
0x22d: {  	vm0 =	veq.s32 v20, v7  }
0x22e: {  	v5 =	vsel vm0, v5, v8  }
0x22f: {  	v5 =	vsub.s32 v5, v19  }
0x230: {  	v7 =	vcvt.s32.f32 v5;
	_ =	sdelay $0x1  }
0x231: {  	(erf) = vrcp.f32 v7;
	_ =	sdelay $0x8  }
0x232: {  	vm15 =	vgt.s32 v5, $0x0;
	v5 =	vpop (erf)  }
0x233: {  	v5 =	vnsel vm15, $0x0, v5  }
0x234: {  	v7 =	vbroadcast v5, $0xF;
	_ =	sdelay $0x1  }
0x235: {  	v45 =	vmul.f32 v13, v7  }
0x236: {  	v46 =	vmul.f32 v17, v7  }
0x237: {  	v47 =	vbroadcast v5, $0xE;
	v14 =	vmul.f32 v14, v7;
	[tilespmem:s21+$0x1F0] =	vst v45  }
0x238: {  	v7 =	vmul.f32 v18, v7;
	[tilespmem:s21+$0x1E0] =	vst v46  }
0x239: {  	v48 =	vmul.f32 v15, v47;
	[tilespmem:s21+$0x1D0] =	vst v14  }
0x23a: {  	v49 =	vld [tilespmem:s21+$0x150];
	v50 =	vmul.f32 v16, v47;
	[tilespmem:s21+$0x1C0] =	vst v7  }
0x23b: {  	v52 =	vld [tilespmem:s21+$0x130];
	v51 =	vbroadcast v5, $0xD;
	v10 =	vmul.f32 v10, v47;
	[tilespmem:s21+$0x1B0] =	vst v48  }
0x23c: {  	v27 =	vld [tilespmem:s21+$0x20];
	v12 =	vmul.f32 v12, v47;
	[tilespmem:s21+$0x1A0] =	vst v50  }
0x23d: {  	v53 =	vld [tilespmem:s21+$0x120];
	v9 =	vmul.f32 v9, v51;
	[tilespmem:s21+$0x190] =	vst v10  }
0x23e: {  	v54 =	vld [tilespmem:s21+$0x110];
	v56 =	vbroadcast v5, $0xC;
	v11 =	vmul.f32 v11, v51;
	[tilespmem:s21+$0x180] =	vst v12  }
0x23f: {  	v55 =	vld [tilespmem:s21+$0x100];
	v30 =	vbroadcast v5, $0x8;
	v13 =	vmul.f32 v49, v51;
	[tilespmem:s21+$0x170] =	vst v9  }
0x240: {  	v57 =	vld [tilespmem:s21+$0xF0];
	v34 =	vbroadcast v5, $0x7;
	v8 =	vmul.f32 v52, v56;
	[tilespmem:s21+$0x160] =	vst v11  }
0x241: {  	v33 =	vmul.f32 v27, v30;
	v7 =	vld [tilespmem:s21+$0x140];
	[tilespmem:s21+$0x150] =	vst v13  }
0x242: {  	v58 =	vld [tilespmem:s21+$0xE0];
	v6 =	vmul.f32 v6, v34;
	[tilespmem:s21+$0x130] =	vst v8  }
0x243: {  	v59 =	vld [tilespmem:s21+$0xD0];
	v14 =	vmul.f32 v53, v56;
	[tilespmem:s21+$0x20] =	vst v33  }
0x244: {  	v61 =	vld [tilespmem:s21+$0xB0];
	v10 =	vmul.f32 v54, v56;
	[tilespmem:s21+$0xFFFFFFF0] =	vst v6  }
0x245: {  	v62 =	vld [tilespmem:s21+$0xA0];
	v60 =	vbroadcast v5, $0xB;
	v12 =	vmul.f32 v55, v56;
	[tilespmem:s21+$0x120] =	vst v14  }
0x246: {  	v63 =	vld [tilespmem:s21+$0x90];
	[tilespmem:s21+$0x110] =	vst v10;
	v7 =	vmul.f32 v7, v51  }
0x247: {  	v22 =	vld [tilespmem:s21+$0x70];
	v9 =	vmul.f32 v57, v60;
	[tilespmem:s21+$0x100] =	vst v12  }
0x248: {  	v21 =	vbroadcast v5, $0xA;
	v11 =	vmul.f32 v58, v60;
	[tilespmem:s21+$0x140] =	vst v7;
	v7 =	vld [tilespmem:s21+$0xC0]  }
0x249: {  	v20 =	vld [tilespmem:s21+$0x80];
	v13 =	vmul.f32 v59, v60;
	[tilespmem:s21+$0xF0] =	vst v9  }
0x24a: {  	v23 =	vld [tilespmem:s21+$0x60];
	v8 =	vmul.f32 v61, v21;
	[tilespmem:s21+$0xE0] =	vst v11  }
0x24b: {  	v24 =	vld [tilespmem:s21+$0x50];
	[tilespmem:s21+$0xD0] =	vst v13;
	v14 =	vmul.f32 v62, v21  }
0x24c: {  	v26 =	vld [tilespmem:s21+$0x30];
	v10 =	vmul.f32 v63, v21;
	[tilespmem:s21+$0xB0] =	vst v8  }
0x24d: {  	v28 =	vld [tilespmem:s21+$0x10];
	v25 =	vbroadcast v5, $0x9;
	[tilespmem:s21+$0xA0] =	vst v14;
	v7 =	vmul.f32 v7, v60  }
0x24e: {  	v29 =	vld [tilespmem:s21+$0x0];
	v12 =	vmul.f32 v20, v21;
	[tilespmem:s21+$0x90] =	vst v10  }
0x24f: {  	v9 =	vmul.f32 v22, v25;
	[tilespmem:s21+$0xC0] =	vst v7;
	v7 =	vld [tilespmem:s21+$0x40]  }
0x250: {  	v31 =	vld [tilespmem:s21+$0xFFFFFFE0];
	v11 =	vmul.f32 v23, v25;
	[tilespmem:s21+$0x80] =	vst v12  }
0x251: {  	v32 =	vld [tilespmem:s21+$0xFFFFFFD0];
	v13 =	vmul.f32 v24, v25;
	[tilespmem:s21+$0x70] =	vst v9  }
0x252: {  	v35 =	vld [tilespmem:s21+$0xFFFFFFB0];
	v8 =	vmul.f32 v26, v30;
	[tilespmem:s21+$0x60] =	vst v11  }
0x253: {  	v36 =	vld [tilespmem:s21+$0xFFFFFFA0];
	[tilespmem:s21+$0x50] =	vst v13;
	v10 =	vmul.f32 v28, v30  }
0x254: {  	v37 =	vld [tilespmem:s21+$0xFFFFFF90];
	[tilespmem:s21+$0x30] =	vst v8;
	v7 =	vmul.f32 v7, v25  }
0x255: {  	v6 =	vld [tilespmem:s21+$0xFFFFFF70];
	v12 =	vmul.f32 v29, v30;
	[tilespmem:s21+$0x10] =	vst v10  }
0x256: {  	v39 =	vbroadcast v5, $0x6;
	v9 =	vmul.f32 v31, v34;
	[tilespmem:s21+$0x40] =	vst v7;
	v7 =	vld [tilespmem:s21+$0xFFFFFFC0]  }
0x257: {  	v38 =	vld [tilespmem:s21+$0xFFFFFF80];
	v11 =	vmul.f32 v32, v34;
	[tilespmem:s21+$0x0] =	vst v12  }
0x258: {  	v40 =	vld [tilespmem:s21+$0xFFFFFF60];
	v42 =	vbroadcast v5, $0x5;
	v8 =	vmul.f32 v35, v39;
	[tilespmem:s21+$0xFFFFFFE0] =	vst v9  }
0x259: {  	v41 =	vld [tilespmem:s21+$0xFFFFFF50];
	v13 =	vmul.f32 v36, v39;
	[tilespmem:s21+$0xFFFFFFD0] =	vst v11  }
0x25a: {  	v43 =	vld [tilespmem:s21+$0xFFFFFF30];
	v6 =	vmul.f32 v6, v42;
	[tilespmem:s21+$0xFFFFFFB0] =	vst v8  }
0x25b: {  	v44 =	vld [tilespmem:s21+$0xFFFFFF20];
	[tilespmem:s21+$0xFFFFFFA0] =	vst v13;
	v7 =	vmul.f32 v7, v34  }
0x25c: {  	v49 =	vld [tilespmem:s21+$0xFFFFFED0];
	v10 =	vmul.f32 v37, v39;
	[tilespmem:s21+$0xFFFFFF70] =	vst v6  }
0x25d: {  	v12 =	vmul.f32 v38, v39;
	[tilespmem:s21+$0xFFFFFFC0] =	vst v7;
	v7 =	vld [tilespmem:s21+$0xFFFFFF40]  }
0x25e: {  	v47 =	vbroadcast v5, $0x4;
	v9 =	vmul.f32 v40, v42;
	v6 =	vld [tilespmem:s21+$0xFFFFFEF0];
	[tilespmem:s21+$0xFFFFFF90] =	vst v10  }
0x25f: {  	v45 =	vld [tilespmem:s21+$0xFFFFFF10];
	v11 =	vmul.f32 v41, v42;
	[tilespmem:s21+$0xFFFFFF80] =	vst v12  }
0x260: {  	v46 =	vld [tilespmem:s21+$0xFFFFFF00];
	v8 =	vmul.f32 v43, v47;
	[tilespmem:s21+$0xFFFFFF60] =	vst v9  }
0x261: {  	v48 =	vld [tilespmem:s21+$0xFFFFFEE0];
	v50 =	vbroadcast v5, $0x3;
	v13 =	vmul.f32 v44, v47;
	[tilespmem:s21+$0xFFFFFF50] =	vst v11  }
0x262: {  	v52 =	vld [tilespmem:s21+$0xFFFFFEA0];
	[tilespmem:s21+$0xFFFFFF30] =	vst v8;
	v7 =	vmul.f32 v7, v42  }
0x263: {  	v54 =	vld [tilespmem:s21+$0xFFFFFE80];
	[tilespmem:s21+$0xFFFFFF20] =	vst v13;
	v6 =	vmul.f32 v6, v50  }
0x264: {  	v10 =	vmul.f32 v45, v47;
	[tilespmem:s21+$0xFFFFFF40] =	vst v7;
	v7 =	vld [tilespmem:s21+$0xFFFFFEC0]  }
0x265: {  	v12 =	vmul.f32 v46, v47;
	[tilespmem:s21+$0xFFFFFEF0] =	vst v6;
	v6 =	vld [tilespmem:s21+$0xFFFFFE70]  }
0x266: {  	v55 =	vbroadcast v5, $0x2;
	v56 =	vld [tilespmem:s21+$0xFFFFFE60];
	v9 =	vmul.f32 v48, v50;
	[tilespmem:s21+$0xFFFFFF10] =	vst v10  }
0x267: {  	v57 =	vld [tilespmem:s21+$0xFFFFFE50];
	v11 =	vmul.f32 v49, v50;
	[tilespmem:s21+$0xFFFFFF00] =	vst v12  }
0x268: {  	v58 =	vbroadcast v5, $0x1;
	[tilespmem:s21+$0xFFFFFEE0] =	vst v9;
	v12 =	vmul.f32 v54, v55;
	v60 =	vld [tilespmem:s21+$0xFFFFFE20]  }
0x269: {  	v51 =	vld [tilespmem:s21+$0xFFFFFEB0];
	[tilespmem:s21+$0xFFFFFED0] =	vst v11;
	v7 =	vmul.f32 v7, v50  }
0x26a: {  	v53 =	vld [tilespmem:s21+$0xFFFFFE90];
	[tilespmem:s22+$0xFFFFFE80] =	vst v12;
	v6 =	vmul.f32 v6, v58  }
0x26b: {  	v5 =	vbroadcast v5, $0x0;
	v9 =	vmul.f32 v56, v58;
	[tilespmem:s21+$0xFFFFFEC0] =	vst v7  }
0x26c: {  	v11 =	vmul.f32 v57, v58;
	v7 =	vld [tilespmem:s21+$0xFFFFFE40];
	[tilespmem:s22+$0xFFFFFE70] =	vst v6  }
0x26d: {  	v59 =	vld [tilespmem:s21+$0xFFFFFE30];
	v63 =	vmul.f32 v5, v60;
	[tilespmem:s22+$0xFFFFFE60] =	vst v9  }
0x26e: {  	v61 =	vld [tilespmem:s21+$0xFFFFFE10];
	v8 =	vmul.f32 v51, v55;
	[tilespmem:s22+$0xFFFFFE50] =	vst v11  }
0x26f: {  	v62 =	vld [tilespmem:s21+$0xFFFFFE00];
	v13 =	vmul.f32 v52, v55;
	[tilespmem:s22+$0xFFFFFE20] =	vst v63  }
0x270: {  	v10 =	vmul.f32 v53, v55;
	[tilespmem:s22+$0xFFFFFEB0] =	vst v8  }
0x271: {  	[tilespmem:s22+$0xFFFFFEA0] =	vst v13;
	v6 =	vmul.f32 v7, v58  }
0x272: {  	[tilespmem:s22+$0xFFFFFE90] =	vst v10;
	v7 =	vmul.f32 v59, v5  }
0x273: {  	[tilespmem:s22+$0xFFFFFE40] =	vst v6;
	v6 =	vmul.f32 v5, v61  }
0x274: {  	s20 =	sadd.s32 $0x1, s20;
	[tilespmem:s22+$0xFFFFFE30] =	vst v7;
	v5 =	vmul.f32 v5, v62  }
0x275: {  	p1 =	sne.s32 s20, s10;
	[tilespmem:s22+$0xFFFFFE10] =	vst v6  }
.Ltmp4:
0x276: {  	[tilespmem:s22+$0xFFFFFE00] =	vst v5;
	(pc) =	sbr.rel @p1 .LBB2_1-.Ltmp4, $4  }
0x277: {  	[hbm4b:s9+s2] =	stream.linear.scatter [tilespmem:s13], [sflag:$0x2], $0x8000, $0x38;
	[tilespmem:$0x10850] =	vst v63  }
0x278: {  	_ =	swait.ge [sflag:s11], $0x8000  }
0x279: {  	[sflag:s11] =	ssyncset.done $0x0  }
0x27a: {  	[sflag:s11] =	ssyncadd.s32 $0xFFFF8000  }
0x27b: {  	_ =	sfence.sel $0x180000  }
0x27c: {  	[bflag:$0x0] =	sbarrier.arrive $0xFFFF  }
0x27d: {  	p0 =	sne.s32 s3, $0x0;
	_ =	strace $0x90000047  }
0x27e: {  	s0 =	sadd.s32 @!p0 $0x100000, s0;
	[bflag:$0x2] =	sbarrier.arrive $0xFFFF  }
0x27f: {  	[sflag:s0] =	ssyncadd.tile.s32 @!p0 $0x1;
	_ =	shalt  }
.Lfunc_end2:
_tile_overlayer_lowered:
.L_overlay_start_2:
0x280: {  	(tag) =	ssettag $0x2  }
0x281: {  	s0 =	rddreg [dreg:$0x0];
	s2 =	stileid.u32  }
0x282: {  	s1 =	rddreg [dreg:$0x1];
	p0 =	sne.s32 s2, $0x0  }
0x283: {  	s3 =	rddreg [dreg:$0x2];
	[bflag:$0x3] =	sbarrier.arrive $0xFFFF;
	s2 =	simm.s32 @!p0 $0x1C02  }
0x284: {  	[timem:s3], [sflag:s2] =	dma.local @!p0 [hbm:s0], s1  }
0x285: {  	s0 =	simm.s32 @!p0 $0x2  }
0x286: {  	_ =	swait.ge @!p0 [sflag:s0], s1  }
0x287: {  	s1 =	ssub.s32 @!p0 $0x0, s1;
	[sflag:s0] =	ssyncset.done @!p0 $0x0  }
0x288: {  	[sflag:s0] =	ssyncadd.s32 @!p0 s1  }
0x289: {  	[bflag:$0x3] =	sbarrier.arrive $0xFFFF  }
0x28a: {  	_ =	shalt  }

</sc_bundles>
